<compile_context>
chip_gen: v7x
topology: tpu7x:2x2x1
jax: 0.10.2.dev20260603
libtpu: 0.0.44.dev20260713+nightly
codegen_flags: <defaults>
</compile_context>

<pallas_src>
import functools

import jax
import jax.numpy as jnp
from jax import lax
from jax.experimental import pallas as pl
from jax.experimental.pallas import tpu as pltpu
from jax.experimental.pallas import tpu_sc as plsc

N = 10000
E = 320000
K = 128
R = E // K
R_PAD = 2560
RPW = R_PAD // 32
NC, NS = 2, 16
NW = NC * NS
N_PAD = 10240
ACC_SLICE = N_PAD // NS
H = N // 2


def _sc_mesh():
  return plsc.VectorSubcoreMesh(
      core_axis_name="c", subcore_axis_name="s", num_cores=NC, num_subcores=NS
  )


def _deg_partials(dst2d, zeros_deg):
  nbuf = 10

  @functools.partial(
      pl.kernel,
      out_type=jax.ShapeDtypeStruct((NC, N_PAD), jnp.float32),
      mesh=_sc_mesh(),
      compiler_params=pltpu.CompilerParams(use_tc_tiling_on_sc=False),
      scratch_types=(
          [
              pltpu.VMEM((RPW, K), jnp.int32),
              pltpu.VMEM((K,), jnp.float32),
              pltpu.VMEM_SHARED((N_PAD,), jnp.float32),
          ]
          + [pltpu.SemaphoreType.DMA] * (nbuf + 2)
      ),
  )
  def deg_kernel(dst_hbm, zero_hbm, out_hbm, dslab, ones_v, acc, *sems):
    ssem = sems[:nbuf]
    isem, zsem = sems[nbuf], sems[nbuf + 1]
    cid = lax.axis_index("c")
    sid = lax.axis_index("s")
    wid = sid * NC + cid
    for i in range(K // 16):
      ones_v[pl.ds(16 * i, 16)] = jnp.full((16,), 1.0, jnp.float32)
    zdesc = pltpu.async_copy(
        zero_hbm.at[pl.ds(sid * ACC_SLICE, ACC_SLICE)],
        acc.at[pl.ds(sid * ACC_SLICE, ACC_SLICE)],
        zsem,
    )
    lo = jnp.minimum(wid * RPW, R - RPW)
    off = wid * RPW - lo
    idesc = pltpu.async_copy(dst_hbm.at[pl.ds(lo, RPW)], dslab, isem)
    zdesc.wait()
    idesc.wait()
    plsc.subcore_barrier()
    nrows = jnp.minimum(RPW, R - wid * RPW)
    ngroups = nrows // nbuf

    def body(g, carry):
      for b in range(nbuf):
        i = off + g * nbuf + b

        @pl.when(g > 0)
        def _wait():
          pltpu.make_async_copy(ones_v, acc.at[dslab.at[0]], ssem[b]).wait()

        pltpu.async_copy(ones_v, acc.at[dslab.at[i]], ssem[b], add=True)
      return carry

    lax.fori_loop(0, ngroups, body, 0)
    for b in range(nbuf):
      pltpu.make_async_copy(ones_v, acc.at[dslab.at[0]], ssem[b]).wait()
    plsc.subcore_barrier()
    pltpu.sync_copy(
        acc.at[pl.ds(sid * ACC_SLICE, ACC_SLICE)],
        out_hbm.at[cid, pl.ds(sid * ACC_SLICE, ACC_SLICE)],
    )

  return deg_kernel(dst2d, zeros_deg)


def _aggregate(hs, src2d, dst2d, zeros_nd, d, nbuf):

  @functools.partial(
      pl.kernel,
      out_type=jax.ShapeDtypeStruct((NC, N_PAD, d), jnp.float32),
      mesh=_sc_mesh(),
      compiler_params=pltpu.CompilerParams(use_tc_tiling_on_sc=False),
      scratch_types=(
          [pltpu.VMEM((RPW, K), jnp.int32), pltpu.VMEM((RPW, K), jnp.int32)]
          + [pltpu.VMEM((K, d), jnp.float32) for _ in range(nbuf)]
          + [pltpu.VMEM_SHARED((N_PAD, d), jnp.float32)]
          + [pltpu.SemaphoreType.DMA] * (2 * nbuf + 3)
      ),
  )
  def agg_kernel(hs_hbm, src_hbm, dst_hbm, zero_hbm, out_hbm, *scr):
    sslab, dslab = scr[0], scr[1]
    rows = scr[2 : 2 + nbuf]
    acc = scr[2 + nbuf]
    sems = scr[3 + nbuf :]
    gsem = sems[:nbuf]
    ssem = sems[nbuf : 2 * nbuf]
    isem, jsem, zsem = sems[2 * nbuf], sems[2 * nbuf + 1], sems[2 * nbuf + 2]
    cid = lax.axis_index("c")
    sid = lax.axis_index("s")
    wid = sid * NC + cid
    zdesc = pltpu.async_copy(
        zero_hbm.at[pl.ds(sid * ACC_SLICE, ACC_SLICE)],
        acc.at[pl.ds(sid * ACC_SLICE, ACC_SLICE)],
        zsem,
    )
    lo = jnp.minimum(wid * RPW, R - RPW)
    off = wid * RPW - lo
    idesc = pltpu.async_copy(src_hbm.at[pl.ds(lo, RPW)], sslab, isem)
    jdesc = pltpu.async_copy(dst_hbm.at[pl.ds(lo, RPW)], dslab, jsem)
    zdesc.wait()
    idesc.wait()
    jdesc.wait()
    plsc.subcore_barrier()
    nrows = jnp.minimum(RPW, R - wid * RPW)
    ngroups = nrows // nbuf

    def body(g, carry):
      gd = []
      for b in range(nbuf):
        i = off + g * nbuf + b

        @pl.when(g > 0)
        def _wait():
          pltpu.make_async_copy(rows[b], acc.at[dslab.at[0]], ssem[b]).wait()

        gd.append(pltpu.async_copy(hs_hbm.at[sslab.at[i]], rows[b], gsem[b]))
      for b in range(nbuf):
        i = off + g * nbuf + b
        gd[b].wait()
        pltpu.async_copy(rows[b], acc.at[dslab.at[i]], ssem[b], add=True)
      return carry

    lax.fori_loop(0, ngroups, body, 0)
    for b in range(nbuf):
      pltpu.make_async_copy(rows[b], acc.at[dslab.at[0]], ssem[b]).wait()

    def tail(t, carry):
      i = off + ngroups * nbuf + t
      pltpu.async_copy(hs_hbm.at[sslab.at[i]], rows[0], gsem[0]).wait()
      pltpu.async_copy(rows[0], acc.at[dslab.at[i]], ssem[0], add=True)
      pltpu.make_async_copy(rows[0], acc.at[dslab.at[0]], ssem[0]).wait()
      return carry

    lax.fori_loop(0, nrows - ngroups * nbuf, tail, 0)
    plsc.subcore_barrier()
    pltpu.sync_copy(
        acc.at[pl.ds(sid * ACC_SLICE, ACC_SLICE)],
        out_hbm.at[cid, pl.ds(sid * ACC_SLICE, ACC_SLICE)],
    )

  return agg_kernel(hs, src2d, dst2d, zeros_nd)



BP1 = 1000
BP2 = 1280


def _split_edges(edge_index):

  def body(e_ref, s_ref, d_ref):
    s = e_ref[0, :]
    d = e_ref[1, :]
    s = 2 * s + jnp.where(s >= H, 1 - 2 * H, 0)
    d = 2 * d + jnp.where(d >= H, 1 - 2 * H, 0)
    s_ref[...] = s.reshape(R, K)
    d_ref[...] = d.reshape(R, K)

  return pl.pallas_call(
      body,
      grid=(1,),
      in_specs=[pl.BlockSpec((2, E), lambda i: (0, 0))],
      out_specs=[
          pl.BlockSpec((R, K), lambda i: (0, 0)),
          pl.BlockSpec((R, K), lambda i: (0, 0)),
      ],
      out_shape=[
          jax.ShapeDtypeStruct((R, K), jnp.int32),
          jax.ShapeDtypeStruct((R, K), jnp.int32),
      ],
  )(edge_index)


def _pair_scale(d_ref, bp):
  dinv = lax.rsqrt(d_ref[...] + 1.0)
  return jnp.concatenate(
      [
          jnp.broadcast_to(dinv[:, :1], (bp, 64)),
          jnp.broadcast_to(dinv[:, 1:], (bp, 64)),
      ],
      axis=1,
  )


def _dense1_mm(x, w1):

  def body(xl_ref, xh_ref, w_ref, o_ref):
    hl = jnp.dot(xl_ref[...], w_ref[...], preferred_element_type=jnp.float32)
    hh = jnp.dot(xh_ref[...], w_ref[...], preferred_element_type=jnp.float32)
    o_ref[...] = jnp.concatenate([hl, hh], axis=1)

  return pl.pallas_call(
      body,
      grid=(H // BP1,),
      in_specs=[
          pl.BlockSpec((BP1, 128), lambda i: (i, 0)),
          pl.BlockSpec((BP1, 128), lambda i: (i + H // BP1, 0)),
          pl.BlockSpec((128, 64), lambda i: (0, 0)),
      ],
      out_specs=pl.BlockSpec((BP1, 128), lambda i: (i, 0)),
      out_shape=jax.ShapeDtypeStruct((H, 128), jnp.float32),
  )(x, x, w1)


def _dense1_scale(hraw, ds):

  def body(h_ref, d_ref, o_ref):
    o_ref[...] = h_ref[...] * _pair_scale(d_ref, BP1)

  return pl.pallas_call(
      body,
      grid=(H // BP1,),
      in_specs=[
          pl.BlockSpec((BP1, 128), lambda i: (i, 0)),
          pl.BlockSpec((BP1, 2), lambda i: (i, 0)),
      ],
      out_specs=pl.BlockSpec((BP1, 128), lambda i: (i, 0)),
      out_shape=jax.ShapeDtypeStruct((H, 128), jnp.float32),
  )(hraw, ds)


def _dense2(p, hp1, ds, w2l, w2r, b1p):
  v = p.reshape(N_PAD, 128)
  half = N_PAD // 2 // BP2

  def body(v0_ref, v1_ref, h_ref, d_ref, wl_ref, wr_ref, b_ref, oa_ref,
           ob_ref):
    scale = _pair_scale(d_ref, BP2)
    o1 = (v0_ref[...] + v1_ref[...] + h_ref[...]) * scale + b_ref[...]
    o1 = jnp.maximum(o1, 0.0)
    ev = jnp.dot(o1, wl_ref[...], preferred_element_type=jnp.float32)
    od = jnp.dot(o1, wr_ref[...], preferred_element_type=jnp.float32)
    oa_ref[...] = jnp.concatenate([ev[:, :64], od[:, :64]], axis=1) * scale
    ob_ref[...] = jnp.concatenate([ev[:, 64:], od[:, 64:]], axis=1) * scale

  return pl.pallas_call(
      body,
      grid=(-(-H // BP2),),
      in_specs=[
          pl.BlockSpec((BP2, 128), lambda i: (i, 0)),
          pl.BlockSpec((BP2, 128), lambda i: (i + half, 0)),
          pl.BlockSpec((BP2, 128), lambda i: (i, 0)),
          pl.BlockSpec((BP2, 2), lambda i: (i, 0)),
          pl.BlockSpec((128, 128), lambda i: (0, 0)),
          pl.BlockSpec((128, 128), lambda i: (0, 0)),
          pl.BlockSpec((1, 128), lambda i: (0, 0)),
      ],
      out_specs=[
          pl.BlockSpec((BP2, 128), lambda i: (i, 0)),
          pl.BlockSpec((BP2, 128), lambda i: (i, 0)),
      ],
      out_shape=[
          jax.ShapeDtypeStruct((H, 128), jnp.float32),
          jax.ShapeDtypeStruct((H, 128), jnp.float32),
      ],
  )(v, v, hp1, ds, w2l, w2r, b1p)


def _dense3_fa(qa, hpa, ds, b2a):
  va = qa.reshape(N_PAD, 128)
  half = N_PAD // 2 // BP2

  def body(a0_ref, a1_ref, ha_ref, d_ref, ba_ref, o_ref):
    scale = _pair_scale(d_ref, BP2)
    fa = (a0_ref[...] + a1_ref[...] + ha_ref[...]) * scale + ba_ref[...]
    o_ref[...] = jnp.maximum(fa, 0.0)

  return pl.pallas_call(
      body,
      grid=(-(-H // BP2),),
      in_specs=[
          pl.BlockSpec((BP2, 128), lambda i: (i, 0)),
          pl.BlockSpec((BP2, 128), lambda i: (i + half, 0)),
          pl.BlockSpec((BP2, 128), lambda i: (i, 0)),
          pl.BlockSpec((BP2, 2), lambda i: (i, 0)),
          pl.BlockSpec((1, 128), lambda i: (0, 0)),
      ],
      out_specs=pl.BlockSpec((BP2, 128), lambda i: (i, 0)),
      out_shape=jax.ShapeDtypeStruct((H, 128), jnp.float32),
  )(va, va, hpa, ds, b2a)


def _dense3_out(fa, qb, hpb, ds, b2b):
  vb = qb.reshape(N_PAD, 128)
  half = N_PAD // 2 // BP2

  def body(f_ref, b0_ref, b1_ref, hb_ref, d_ref, bb_ref, lo_ref, hi_ref):
    scale = _pair_scale(d_ref, BP2)
    fb = (b0_ref[...] + b1_ref[...] + hb_ref[...]) * scale + bb_ref[...]
    fb = jnp.maximum(fb, 0.0)
    fa = f_ref[...]
    lo_ref[...] = jnp.concatenate([fa[:, :64], fb[:, :64]], axis=1)
    hi_ref[...] = jnp.concatenate([fa[:, 64:], fb[:, 64:]], axis=1)

  return pl.pallas_call(
      body,
      grid=(-(-H // BP2),),
      in_specs=[
          pl.BlockSpec((BP2, 128), lambda i: (i, 0)),
          pl.BlockSpec((BP2, 128), lambda i: (i, 0)),
          pl.BlockSpec((BP2, 128), lambda i: (i + half, 0)),
          pl.BlockSpec((BP2, 128), lambda i: (i, 0)),
          pl.BlockSpec((BP2, 2), lambda i: (i, 0)),
          pl.BlockSpec((1, 128), lambda i: (0, 0)),
      ],
      out_specs=[
          pl.BlockSpec((BP2, 128), lambda i: (i, 0)),
          pl.BlockSpec((BP2, 128), lambda i: (i, 0)),
      ],
      out_shape=[
          jax.ShapeDtypeStruct((H, 128), jnp.float32),
          jax.ShapeDtypeStruct((H, 128), jnp.float32),
      ],
  )(fa, vb, vb, hpb, ds, b2b)


def kernel(x, edge_index, W1, b1, W2, b2):
  ei = edge_index.astype(jnp.int32)
  src2d, dst2d = _split_edges(ei)
  zeros64 = jnp.zeros((N_PAD, 64), jnp.float32)
  w2l = jnp.concatenate([W2, jnp.zeros_like(W2)], axis=0)
  w2r = jnp.concatenate([jnp.zeros_like(W2), W2], axis=0)
  b1p = jnp.tile(b1, 2).reshape(1, 128)
  b2a = jnp.tile(b2[:64], 2).reshape(1, 128)
  b2b = jnp.tile(b2[64:], 2).reshape(1, 128)

  hraw = _dense1_mm(x, W1)
  degp = _deg_partials(dst2d, jnp.zeros((N_PAD,), jnp.float32))
  ds = (degp[0] + degp[1]).reshape(N_PAD // 2, 2)
  hp1 = _dense1_scale(hraw, ds)
  p = _aggregate(hp1.reshape(N, 64), src2d, dst2d, zeros64, 64, 8)
  hpa, hpb = _dense2(p, hp1, ds, w2l, w2r, b1p)
  qa = _aggregate(hpa.reshape(N, 64), src2d, dst2d, zeros64, 64, 8)
  fa = _dense3_fa(qa, hpa, ds, b2a)
  qb = _aggregate(hpb.reshape(N, 64), src2d, dst2d, zeros64, 64, 8)
  out_lo, out_hi = _dense3_out(fa, qb, hpb, ds, b2b)
  return jnp.concatenate([out_lo, out_hi], axis=0)

# --- scband reference (transcript-rebuilt; emitter-appended) ---
"""Pipeline reference for scband-gnnactor-critic-model-28011776705114 (READ-ONLY COPY).

The authoritative reference and input builder live on the scoring server;
editing this copy changes nothing except your own understanding.
"""

import jax, jax.numpy as jnp
import numpy as np

N_NODES = 10000
N_EDGES = 320000
D_IN = 128
D_HID = 64
D_OUT = 128


def setup_inputs(seed: int = 0) -> dict:
    key = jax.random.key(seed)
    k1, k2, k3, k4, k5, k6 = jax.random.split(key, 6)
    x = jax.random.normal(k1, (N_NODES, D_IN), dtype=jnp.float32)
    edge_index = jax.random.randint(k2, (2, N_EDGES), 0, N_NODES, dtype=jnp.int64)
    # GCNConv weights (PyG lin weight applied as x @ W where W is [in, out])
    W1 = jax.random.normal(k3, (D_IN, D_HID), dtype=jnp.float32) / np.sqrt(D_IN)
    b1 = jnp.zeros((D_HID,), dtype=jnp.float32)
    W2 = jax.random.normal(k4, (D_HID, D_OUT), dtype=jnp.float32) / np.sqrt(D_HID)
    b2 = jnp.zeros((D_OUT,), dtype=jnp.float32)
    return {"x": x, "edge_index": edge_index, "W1": W1, "b1": b1, "W2": W2, "b2": b2}


def _gcn_conv(x, src, dst, W, b):
    n = x.shape[0]
    h = x @ W
    # symmetric normalization with self-loops: D^{-1/2} A_hat D^{-1/2}
    deg = jnp.zeros((n,), dtype=h.dtype).at[dst].add(1.0)
    dinv = 1.0 / jnp.sqrt(jnp.maximum(deg, 1.0))
    norm = dinv[src] * dinv[dst]
    msg = h[src] * norm[:, None]
    out = jnp.zeros_like(h).at[dst].add(msg)
    return out + b


def reference(x, edge_index, W1, b1, W2, b2):
    n = x.shape[0]
    loop = jnp.arange(n, dtype=edge_index.dtype)
    src = jnp.concatenate([edge_index[0], loop])
    dst = jnp.concatenate([edge_index[1], loop])
    h = _gcn_conv(x, src, dst, W1, b1)
    h = jax.nn.relu(h)
    h = _gcn_conv(h, src, dst, W2, b2)
    h = jax.nn.relu(h)
    return h

if __name__ == "__main__":
    import jax
    _d = setup_inputs()
    print(jax.jit(kernel)(*tuple(_d.values())))

</pallas_src>

<mosaic_0001>
#map = affine_map<(d0, d1) -> (0, 0)>
#map1 = affine_map<(d0, d1) -> (0, 0, 0)>
module attributes {stable_mosaic.version = 14 : i64} {
  func.func @agg_kernel(%arg0: i32, %arg1: i32, %arg2: memref<10000x64xf32, #tpu.memory_space<hbm>>, %arg3: memref<2500x128xi32, #tpu.memory_space<hbm>>, %arg4: memref<2500x128xi32, #tpu.memory_space<hbm>>, %arg5: memref<10240x64xf32, #tpu.memory_space<hbm>>, %arg6: memref<2x10240x64xf32, #tpu.memory_space<hbm>>, %arg7: memref<80x128xi32, #tpu.memory_space<vmem>>, %arg8: memref<80x128xi32, #tpu.memory_space<vmem>>, %arg9: memref<128x64xf32, #tpu.memory_space<vmem>>, %arg10: memref<128x64xf32, #tpu.memory_space<vmem>>, %arg11: memref<128x64xf32, #tpu.memory_space<vmem>>, %arg12: memref<128x64xf32, #tpu.memory_space<vmem>>, %arg13: memref<128x64xf32, #tpu.memory_space<vmem>>, %arg14: memref<128x64xf32, #tpu.memory_space<vmem>>, %arg15: memref<128x64xf32, #tpu.memory_space<vmem>>, %arg16: memref<128x64xf32, #tpu.memory_space<vmem>>, %arg17: memref<10240x64xf32, #tpu.memory_space<vmem_shared>>, %arg18: memref<!tpu.dma_semaphore, #tpu.memory_space<semaphore_mem>>, %arg19: memref<!tpu.dma_semaphore, #tpu.memory_space<semaphore_mem>>, %arg20: memref<!tpu.dma_semaphore, #tpu.memory_space<semaphore_mem>>, %arg21: memref<!tpu.dma_semaphore, #tpu.memory_space<semaphore_mem>>, %arg22: memref<!tpu.dma_semaphore, #tpu.memory_space<semaphore_mem>>, %arg23: memref<!tpu.dma_semaphore, #tpu.memory_space<semaphore_mem>>, %arg24: memref<!tpu.dma_semaphore, #tpu.memory_space<semaphore_mem>>, %arg25: memref<!tpu.dma_semaphore, #tpu.memory_space<semaphore_mem>>, %arg26: memref<!tpu.dma_semaphore, #tpu.memory_space<semaphore_mem>>, %arg27: memref<!tpu.dma_semaphore, #tpu.memory_space<semaphore_mem>>, %arg28: memref<!tpu.dma_semaphore, #tpu.memory_space<semaphore_mem>>, %arg29: memref<!tpu.dma_semaphore, #tpu.memory_space<semaphore_mem>>, %arg30: memref<!tpu.dma_semaphore, #tpu.memory_space<semaphore_mem>>, %arg31: memref<!tpu.dma_semaphore, #tpu.memory_space<semaphore_mem>>, %arg32: memref<!tpu.dma_semaphore, #tpu.memory_space<semaphore_mem>>, %arg33: memref<!tpu.dma_semaphore, #tpu.memory_space<semaphore_mem>>, %arg34: memref<!tpu.dma_semaphore, #tpu.memory_space<semaphore_mem>>, %arg35: memref<!tpu.dma_semaphore, #tpu.memory_space<semaphore_mem>>, %arg36: memref<!tpu.dma_semaphore, #tpu.memory_space<semaphore_mem>>) attributes {dimension_semantics = [#tpu.dimension_semantics<core_parallel>, #tpu.dimension_semantics<subcore_parallel>], iteration_bounds = array<i64: 2, 16>, scalar_prefetch = 0 : i64, scratch_operands = 30 : i64, tpu.core_type = #tpu.core_type<sc_vector_subcore>, window_params = [{transform_indices = #map}, {transform_indices = #map}, {transform_indices = #map}, {transform_indices = #map}, {transform_indices = #map1}]} {
    %mul3A = arith.constant 2 : i32
    %mul3A_0 = arith.muli %arg1, %mul3A : i32
    %add3A = arith.addi %mul3A_0, %arg0 : i32
    %mul3A_1 = arith.constant 640 : i32
    %mul3A_2 = arith.muli %arg1, %mul3A_1 : i32
    %mul3A_3 = arith.constant 640 : i32
    %mul3A_4 = arith.muli %arg1, %mul3A_3 : i32
    %dma_start3A = arith.constant 0 : i32
    %dma_start3A_5 = tpu.memref_slice %arg17[%mul3A_4, %dma_start3A] : memref<10240x64xf32, #tpu.memory_space<vmem_shared>> -> memref<640x64xf32, #tpu.memory_space<vmem_shared>>
    %dma_start3A_6 = arith.constant 0 : i32
    %dma_start3A_7 = tpu.memref_slice %arg5[%mul3A_2, %dma_start3A_6] : memref<10240x64xf32, #tpu.memory_space<hbm>> -> memref<640x64xf32, #tpu.memory_space<hbm>>
    tpu.enqueue_dma source(%dma_start3A_7 : memref<640x64xf32, #tpu.memory_space<hbm>>) target(%dma_start3A_5 : memref<640x64xf32, #tpu.memory_space<vmem_shared>>) target_semaphore(%arg36 : memref<!tpu.dma_semaphore, #tpu.memory_space<semaphore_mem>>)
    %mul3A_8 = arith.constant 80 : i32
    %mul3A_9 = arith.muli %add3A, %mul3A_8 : i32
    %min3A = arith.constant 2420 : i32
    %min3A_10 = arith.minsi %mul3A_9, %min3A : i32
    %mul3A_11 = arith.constant 80 : i32
    %mul3A_12 = arith.muli %add3A, %mul3A_11 : i32
    %sub3A = arith.subi %mul3A_12, %min3A_10 : i32
    %dma_start3A_13 = arith.constant 0 : i32
    %dma_start3A_14 = tpu.memref_slice %arg3[%min3A_10, %dma_start3A_13] : memref<2500x128xi32, #tpu.memory_space<hbm>> -> memref<80x128xi32, #tpu.memory_space<hbm>>
    %dma_start3A_15 = arith.constant 0 : i32
    %dma_start3A_16 = tpu.memref_slice %arg3[%min3A_10, %dma_start3A_15] : memref<2500x128xi32, #tpu.memory_space<hbm>> -> memref<80x128xi32, #tpu.memory_space<hbm>>
    tpu.enqueue_dma source(%dma_start3A_16 : memref<80x128xi32, #tpu.memory_space<hbm>>) target(%arg7 : memref<80x128xi32, #tpu.memory_space<vmem>>) target_semaphore(%arg34 : memref<!tpu.dma_semaphore, #tpu.memory_space<semaphore_mem>>)
    %dma_start3A_17 = arith.constant 0 : i32
    %dma_start3A_18 = tpu.memref_slice %arg4[%min3A_10, %dma_start3A_17] : memref<2500x128xi32, #tpu.memory_space<hbm>> -> memref<80x128xi32, #tpu.memory_space<hbm>>
    %dma_start3A_19 = arith.constant 0 : i32
    %dma_start3A_20 = tpu.memref_slice %arg4[%min3A_10, %dma_start3A_19] : memref<2500x128xi32, #tpu.memory_space<hbm>> -> memref<80x128xi32, #tpu.memory_space<hbm>>
    tpu.enqueue_dma source(%dma_start3A_20 : memref<80x128xi32, #tpu.memory_space<hbm>>) target(%arg8 : memref<80x128xi32, #tpu.memory_space<vmem>>) target_semaphore(%arg35 : memref<!tpu.dma_semaphore, #tpu.memory_space<semaphore_mem>>)
    %dma_wait3A = arith.constant 0 : i32
    %dma_wait3A_21 = tpu.memref_slice %arg17[%mul3A_4, %dma_wait3A] : memref<10240x64xf32, #tpu.memory_space<vmem_shared>> -> memref<640x64xf32, #tpu.memory_space<vmem_shared>>
    %dma_wait3A_22 = arith.constant 0 : i32
    %dma_wait3A_23 = tpu.memref_slice %arg5[%mul3A_2, %dma_wait3A_22] : memref<10240x64xf32, #tpu.memory_space<hbm>> -> memref<640x64xf32, #tpu.memory_space<hbm>>
    tpu.wait_dma2 semaphore(%arg36 : memref<!tpu.dma_semaphore, #tpu.memory_space<semaphore_mem>>) src(%dma_wait3A_23 : memref<640x64xf32, #tpu.memory_space<hbm>>) dst(%dma_wait3A_21 : memref<640x64xf32, #tpu.memory_space<vmem_shared>>)
    %dma_wait3A_24 = arith.constant 0 : i32
    %dma_wait3A_25 = tpu.memref_slice %arg3[%min3A_10, %dma_wait3A_24] : memref<2500x128xi32, #tpu.memory_space<hbm>> -> memref<80x128xi32, #tpu.memory_space<hbm>>
    %dma_wait3A_26 = arith.constant 0 : i32
    %dma_wait3A_27 = tpu.memref_slice %arg3[%min3A_10, %dma_wait3A_26] : memref<2500x128xi32, #tpu.memory_space<hbm>> -> memref<80x128xi32, #tpu.memory_space<hbm>>
    tpu.wait_dma2 semaphore(%arg34 : memref<!tpu.dma_semaphore, #tpu.memory_space<semaphore_mem>>) src(%dma_wait3A_27 : memref<80x128xi32, #tpu.memory_space<hbm>>) dst(%arg7 : memref<80x128xi32, #tpu.memory_space<vmem>>)
    %dma_wait3A_28 = arith.constant 0 : i32
    %dma_wait3A_29 = tpu.memref_slice %arg4[%min3A_10, %dma_wait3A_28] : memref<2500x128xi32, #tpu.memory_space<hbm>> -> memref<80x128xi32, #tpu.memory_space<hbm>>
    %dma_wait3A_30 = arith.constant 0 : i32
    %dma_wait3A_31 = tpu.memref_slice %arg4[%min3A_10, %dma_wait3A_30] : memref<2500x128xi32, #tpu.memory_space<hbm>> -> memref<80x128xi32, #tpu.memory_space<hbm>>
    tpu.wait_dma2 semaphore(%arg35 : memref<!tpu.dma_semaphore, #tpu.memory_space<semaphore_mem>>) src(%dma_wait3A_31 : memref<80x128xi32, #tpu.memory_space<hbm>>) dst(%arg8 : memref<80x128xi32, #tpu.memory_space<vmem>>)
    %barrier3A = arith.constant 0 : index
    tpu.barrier barrier_id(%barrier3A)
    %mul3A_32 = arith.constant 80 : i32
    %mul3A_33 = arith.muli %add3A, %mul3A_32 : i32
    %sub3A_34 = arith.constant 2500 : i32
    %sub3A_35 = arith.subi %sub3A_34, %mul3A_33 : i32
    %min3A_36 = arith.constant 80 : i32
    %min3A_37 = arith.minsi %min3A_36, %sub3A_35 : i32
    %jit3A = arith.constant 8 : i32
    %div3A = arith.divsi %min3A_37, %jit3A : i32
    %sign3A = arith.constant 0 : i32
    %sign3A_38 = arith.cmpi sgt, %min3A_37, %sign3A : i32
    %sign3A_39 = arith.extui %sign3A_38 : i1 to i32
    %sign3A_40 = arith.constant 0 : i32
    %sign3A_41 = arith.cmpi slt, %min3A_37, %sign3A_40 : i32
    %sign3A_42 = arith.extui %sign3A_41 : i1 to i32
    %sign3A_43 = arith.subi %sign3A_39, %sign3A_42 : i32
    %sign3A_44 = arith.constant 0 : i32
    %sign3A_45 = arith.cmpi sgt, %jit3A, %sign3A_44 : i32
    %sign3A_46 = arith.extui %sign3A_45 : i1 to i32
    %sign3A_47 = arith.constant 0 : i32
    %sign3A_48 = arith.cmpi slt, %jit3A, %sign3A_47 : i32
    %sign3A_49 = arith.extui %sign3A_48 : i1 to i32
    %sign3A_50 = arith.subi %sign3A_46, %sign3A_49 : i32
    %ne3A = arith.cmpi ne, %sign3A_43, %sign3A_50 : i32
    %rem3A = arith.remsi %min3A_37, %jit3A : i32
    %ne3A_51 = arith.constant 0 : i32
    %ne3A_52 = arith.cmpi ne, %rem3A, %ne3A_51 : i32
    %and3A = arith.andi %ne3A, %ne3A_52 : i1
    %sub3A_53 = arith.constant 1 : i32
    %sub3A_54 = arith.subi %div3A, %sub3A_53 : i32
    %select_n3A = arith.select %and3A, %sub3A_54, %div3A : i32
    %while3A = arith.constant 0 : i32
    %while3A_55 = arith.constant 0 : i32
    %while3A_56 = arith.subi %select_n3A, %while3A_55 : i32
    %while3A_57 = arith.addi %while3A_55, %while3A_56 : i32
    %while3A_58 = arith.constant 1 : i32
    %while3A_59 = arith.divsi %while3A_56, %while3A_58 : i32
    %while3A_60 = arith.muli %while3A_59, %while3A_58 : i32
    %while3A_61 = arith.addi %while3A_55, %while3A_60 : i32
    %while3A_62 = arith.constant 1 : i32
    scf.for %while3A_138 = %while3A_55 to %while3A_61 step %while3A_62  : i32 {
      %mul3A_139 = arith.constant 8 : i32
      %mul3A_140 = arith.muli %while3A_138, %mul3A_139 : i32
      %add3A_141 = arith.addi %sub3A, %mul3A_140 : i32
      %add3A_142 = arith.constant 0 : i32
      %add3A_143 = arith.addi %add3A_141, %add3A_142 : i32
      %gt3A = arith.constant 0 : i32
      %gt3A_144 = arith.cmpi sgt, %while3A_138, %gt3A : i32
      %convert_element_type3A = arith.extui %gt3A_144 : i1 to i32
      %cond3A = arith.constant 0 : i32
      %cond3A_145 = arith.cmpi ne, %convert_element_type3A, %cond3A : i32
      scf.if %cond3A_145 {
        %dma_wait3A_400 = arith.constant 0 : i32
        %dma_wait3A_401 = arith.constant 0 : i32
        %dma_wait3A_402 = tpu.memref_slice %arg8[%dma_wait3A_400, %dma_wait3A_401] : memref<80x128xi32, #tpu.memory_space<vmem>> -> memref<1x128xi32, #tpu.memory_space<vmem>>
        %dma_wait3A_403 = tpu.memref_squeeze %dma_wait3A_402 : memref<1x128xi32, #tpu.memory_space<vmem>> -> memref<128xi32, #tpu.memory_space<vmem>>
        %dma_wait3A_404 = arith.constant 0 : i32
        %dma_wait3A_405 = arith.constant 0 : i32
        %dma_wait3A_406 = tpu.memref_slice %arg17[%dma_wait3A_404, %dma_wait3A_405] : memref<10240x64xf32, #tpu.memory_space<vmem_shared>> -> memref<10240x64xf32, #tpu.memory_space<vmem_shared>>
        tpu.wait_indirect_dma semaphore(%arg26 : memref<!tpu.dma_semaphore, #tpu.memory_space<semaphore_mem>>) src(%arg9 : memref<128x64xf32, #tpu.memory_space<vmem>>) dst(%dma_wait3A_406 : memref<10240x64xf32, #tpu.memory_space<vmem_shared>>)
      } else {
      }
      %dma_start3A_146 = arith.constant 0 : i32
      %dma_start3A_147 = tpu.memref_slice %arg7[%add3A_143, %dma_start3A_146] : memref<80x128xi32, #tpu.memory_space<vmem>> -> memref<1x128xi32, #tpu.memory_space<vmem>>
      %dma_start3A_148 = tpu.memref_squeeze %dma_start3A_147 : memref<1x128xi32, #tpu.memory_space<vmem>> -> memref<128xi32, #tpu.memory_space<vmem>>
      %dma_start3A_149 = arith.constant 0 : i32
      %dma_start3A_150 = arith.constant 0 : i32
      %dma_start3A_151 = tpu.memref_slice %arg2[%dma_start3A_149, %dma_start3A_150] : memref<10000x64xf32, #tpu.memory_space<hbm>> -> memref<10000x64xf32, #tpu.memory_space<hbm>>
      tpu.enqueue_indirect_dma source(%dma_start3A_151 : memref<10000x64xf32, #tpu.memory_space<hbm>>) target(%arg9 : memref<128x64xf32, #tpu.memory_space<vmem>>) offsets(%dma_start3A_148 : memref<128xi32, #tpu.memory_space<vmem>>) semaphore(%arg18 : memref<!tpu.dma_semaphore, #tpu.memory_space<semaphore_mem>>)
      %mul3A_152 = arith.constant 8 : i32
      %mul3A_153 = arith.muli %while3A_138, %mul3A_152 : i32
      %add3A_154 = arith.addi %sub3A, %mul3A_153 : i32
      %add3A_155 = arith.constant 1 : i32
      %add3A_156 = arith.addi %add3A_154, %add3A_155 : i32
      %gt3A_157 = arith.constant 0 : i32
      %gt3A_158 = arith.cmpi sgt, %while3A_138, %gt3A_157 : i32
      %convert_element_type3A_159 = arith.extui %gt3A_158 : i1 to i32
      %cond3A_160 = arith.constant 0 : i32
      %cond3A_161 = arith.cmpi ne, %convert_element_type3A_159, %cond3A_160 : i32
      scf.if %cond3A_161 {
        %dma_wait3A_400 = arith.constant 0 : i32
        %dma_wait3A_401 = arith.constant 0 : i32
        %dma_wait3A_402 = tpu.memref_slice %arg8[%dma_wait3A_400, %dma_wait3A_401] : memref<80x128xi32, #tpu.memory_space<vmem>> -> memref<1x128xi32, #tpu.memory_space<vmem>>
        %dma_wait3A_403 = tpu.memref_squeeze %dma_wait3A_402 : memref<1x128xi32, #tpu.memory_space<vmem>> -> memref<128xi32, #tpu.memory_space<vmem>>
        %dma_wait3A_404 = arith.constant 0 : i32
        %dma_wait3A_405 = arith.constant 0 : i32
        %dma_wait3A_406 = tpu.memref_slice %arg17[%dma_wait3A_404, %dma_wait3A_405] : memref<10240x64xf32, #tpu.memory_space<vmem_shared>> -> memref<10240x64xf32, #tpu.memory_space<vmem_shared>>
        tpu.wait_indirect_dma semaphore(%arg27 : memref<!tpu.dma_semaphore, #tpu.memory_space<semaphore_mem>>) src(%arg10 : memref<128x64xf32, #tpu.memory_space<vmem>>) dst(%dma_wait3A_406 : memref<10240x64xf32, #tpu.memory_space<vmem_shared>>)
      } else {
      }
      %dma_start3A_162 = arith.constant 0 : i32
      %dma_start3A_163 = tpu.memref_slice %arg7[%add3A_156, %dma_start3A_162] : memref<80x128xi32, #tpu.memory_space<vmem>> -> memref<1x128xi32, #tpu.memory_space<vmem>>
      %dma_start3A_164 = tpu.memref_squeeze %dma_start3A_163 : memref<1x128xi32, #tpu.memory_space<vmem>> -> memref<128xi32, #tpu.memory_space<vmem>>
      %dma_start3A_165 = arith.constant 0 : i32
      %dma_start3A_166 = arith.constant 0 : i32
      %dma_start3A_167 = tpu.memref_slice %arg2[%dma_start3A_165, %dma_start3A_166] : memref<10000x64xf32, #tpu.memory_space<hbm>> -> memref<10000x64xf32, #tpu.memory_space<hbm>>
      tpu.enqueue_indirect_dma source(%dma_start3A_167 : memref<10000x64xf32, #tpu.memory_space<hbm>>) target(%arg10 : memref<128x64xf32, #tpu.memory_space<vmem>>) offsets(%dma_start3A_164 : memref<128xi32, #tpu.memory_space<vmem>>) semaphore(%arg19 : memref<!tpu.dma_semaphore, #tpu.memory_space<semaphore_mem>>)
      %mul3A_168 = arith.constant 8 : i32
      %mul3A_169 = arith.muli %while3A_138, %mul3A_168 : i32
      %add3A_170 = arith.addi %sub3A, %mul3A_169 : i32
      %add3A_171 = arith.constant 2 : i32
      %add3A_172 = arith.addi %add3A_170, %add3A_171 : i32
      %gt3A_173 = arith.constant 0 : i32
      %gt3A_174 = arith.cmpi sgt, %while3A_138, %gt3A_173 : i32
      %convert_element_type3A_175 = arith.extui %gt3A_174 : i1 to i32
      %cond3A_176 = arith.constant 0 : i32
      %cond3A_177 = arith.cmpi ne, %convert_element_type3A_175, %cond3A_176 : i32
      scf.if %cond3A_177 {
        %dma_wait3A_400 = arith.constant 0 : i32
        %dma_wait3A_401 = arith.constant 0 : i32
        %dma_wait3A_402 = tpu.memref_slice %arg8[%dma_wait3A_400, %dma_wait3A_401] : memref<80x128xi32, #tpu.memory_space<vmem>> -> memref<1x128xi32, #tpu.memory_space<vmem>>
        %dma_wait3A_403 = tpu.memref_squeeze %dma_wait3A_402 : memref<1x128xi32, #tpu.memory_space<vmem>> -> memref<128xi32, #tpu.memory_space<vmem>>
        %dma_wait3A_404 = arith.constant 0 : i32
        %dma_wait3A_405 = arith.constant 0 : i32
        %dma_wait3A_406 = tpu.memref_slice %arg17[%dma_wait3A_404, %dma_wait3A_405] : memref<10240x64xf32, #tpu.memory_space<vmem_shared>> -> memref<10240x64xf32, #tpu.memory_space<vmem_shared>>
        tpu.wait_indirect_dma semaphore(%arg28 : memref<!tpu.dma_semaphore, #tpu.memory_space<semaphore_mem>>) src(%arg11 : memref<128x64xf32, #tpu.memory_space<vmem>>) dst(%dma_wait3A_406 : memref<10240x64xf32, #tpu.memory_space<vmem_shared>>)
      } else {
      }
      %dma_start3A_178 = arith.constant 0 : i32
      %dma_start3A_179 = tpu.memref_slice %arg7[%add3A_172, %dma_start3A_178] : memref<80x128xi32, #tpu.memory_space<vmem>> -> memref<1x128xi32, #tpu.memory_space<vmem>>
      %dma_start3A_180 = tpu.memref_squeeze %dma_start3A_179 : memref<1x128xi32, #tpu.memory_space<vmem>> -> memref<128xi32, #tpu.memory_space<vmem>>
      %dma_start3A_181 = arith.constant 0 : i32
      %dma_start3A_182 = arith.constant 0 : i32
      %dma_start3A_183 = tpu.memref_slice %arg2[%dma_start3A_181, %dma_start3A_182] : memref<10000x64xf32, #tpu.memory_space<hbm>> -> memref<10000x64xf32, #tpu.memory_space<hbm>>
      tpu.enqueue_indirect_dma source(%dma_start3A_183 : memref<10000x64xf32, #tpu.memory_space<hbm>>) target(%arg11 : memref<128x64xf32, #tpu.memory_space<vmem>>) offsets(%dma_start3A_180 : memref<128xi32, #tpu.memory_space<vmem>>) semaphore(%arg20 : memref<!tpu.dma_semaphore, #tpu.memory_space<semaphore_mem>>)
      %mul3A_184 = arith.constant 8 : i32
      %mul3A_185 = arith.muli %while3A_138, %mul3A_184 : i32
      %add3A_186 = arith.addi %sub3A, %mul3A_185 : i32
      %add3A_187 = arith.constant 3 : i32
      %add3A_188 = arith.addi %add3A_186, %add3A_187 : i32
      %gt3A_189 = arith.constant 0 : i32
      %gt3A_190 = arith.cmpi sgt, %while3A_138, %gt3A_189 : i32
      %convert_element_type3A_191 = arith.extui %gt3A_190 : i1 to i32
      %cond3A_192 = arith.constant 0 : i32
      %cond3A_193 = arith.cmpi ne, %convert_element_type3A_191, %cond3A_192 : i32
      scf.if %cond3A_193 {
        %dma_wait3A_400 = arith.constant 0 : i32
        %dma_wait3A_401 = arith.constant 0 : i32
        %dma_wait3A_402 = tpu.memref_slice %arg8[%dma_wait3A_400, %dma_wait3A_401] : memref<80x128xi32, #tpu.memory_space<vmem>> -> memref<1x128xi32, #tpu.memory_space<vmem>>
        %dma_wait3A_403 = tpu.memref_squeeze %dma_wait3A_402 : memref<1x128xi32, #tpu.memory_space<vmem>> -> memref<128xi32, #tpu.memory_space<vmem>>
        %dma_wait3A_404 = arith.constant 0 : i32
        %dma_wait3A_405 = arith.constant 0 : i32
        %dma_wait3A_406 = tpu.memref_slice %arg17[%dma_wait3A_404, %dma_wait3A_405] : memref<10240x64xf32, #tpu.memory_space<vmem_shared>> -> memref<10240x64xf32, #tpu.memory_space<vmem_shared>>
        tpu.wait_indirect_dma semaphore(%arg29 : memref<!tpu.dma_semaphore, #tpu.memory_space<semaphore_mem>>) src(%arg12 : memref<128x64xf32, #tpu.memory_space<vmem>>) dst(%dma_wait3A_406 : memref<10240x64xf32, #tpu.memory_space<vmem_shared>>)
      } else {
      }
      %dma_start3A_194 = arith.constant 0 : i32
      %dma_start3A_195 = tpu.memref_slice %arg7[%add3A_188, %dma_start3A_194] : memref<80x128xi32, #tpu.memory_space<vmem>> -> memref<1x128xi32, #tpu.memory_space<vmem>>
      %dma_start3A_196 = tpu.memref_squeeze %dma_start3A_195 : memref<1x128xi32, #tpu.memory_space<vmem>> -> memref<128xi32, #tpu.memory_space<vmem>>
      %dma_start3A_197 = arith.constant 0 : i32
      %dma_start3A_198 = arith.constant 0 : i32
      %dma_start3A_199 = tpu.memref_slice %arg2[%dma_start3A_197, %dma_start3A_198] : memref<10000x64xf32, #tpu.memory_space<hbm>> -> memref<10000x64xf32, #tpu.memory_space<hbm>>
      tpu.enqueue_indirect_dma source(%dma_start3A_199 : memref<10000x64xf32, #tpu.memory_space<hbm>>) target(%arg12 : memref<128x64xf32, #tpu.memory_space<vmem>>) offsets(%dma_start3A_196 : memref<128xi32, #tpu.memory_space<vmem>>) semaphore(%arg21 : memref<!tpu.dma_semaphore, #tpu.memory_space<semaphore_mem>>)
      %mul3A_200 = arith.constant 8 : i32
      %mul3A_201 = arith.muli %while3A_138, %mul3A_200 : i32
      %add3A_202 = arith.addi %sub3A, %mul3A_201 : i32
      %add3A_203 = arith.constant 4 : i32
      %add3A_204 = arith.addi %add3A_202, %add3A_203 : i32
      %gt3A_205 = arith.constant 0 : i32
      %gt3A_206 = arith.cmpi sgt, %while3A_138, %gt3A_205 : i32
      %convert_element_type3A_207 = arith.extui %gt3A_206 : i1 to i32
      %cond3A_208 = arith.constant 0 : i32
      %cond3A_209 = arith.cmpi ne, %convert_element_type3A_207, %cond3A_208 : i32
      scf.if %cond3A_209 {
        %dma_wait3A_400 = arith.constant 0 : i32
        %dma_wait3A_401 = arith.constant 0 : i32
        %dma_wait3A_402 = tpu.memref_slice %arg8[%dma_wait3A_400, %dma_wait3A_401] : memref<80x128xi32, #tpu.memory_space<vmem>> -> memref<1x128xi32, #tpu.memory_space<vmem>>
        %dma_wait3A_403 = tpu.memref_squeeze %dma_wait3A_402 : memref<1x128xi32, #tpu.memory_space<vmem>> -> memref<128xi32, #tpu.memory_space<vmem>>
        %dma_wait3A_404 = arith.constant 0 : i32
        %dma_wait3A_405 = arith.constant 0 : i32
        %dma_wait3A_406 = tpu.memref_slice %arg17[%dma_wait3A_404, %dma_wait3A_405] : memref<10240x64xf32, #tpu.memory_space<vmem_shared>> -> memref<10240x64xf32, #tpu.memory_space<vmem_shared>>
        tpu.wait_indirect_dma semaphore(%arg30 : memref<!tpu.dma_semaphore, #tpu.memory_space<semaphore_mem>>) src(%arg13 : memref<128x64xf32, #tpu.memory_space<vmem>>) dst(%dma_wait3A_406 : memref<10240x64xf32, #tpu.memory_space<vmem_shared>>)
      } else {
      }
      %dma_start3A_210 = arith.constant 0 : i32
      %dma_start3A_211 = tpu.memref_slice %arg7[%add3A_204, %dma_start3A_210] : memref<80x128xi32, #tpu.memory_space<vmem>> -> memref<1x128xi32, #tpu.memory_space<vmem>>
      %dma_start3A_212 = tpu.memref_squeeze %dma_start3A_211 : memref<1x128xi32, #tpu.memory_space<vmem>> -> memref<128xi32, #tpu.memory_space<vmem>>
      %dma_start3A_213 = arith.constant 0 : i32
      %dma_start3A_214 = arith.constant 0 : i32
      %dma_start3A_215 = tpu.memref_slice %arg2[%dma_start3A_213, %dma_start3A_214] : memref<10000x64xf32, #tpu.memory_space<hbm>> -> memref<10000x64xf32, #tpu.memory_space<hbm>>
      tpu.enqueue_indirect_dma source(%dma_start3A_215 : memref<10000x64xf32, #tpu.memory_space<hbm>>) target(%arg13 : memref<128x64xf32, #tpu.memory_space<vmem>>) offsets(%dma_start3A_212 : memref<128xi32, #tpu.memory_space<vmem>>) semaphore(%arg22 : memref<!tpu.dma_semaphore, #tpu.memory_space<semaphore_mem>>)
      %mul3A_216 = arith.constant 8 : i32
      %mul3A_217 = arith.muli %while3A_138, %mul3A_216 : i32
      %add3A_218 = arith.addi %sub3A, %mul3A_217 : i32
      %add3A_219 = arith.constant 5 : i32
      %add3A_220 = arith.addi %add3A_218, %add3A_219 : i32
      %gt3A_221 = arith.constant 0 : i32
      %gt3A_222 = arith.cmpi sgt, %while3A_138, %gt3A_221 : i32
      %convert_element_type3A_223 = arith.extui %gt3A_222 : i1 to i32
      %cond3A_224 = arith.constant 0 : i32
      %cond3A_225 = arith.cmpi ne, %convert_element_type3A_223, %cond3A_224 : i32
      scf.if %cond3A_225 {
        %dma_wait3A_400 = arith.constant 0 : i32
        %dma_wait3A_401 = arith.constant 0 : i32
        %dma_wait3A_402 = tpu.memref_slice %arg8[%dma_wait3A_400, %dma_wait3A_401] : memref<80x128xi32, #tpu.memory_space<vmem>> -> memref<1x128xi32, #tpu.memory_space<vmem>>
        %dma_wait3A_403 = tpu.memref_squeeze %dma_wait3A_402 : memref<1x128xi32, #tpu.memory_space<vmem>> -> memref<128xi32, #tpu.memory_space<vmem>>
        %dma_wait3A_404 = arith.constant 0 : i32
        %dma_wait3A_405 = arith.constant 0 : i32
        %dma_wait3A_406 = tpu.memref_slice %arg17[%dma_wait3A_404, %dma_wait3A_405] : memref<10240x64xf32, #tpu.memory_space<vmem_shared>> -> memref<10240x64xf32, #tpu.memory_space<vmem_shared>>
        tpu.wait_indirect_dma semaphore(%arg31 : memref<!tpu.dma_semaphore, #tpu.memory_space<semaphore_mem>>) src(%arg14 : memref<128x64xf32, #tpu.memory_space<vmem>>) dst(%dma_wait3A_406 : memref<10240x64xf32, #tpu.memory_space<vmem_shared>>)
      } else {
      }
      %dma_start3A_226 = arith.constant 0 : i32
      %dma_start3A_227 = tpu.memref_slice %arg7[%add3A_220, %dma_start3A_226] : memref<80x128xi32, #tpu.memory_space<vmem>> -> memref<1x128xi32, #tpu.memory_space<vmem>>
      %dma_start3A_228 = tpu.memref_squeeze %dma_start3A_227 : memref<1x128xi32, #tpu.memory_space<vmem>> -> memref<128xi32, #tpu.memory_space<vmem>>
      %dma_start3A_229 = arith.constant 0 : i32
      %dma_start3A_230 = arith.constant 0 : i32
      %dma_start3A_231 = tpu.memref_slice %arg2[%dma_start3A_229, %dma_start3A_230] : memref<10000x64xf32, #tpu.memory_space<hbm>> -> memref<10000x64xf32, #tpu.memory_space<hbm>>
      tpu.enqueue_indirect_dma source(%dma_start3A_231 : memref<10000x64xf32, #tpu.memory_space<hbm>>) target(%arg14 : memref<128x64xf32, #tpu.memory_space<vmem>>) offsets(%dma_start3A_228 : memref<128xi32, #tpu.memory_space<vmem>>) semaphore(%arg23 : memref<!tpu.dma_semaphore, #tpu.memory_space<semaphore_mem>>)
      %mul3A_232 = arith.constant 8 : i32
      %mul3A_233 = arith.muli %while3A_138, %mul3A_232 : i32
      %add3A_234 = arith.addi %sub3A, %mul3A_233 : i32
      %add3A_235 = arith.constant 6 : i32
      %add3A_236 = arith.addi %add3A_234, %add3A_235 : i32
      %gt3A_237 = arith.constant 0 : i32
      %gt3A_238 = arith.cmpi sgt, %while3A_138, %gt3A_237 : i32
      %convert_element_type3A_239 = arith.extui %gt3A_238 : i1 to i32
      %cond3A_240 = arith.constant 0 : i32
      %cond3A_241 = arith.cmpi ne, %convert_element_type3A_239, %cond3A_240 : i32
      scf.if %cond3A_241 {
        %dma_wait3A_400 = arith.constant 0 : i32
        %dma_wait3A_401 = arith.constant 0 : i32
        %dma_wait3A_402 = tpu.memref_slice %arg8[%dma_wait3A_400, %dma_wait3A_401] : memref<80x128xi32, #tpu.memory_space<vmem>> -> memref<1x128xi32, #tpu.memory_space<vmem>>
        %dma_wait3A_403 = tpu.memref_squeeze %dma_wait3A_402 : memref<1x128xi32, #tpu.memory_space<vmem>> -> memref<128xi32, #tpu.memory_space<vmem>>
        %dma_wait3A_404 = arith.constant 0 : i32
        %dma_wait3A_405 = arith.constant 0 : i32
        %dma_wait3A_406 = tpu.memref_slice %arg17[%dma_wait3A_404, %dma_wait3A_405] : memref<10240x64xf32, #tpu.memory_space<vmem_shared>> -> memref<10240x64xf32, #tpu.memory_space<vmem_shared>>
        tpu.wait_indirect_dma semaphore(%arg32 : memref<!tpu.dma_semaphore, #tpu.memory_space<semaphore_mem>>) src(%arg15 : memref<128x64xf32, #tpu.memory_space<vmem>>) dst(%dma_wait3A_406 : memref<10240x64xf32, #tpu.memory_space<vmem_shared>>)
      } else {
      }
      %dma_start3A_242 = arith.constant 0 : i32
      %dma_start3A_243 = tpu.memref_slice %arg7[%add3A_236, %dma_start3A_242] : memref<80x128xi32, #tpu.memory_space<vmem>> -> memref<1x128xi32, #tpu.memory_space<vmem>>
      %dma_start3A_244 = tpu.memref_squeeze %dma_start3A_243 : memref<1x128xi32, #tpu.memory_space<vmem>> -> memref<128xi32, #tpu.memory_space<vmem>>
      %dma_start3A_245 = arith.constant 0 : i32
      %dma_start3A_246 = arith.constant 0 : i32
      %dma_start3A_247 = tpu.memref_slice %arg2[%dma_start3A_245, %dma_start3A_246] : memref<10000x64xf32, #tpu.memory_space<hbm>> -> memref<10000x64xf32, #tpu.memory_space<hbm>>
      tpu.enqueue_indirect_dma source(%dma_start3A_247 : memref<10000x64xf32, #tpu.memory_space<hbm>>) target(%arg15 : memref<128x64xf32, #tpu.memory_space<vmem>>) offsets(%dma_start3A_244 : memref<128xi32, #tpu.memory_space<vmem>>) semaphore(%arg24 : memref<!tpu.dma_semaphore, #tpu.memory_space<semaphore_mem>>)
      %mul3A_248 = arith.constant 8 : i32
      %mul3A_249 = arith.muli %while3A_138, %mul3A_248 : i32
      %add3A_250 = arith.addi %sub3A, %mul3A_249 : i32
      %add3A_251 = arith.constant 7 : i32
      %add3A_252 = arith.addi %add3A_250, %add3A_251 : i32
      %gt3A_253 = arith.constant 0 : i32
      %gt3A_254 = arith.cmpi sgt, %while3A_138, %gt3A_253 : i32
      %convert_element_type3A_255 = arith.extui %gt3A_254 : i1 to i32
      %cond3A_256 = arith.constant 0 : i32
      %cond3A_257 = arith.cmpi ne, %convert_element_type3A_255, %cond3A_256 : i32
      scf.if %cond3A_257 {
        %dma_wait3A_400 = arith.constant 0 : i32
        %dma_wait3A_401 = arith.constant 0 : i32
        %dma_wait3A_402 = tpu.memref_slice %arg8[%dma_wait3A_400, %dma_wait3A_401] : memref<80x128xi32, #tpu.memory_space<vmem>> -> memref<1x128xi32, #tpu.memory_space<vmem>>
        %dma_wait3A_403 = tpu.memref_squeeze %dma_wait3A_402 : memref<1x128xi32, #tpu.memory_space<vmem>> -> memref<128xi32, #tpu.memory_space<vmem>>
        %dma_wait3A_404 = arith.constant 0 : i32
        %dma_wait3A_405 = arith.constant 0 : i32
        %dma_wait3A_406 = tpu.memref_slice %arg17[%dma_wait3A_404, %dma_wait3A_405] : memref<10240x64xf32, #tpu.memory_space<vmem_shared>> -> memref<10240x64xf32, #tpu.memory_space<vmem_shared>>
        tpu.wait_indirect_dma semaphore(%arg33 : memref<!tpu.dma_semaphore, #tpu.memory_space<semaphore_mem>>) src(%arg16 : memref<128x64xf32, #tpu.memory_space<vmem>>) dst(%dma_wait3A_406 : memref<10240x64xf32, #tpu.memory_space<vmem_shared>>)
      } else {
      }
      %dma_start3A_258 = arith.constant 0 : i32
      %dma_start3A_259 = tpu.memref_slice %arg7[%add3A_252, %dma_start3A_258] : memref<80x128xi32, #tpu.memory_space<vmem>> -> memref<1x128xi32, #tpu.memory_space<vmem>>
      %dma_start3A_260 = tpu.memref_squeeze %dma_start3A_259 : memref<1x128xi32, #tpu.memory_space<vmem>> -> memref<128xi32, #tpu.memory_space<vmem>>
      %dma_start3A_261 = arith.constant 0 : i32
      %dma_start3A_262 = arith.constant 0 : i32
      %dma_start3A_263 = tpu.memref_slice %arg2[%dma_start3A_261, %dma_start3A_262] : memref<10000x64xf32, #tpu.memory_space<hbm>> -> memref<10000x64xf32, #tpu.memory_space<hbm>>
      tpu.enqueue_indirect_dma source(%dma_start3A_263 : memref<10000x64xf32, #tpu.memory_space<hbm>>) target(%arg16 : memref<128x64xf32, #tpu.memory_space<vmem>>) offsets(%dma_start3A_260 : memref<128xi32, #tpu.memory_space<vmem>>) semaphore(%arg25 : memref<!tpu.dma_semaphore, #tpu.memory_space<semaphore_mem>>)
      %mul3A_264 = arith.constant 8 : i32
      %mul3A_265 = arith.muli %while3A_138, %mul3A_264 : i32
      %add3A_266 = arith.addi %sub3A, %mul3A_265 : i32
      %add3A_267 = arith.constant 0 : i32
      %add3A_268 = arith.addi %add3A_266, %add3A_267 : i32
      %dma_wait3A_269 = arith.constant 0 : i32
      %dma_wait3A_270 = tpu.memref_slice %arg7[%add3A_143, %dma_wait3A_269] : memref<80x128xi32, #tpu.memory_space<vmem>> -> memref<1x128xi32, #tpu.memory_space<vmem>>
      %dma_wait3A_271 = tpu.memref_squeeze %dma_wait3A_270 : memref<1x128xi32, #tpu.memory_space<vmem>> -> memref<128xi32, #tpu.memory_space<vmem>>
      %dma_wait3A_272 = arith.constant 0 : i32
      %dma_wait3A_273 = arith.constant 0 : i32
      %dma_wait3A_274 = tpu.memref_slice %arg2[%dma_wait3A_272, %dma_wait3A_273] : memref<10000x64xf32, #tpu.memory_space<hbm>> -> memref<10000x64xf32, #tpu.memory_space<hbm>>
      tpu.wait_indirect_dma semaphore(%arg18 : memref<!tpu.dma_semaphore, #tpu.memory_space<semaphore_mem>>) src(%dma_wait3A_274 : memref<10000x64xf32, #tpu.memory_space<hbm>>) dst(%arg9 : memref<128x64xf32, #tpu.memory_space<vmem>>)
      %dma_start3A_275 = arith.constant 0 : i32
      %dma_start3A_276 = tpu.memref_slice %arg8[%add3A_268, %dma_start3A_275] : memref<80x128xi32, #tpu.memory_space<vmem>> -> memref<1x128xi32, #tpu.memory_space<vmem>>
      %dma_start3A_277 = tpu.memref_squeeze %dma_start3A_276 : memref<1x128xi32, #tpu.memory_space<vmem>> -> memref<128xi32, #tpu.memory_space<vmem>>
      %dma_start3A_278 = arith.constant 0 : i32
      %dma_start3A_279 = arith.constant 0 : i32
      %dma_start3A_280 = tpu.memref_slice %arg17[%dma_start3A_278, %dma_start3A_279] : memref<10240x64xf32, #tpu.memory_space<vmem_shared>> -> memref<10240x64xf32, #tpu.memory_space<vmem_shared>>
      tpu.enqueue_indirect_dma source(%arg9 : memref<128x64xf32, #tpu.memory_space<vmem>>) target(%dma_start3A_280 : memref<10240x64xf32, #tpu.memory_space<vmem_shared>>) offsets(%dma_start3A_277 : memref<128xi32, #tpu.memory_space<vmem>>) semaphore(%arg26 : memref<!tpu.dma_semaphore, #tpu.memory_space<semaphore_mem>>) {add = true}
      %mul3A_281 = arith.constant 8 : i32
      %mul3A_282 = arith.muli %while3A_138, %mul3A_281 : i32
      %add3A_283 = arith.addi %sub3A, %mul3A_282 : i32
      %add3A_284 = arith.constant 1 : i32
      %add3A_285 = arith.addi %add3A_283, %add3A_284 : i32
      %dma_wait3A_286 = arith.constant 0 : i32
      %dma_wait3A_287 = tpu.memref_slice %arg7[%add3A_156, %dma_wait3A_286] : memref<80x128xi32, #tpu.memory_space<vmem>> -> memref<1x128xi32, #tpu.memory_space<vmem>>
      %dma_wait3A_288 = tpu.memref_squeeze %dma_wait3A_287 : memref<1x128xi32, #tpu.memory_space<vmem>> -> memref<128xi32, #tpu.memory_space<vmem>>
      %dma_wait3A_289 = arith.constant 0 : i32
      %dma_wait3A_290 = arith.constant 0 : i32
      %dma_wait3A_291 = tpu.memref_slice %arg2[%dma_wait3A_289, %dma_wait3A_290] : memref<10000x64xf32, #tpu.memory_space<hbm>> -> memref<10000x64xf32, #tpu.memory_space<hbm>>
      tpu.wait_indirect_dma semaphore(%arg19 : memref<!tpu.dma_semaphore, #tpu.memory_space<semaphore_mem>>) src(%dma_wait3A_291 : memref<10000x64xf32, #tpu.memory_space<hbm>>) dst(%arg10 : memref<128x64xf32, #tpu.memory_space<vmem>>)
      %dma_start3A_292 = arith.constant 0 : i32
      %dma_start3A_293 = tpu.memref_slice %arg8[%add3A_285, %dma_start3A_292] : memref<80x128xi32, #tpu.memory_space<vmem>> -> memref<1x128xi32, #tpu.memory_space<vmem>>
      %dma_start3A_294 = tpu.memref_squeeze %dma_start3A_293 : memref<1x128xi32, #tpu.memory_space<vmem>> -> memref<128xi32, #tpu.memory_space<vmem>>
      %dma_start3A_295 = arith.constant 0 : i32
      %dma_start3A_296 = arith.constant 0 : i32
      %dma_start3A_297 = tpu.memref_slice %arg17[%dma_start3A_295, %dma_start3A_296] : memref<10240x64xf32, #tpu.memory_space<vmem_shared>> -> memref<10240x64xf32, #tpu.memory_space<vmem_shared>>
      tpu.enqueue_indirect_dma source(%arg10 : memref<128x64xf32, #tpu.memory_space<vmem>>) target(%dma_start3A_297 : memref<10240x64xf32, #tpu.memory_space<vmem_shared>>) offsets(%dma_start3A_294 : memref<128xi32, #tpu.memory_space<vmem>>) semaphore(%arg27 : memref<!tpu.dma_semaphore, #tpu.memory_space<semaphore_mem>>) {add = true}
      %mul3A_298 = arith.constant 8 : i32
      %mul3A_299 = arith.muli %while3A_138, %mul3A_298 : i32
      %add3A_300 = arith.addi %sub3A, %mul3A_299 : i32
      %add3A_301 = arith.constant 2 : i32
      %add3A_302 = arith.addi %add3A_300, %add3A_301 : i32
      %dma_wait3A_303 = arith.constant 0 : i32
      %dma_wait3A_304 = tpu.memref_slice %arg7[%add3A_172, %dma_wait3A_303] : memref<80x128xi32, #tpu.memory_space<vmem>> -> memref<1x128xi32, #tpu.memory_space<vmem>>
      %dma_wait3A_305 = tpu.memref_squeeze %dma_wait3A_304 : memref<1x128xi32, #tpu.memory_space<vmem>> -> memref<128xi32, #tpu.memory_space<vmem>>
      %dma_wait3A_306 = arith.constant 0 : i32
      %dma_wait3A_307 = arith.constant 0 : i32
      %dma_wait3A_308 = tpu.memref_slice %arg2[%dma_wait3A_306, %dma_wait3A_307] : memref<10000x64xf32, #tpu.memory_space<hbm>> -> memref<10000x64xf32, #tpu.memory_space<hbm>>
      tpu.wait_indirect_dma semaphore(%arg20 : memref<!tpu.dma_semaphore, #tpu.memory_space<semaphore_mem>>) src(%dma_wait3A_308 : memref<10000x64xf32, #tpu.memory_space<hbm>>) dst(%arg11 : memref<128x64xf32, #tpu.memory_space<vmem>>)
      %dma_start3A_309 = arith.constant 0 : i32
      %dma_start3A_310 = tpu.memref_slice %arg8[%add3A_302, %dma_start3A_309] : memref<80x128xi32, #tpu.memory_space<vmem>> -> memref<1x128xi32, #tpu.memory_space<vmem>>
      %dma_start3A_311 = tpu.memref_squeeze %dma_start3A_310 : memref<1x128xi32, #tpu.memory_space<vmem>> -> memref<128xi32, #tpu.memory_space<vmem>>
      %dma_start3A_312 = arith.constant 0 : i32
      %dma_start3A_313 = arith.constant 0 : i32
      %dma_start3A_314 = tpu.memref_slice %arg17[%dma_start3A_312, %dma_start3A_313] : memref<10240x64xf32, #tpu.memory_space<vmem_shared>> -> memref<10240x64xf32, #tpu.memory_space<vmem_shared>>
      tpu.enqueue_indirect_dma source(%arg11 : memref<128x64xf32, #tpu.memory_space<vmem>>) target(%dma_start3A_314 : memref<10240x64xf32, #tpu.memory_space<vmem_shared>>) offsets(%dma_start3A_311 : memref<128xi32, #tpu.memory_space<vmem>>) semaphore(%arg28 : memref<!tpu.dma_semaphore, #tpu.memory_space<semaphore_mem>>) {add = true}
      %mul3A_315 = arith.constant 8 : i32
      %mul3A_316 = arith.muli %while3A_138, %mul3A_315 : i32
      %add3A_317 = arith.addi %sub3A, %mul3A_316 : i32
      %add3A_318 = arith.constant 3 : i32
      %add3A_319 = arith.addi %add3A_317, %add3A_318 : i32
      %dma_wait3A_320 = arith.constant 0 : i32
      %dma_wait3A_321 = tpu.memref_slice %arg7[%add3A_188, %dma_wait3A_320] : memref<80x128xi32, #tpu.memory_space<vmem>> -> memref<1x128xi32, #tpu.memory_space<vmem>>
      %dma_wait3A_322 = tpu.memref_squeeze %dma_wait3A_321 : memref<1x128xi32, #tpu.memory_space<vmem>> -> memref<128xi32, #tpu.memory_space<vmem>>
      %dma_wait3A_323 = arith.constant 0 : i32
      %dma_wait3A_324 = arith.constant 0 : i32
      %dma_wait3A_325 = tpu.memref_slice %arg2[%dma_wait3A_323, %dma_wait3A_324] : memref<10000x64xf32, #tpu.memory_space<hbm>> -> memref<10000x64xf32, #tpu.memory_space<hbm>>
      tpu.wait_indirect_dma semaphore(%arg21 : memref<!tpu.dma_semaphore, #tpu.memory_space<semaphore_mem>>) src(%dma_wait3A_325 : memref<10000x64xf32, #tpu.memory_space<hbm>>) dst(%arg12 : memref<128x64xf32, #tpu.memory_space<vmem>>)
      %dma_start3A_326 = arith.constant 0 : i32
      %dma_start3A_327 = tpu.memref_slice %arg8[%add3A_319, %dma_start3A_326] : memref<80x128xi32, #tpu.memory_space<vmem>> -> memref<1x128xi32, #tpu.memory_space<vmem>>
      %dma_start3A_328 = tpu.memref_squeeze %dma_start3A_327 : memref<1x128xi32, #tpu.memory_space<vmem>> -> memref<128xi32, #tpu.memory_space<vmem>>
      %dma_start3A_329 = arith.constant 0 : i32
      %dma_start3A_330 = arith.constant 0 : i32
      %dma_start3A_331 = tpu.memref_slice %arg17[%dma_start3A_329, %dma_start3A_330] : memref<10240x64xf32, #tpu.memory_space<vmem_shared>> -> memref<10240x64xf32, #tpu.memory_space<vmem_shared>>
      tpu.enqueue_indirect_dma source(%arg12 : memref<128x64xf32, #tpu.memory_space<vmem>>) target(%dma_start3A_331 : memref<10240x64xf32, #tpu.memory_space<vmem_shared>>) offsets(%dma_start3A_328 : memref<128xi32, #tpu.memory_space<vmem>>) semaphore(%arg29 : memref<!tpu.dma_semaphore, #tpu.memory_space<semaphore_mem>>) {add = true}
      %mul3A_332 = arith.constant 8 : i32
      %mul3A_333 = arith.muli %while3A_138, %mul3A_332 : i32
      %add3A_334 = arith.addi %sub3A, %mul3A_333 : i32
      %add3A_335 = arith.constant 4 : i32
      %add3A_336 = arith.addi %add3A_334, %add3A_335 : i32
      %dma_wait3A_337 = arith.constant 0 : i32
      %dma_wait3A_338 = tpu.memref_slice %arg7[%add3A_204, %dma_wait3A_337] : memref<80x128xi32, #tpu.memory_space<vmem>> -> memref<1x128xi32, #tpu.memory_space<vmem>>
      %dma_wait3A_339 = tpu.memref_squeeze %dma_wait3A_338 : memref<1x128xi32, #tpu.memory_space<vmem>> -> memref<128xi32, #tpu.memory_space<vmem>>
      %dma_wait3A_340 = arith.constant 0 : i32
      %dma_wait3A_341 = arith.constant 0 : i32
      %dma_wait3A_342 = tpu.memref_slice %arg2[%dma_wait3A_340, %dma_wait3A_341] : memref<10000x64xf32, #tpu.memory_space<hbm>> -> memref<10000x64xf32, #tpu.memory_space<hbm>>
      tpu.wait_indirect_dma semaphore(%arg22 : memref<!tpu.dma_semaphore, #tpu.memory_space<semaphore_mem>>) src(%dma_wait3A_342 : memref<10000x64xf32, #tpu.memory_space<hbm>>) dst(%arg13 : memref<128x64xf32, #tpu.memory_space<vmem>>)
      %dma_start3A_343 = arith.constant 0 : i32
      %dma_start3A_344 = tpu.memref_slice %arg8[%add3A_336, %dma_start3A_343] : memref<80x128xi32, #tpu.memory_space<vmem>> -> memref<1x128xi32, #tpu.memory_space<vmem>>
      %dma_start3A_345 = tpu.memref_squeeze %dma_start3A_344 : memref<1x128xi32, #tpu.memory_space<vmem>> -> memref<128xi32, #tpu.memory_space<vmem>>
      %dma_start3A_346 = arith.constant 0 : i32
      %dma_start3A_347 = arith.constant 0 : i32
      %dma_start3A_348 = tpu.memref_slice %arg17[%dma_start3A_346, %dma_start3A_347] : memref<10240x64xf32, #tpu.memory_space<vmem_shared>> -> memref<10240x64xf32, #tpu.memory_space<vmem_shared>>
      tpu.enqueue_indirect_dma source(%arg13 : memref<128x64xf32, #tpu.memory_space<vmem>>) target(%dma_start3A_348 : memref<10240x64xf32, #tpu.memory_space<vmem_shared>>) offsets(%dma_start3A_345 : memref<128xi32, #tpu.memory_space<vmem>>) semaphore(%arg30 : memref<!tpu.dma_semaphore, #tpu.memory_space<semaphore_mem>>) {add = true}
      %mul3A_349 = arith.constant 8 : i32
      %mul3A_350 = arith.muli %while3A_138, %mul3A_349 : i32
      %add3A_351 = arith.addi %sub3A, %mul3A_350 : i32
      %add3A_352 = arith.constant 5 : i32
      %add3A_353 = arith.addi %add3A_351, %add3A_352 : i32
      %dma_wait3A_354 = arith.constant 0 : i32
      %dma_wait3A_355 = tpu.memref_slice %arg7[%add3A_220, %dma_wait3A_354] : memref<80x128xi32, #tpu.memory_space<vmem>> -> memref<1x128xi32, #tpu.memory_space<vmem>>
      %dma_wait3A_356 = tpu.memref_squeeze %dma_wait3A_355 : memref<1x128xi32, #tpu.memory_space<vmem>> -> memref<128xi32, #tpu.memory_space<vmem>>
      %dma_wait3A_357 = arith.constant 0 : i32
      %dma_wait3A_358 = arith.constant 0 : i32
      %dma_wait3A_359 = tpu.memref_slice %arg2[%dma_wait3A_357, %dma_wait3A_358] : memref<10000x64xf32, #tpu.memory_space<hbm>> -> memref<10000x64xf32, #tpu.memory_space<hbm>>
      tpu.wait_indirect_dma semaphore(%arg23 : memref<!tpu.dma_semaphore, #tpu.memory_space<semaphore_mem>>) src(%dma_wait3A_359 : memref<10000x64xf32, #tpu.memory_space<hbm>>) dst(%arg14 : memref<128x64xf32, #tpu.memory_space<vmem>>)
      %dma_start3A_360 = arith.constant 0 : i32
      %dma_start3A_361 = tpu.memref_slice %arg8[%add3A_353, %dma_start3A_360] : memref<80x128xi32, #tpu.memory_space<vmem>> -> memref<1x128xi32, #tpu.memory_space<vmem>>
      %dma_start3A_362 = tpu.memref_squeeze %dma_start3A_361 : memref<1x128xi32, #tpu.memory_space<vmem>> -> memref<128xi32, #tpu.memory_space<vmem>>
      %dma_start3A_363 = arith.constant 0 : i32
      %dma_start3A_364 = arith.constant 0 : i32
      %dma_start3A_365 = tpu.memref_slice %arg17[%dma_start3A_363, %dma_start3A_364] : memref<10240x64xf32, #tpu.memory_space<vmem_shared>> -> memref<10240x64xf32, #tpu.memory_space<vmem_shared>>
      tpu.enqueue_indirect_dma source(%arg14 : memref<128x64xf32, #tpu.memory_space<vmem>>) target(%dma_start3A_365 : memref<10240x64xf32, #tpu.memory_space<vmem_shared>>) offsets(%dma_start3A_362 : memref<128xi32, #tpu.memory_space<vmem>>) semaphore(%arg31 : memref<!tpu.dma_semaphore, #tpu.memory_space<semaphore_mem>>) {add = true}
      %mul3A_366 = arith.constant 8 : i32
      %mul3A_367 = arith.muli %while3A_138, %mul3A_366 : i32
      %add3A_368 = arith.addi %sub3A, %mul3A_367 : i32
      %add3A_369 = arith.constant 6 : i32
      %add3A_370 = arith.addi %add3A_368, %add3A_369 : i32
      %dma_wait3A_371 = arith.constant 0 : i32
      %dma_wait3A_372 = tpu.memref_slice %arg7[%add3A_236, %dma_wait3A_371] : memref<80x128xi32, #tpu.memory_space<vmem>> -> memref<1x128xi32, #tpu.memory_space<vmem>>
      %dma_wait3A_373 = tpu.memref_squeeze %dma_wait3A_372 : memref<1x128xi32, #tpu.memory_space<vmem>> -> memref<128xi32, #tpu.memory_space<vmem>>
      %dma_wait3A_374 = arith.constant 0 : i32
      %dma_wait3A_375 = arith.constant 0 : i32
      %dma_wait3A_376 = tpu.memref_slice %arg2[%dma_wait3A_374, %dma_wait3A_375] : memref<10000x64xf32, #tpu.memory_space<hbm>> -> memref<10000x64xf32, #tpu.memory_space<hbm>>
      tpu.wait_indirect_dma semaphore(%arg24 : memref<!tpu.dma_semaphore, #tpu.memory_space<semaphore_mem>>) src(%dma_wait3A_376 : memref<10000x64xf32, #tpu.memory_space<hbm>>) dst(%arg15 : memref<128x64xf32, #tpu.memory_space<vmem>>)
      %dma_start3A_377 = arith.constant 0 : i32
      %dma_start3A_378 = tpu.memref_slice %arg8[%add3A_370, %dma_start3A_377] : memref<80x128xi32, #tpu.memory_space<vmem>> -> memref<1x128xi32, #tpu.memory_space<vmem>>
      %dma_start3A_379 = tpu.memref_squeeze %dma_start3A_378 : memref<1x128xi32, #tpu.memory_space<vmem>> -> memref<128xi32, #tpu.memory_space<vmem>>
      %dma_start3A_380 = arith.constant 0 : i32
      %dma_start3A_381 = arith.constant 0 : i32
      %dma_start3A_382 = tpu.memref_slice %arg17[%dma_start3A_380, %dma_start3A_381] : memref<10240x64xf32, #tpu.memory_space<vmem_shared>> -> memref<10240x64xf32, #tpu.memory_space<vmem_shared>>
      tpu.enqueue_indirect_dma source(%arg15 : memref<128x64xf32, #tpu.memory_space<vmem>>) target(%dma_start3A_382 : memref<10240x64xf32, #tpu.memory_space<vmem_shared>>) offsets(%dma_start3A_379 : memref<128xi32, #tpu.memory_space<vmem>>) semaphore(%arg32 : memref<!tpu.dma_semaphore, #tpu.memory_space<semaphore_mem>>) {add = true}
      %mul3A_383 = arith.constant 8 : i32
      %mul3A_384 = arith.muli %while3A_138, %mul3A_383 : i32
      %add3A_385 = arith.addi %sub3A, %mul3A_384 : i32
      %add3A_386 = arith.constant 7 : i32
      %add3A_387 = arith.addi %add3A_385, %add3A_386 : i32
      %dma_wait3A_388 = arith.constant 0 : i32
      %dma_wait3A_389 = tpu.memref_slice %arg7[%add3A_252, %dma_wait3A_388] : memref<80x128xi32, #tpu.memory_space<vmem>> -> memref<1x128xi32, #tpu.memory_space<vmem>>
      %dma_wait3A_390 = tpu.memref_squeeze %dma_wait3A_389 : memref<1x128xi32, #tpu.memory_space<vmem>> -> memref<128xi32, #tpu.memory_space<vmem>>
      %dma_wait3A_391 = arith.constant 0 : i32
      %dma_wait3A_392 = arith.constant 0 : i32
      %dma_wait3A_393 = tpu.memref_slice %arg2[%dma_wait3A_391, %dma_wait3A_392] : memref<10000x64xf32, #tpu.memory_space<hbm>> -> memref<10000x64xf32, #tpu.memory_space<hbm>>
      tpu.wait_indirect_dma semaphore(%arg25 : memref<!tpu.dma_semaphore, #tpu.memory_space<semaphore_mem>>) src(%dma_wait3A_393 : memref<10000x64xf32, #tpu.memory_space<hbm>>) dst(%arg16 : memref<128x64xf32, #tpu.memory_space<vmem>>)
      %dma_start3A_394 = arith.constant 0 : i32
      %dma_start3A_395 = tpu.memref_slice %arg8[%add3A_387, %dma_start3A_394] : memref<80x128xi32, #tpu.memory_space<vmem>> -> memref<1x128xi32, #tpu.memory_space<vmem>>
      %dma_start3A_396 = tpu.memref_squeeze %dma_start3A_395 : memref<1x128xi32, #tpu.memory_space<vmem>> -> memref<128xi32, #tpu.memory_space<vmem>>
      %dma_start3A_397 = arith.constant 0 : i32
      %dma_start3A_398 = arith.constant 0 : i32
      %dma_start3A_399 = tpu.memref_slice %arg17[%dma_start3A_397, %dma_start3A_398] : memref<10240x64xf32, #tpu.memory_space<vmem_shared>> -> memref<10240x64xf32, #tpu.memory_space<vmem_shared>>
      tpu.enqueue_indirect_dma source(%arg16 : memref<128x64xf32, #tpu.memory_space<vmem>>) target(%dma_start3A_399 : memref<10240x64xf32, #tpu.memory_space<vmem_shared>>) offsets(%dma_start3A_396 : memref<128xi32, #tpu.memory_space<vmem>>) semaphore(%arg33 : memref<!tpu.dma_semaphore, #tpu.memory_space<semaphore_mem>>) {add = true}
    }
    %while3A_63 = arith.constant 1 : i32
    scf.for %while3A_138 = %while3A_61 to %while3A_57 step %while3A_63  : i32 {
      %mul3A_139 = arith.constant 8 : i32
      %mul3A_140 = arith.muli %while3A_138, %mul3A_139 : i32
      %add3A_141 = arith.addi %sub3A, %mul3A_140 : i32
      %add3A_142 = arith.constant 0 : i32
      %add3A_143 = arith.addi %add3A_141, %add3A_142 : i32
      %gt3A = arith.constant 0 : i32
      %gt3A_144 = arith.cmpi sgt, %while3A_138, %gt3A : i32
      %convert_element_type3A = arith.extui %gt3A_144 : i1 to i32
      %cond3A = arith.constant 0 : i32
      %cond3A_145 = arith.cmpi ne, %convert_element_type3A, %cond3A : i32
      scf.if %cond3A_145 {
        %dma_wait3A_400 = arith.constant 0 : i32
        %dma_wait3A_401 = arith.constant 0 : i32
        %dma_wait3A_402 = tpu.memref_slice %arg8[%dma_wait3A_400, %dma_wait3A_401] : memref<80x128xi32, #tpu.memory_space<vmem>> -> memref<1x128xi32, #tpu.memory_space<vmem>>
        %dma_wait3A_403 = tpu.memref_squeeze %dma_wait3A_402 : memref<1x128xi32, #tpu.memory_space<vmem>> -> memref<128xi32, #tpu.memory_space<vmem>>
        %dma_wait3A_404 = arith.constant 0 : i32
        %dma_wait3A_405 = arith.constant 0 : i32
        %dma_wait3A_406 = tpu.memref_slice %arg17[%dma_wait3A_404, %dma_wait3A_405] : memref<10240x64xf32, #tpu.memory_space<vmem_shared>> -> memref<10240x64xf32, #tpu.memory_space<vmem_shared>>
        tpu.wait_indirect_dma semaphore(%arg26 : memref<!tpu.dma_semaphore, #tpu.memory_space<semaphore_mem>>) src(%arg9 : memref<128x64xf32, #tpu.memory_space<vmem>>) dst(%dma_wait3A_406 : memref<10240x64xf32, #tpu.memory_space<vmem_shared>>)
      } else {
      }
      %dma_start3A_146 = arith.constant 0 : i32
      %dma_start3A_147 = tpu.memref_slice %arg7[%add3A_143, %dma_start3A_146] : memref<80x128xi32, #tpu.memory_space<vmem>> -> memref<1x128xi32, #tpu.memory_space<vmem>>
      %dma_start3A_148 = tpu.memref_squeeze %dma_start3A_147 : memref<1x128xi32, #tpu.memory_space<vmem>> -> memref<128xi32, #tpu.memory_space<vmem>>
      %dma_start3A_149 = arith.constant 0 : i32
      %dma_start3A_150 = arith.constant 0 : i32
      %dma_start3A_151 = tpu.memref_slice %arg2[%dma_start3A_149, %dma_start3A_150] : memref<10000x64xf32, #tpu.memory_space<hbm>> -> memref<10000x64xf32, #tpu.memory_space<hbm>>
      tpu.enqueue_indirect_dma source(%dma_start3A_151 : memref<10000x64xf32, #tpu.memory_space<hbm>>) target(%arg9 : memref<128x64xf32, #tpu.memory_space<vmem>>) offsets(%dma_start3A_148 : memref<128xi32, #tpu.memory_space<vmem>>) semaphore(%arg18 : memref<!tpu.dma_semaphore, #tpu.memory_space<semaphore_mem>>)
      %mul3A_152 = arith.constant 8 : i32
      %mul3A_153 = arith.muli %while3A_138, %mul3A_152 : i32
      %add3A_154 = arith.addi %sub3A, %mul3A_153 : i32
      %add3A_155 = arith.constant 1 : i32
      %add3A_156 = arith.addi %add3A_154, %add3A_155 : i32
      %gt3A_157 = arith.constant 0 : i32
      %gt3A_158 = arith.cmpi sgt, %while3A_138, %gt3A_157 : i32
      %convert_element_type3A_159 = arith.extui %gt3A_158 : i1 to i32
      %cond3A_160 = arith.constant 0 : i32
      %cond3A_161 = arith.cmpi ne, %convert_element_type3A_159, %cond3A_160 : i32
      scf.if %cond3A_161 {
        %dma_wait3A_400 = arith.constant 0 : i32
        %dma_wait3A_401 = arith.constant 0 : i32
        %dma_wait3A_402 = tpu.memref_slice %arg8[%dma_wait3A_400, %dma_wait3A_401] : memref<80x128xi32, #tpu.memory_space<vmem>> -> memref<1x128xi32, #tpu.memory_space<vmem>>
        %dma_wait3A_403 = tpu.memref_squeeze %dma_wait3A_402 : memref<1x128xi32, #tpu.memory_space<vmem>> -> memref<128xi32, #tpu.memory_space<vmem>>
        %dma_wait3A_404 = arith.constant 0 : i32
        %dma_wait3A_405 = arith.constant 0 : i32
        %dma_wait3A_406 = tpu.memref_slice %arg17[%dma_wait3A_404, %dma_wait3A_405] : memref<10240x64xf32, #tpu.memory_space<vmem_shared>> -> memref<10240x64xf32, #tpu.memory_space<vmem_shared>>
        tpu.wait_indirect_dma semaphore(%arg27 : memref<!tpu.dma_semaphore, #tpu.memory_space<semaphore_mem>>) src(%arg10 : memref<128x64xf32, #tpu.memory_space<vmem>>) dst(%dma_wait3A_406 : memref<10240x64xf32, #tpu.memory_space<vmem_shared>>)
      } else {
      }
      %dma_start3A_162 = arith.constant 0 : i32
      %dma_start3A_163 = tpu.memref_slice %arg7[%add3A_156, %dma_start3A_162] : memref<80x128xi32, #tpu.memory_space<vmem>> -> memref<1x128xi32, #tpu.memory_space<vmem>>
      %dma_start3A_164 = tpu.memref_squeeze %dma_start3A_163 : memref<1x128xi32, #tpu.memory_space<vmem>> -> memref<128xi32, #tpu.memory_space<vmem>>
      %dma_start3A_165 = arith.constant 0 : i32
      %dma_start3A_166 = arith.constant 0 : i32
      %dma_start3A_167 = tpu.memref_slice %arg2[%dma_start3A_165, %dma_start3A_166] : memref<10000x64xf32, #tpu.memory_space<hbm>> -> memref<10000x64xf32, #tpu.memory_space<hbm>>
      tpu.enqueue_indirect_dma source(%dma_start3A_167 : memref<10000x64xf32, #tpu.memory_space<hbm>>) target(%arg10 : memref<128x64xf32, #tpu.memory_space<vmem>>) offsets(%dma_start3A_164 : memref<128xi32, #tpu.memory_space<vmem>>) semaphore(%arg19 : memref<!tpu.dma_semaphore, #tpu.memory_space<semaphore_mem>>)
      %mul3A_168 = arith.constant 8 : i32
      %mul3A_169 = arith.muli %while3A_138, %mul3A_168 : i32
      %add3A_170 = arith.addi %sub3A, %mul3A_169 : i32
      %add3A_171 = arith.constant 2 : i32
      %add3A_172 = arith.addi %add3A_170, %add3A_171 : i32
      %gt3A_173 = arith.constant 0 : i32
      %gt3A_174 = arith.cmpi sgt, %while3A_138, %gt3A_173 : i32
      %convert_element_type3A_175 = arith.extui %gt3A_174 : i1 to i32
      %cond3A_176 = arith.constant 0 : i32
      %cond3A_177 = arith.cmpi ne, %convert_element_type3A_175, %cond3A_176 : i32
      scf.if %cond3A_177 {
        %dma_wait3A_400 = arith.constant 0 : i32
        %dma_wait3A_401 = arith.constant 0 : i32
        %dma_wait3A_402 = tpu.memref_slice %arg8[%dma_wait3A_400, %dma_wait3A_401] : memref<80x128xi32, #tpu.memory_space<vmem>> -> memref<1x128xi32, #tpu.memory_space<vmem>>
        %dma_wait3A_403 = tpu.memref_squeeze %dma_wait3A_402 : memref<1x128xi32, #tpu.memory_space<vmem>> -> memref<128xi32, #tpu.memory_space<vmem>>
        %dma_wait3A_404 = arith.constant 0 : i32
        %dma_wait3A_405 = arith.constant 0 : i32
        %dma_wait3A_406 = tpu.memref_slice %arg17[%dma_wait3A_404, %dma_wait3A_405] : memref<10240x64xf32, #tpu.memory_space<vmem_shared>> -> memref<10240x64xf32, #tpu.memory_space<vmem_shared>>
        tpu.wait_indirect_dma semaphore(%arg28 : memref<!tpu.dma_semaphore, #tpu.memory_space<semaphore_mem>>) src(%arg11 : memref<128x64xf32, #tpu.memory_space<vmem>>) dst(%dma_wait3A_406 : memref<10240x64xf32, #tpu.memory_space<vmem_shared>>)
      } else {
      }
      %dma_start3A_178 = arith.constant 0 : i32
      %dma_start3A_179 = tpu.memref_slice %arg7[%add3A_172, %dma_start3A_178] : memref<80x128xi32, #tpu.memory_space<vmem>> -> memref<1x128xi32, #tpu.memory_space<vmem>>
      %dma_start3A_180 = tpu.memref_squeeze %dma_start3A_179 : memref<1x128xi32, #tpu.memory_space<vmem>> -> memref<128xi32, #tpu.memory_space<vmem>>
      %dma_start3A_181 = arith.constant 0 : i32
      %dma_start3A_182 = arith.constant 0 : i32
      %dma_start3A_183 = tpu.memref_slice %arg2[%dma_start3A_181, %dma_start3A_182] : memref<10000x64xf32, #tpu.memory_space<hbm>> -> memref<10000x64xf32, #tpu.memory_space<hbm>>
      tpu.enqueue_indirect_dma source(%dma_start3A_183 : memref<10000x64xf32, #tpu.memory_space<hbm>>) target(%arg11 : memref<128x64xf32, #tpu.memory_space<vmem>>) offsets(%dma_start3A_180 : memref<128xi32, #tpu.memory_space<vmem>>) semaphore(%arg20 : memref<!tpu.dma_semaphore, #tpu.memory_space<semaphore_mem>>)
      %mul3A_184 = arith.constant 8 : i32
      %mul3A_185 = arith.muli %while3A_138, %mul3A_184 : i32
      %add3A_186 = arith.addi %sub3A, %mul3A_185 : i32
      %add3A_187 = arith.constant 3 : i32
      %add3A_188 = arith.addi %add3A_186, %add3A_187 : i32
      %gt3A_189 = arith.constant 0 : i32
      %gt3A_190 = arith.cmpi sgt, %while3A_138, %gt3A_189 : i32
      %convert_element_type3A_191 = arith.extui %gt3A_190 : i1 to i32
      %cond3A_192 = arith.constant 0 : i32
      %cond3A_193 = arith.cmpi ne, %convert_element_type3A_191, %cond3A_192 : i32
      scf.if %cond3A_193 {
        %dma_wait3A_400 = arith.constant 0 : i32
        %dma_wait3A_401 = arith.constant 0 : i32
        %dma_wait3A_402 = tpu.memref_slice %arg8[%dma_wait3A_400, %dma_wait3A_401] : memref<80x128xi32, #tpu.memory_space<vmem>> -> memref<1x128xi32, #tpu.memory_space<vmem>>
        %dma_wait3A_403 = tpu.memref_squeeze %dma_wait3A_402 : memref<1x128xi32, #tpu.memory_space<vmem>> -> memref<128xi32, #tpu.memory_space<vmem>>
        %dma_wait3A_404 = arith.constant 0 : i32
        %dma_wait3A_405 = arith.constant 0 : i32
        %dma_wait3A_406 = tpu.memref_slice %arg17[%dma_wait3A_404, %dma_wait3A_405] : memref<10240x64xf32, #tpu.memory_space<vmem_shared>> -> memref<10240x64xf32, #tpu.memory_space<vmem_shared>>
        tpu.wait_indirect_dma semaphore(%arg29 : memref<!tpu.dma_semaphore, #tpu.memory_space<semaphore_mem>>) src(%arg12 : memref<128x64xf32, #tpu.memory_space<vmem>>) dst(%dma_wait3A_406 : memref<10240x64xf32, #tpu.memory_space<vmem_shared>>)
      } else {
      }
      %dma_start3A_194 = arith.constant 0 : i32
      %dma_start3A_195 = tpu.memref_slice %arg7[%add3A_188, %dma_start3A_194] : memref<80x128xi32, #tpu.memory_space<vmem>> -> memref<1x128xi32, #tpu.memory_space<vmem>>
      %dma_start3A_196 = tpu.memref_squeeze %dma_start3A_195 : memref<1x128xi32, #tpu.memory_space<vmem>> -> memref<128xi32, #tpu.memory_space<vmem>>
      %dma_start3A_197 = arith.constant 0 : i32
      %dma_start3A_198 = arith.constant 0 : i32
      %dma_start3A_199 = tpu.memref_slice %arg2[%dma_start3A_197, %dma_start3A_198] : memref<10000x64xf32, #tpu.memory_space<hbm>> -> memref<10000x64xf32, #tpu.memory_space<hbm>>
      tpu.enqueue_indirect_dma source(%dma_start3A_199 : memref<10000x64xf32, #tpu.memory_space<hbm>>) target(%arg12 : memref<128x64xf32, #tpu.memory_space<vmem>>) offsets(%dma_start3A_196 : memref<128xi32, #tpu.memory_space<vmem>>) semaphore(%arg21 : memref<!tpu.dma_semaphore, #tpu.memory_space<semaphore_mem>>)
      %mul3A_200 = arith.constant 8 : i32
      %mul3A_201 = arith.muli %while3A_138, %mul3A_200 : i32
      %add3A_202 = arith.addi %sub3A, %mul3A_201 : i32
      %add3A_203 = arith.constant 4 : i32
      %add3A_204 = arith.addi %add3A_202, %add3A_203 : i32
      %gt3A_205 = arith.constant 0 : i32
      %gt3A_206 = arith.cmpi sgt, %while3A_138, %gt3A_205 : i32
      %convert_element_type3A_207 = arith.extui %gt3A_206 : i1 to i32
      %cond3A_208 = arith.constant 0 : i32
      %cond3A_209 = arith.cmpi ne, %convert_element_type3A_207, %cond3A_208 : i32
      scf.if %cond3A_209 {
        %dma_wait3A_400 = arith.constant 0 : i32
        %dma_wait3A_401 = arith.constant 0 : i32
        %dma_wait3A_402 = tpu.memref_slice %arg8[%dma_wait3A_400, %dma_wait3A_401] : memref<80x128xi32, #tpu.memory_space<vmem>> -> memref<1x128xi32, #tpu.memory_space<vmem>>
        %dma_wait3A_403 = tpu.memref_squeeze %dma_wait3A_402 : memref<1x128xi32, #tpu.memory_space<vmem>> -> memref<128xi32, #tpu.memory_space<vmem>>
        %dma_wait3A_404 = arith.constant 0 : i32
        %dma_wait3A_405 = arith.constant 0 : i32
        %dma_wait3A_406 = tpu.memref_slice %arg17[%dma_wait3A_404, %dma_wait3A_405] : memref<10240x64xf32, #tpu.memory_space<vmem_shared>> -> memref<10240x64xf32, #tpu.memory_space<vmem_shared>>
        tpu.wait_indirect_dma semaphore(%arg30 : memref<!tpu.dma_semaphore, #tpu.memory_space<semaphore_mem>>) src(%arg13 : memref<128x64xf32, #tpu.memory_space<vmem>>) dst(%dma_wait3A_406 : memref<10240x64xf32, #tpu.memory_space<vmem_shared>>)
      } else {
      }
      %dma_start3A_210 = arith.constant 0 : i32
      %dma_start3A_211 = tpu.memref_slice %arg7[%add3A_204, %dma_start3A_210] : memref<80x128xi32, #tpu.memory_space<vmem>> -> memref<1x128xi32, #tpu.memory_space<vmem>>
      %dma_start3A_212 = tpu.memref_squeeze %dma_start3A_211 : memref<1x128xi32, #tpu.memory_space<vmem>> -> memref<128xi32, #tpu.memory_space<vmem>>
      %dma_start3A_213 = arith.constant 0 : i32
      %dma_start3A_214 = arith.constant 0 : i32
      %dma_start3A_215 = tpu.memref_slice %arg2[%dma_start3A_213, %dma_start3A_214] : memref<10000x64xf32, #tpu.memory_space<hbm>> -> memref<10000x64xf32, #tpu.memory_space<hbm>>
      tpu.enqueue_indirect_dma source(%dma_start3A_215 : memref<10000x64xf32, #tpu.memory_space<hbm>>) target(%arg13 : memref<128x64xf32, #tpu.memory_space<vmem>>) offsets(%dma_start3A_212 : memref<128xi32, #tpu.memory_space<vmem>>) semaphore(%arg22 : memref<!tpu.dma_semaphore, #tpu.memory_space<semaphore_mem>>)
      %mul3A_216 = arith.constant 8 : i32
      %mul3A_217 = arith.muli %while3A_138, %mul3A_216 : i32
      %add3A_218 = arith.addi %sub3A, %mul3A_217 : i32
      %add3A_219 = arith.constant 5 : i32
      %add3A_220 = arith.addi %add3A_218, %add3A_219 : i32
      %gt3A_221 = arith.constant 0 : i32
      %gt3A_222 = arith.cmpi sgt, %while3A_138, %gt3A_221 : i32
      %convert_element_type3A_223 = arith.extui %gt3A_222 : i1 to i32
      %cond3A_224 = arith.constant 0 : i32
      %cond3A_225 = arith.cmpi ne, %convert_element_type3A_223, %cond3A_224 : i32
      scf.if %cond3A_225 {
        %dma_wait3A_400 = arith.constant 0 : i32
        %dma_wait3A_401 = arith.constant 0 : i32
        %dma_wait3A_402 = tpu.memref_slice %arg8[%dma_wait3A_400, %dma_wait3A_401] : memref<80x128xi32, #tpu.memory_space<vmem>> -> memref<1x128xi32, #tpu.memory_space<vmem>>
        %dma_wait3A_403 = tpu.memref_squeeze %dma_wait3A_402 : memref<1x128xi32, #tpu.memory_space<vmem>> -> memref<128xi32, #tpu.memory_space<vmem>>
        %dma_wait3A_404 = arith.constant 0 : i32
        %dma_wait3A_405 = arith.constant 0 : i32
        %dma_wait3A_406 = tpu.memref_slice %arg17[%dma_wait3A_404, %dma_wait3A_405] : memref<10240x64xf32, #tpu.memory_space<vmem_shared>> -> memref<10240x64xf32, #tpu.memory_space<vmem_shared>>
        tpu.wait_indirect_dma semaphore(%arg31 : memref<!tpu.dma_semaphore, #tpu.memory_space<semaphore_mem>>) src(%arg14 : memref<128x64xf32, #tpu.memory_space<vmem>>) dst(%dma_wait3A_406 : memref<10240x64xf32, #tpu.memory_space<vmem_shared>>)
      } else {
      }
      %dma_start3A_226 = arith.constant 0 : i32
      %dma_start3A_227 = tpu.memref_slice %arg7[%add3A_220, %dma_start3A_226] : memref<80x128xi32, #tpu.memory_space<vmem>> -> memref<1x128xi32, #tpu.memory_space<vmem>>
      %dma_start3A_228 = tpu.memref_squeeze %dma_start3A_227 : memref<1x128xi32, #tpu.memory_space<vmem>> -> memref<128xi32, #tpu.memory_space<vmem>>
      %dma_start3A_229 = arith.constant 0 : i32
      %dma_start3A_230 = arith.constant 0 : i32
      %dma_start3A_231 = tpu.memref_slice %arg2[%dma_start3A_229, %dma_start3A_230] : memref<10000x64xf32, #tpu.memory_space<hbm>> -> memref<10000x64xf32, #tpu.memory_space<hbm>>
      tpu.enqueue_indirect_dma source(%dma_start3A_231 : memref<10000x64xf32, #tpu.memory_space<hbm>>) target(%arg14 : memref<128x64xf32, #tpu.memory_space<vmem>>) offsets(%dma_start3A_228 : memref<128xi32, #tpu.memory_space<vmem>>) semaphore(%arg23 : memref<!tpu.dma_semaphore, #tpu.memory_space<semaphore_mem>>)
      %mul3A_232 = arith.constant 8 : i32
      %mul3A_233 = arith.muli %while3A_138, %mul3A_232 : i32
      %add3A_234 = arith.addi %sub3A, %mul3A_233 : i32
      %add3A_235 = arith.constant 6 : i32
      %add3A_236 = arith.addi %add3A_234, %add3A_235 : i32
      %gt3A_237 = arith.constant 0 : i32
      %gt3A_238 = arith.cmpi sgt, %while3A_138, %gt3A_237 : i32
      %convert_element_type3A_239 = arith.extui %gt3A_238 : i1 to i32
      %cond3A_240 = arith.constant 0 : i32
      %cond3A_241 = arith.cmpi ne, %convert_element_type3A_239, %cond3A_240 : i32
      scf.if %cond3A_241 {
        %dma_wait3A_400 = arith.constant 0 : i32
        %dma_wait3A_401 = arith.constant 0 : i32
        %dma_wait3A_402 = tpu.memref_slice %arg8[%dma_wait3A_400, %dma_wait3A_401] : memref<80x128xi32, #tpu.memory_space<vmem>> -> memref<1x128xi32, #tpu.memory_space<vmem>>
        %dma_wait3A_403 = tpu.memref_squeeze %dma_wait3A_402 : memref<1x128xi32, #tpu.memory_space<vmem>> -> memref<128xi32, #tpu.memory_space<vmem>>
        %dma_wait3A_404 = arith.constant 0 : i32
        %dma_wait3A_405 = arith.constant 0 : i32
        %dma_wait3A_406 = tpu.memref_slice %arg17[%dma_wait3A_404, %dma_wait3A_405] : memref<10240x64xf32, #tpu.memory_space<vmem_shared>> -> memref<10240x64xf32, #tpu.memory_space<vmem_shared>>
        tpu.wait_indirect_dma semaphore(%arg32 : memref<!tpu.dma_semaphore, #tpu.memory_space<semaphore_mem>>) src(%arg15 : memref<128x64xf32, #tpu.memory_space<vmem>>) dst(%dma_wait3A_406 : memref<10240x64xf32, #tpu.memory_space<vmem_shared>>)
      } else {
      }
      %dma_start3A_242 = arith.constant 0 : i32
      %dma_start3A_243 = tpu.memref_slice %arg7[%add3A_236, %dma_start3A_242] : memref<80x128xi32, #tpu.memory_space<vmem>> -> memref<1x128xi32, #tpu.memory_space<vmem>>
      %dma_start3A_244 = tpu.memref_squeeze %dma_start3A_243 : memref<1x128xi32, #tpu.memory_space<vmem>> -> memref<128xi32, #tpu.memory_space<vmem>>
      %dma_start3A_245 = arith.constant 0 : i32
      %dma_start3A_246 = arith.constant 0 : i32
      %dma_start3A_247 = tpu.memref_slice %arg2[%dma_start3A_245, %dma_start3A_246] : memref<10000x64xf32, #tpu.memory_space<hbm>> -> memref<10000x64xf32, #tpu.memory_space<hbm>>
      tpu.enqueue_indirect_dma source(%dma_start3A_247 : memref<10000x64xf32, #tpu.memory_space<hbm>>) target(%arg15 : memref<128x64xf32, #tpu.memory_space<vmem>>) offsets(%dma_start3A_244 : memref<128xi32, #tpu.memory_space<vmem>>) semaphore(%arg24 : memref<!tpu.dma_semaphore, #tpu.memory_space<semaphore_mem>>)
      %mul3A_248 = arith.constant 8 : i32
      %mul3A_249 = arith.muli %while3A_138, %mul3A_248 : i32
      %add3A_250 = arith.addi %sub3A, %mul3A_249 : i32
      %add3A_251 = arith.constant 7 : i32
      %add3A_252 = arith.addi %add3A_250, %add3A_251 : i32
      %gt3A_253 = arith.constant 0 : i32
      %gt3A_254 = arith.cmpi sgt, %while3A_138, %gt3A_253 : i32
      %convert_element_type3A_255 = arith.extui %gt3A_254 : i1 to i32
      %cond3A_256 = arith.constant 0 : i32
      %cond3A_257 = arith.cmpi ne, %convert_element_type3A_255, %cond3A_256 : i32
      scf.if %cond3A_257 {
        %dma_wait3A_400 = arith.constant 0 : i32
        %dma_wait3A_401 = arith.constant 0 : i32
        %dma_wait3A_402 = tpu.memref_slice %arg8[%dma_wait3A_400, %dma_wait3A_401] : memref<80x128xi32, #tpu.memory_space<vmem>> -> memref<1x128xi32, #tpu.memory_space<vmem>>
        %dma_wait3A_403 = tpu.memref_squeeze %dma_wait3A_402 : memref<1x128xi32, #tpu.memory_space<vmem>> -> memref<128xi32, #tpu.memory_space<vmem>>
        %dma_wait3A_404 = arith.constant 0 : i32
        %dma_wait3A_405 = arith.constant 0 : i32
        %dma_wait3A_406 = tpu.memref_slice %arg17[%dma_wait3A_404, %dma_wait3A_405] : memref<10240x64xf32, #tpu.memory_space<vmem_shared>> -> memref<10240x64xf32, #tpu.memory_space<vmem_shared>>
        tpu.wait_indirect_dma semaphore(%arg33 : memref<!tpu.dma_semaphore, #tpu.memory_space<semaphore_mem>>) src(%arg16 : memref<128x64xf32, #tpu.memory_space<vmem>>) dst(%dma_wait3A_406 : memref<10240x64xf32, #tpu.memory_space<vmem_shared>>)
      } else {
      }
      %dma_start3A_258 = arith.constant 0 : i32
      %dma_start3A_259 = tpu.memref_slice %arg7[%add3A_252, %dma_start3A_258] : memref<80x128xi32, #tpu.memory_space<vmem>> -> memref<1x128xi32, #tpu.memory_space<vmem>>
      %dma_start3A_260 = tpu.memref_squeeze %dma_start3A_259 : memref<1x128xi32, #tpu.memory_space<vmem>> -> memref<128xi32, #tpu.memory_space<vmem>>
      %dma_start3A_261 = arith.constant 0 : i32
      %dma_start3A_262 = arith.constant 0 : i32
      %dma_start3A_263 = tpu.memref_slice %arg2[%dma_start3A_261, %dma_start3A_262] : memref<10000x64xf32, #tpu.memory_space<hbm>> -> memref<10000x64xf32, #tpu.memory_space<hbm>>
      tpu.enqueue_indirect_dma source(%dma_start3A_263 : memref<10000x64xf32, #tpu.memory_space<hbm>>) target(%arg16 : memref<128x64xf32, #tpu.memory_space<vmem>>) offsets(%dma_start3A_260 : memref<128xi32, #tpu.memory_space<vmem>>) semaphore(%arg25 : memref<!tpu.dma_semaphore, #tpu.memory_space<semaphore_mem>>)
      %mul3A_264 = arith.constant 8 : i32
      %mul3A_265 = arith.muli %while3A_138, %mul3A_264 : i32
      %add3A_266 = arith.addi %sub3A, %mul3A_265 : i32
      %add3A_267 = arith.constant 0 : i32
      %add3A_268 = arith.addi %add3A_266, %add3A_267 : i32
      %dma_wait3A_269 = arith.constant 0 : i32
      %dma_wait3A_270 = tpu.memref_slice %arg7[%add3A_143, %dma_wait3A_269] : memref<80x128xi32, #tpu.memory_space<vmem>> -> memref<1x128xi32, #tpu.memory_space<vmem>>
      %dma_wait3A_271 = tpu.memref_squeeze %dma_wait3A_270 : memref<1x128xi32, #tpu.memory_space<vmem>> -> memref<128xi32, #tpu.memory_space<vmem>>
      %dma_wait3A_272 = arith.constant 0 : i32
      %dma_wait3A_273 = arith.constant 0 : i32
      %dma_wait3A_274 = tpu.memref_slice %arg2[%dma_wait3A_272, %dma_wait3A_273] : memref<10000x64xf32, #tpu.memory_space<hbm>> -> memref<10000x64xf32, #tpu.memory_space<hbm>>
      tpu.wait_indirect_dma semaphore(%arg18 : memref<!tpu.dma_semaphore, #tpu.memory_space<semaphore_mem>>) src(%dma_wait3A_274 : memref<10000x64xf32, #tpu.memory_space<hbm>>) dst(%arg9 : memref<128x64xf32, #tpu.memory_space<vmem>>)
      %dma_start3A_275 = arith.constant 0 : i32
      %dma_start3A_276 = tpu.memref_slice %arg8[%add3A_268, %dma_start3A_275] : memref<80x128xi32, #tpu.memory_space<vmem>> -> memref<1x128xi32, #tpu.memory_space<vmem>>
      %dma_start3A_277 = tpu.memref_squeeze %dma_start3A_276 : memref<1x128xi32, #tpu.memory_space<vmem>> -> memref<128xi32, #tpu.memory_space<vmem>>
      %dma_start3A_278 = arith.constant 0 : i32
      %dma_start3A_279 = arith.constant 0 : i32
      %dma_start3A_280 = tpu.memref_slice %arg17[%dma_start3A_278, %dma_start3A_279] : memref<10240x64xf32, #tpu.memory_space<vmem_shared>> -> memref<10240x64xf32, #tpu.memory_space<vmem_shared>>
      tpu.enqueue_indirect_dma source(%arg9 : memref<128x64xf32, #tpu.memory_space<vmem>>) target(%dma_start3A_280 : memref<10240x64xf32, #tpu.memory_space<vmem_shared>>) offsets(%dma_start3A_277 : memref<128xi32, #tpu.memory_space<vmem>>) semaphore(%arg26 : memref<!tpu.dma_semaphore, #tpu.memory_space<semaphore_mem>>) {add = true}
      %mul3A_281 = arith.constant 8 : i32
      %mul3A_282 = arith.muli %while3A_138, %mul3A_281 : i32
      %add3A_283 = arith.addi %sub3A, %mul3A_282 : i32
      %add3A_284 = arith.constant 1 : i32
      %add3A_285 = arith.addi %add3A_283, %add3A_284 : i32
      %dma_wait3A_286 = arith.constant 0 : i32
      %dma_wait3A_287 = tpu.memref_slice %arg7[%add3A_156, %dma_wait3A_286] : memref<80x128xi32, #tpu.memory_space<vmem>> -> memref<1x128xi32, #tpu.memory_space<vmem>>
      %dma_wait3A_288 = tpu.memref_squeeze %dma_wait3A_287 : memref<1x128xi32, #tpu.memory_space<vmem>> -> memref<128xi32, #tpu.memory_space<vmem>>
      %dma_wait3A_289 = arith.constant 0 : i32
      %dma_wait3A_290 = arith.constant 0 : i32
      %dma_wait3A_291 = tpu.memref_slice %arg2[%dma_wait3A_289, %dma_wait3A_290] : memref<10000x64xf32, #tpu.memory_space<hbm>> -> memref<10000x64xf32, #tpu.memory_space<hbm>>
      tpu.wait_indirect_dma semaphore(%arg19 : memref<!tpu.dma_semaphore, #tpu.memory_space<semaphore_mem>>) src(%dma_wait3A_291 : memref<10000x64xf32, #tpu.memory_space<hbm>>) dst(%arg10 : memref<128x64xf32, #tpu.memory_space<vmem>>)
      %dma_start3A_292 = arith.constant 0 : i32
      %dma_start3A_293 = tpu.memref_slice %arg8[%add3A_285, %dma_start3A_292] : memref<80x128xi32, #tpu.memory_space<vmem>> -> memref<1x128xi32, #tpu.memory_space<vmem>>
      %dma_start3A_294 = tpu.memref_squeeze %dma_start3A_293 : memref<1x128xi32, #tpu.memory_space<vmem>> -> memref<128xi32, #tpu.memory_space<vmem>>
      %dma_start3A_295 = arith.constant 0 : i32
      %dma_start3A_296 = arith.constant 0 : i32
      %dma_start3A_297 = tpu.memref_slice %arg17[%dma_start3A_295, %dma_start3A_296] : memref<10240x64xf32, #tpu.memory_space<vmem_shared>> -> memref<10240x64xf32, #tpu.memory_space<vmem_shared>>
      tpu.enqueue_indirect_dma source(%arg10 : memref<128x64xf32, #tpu.memory_space<vmem>>) target(%dma_start3A_297 : memref<10240x64xf32, #tpu.memory_space<vmem_shared>>) offsets(%dma_start3A_294 : memref<128xi32, #tpu.memory_space<vmem>>) semaphore(%arg27 : memref<!tpu.dma_semaphore, #tpu.memory_space<semaphore_mem>>) {add = true}
      %mul3A_298 = arith.constant 8 : i32
      %mul3A_299 = arith.muli %while3A_138, %mul3A_298 : i32
      %add3A_300 = arith.addi %sub3A, %mul3A_299 : i32
      %add3A_301 = arith.constant 2 : i32
      %add3A_302 = arith.addi %add3A_300, %add3A_301 : i32
      %dma_wait3A_303 = arith.constant 0 : i32
      %dma_wait3A_304 = tpu.memref_slice %arg7[%add3A_172, %dma_wait3A_303] : memref<80x128xi32, #tpu.memory_space<vmem>> -> memref<1x128xi32, #tpu.memory_space<vmem>>
      %dma_wait3A_305 = tpu.memref_squeeze %dma_wait3A_304 : memref<1x128xi32, #tpu.memory_space<vmem>> -> memref<128xi32, #tpu.memory_space<vmem>>
      %dma_wait3A_306 = arith.constant 0 : i32
      %dma_wait3A_307 = arith.constant 0 : i32
      %dma_wait3A_308 = tpu.memref_slice %arg2[%dma_wait3A_306, %dma_wait3A_307] : memref<10000x64xf32, #tpu.memory_space<hbm>> -> memref<10000x64xf32, #tpu.memory_space<hbm>>
      tpu.wait_indirect_dma semaphore(%arg20 : memref<!tpu.dma_semaphore, #tpu.memory_space<semaphore_mem>>) src(%dma_wait3A_308 : memref<10000x64xf32, #tpu.memory_space<hbm>>) dst(%arg11 : memref<128x64xf32, #tpu.memory_space<vmem>>)
      %dma_start3A_309 = arith.constant 0 : i32
      %dma_start3A_310 = tpu.memref_slice %arg8[%add3A_302, %dma_start3A_309] : memref<80x128xi32, #tpu.memory_space<vmem>> -> memref<1x128xi32, #tpu.memory_space<vmem>>
      %dma_start3A_311 = tpu.memref_squeeze %dma_start3A_310 : memref<1x128xi32, #tpu.memory_space<vmem>> -> memref<128xi32, #tpu.memory_space<vmem>>
      %dma_start3A_312 = arith.constant 0 : i32
      %dma_start3A_313 = arith.constant 0 : i32
      %dma_start3A_314 = tpu.memref_slice %arg17[%dma_start3A_312, %dma_start3A_313] : memref<10240x64xf32, #tpu.memory_space<vmem_shared>> -> memref<10240x64xf32, #tpu.memory_space<vmem_shared>>
      tpu.enqueue_indirect_dma source(%arg11 : memref<128x64xf32, #tpu.memory_space<vmem>>) target(%dma_start3A_314 : memref<10240x64xf32, #tpu.memory_space<vmem_shared>>) offsets(%dma_start3A_311 : memref<128xi32, #tpu.memory_space<vmem>>) semaphore(%arg28 : memref<!tpu.dma_semaphore, #tpu.memory_space<semaphore_mem>>) {add = true}
      %mul3A_315 = arith.constant 8 : i32
      %mul3A_316 = arith.muli %while3A_138, %mul3A_315 : i32
      %add3A_317 = arith.addi %sub3A, %mul3A_316 : i32
      %add3A_318 = arith.constant 3 : i32
      %add3A_319 = arith.addi %add3A_317, %add3A_318 : i32
      %dma_wait3A_320 = arith.constant 0 : i32
      %dma_wait3A_321 = tpu.memref_slice %arg7[%add3A_188, %dma_wait3A_320] : memref<80x128xi32, #tpu.memory_space<vmem>> -> memref<1x128xi32, #tpu.memory_space<vmem>>
      %dma_wait3A_322 = tpu.memref_squeeze %dma_wait3A_321 : memref<1x128xi32, #tpu.memory_space<vmem>> -> memref<128xi32, #tpu.memory_space<vmem>>
      %dma_wait3A_323 = arith.constant 0 : i32
      %dma_wait3A_324 = arith.constant 0 : i32
      %dma_wait3A_325 = tpu.memref_slice %arg2[%dma_wait3A_323, %dma_wait3A_324] : memref<10000x64xf32, #tpu.memory_space<hbm>> -> memref<10000x64xf32, #tpu.memory_space<hbm>>
      tpu.wait_indirect_dma semaphore(%arg21 : memref<!tpu.dma_semaphore, #tpu.memory_space<semaphore_mem>>) src(%dma_wait3A_325 : memref<10000x64xf32, #tpu.memory_space<hbm>>) dst(%arg12 : memref<128x64xf32, #tpu.memory_space<vmem>>)
      %dma_start3A_326 = arith.constant 0 : i32
      %dma_start3A_327 = tpu.memref_slice %arg8[%add3A_319, %dma_start3A_326] : memref<80x128xi32, #tpu.memory_space<vmem>> -> memref<1x128xi32, #tpu.memory_space<vmem>>
      %dma_start3A_328 = tpu.memref_squeeze %dma_start3A_327 : memref<1x128xi32, #tpu.memory_space<vmem>> -> memref<128xi32, #tpu.memory_space<vmem>>
      %dma_start3A_329 = arith.constant 0 : i32
      %dma_start3A_330 = arith.constant 0 : i32
      %dma_start3A_331 = tpu.memref_slice %arg17[%dma_start3A_329, %dma_start3A_330] : memref<10240x64xf32, #tpu.memory_space<vmem_shared>> -> memref<10240x64xf32, #tpu.memory_space<vmem_shared>>
      tpu.enqueue_indirect_dma source(%arg12 : memref<128x64xf32, #tpu.memory_space<vmem>>) target(%dma_start3A_331 : memref<10240x64xf32, #tpu.memory_space<vmem_shared>>) offsets(%dma_start3A_328 : memref<128xi32, #tpu.memory_space<vmem>>) semaphore(%arg29 : memref<!tpu.dma_semaphore, #tpu.memory_space<semaphore_mem>>) {add = true}
      %mul3A_332 = arith.constant 8 : i32
      %mul3A_333 = arith.muli %while3A_138, %mul3A_332 : i32
      %add3A_334 = arith.addi %sub3A, %mul3A_333 : i32
      %add3A_335 = arith.constant 4 : i32
      %add3A_336 = arith.addi %add3A_334, %add3A_335 : i32
      %dma_wait3A_337 = arith.constant 0 : i32
      %dma_wait3A_338 = tpu.memref_slice %arg7[%add3A_204, %dma_wait3A_337] : memref<80x128xi32, #tpu.memory_space<vmem>> -> memref<1x128xi32, #tpu.memory_space<vmem>>
      %dma_wait3A_339 = tpu.memref_squeeze %dma_wait3A_338 : memref<1x128xi32, #tpu.memory_space<vmem>> -> memref<128xi32, #tpu.memory_space<vmem>>
      %dma_wait3A_340 = arith.constant 0 : i32
      %dma_wait3A_341 = arith.constant 0 : i32
      %dma_wait3A_342 = tpu.memref_slice %arg2[%dma_wait3A_340, %dma_wait3A_341] : memref<10000x64xf32, #tpu.memory_space<hbm>> -> memref<10000x64xf32, #tpu.memory_space<hbm>>
      tpu.wait_indirect_dma semaphore(%arg22 : memref<!tpu.dma_semaphore, #tpu.memory_space<semaphore_mem>>) src(%dma_wait3A_342 : memref<10000x64xf32, #tpu.memory_space<hbm>>) dst(%arg13 : memref<128x64xf32, #tpu.memory_space<vmem>>)
      %dma_start3A_343 = arith.constant 0 : i32
      %dma_start3A_344 = tpu.memref_slice %arg8[%add3A_336, %dma_start3A_343] : memref<80x128xi32, #tpu.memory_space<vmem>> -> memref<1x128xi32, #tpu.memory_space<vmem>>
      %dma_start3A_345 = tpu.memref_squeeze %dma_start3A_344 : memref<1x128xi32, #tpu.memory_space<vmem>> -> memref<128xi32, #tpu.memory_space<vmem>>
      %dma_start3A_346 = arith.constant 0 : i32
      %dma_start3A_347 = arith.constant 0 : i32
      %dma_start3A_348 = tpu.memref_slice %arg17[%dma_start3A_346, %dma_start3A_347] : memref<10240x64xf32, #tpu.memory_space<vmem_shared>> -> memref<10240x64xf32, #tpu.memory_space<vmem_shared>>
      tpu.enqueue_indirect_dma source(%arg13 : memref<128x64xf32, #tpu.memory_space<vmem>>) target(%dma_start3A_348 : memref<10240x64xf32, #tpu.memory_space<vmem_shared>>) offsets(%dma_start3A_345 : memref<128xi32, #tpu.memory_space<vmem>>) semaphore(%arg30 : memref<!tpu.dma_semaphore, #tpu.memory_space<semaphore_mem>>) {add = true}
      %mul3A_349 = arith.constant 8 : i32
      %mul3A_350 = arith.muli %while3A_138, %mul3A_349 : i32
      %add3A_351 = arith.addi %sub3A, %mul3A_350 : i32
      %add3A_352 = arith.constant 5 : i32
      %add3A_353 = arith.addi %add3A_351, %add3A_352 : i32
      %dma_wait3A_354 = arith.constant 0 : i32
      %dma_wait3A_355 = tpu.memref_slice %arg7[%add3A_220, %dma_wait3A_354] : memref<80x128xi32, #tpu.memory_space<vmem>> -> memref<1x128xi32, #tpu.memory_space<vmem>>
      %dma_wait3A_356 = tpu.memref_squeeze %dma_wait3A_355 : memref<1x128xi32, #tpu.memory_space<vmem>> -> memref<128xi32, #tpu.memory_space<vmem>>
      %dma_wait3A_357 = arith.constant 0 : i32
      %dma_wait3A_358 = arith.constant 0 : i32
      %dma_wait3A_359 = tpu.memref_slice %arg2[%dma_wait3A_357, %dma_wait3A_358] : memref<10000x64xf32, #tpu.memory_space<hbm>> -> memref<10000x64xf32, #tpu.memory_space<hbm>>
      tpu.wait_indirect_dma semaphore(%arg23 : memref<!tpu.dma_semaphore, #tpu.memory_space<semaphore_mem>>) src(%dma_wait3A_359 : memref<10000x64xf32, #tpu.memory_space<hbm>>) dst(%arg14 : memref<128x64xf32, #tpu.memory_space<vmem>>)
      %dma_start3A_360 = arith.constant 0 : i32
      %dma_start3A_361 = tpu.memref_slice %arg8[%add3A_353, %dma_start3A_360] : memref<80x128xi32, #tpu.memory_space<vmem>> -> memref<1x128xi32, #tpu.memory_space<vmem>>
      %dma_start3A_362 = tpu.memref_squeeze %dma_start3A_361 : memref<1x128xi32, #tpu.memory_space<vmem>> -> memref<128xi32, #tpu.memory_space<vmem>>
      %dma_start3A_363 = arith.constant 0 : i32
      %dma_start3A_364 = arith.constant 0 : i32
      %dma_start3A_365 = tpu.memref_slice %arg17[%dma_start3A_363, %dma_start3A_364] : memref<10240x64xf32, #tpu.memory_space<vmem_shared>> -> memref<10240x64xf32, #tpu.memory_space<vmem_shared>>
      tpu.enqueue_indirect_dma source(%arg14 : memref<128x64xf32, #tpu.memory_space<vmem>>) target(%dma_start3A_365 : memref<10240x64xf32, #tpu.memory_space<vmem_shared>>) offsets(%dma_start3A_362 : memref<128xi32, #tpu.memory_space<vmem>>) semaphore(%arg31 : memref<!tpu.dma_semaphore, #tpu.memory_space<semaphore_mem>>) {add = true}
      %mul3A_366 = arith.constant 8 : i32
      %mul3A_367 = arith.muli %while3A_138, %mul3A_366 : i32
      %add3A_368 = arith.addi %sub3A, %mul3A_367 : i32
      %add3A_369 = arith.constant 6 : i32
      %add3A_370 = arith.addi %add3A_368, %add3A_369 : i32
      %dma_wait3A_371 = arith.constant 0 : i32
      %dma_wait3A_372 = tpu.memref_slice %arg7[%add3A_236, %dma_wait3A_371] : memref<80x128xi32, #tpu.memory_space<vmem>> -> memref<1x128xi32, #tpu.memory_space<vmem>>
      %dma_wait3A_373 = tpu.memref_squeeze %dma_wait3A_372 : memref<1x128xi32, #tpu.memory_space<vmem>> -> memref<128xi32, #tpu.memory_space<vmem>>
      %dma_wait3A_374 = arith.constant 0 : i32
      %dma_wait3A_375 = arith.constant 0 : i32
      %dma_wait3A_376 = tpu.memref_slice %arg2[%dma_wait3A_374, %dma_wait3A_375] : memref<10000x64xf32, #tpu.memory_space<hbm>> -> memref<10000x64xf32, #tpu.memory_space<hbm>>
      tpu.wait_indirect_dma semaphore(%arg24 : memref<!tpu.dma_semaphore, #tpu.memory_space<semaphore_mem>>) src(%dma_wait3A_376 : memref<10000x64xf32, #tpu.memory_space<hbm>>) dst(%arg15 : memref<128x64xf32, #tpu.memory_space<vmem>>)
      %dma_start3A_377 = arith.constant 0 : i32
      %dma_start3A_378 = tpu.memref_slice %arg8[%add3A_370, %dma_start3A_377] : memref<80x128xi32, #tpu.memory_space<vmem>> -> memref<1x128xi32, #tpu.memory_space<vmem>>
      %dma_start3A_379 = tpu.memref_squeeze %dma_start3A_378 : memref<1x128xi32, #tpu.memory_space<vmem>> -> memref<128xi32, #tpu.memory_space<vmem>>
      %dma_start3A_380 = arith.constant 0 : i32
      %dma_start3A_381 = arith.constant 0 : i32
      %dma_start3A_382 = tpu.memref_slice %arg17[%dma_start3A_380, %dma_start3A_381] : memref<10240x64xf32, #tpu.memory_space<vmem_shared>> -> memref<10240x64xf32, #tpu.memory_space<vmem_shared>>
      tpu.enqueue_indirect_dma source(%arg15 : memref<128x64xf32, #tpu.memory_space<vmem>>) target(%dma_start3A_382 : memref<10240x64xf32, #tpu.memory_space<vmem_shared>>) offsets(%dma_start3A_379 : memref<128xi32, #tpu.memory_space<vmem>>) semaphore(%arg32 : memref<!tpu.dma_semaphore, #tpu.memory_space<semaphore_mem>>) {add = true}
      %mul3A_383 = arith.constant 8 : i32
      %mul3A_384 = arith.muli %while3A_138, %mul3A_383 : i32
      %add3A_385 = arith.addi %sub3A, %mul3A_384 : i32
      %add3A_386 = arith.constant 7 : i32
      %add3A_387 = arith.addi %add3A_385, %add3A_386 : i32
      %dma_wait3A_388 = arith.constant 0 : i32
      %dma_wait3A_389 = tpu.memref_slice %arg7[%add3A_252, %dma_wait3A_388] : memref<80x128xi32, #tpu.memory_space<vmem>> -> memref<1x128xi32, #tpu.memory_space<vmem>>
      %dma_wait3A_390 = tpu.memref_squeeze %dma_wait3A_389 : memref<1x128xi32, #tpu.memory_space<vmem>> -> memref<128xi32, #tpu.memory_space<vmem>>
      %dma_wait3A_391 = arith.constant 0 : i32
      %dma_wait3A_392 = arith.constant 0 : i32
      %dma_wait3A_393 = tpu.memref_slice %arg2[%dma_wait3A_391, %dma_wait3A_392] : memref<10000x64xf32, #tpu.memory_space<hbm>> -> memref<10000x64xf32, #tpu.memory_space<hbm>>
      tpu.wait_indirect_dma semaphore(%arg25 : memref<!tpu.dma_semaphore, #tpu.memory_space<semaphore_mem>>) src(%dma_wait3A_393 : memref<10000x64xf32, #tpu.memory_space<hbm>>) dst(%arg16 : memref<128x64xf32, #tpu.memory_space<vmem>>)
      %dma_start3A_394 = arith.constant 0 : i32
      %dma_start3A_395 = tpu.memref_slice %arg8[%add3A_387, %dma_start3A_394] : memref<80x128xi32, #tpu.memory_space<vmem>> -> memref<1x128xi32, #tpu.memory_space<vmem>>
      %dma_start3A_396 = tpu.memref_squeeze %dma_start3A_395 : memref<1x128xi32, #tpu.memory_space<vmem>> -> memref<128xi32, #tpu.memory_space<vmem>>
      %dma_start3A_397 = arith.constant 0 : i32
      %dma_start3A_398 = arith.constant 0 : i32
      %dma_start3A_399 = tpu.memref_slice %arg17[%dma_start3A_397, %dma_start3A_398] : memref<10240x64xf32, #tpu.memory_space<vmem_shared>> -> memref<10240x64xf32, #tpu.memory_space<vmem_shared>>
      tpu.enqueue_indirect_dma source(%arg16 : memref<128x64xf32, #tpu.memory_space<vmem>>) target(%dma_start3A_399 : memref<10240x64xf32, #tpu.memory_space<vmem_shared>>) offsets(%dma_start3A_396 : memref<128xi32, #tpu.memory_space<vmem>>) semaphore(%arg33 : memref<!tpu.dma_semaphore, #tpu.memory_space<semaphore_mem>>) {add = true}
    }
    %dma_wait3A_64 = arith.constant 0 : i32
    %dma_wait3A_65 = arith.constant 0 : i32
    %dma_wait3A_66 = tpu.memref_slice %arg8[%dma_wait3A_64, %dma_wait3A_65] : memref<80x128xi32, #tpu.memory_space<vmem>> -> memref<1x128xi32, #tpu.memory_space<vmem>>
    %dma_wait3A_67 = tpu.memref_squeeze %dma_wait3A_66 : memref<1x128xi32, #tpu.memory_space<vmem>> -> memref<128xi32, #tpu.memory_space<vmem>>
    %dma_wait3A_68 = arith.constant 0 : i32
    %dma_wait3A_69 = arith.constant 0 : i32
    %dma_wait3A_70 = tpu.memref_slice %arg17[%dma_wait3A_68, %dma_wait3A_69] : memref<10240x64xf32, #tpu.memory_space<vmem_shared>> -> memref<10240x64xf32, #tpu.memory_space<vmem_shared>>
    tpu.wait_indirect_dma semaphore(%arg26 : memref<!tpu.dma_semaphore, #tpu.memory_space<semaphore_mem>>) src(%arg9 : memref<128x64xf32, #tpu.memory_space<vmem>>) dst(%dma_wait3A_70 : memref<10240x64xf32, #tpu.memory_space<vmem_shared>>)
    %dma_wait3A_71 = arith.constant 0 : i32
    %dma_wait3A_72 = arith.constant 0 : i32
    %dma_wait3A_73 = tpu.memref_slice %arg8[%dma_wait3A_71, %dma_wait3A_72] : memref<80x128xi32, #tpu.memory_space<vmem>> -> memref<1x128xi32, #tpu.memory_space<vmem>>
    %dma_wait3A_74 = tpu.memref_squeeze %dma_wait3A_73 : memref<1x128xi32, #tpu.memory_space<vmem>> -> memref<128xi32, #tpu.memory_space<vmem>>
    %dma_wait3A_75 = arith.constant 0 : i32
    %dma_wait3A_76 = arith.constant 0 : i32
    %dma_wait3A_77 = tpu.memref_slice %arg17[%dma_wait3A_75, %dma_wait3A_76] : memref<10240x64xf32, #tpu.memory_space<vmem_shared>> -> memref<10240x64xf32, #tpu.memory_space<vmem_shared>>
    tpu.wait_indirect_dma semaphore(%arg27 : memref<!tpu.dma_semaphore, #tpu.memory_space<semaphore_mem>>) src(%arg10 : memref<128x64xf32, #tpu.memory_space<vmem>>) dst(%dma_wait3A_77 : memref<10240x64xf32, #tpu.memory_space<vmem_shared>>)
    %dma_wait3A_78 = arith.constant 0 : i32
    %dma_wait3A_79 = arith.constant 0 : i32
    %dma_wait3A_80 = tpu.memref_slice %arg8[%dma_wait3A_78, %dma_wait3A_79] : memref<80x128xi32, #tpu.memory_space<vmem>> -> memref<1x128xi32, #tpu.memory_space<vmem>>
    %dma_wait3A_81 = tpu.memref_squeeze %dma_wait3A_80 : memref<1x128xi32, #tpu.memory_space<vmem>> -> memref<128xi32, #tpu.memory_space<vmem>>
    %dma_wait3A_82 = arith.constant 0 : i32
    %dma_wait3A_83 = arith.constant 0 : i32
    %dma_wait3A_84 = tpu.memref_slice %arg17[%dma_wait3A_82, %dma_wait3A_83] : memref<10240x64xf32, #tpu.memory_space<vmem_shared>> -> memref<10240x64xf32, #tpu.memory_space<vmem_shared>>
    tpu.wait_indirect_dma semaphore(%arg28 : memref<!tpu.dma_semaphore, #tpu.memory_space<semaphore_mem>>) src(%arg11 : memref<128x64xf32, #tpu.memory_space<vmem>>) dst(%dma_wait3A_84 : memref<10240x64xf32, #tpu.memory_space<vmem_shared>>)
    %dma_wait3A_85 = arith.constant 0 : i32
    %dma_wait3A_86 = arith.constant 0 : i32
    %dma_wait3A_87 = tpu.memref_slice %arg8[%dma_wait3A_85, %dma_wait3A_86] : memref<80x128xi32, #tpu.memory_space<vmem>> -> memref<1x128xi32, #tpu.memory_space<vmem>>
    %dma_wait3A_88 = tpu.memref_squeeze %dma_wait3A_87 : memref<1x128xi32, #tpu.memory_space<vmem>> -> memref<128xi32, #tpu.memory_space<vmem>>
    %dma_wait3A_89 = arith.constant 0 : i32
    %dma_wait3A_90 = arith.constant 0 : i32
    %dma_wait3A_91 = tpu.memref_slice %arg17[%dma_wait3A_89, %dma_wait3A_90] : memref<10240x64xf32, #tpu.memory_space<vmem_shared>> -> memref<10240x64xf32, #tpu.memory_space<vmem_shared>>
    tpu.wait_indirect_dma semaphore(%arg29 : memref<!tpu.dma_semaphore, #tpu.memory_space<semaphore_mem>>) src(%arg12 : memref<128x64xf32, #tpu.memory_space<vmem>>) dst(%dma_wait3A_91 : memref<10240x64xf32, #tpu.memory_space<vmem_shared>>)
    %dma_wait3A_92 = arith.constant 0 : i32
    %dma_wait3A_93 = arith.constant 0 : i32
    %dma_wait3A_94 = tpu.memref_slice %arg8[%dma_wait3A_92, %dma_wait3A_93] : memref<80x128xi32, #tpu.memory_space<vmem>> -> memref<1x128xi32, #tpu.memory_space<vmem>>
    %dma_wait3A_95 = tpu.memref_squeeze %dma_wait3A_94 : memref<1x128xi32, #tpu.memory_space<vmem>> -> memref<128xi32, #tpu.memory_space<vmem>>
    %dma_wait3A_96 = arith.constant 0 : i32
    %dma_wait3A_97 = arith.constant 0 : i32
    %dma_wait3A_98 = tpu.memref_slice %arg17[%dma_wait3A_96, %dma_wait3A_97] : memref<10240x64xf32, #tpu.memory_space<vmem_shared>> -> memref<10240x64xf32, #tpu.memory_space<vmem_shared>>
    tpu.wait_indirect_dma semaphore(%arg30 : memref<!tpu.dma_semaphore, #tpu.memory_space<semaphore_mem>>) src(%arg13 : memref<128x64xf32, #tpu.memory_space<vmem>>) dst(%dma_wait3A_98 : memref<10240x64xf32, #tpu.memory_space<vmem_shared>>)
    %dma_wait3A_99 = arith.constant 0 : i32
    %dma_wait3A_100 = arith.constant 0 : i32
    %dma_wait3A_101 = tpu.memref_slice %arg8[%dma_wait3A_99, %dma_wait3A_100] : memref<80x128xi32, #tpu.memory_space<vmem>> -> memref<1x128xi32, #tpu.memory_space<vmem>>
    %dma_wait3A_102 = tpu.memref_squeeze %dma_wait3A_101 : memref<1x128xi32, #tpu.memory_space<vmem>> -> memref<128xi32, #tpu.memory_space<vmem>>
    %dma_wait3A_103 = arith.constant 0 : i32
    %dma_wait3A_104 = arith.constant 0 : i32
    %dma_wait3A_105 = tpu.memref_slice %arg17[%dma_wait3A_103, %dma_wait3A_104] : memref<10240x64xf32, #tpu.memory_space<vmem_shared>> -> memref<10240x64xf32, #tpu.memory_space<vmem_shared>>
    tpu.wait_indirect_dma semaphore(%arg31 : memref<!tpu.dma_semaphore, #tpu.memory_space<semaphore_mem>>) src(%arg14 : memref<128x64xf32, #tpu.memory_space<vmem>>) dst(%dma_wait3A_105 : memref<10240x64xf32, #tpu.memory_space<vmem_shared>>)
    %dma_wait3A_106 = arith.constant 0 : i32
    %dma_wait3A_107 = arith.constant 0 : i32
    %dma_wait3A_108 = tpu.memref_slice %arg8[%dma_wait3A_106, %dma_wait3A_107] : memref<80x128xi32, #tpu.memory_space<vmem>> -> memref<1x128xi32, #tpu.memory_space<vmem>>
    %dma_wait3A_109 = tpu.memref_squeeze %dma_wait3A_108 : memref<1x128xi32, #tpu.memory_space<vmem>> -> memref<128xi32, #tpu.memory_space<vmem>>
    %dma_wait3A_110 = arith.constant 0 : i32
    %dma_wait3A_111 = arith.constant 0 : i32
    %dma_wait3A_112 = tpu.memref_slice %arg17[%dma_wait3A_110, %dma_wait3A_111] : memref<10240x64xf32, #tpu.memory_space<vmem_shared>> -> memref<10240x64xf32, #tpu.memory_space<vmem_shared>>
    tpu.wait_indirect_dma semaphore(%arg32 : memref<!tpu.dma_semaphore, #tpu.memory_space<semaphore_mem>>) src(%arg15 : memref<128x64xf32, #tpu.memory_space<vmem>>) dst(%dma_wait3A_112 : memref<10240x64xf32, #tpu.memory_space<vmem_shared>>)
    %dma_wait3A_113 = arith.constant 0 : i32
    %dma_wait3A_114 = arith.constant 0 : i32
    %dma_wait3A_115 = tpu.memref_slice %arg8[%dma_wait3A_113, %dma_wait3A_114] : memref<80x128xi32, #tpu.memory_space<vmem>> -> memref<1x128xi32, #tpu.memory_space<vmem>>
    %dma_wait3A_116 = tpu.memref_squeeze %dma_wait3A_115 : memref<1x128xi32, #tpu.memory_space<vmem>> -> memref<128xi32, #tpu.memory_space<vmem>>
    %dma_wait3A_117 = arith.constant 0 : i32
    %dma_wait3A_118 = arith.constant 0 : i32
    %dma_wait3A_119 = tpu.memref_slice %arg17[%dma_wait3A_117, %dma_wait3A_118] : memref<10240x64xf32, #tpu.memory_space<vmem_shared>> -> memref<10240x64xf32, #tpu.memory_space<vmem_shared>>
    tpu.wait_indirect_dma semaphore(%arg33 : memref<!tpu.dma_semaphore, #tpu.memory_space<semaphore_mem>>) src(%arg16 : memref<128x64xf32, #tpu.memory_space<vmem>>) dst(%dma_wait3A_119 : memref<10240x64xf32, #tpu.memory_space<vmem_shared>>)
    %mul3A_120 = arith.constant 8 : i32
    %mul3A_121 = arith.muli %select_n3A, %mul3A_120 : i32
    %sub3A_122 = arith.subi %min3A_37, %mul3A_121 : i32
    %while3A_123 = arith.constant 0 : i32
    %while3A_124 = arith.constant 0 : i32
    %while3A_125 = arith.subi %sub3A_122, %while3A_124 : i32
    %while3A_126 = arith.addi %while3A_124, %while3A_125 : i32
    %while3A_127 = arith.constant 1 : i32
    %while3A_128 = arith.divsi %while3A_125, %while3A_127 : i32
    %while3A_129 = arith.muli %while3A_128, %while3A_127 : i32
    %while3A_130 = arith.addi %while3A_124, %while3A_129 : i32
    %while3A_131 = arith.constant 1 : i32
    scf.for %while3A_138 = %while3A_124 to %while3A_130 step %while3A_131  : i32 {
      %mul3A_139 = arith.constant 8 : i32
      %mul3A_140 = arith.muli %select_n3A, %mul3A_139 : i32
      %add3A_141 = arith.addi %sub3A, %mul3A_140 : i32
      %add3A_142 = arith.addi %add3A_141, %while3A_138 : i32
      %dma_start3A_143 = arith.constant 0 : i32
      %dma_start3A_144 = tpu.memref_slice %arg7[%add3A_142, %dma_start3A_143] : memref<80x128xi32, #tpu.memory_space<vmem>> -> memref<1x128xi32, #tpu.memory_space<vmem>>
      %dma_start3A_145 = tpu.memref_squeeze %dma_start3A_144 : memref<1x128xi32, #tpu.memory_space<vmem>> -> memref<128xi32, #tpu.memory_space<vmem>>
      %dma_start3A_146 = arith.constant 0 : i32
      %dma_start3A_147 = arith.constant 0 : i32
      %dma_start3A_148 = tpu.memref_slice %arg2[%dma_start3A_146, %dma_start3A_147] : memref<10000x64xf32, #tpu.memory_space<hbm>> -> memref<10000x64xf32, #tpu.memory_space<hbm>>
      tpu.enqueue_indirect_dma source(%dma_start3A_148 : memref<10000x64xf32, #tpu.memory_space<hbm>>) target(%arg9 : memref<128x64xf32, #tpu.memory_space<vmem>>) offsets(%dma_start3A_145 : memref<128xi32, #tpu.memory_space<vmem>>) semaphore(%arg18 : memref<!tpu.dma_semaphore, #tpu.memory_space<semaphore_mem>>)
      %dma_wait3A_149 = arith.constant 0 : i32
      %dma_wait3A_150 = tpu.memref_slice %arg7[%add3A_142, %dma_wait3A_149] : memref<80x128xi32, #tpu.memory_space<vmem>> -> memref<1x128xi32, #tpu.memory_space<vmem>>
      %dma_wait3A_151 = tpu.memref_squeeze %dma_wait3A_150 : memref<1x128xi32, #tpu.memory_space<vmem>> -> memref<128xi32, #tpu.memory_space<vmem>>
      %dma_wait3A_152 = arith.constant 0 : i32
      %dma_wait3A_153 = arith.constant 0 : i32
      %dma_wait3A_154 = tpu.memref_slice %arg2[%dma_wait3A_152, %dma_wait3A_153] : memref<10000x64xf32, #tpu.memory_space<hbm>> -> memref<10000x64xf32, #tpu.memory_space<hbm>>
      tpu.wait_indirect_dma semaphore(%arg18 : memref<!tpu.dma_semaphore, #tpu.memory_space<semaphore_mem>>) src(%dma_wait3A_154 : memref<10000x64xf32, #tpu.memory_space<hbm>>) dst(%arg9 : memref<128x64xf32, #tpu.memory_space<vmem>>)
      %dma_start3A_155 = arith.constant 0 : i32
      %dma_start3A_156 = tpu.memref_slice %arg8[%add3A_142, %dma_start3A_155] : memref<80x128xi32, #tpu.memory_space<vmem>> -> memref<1x128xi32, #tpu.memory_space<vmem>>
      %dma_start3A_157 = tpu.memref_squeeze %dma_start3A_156 : memref<1x128xi32, #tpu.memory_space<vmem>> -> memref<128xi32, #tpu.memory_space<vmem>>
      %dma_start3A_158 = arith.constant 0 : i32
      %dma_start3A_159 = arith.constant 0 : i32
      %dma_start3A_160 = tpu.memref_slice %arg17[%dma_start3A_158, %dma_start3A_159] : memref<10240x64xf32, #tpu.memory_space<vmem_shared>> -> memref<10240x64xf32, #tpu.memory_space<vmem_shared>>
      tpu.enqueue_indirect_dma source(%arg9 : memref<128x64xf32, #tpu.memory_space<vmem>>) target(%dma_start3A_160 : memref<10240x64xf32, #tpu.memory_space<vmem_shared>>) offsets(%dma_start3A_157 : memref<128xi32, #tpu.memory_space<vmem>>) semaphore(%arg26 : memref<!tpu.dma_semaphore, #tpu.memory_space<semaphore_mem>>) {add = true}
      %dma_wait3A_161 = arith.constant 0 : i32
      %dma_wait3A_162 = arith.constant 0 : i32
      %dma_wait3A_163 = tpu.memref_slice %arg8[%dma_wait3A_161, %dma_wait3A_162] : memref<80x128xi32, #tpu.memory_space<vmem>> -> memref<1x128xi32, #tpu.memory_space<vmem>>
      %dma_wait3A_164 = tpu.memref_squeeze %dma_wait3A_163 : memref<1x128xi32, #tpu.memory_space<vmem>> -> memref<128xi32, #tpu.memory_space<vmem>>
      %dma_wait3A_165 = arith.constant 0 : i32
      %dma_wait3A_166 = arith.constant 0 : i32
      %dma_wait3A_167 = tpu.memref_slice %arg17[%dma_wait3A_165, %dma_wait3A_166] : memref<10240x64xf32, #tpu.memory_space<vmem_shared>> -> memref<10240x64xf32, #tpu.memory_space<vmem_shared>>
      tpu.wait_indirect_dma semaphore(%arg26 : memref<!tpu.dma_semaphore, #tpu.memory_space<semaphore_mem>>) src(%arg9 : memref<128x64xf32, #tpu.memory_space<vmem>>) dst(%dma_wait3A_167 : memref<10240x64xf32, #tpu.memory_space<vmem_shared>>)
    }
    %while3A_132 = arith.constant 1 : i32
    scf.for %while3A_138 = %while3A_130 to %while3A_126 step %while3A_132  : i32 {
      %mul3A_139 = arith.constant 8 : i32
      %mul3A_140 = arith.muli %select_n3A, %mul3A_139 : i32
      %add3A_141 = arith.addi %sub3A, %mul3A_140 : i32
      %add3A_142 = arith.addi %add3A_141, %while3A_138 : i32
      %dma_start3A_143 = arith.constant 0 : i32
      %dma_start3A_144 = tpu.memref_slice %arg7[%add3A_142, %dma_start3A_143] : memref<80x128xi32, #tpu.memory_space<vmem>> -> memref<1x128xi32, #tpu.memory_space<vmem>>
      %dma_start3A_145 = tpu.memref_squeeze %dma_start3A_144 : memref<1x128xi32, #tpu.memory_space<vmem>> -> memref<128xi32, #tpu.memory_space<vmem>>
      %dma_start3A_146 = arith.constant 0 : i32
      %dma_start3A_147 = arith.constant 0 : i32
      %dma_start3A_148 = tpu.memref_slice %arg2[%dma_start3A_146, %dma_start3A_147] : memref<10000x64xf32, #tpu.memory_space<hbm>> -> memref<10000x64xf32, #tpu.memory_space<hbm>>
      tpu.enqueue_indirect_dma source(%dma_start3A_148 : memref<10000x64xf32, #tpu.memory_space<hbm>>) target(%arg9 : memref<128x64xf32, #tpu.memory_space<vmem>>) offsets(%dma_start3A_145 : memref<128xi32, #tpu.memory_space<vmem>>) semaphore(%arg18 : memref<!tpu.dma_semaphore, #tpu.memory_space<semaphore_mem>>)
      %dma_wait3A_149 = arith.constant 0 : i32
      %dma_wait3A_150 = tpu.memref_slice %arg7[%add3A_142, %dma_wait3A_149] : memref<80x128xi32, #tpu.memory_space<vmem>> -> memref<1x128xi32, #tpu.memory_space<vmem>>
      %dma_wait3A_151 = tpu.memref_squeeze %dma_wait3A_150 : memref<1x128xi32, #tpu.memory_space<vmem>> -> memref<128xi32, #tpu.memory_space<vmem>>
      %dma_wait3A_152 = arith.constant 0 : i32
      %dma_wait3A_153 = arith.constant 0 : i32
      %dma_wait3A_154 = tpu.memref_slice %arg2[%dma_wait3A_152, %dma_wait3A_153] : memref<10000x64xf32, #tpu.memory_space<hbm>> -> memref<10000x64xf32, #tpu.memory_space<hbm>>
      tpu.wait_indirect_dma semaphore(%arg18 : memref<!tpu.dma_semaphore, #tpu.memory_space<semaphore_mem>>) src(%dma_wait3A_154 : memref<10000x64xf32, #tpu.memory_space<hbm>>) dst(%arg9 : memref<128x64xf32, #tpu.memory_space<vmem>>)
      %dma_start3A_155 = arith.constant 0 : i32
      %dma_start3A_156 = tpu.memref_slice %arg8[%add3A_142, %dma_start3A_155] : memref<80x128xi32, #tpu.memory_space<vmem>> -> memref<1x128xi32, #tpu.memory_space<vmem>>
      %dma_start3A_157 = tpu.memref_squeeze %dma_start3A_156 : memref<1x128xi32, #tpu.memory_space<vmem>> -> memref<128xi32, #tpu.memory_space<vmem>>
      %dma_start3A_158 = arith.constant 0 : i32
      %dma_start3A_159 = arith.constant 0 : i32
      %dma_start3A_160 = tpu.memref_slice %arg17[%dma_start3A_158, %dma_start3A_159] : memref<10240x64xf32, #tpu.memory_space<vmem_shared>> -> memref<10240x64xf32, #tpu.memory_space<vmem_shared>>
      tpu.enqueue_indirect_dma source(%arg9 : memref<128x64xf32, #tpu.memory_space<vmem>>) target(%dma_start3A_160 : memref<10240x64xf32, #tpu.memory_space<vmem_shared>>) offsets(%dma_start3A_157 : memref<128xi32, #tpu.memory_space<vmem>>) semaphore(%arg26 : memref<!tpu.dma_semaphore, #tpu.memory_space<semaphore_mem>>) {add = true}
      %dma_wait3A_161 = arith.constant 0 : i32
      %dma_wait3A_162 = arith.constant 0 : i32
      %dma_wait3A_163 = tpu.memref_slice %arg8[%dma_wait3A_161, %dma_wait3A_162] : memref<80x128xi32, #tpu.memory_space<vmem>> -> memref<1x128xi32, #tpu.memory_space<vmem>>
      %dma_wait3A_164 = tpu.memref_squeeze %dma_wait3A_163 : memref<1x128xi32, #tpu.memory_space<vmem>> -> memref<128xi32, #tpu.memory_space<vmem>>
      %dma_wait3A_165 = arith.constant 0 : i32
      %dma_wait3A_166 = arith.constant 0 : i32
      %dma_wait3A_167 = tpu.memref_slice %arg17[%dma_wait3A_165, %dma_wait3A_166] : memref<10240x64xf32, #tpu.memory_space<vmem_shared>> -> memref<10240x64xf32, #tpu.memory_space<vmem_shared>>
      tpu.wait_indirect_dma semaphore(%arg26 : memref<!tpu.dma_semaphore, #tpu.memory_space<semaphore_mem>>) src(%arg9 : memref<128x64xf32, #tpu.memory_space<vmem>>) dst(%dma_wait3A_167 : memref<10240x64xf32, #tpu.memory_space<vmem_shared>>)
    }
    %barrier3A_133 = arith.constant 0 : index
    tpu.barrier barrier_id(%barrier3A_133)
    %mul3A_134 = arith.constant 640 : i32
    %mul3A_135 = arith.muli %arg1, %mul3A_134 : i32
    %mul3A_136 = arith.constant 640 : i32
    %mul3A_137 = arith.muli %arg1, %mul3A_136 : i32
    "tpu.region"() ({
      %run_scoped3A = tpu.sem_alloc : memref<!tpu.dma_semaphore, #tpu.memory_space<semaphore_mem>>
      %dma_start3A_138 = arith.constant 0 : i32
      %dma_start3A_139 = tpu.memref_slice %arg6[%arg0, %mul3A_137, %dma_start3A_138] : memref<2x10240x64xf32, #tpu.memory_space<hbm>> -> memref<1x640x64xf32, #tpu.memory_space<hbm>>
      %dma_start3A_140 = tpu.memref_squeeze %dma_start3A_139 : memref<1x640x64xf32, #tpu.memory_space<hbm>> -> memref<640x64xf32, #tpu.memory_space<hbm>>
      %dma_start3A_141 = arith.constant 0 : i32
      %dma_start3A_142 = tpu.memref_slice %arg17[%mul3A_135, %dma_start3A_141] : memref<10240x64xf32, #tpu.memory_space<vmem_shared>> -> memref<640x64xf32, #tpu.memory_space<vmem_shared>>
      tpu.enqueue_dma source(%dma_start3A_142 : memref<640x64xf32, #tpu.memory_space<vmem_shared>>) target(%dma_start3A_140 : memref<640x64xf32, #tpu.memory_space<hbm>>) target_semaphore(%run_scoped3A : memref<!tpu.dma_semaphore, #tpu.memory_space<semaphore_mem>>)
      %dma_wait3A_143 = arith.constant 0 : i32
      %dma_wait3A_144 = tpu.memref_slice %arg6[%arg0, %mul3A_137, %dma_wait3A_143] : memref<2x10240x64xf32, #tpu.memory_space<hbm>> -> memref<1x640x64xf32, #tpu.memory_space<hbm>>
      %dma_wait3A_145 = tpu.memref_squeeze %dma_wait3A_144 : memref<1x640x64xf32, #tpu.memory_space<hbm>> -> memref<640x64xf32, #tpu.memory_space<hbm>>
      %dma_wait3A_146 = arith.constant 0 : i32
      %dma_wait3A_147 = tpu.memref_slice %arg17[%mul3A_135, %dma_wait3A_146] : memref<10240x64xf32, #tpu.memory_space<vmem_shared>> -> memref<640x64xf32, #tpu.memory_space<vmem_shared>>
      tpu.wait_dma2 semaphore(%run_scoped3A : memref<!tpu.dma_semaphore, #tpu.memory_space<semaphore_mem>>) src(%dma_wait3A_147 : memref<640x64xf32, #tpu.memory_space<vmem_shared>>) dst(%dma_wait3A_145 : memref<640x64xf32, #tpu.memory_space<hbm>>)
      tpu.yield
    }) : () -> ()
    return
  }
}

#map = affine_map<(d0, d1) -> (0, 0)>
#map1 = affine_map<(d0, d1) -> (0, 0, 0)>
module attributes {stable_mosaic.version = 14 : i64} {
  func.func @agg_kernel(%arg0: i32, %arg1: i32, %arg2: memref<10000x64xf32, #tpu.memory_space<hbm>>, %arg3: memref<2500x128xi32, #tpu.memory_space<hbm>>, %arg4: memref<2500x128xi32, #tpu.memory_space<hbm>>, %arg5: memref<10240x64xf32, #tpu.memory_space<hbm>>, %arg6: memref<2x10240x64xf32, #tpu.memory_space<hbm>>, %arg7: memref<80x128xi32, #tpu.memory_space<vmem>>, %arg8: memref<80x128xi32, #tpu.memory_space<vmem>>, %arg9: memref<128x64xf32, #tpu.memory_space<vmem>>, %arg10: memref<128x64xf32, #tpu.memory_space<vmem>>, %arg11: memref<128x64xf32, #tpu.memory_space<vmem>>, %arg12: memref<128x64xf32, #tpu.memory_space<vmem>>, %arg13: memref<128x64xf32, #tpu.memory_space<vmem>>, %arg14: memref<128x64xf32, #tpu.memory_space<vmem>>, %arg15: memref<128x64xf32, #tpu.memory_space<vmem>>, %arg16: memref<128x64xf32, #tpu.memory_space<vmem>>, %arg17: memref<10240x64xf32, #tpu.memory_space<vmem_shared>>, %arg18: memref<!tpu.dma_semaphore, #tpu.memory_space<semaphore_mem>>, %arg19: memref<!tpu.dma_semaphore, #tpu.memory_space<semaphore_mem>>, %arg20: memref<!tpu.dma_semaphore, #tpu.memory_space<semaphore_mem>>, %arg21: memref<!tpu.dma_semaphore, #tpu.memory_space<semaphore_mem>>, %arg22: memref<!tpu.dma_semaphore, #tpu.memory_space<semaphore_mem>>, %arg23: memref<!tpu.dma_semaphore, #tpu.memory_space<semaphore_mem>>, %arg24: memref<!tpu.dma_semaphore, #tpu.memory_space<semaphore_mem>>, %arg25: memref<!tpu.dma_semaphore, #tpu.memory_space<semaphore_mem>>, %arg26: memref<!tpu.dma_semaphore, #tpu.memory_space<semaphore_mem>>, %arg27: memref<!tpu.dma_semaphore, #tpu.memory_space<semaphore_mem>>, %arg28: memref<!tpu.dma_semaphore, #tpu.memory_space<semaphore_mem>>, %arg29: memref<!tpu.dma_semaphore, #tpu.memory_space<semaphore_mem>>, %arg30: memref<!tpu.dma_semaphore, #tpu.memory_space<semaphore_mem>>, %arg31: memref<!tpu.dma_semaphore, #tpu.memory_space<semaphore_mem>>, %arg32: memref<!tpu.dma_semaphore, #tpu.memory_space<semaphore_mem>>, %arg33: memref<!tpu.dma_semaphore, #tpu.memory_space<semaphore_mem>>, %arg34: memref<!tpu.dma_semaphore, #tpu.memory_space<semaphore_mem>>, %arg35: memref<!tpu.dma_semaphore, #tpu.memory_space<semaphore_mem>>, %arg36: memref<!tpu.dma_semaphore, #tpu.memory_space<semaphore_mem>>) attributes {dimension_semantics = [#tpu.dimension_semantics<core_parallel>, #tpu.dimension_semantics<subcore_parallel>], iteration_bounds = array<i64: 2, 16>, scalar_prefetch = 0 : i64, scratch_operands = 30 : i64, tpu.core_type = #tpu.core_type<sc_vector_subcore>, window_params = [{transform_indices = #map}, {transform_indices = #map}, {transform_indices = #map}, {transform_indices = #map}, {transform_indices = #map1}]} {
    %mul3A = arith.constant 2 : i32
    %mul3A_0 = arith.muli %arg1, %mul3A : i32
    %add3A = arith.addi %mul3A_0, %arg0 : i32
    %mul3A_1 = arith.constant 640 : i32
    %mul3A_2 = arith.muli %arg1, %mul3A_1 : i32
    %mul3A_3 = arith.constant 640 : i32
    %mul3A_4 = arith.muli %arg1, %mul3A_3 : i32
    %dma_start3A = arith.constant 0 : i32
    %dma_start3A_5 = tpu.memref_slice %arg17[%mul3A_4, %dma_start3A] : memref<10240x64xf32, #tpu.memory_space<vmem_shared>> -> memref<640x64xf32, #tpu.memory_space<vmem_shared>>
    %dma_start3A_6 = arith.constant 0 : i32
    %dma_start3A_7 = tpu.memref_slice %arg5[%mul3A_2, %dma_start3A_6] : memref<10240x64xf32, #tpu.memory_space<hbm>> -> memref<640x64xf32, #tpu.memory_space<hbm>>
    tpu.enqueue_dma source(%dma_start3A_7 : memref<640x64xf32, #tpu.memory_space<hbm>>) target(%dma_start3A_5 : memref<640x64xf32, #tpu.memory_space<vmem_shared>>) target_semaphore(%arg36 : memref<!tpu.dma_semaphore, #tpu.memory_space<semaphore_mem>>)
    %mul3A_8 = arith.constant 80 : i32
    %mul3A_9 = arith.muli %add3A, %mul3A_8 : i32
    %min3A = arith.constant 2420 : i32
    %min3A_10 = arith.minsi %mul3A_9, %min3A : i32
    %mul3A_11 = arith.constant 80 : i32
    %mul3A_12 = arith.muli %add3A, %mul3A_11 : i32
    %sub3A = arith.subi %mul3A_12, %min3A_10 : i32
    %dma_start3A_13 = arith.constant 0 : i32
    %dma_start3A_14 = tpu.memref_slice %arg3[%min3A_10, %dma_start3A_13] : memref<2500x128xi32, #tpu.memory_space<hbm>> -> memref<80x128xi32, #tpu.memory_space<hbm>>
    %dma_start3A_15 = arith.constant 0 : i32
    %dma_start3A_16 = tpu.memref_slice %arg3[%min3A_10, %dma_start3A_15] : memref<2500x128xi32, #tpu.memory_space<hbm>> -> memref<80x128xi32, #tpu.memory_space<hbm>>
    tpu.enqueue_dma source(%dma_start3A_16 : memref<80x128xi32, #tpu.memory_space<hbm>>) target(%arg7 : memref<80x128xi32, #tpu.memory_space<vmem>>) target_semaphore(%arg34 : memref<!tpu.dma_semaphore, #tpu.memory_space<semaphore_mem>>)
    %dma_start3A_17 = arith.constant 0 : i32
    %dma_start3A_18 = tpu.memref_slice %arg4[%min3A_10, %dma_start3A_17] : memref<2500x128xi32, #tpu.memory_space<hbm>> -> memref<80x128xi32, #tpu.memory_space<hbm>>
    %dma_start3A_19 = arith.constant 0 : i32
    %dma_start3A_20 = tpu.memref_slice %arg4[%min3A_10, %dma_start3A_19] : memref<2500x128xi32, #tpu.memory_space<hbm>> -> memref<80x128xi32, #tpu.memory_space<hbm>>
    tpu.enqueue_dma source(%dma_start3A_20 : memref<80x128xi32, #tpu.memory_space<hbm>>) target(%arg8 : memref<80x128xi32, #tpu.memory_space<vmem>>) target_semaphore(%arg35 : memref<!tpu.dma_semaphore, #tpu.memory_space<semaphore_mem>>)
    %dma_wait3A = arith.constant 0 : i32
    %dma_wait3A_21 = tpu.memref_slice %arg17[%mul3A_4, %dma_wait3A] : memref<10240x64xf32, #tpu.memory_space<vmem_shared>> -> memref<640x64xf32, #tpu.memory_space<vmem_shared>>
    %dma_wait3A_22 = arith.constant 0 : i32
    %dma_wait3A_23 = tpu.memref_slice %arg5[%mul3A_2, %dma_wait3A_22] : memref<10240x64xf32, #tpu.memory_space<hbm>> -> memref<640x64xf32, #tpu.memory_space<hbm>>
    tpu.wait_dma2 semaphore(%arg36 : memref<!tpu.dma_semaphore, #tpu.memory_space<semaphore_mem>>) src(%dma_wait3A_23 : memref<640x64xf32, #tpu.memory_space<hbm>>) dst(%dma_wait3A_21 : memref<640x64xf32, #tpu.memory_space<vmem_shared>>)
    %dma_wait3A_24 = arith.constant 0 : i32
    %dma_wait3A_25 = tpu.memref_slice %arg3[%min3A_10, %dma_wait3A_24] : memref<2500x128xi32, #tpu.memory_space<hbm>> -> memref<80x128xi32, #tpu.memory_space<hbm>>
    %dma_wait3A_26 = arith.constant 0 : i32
    %dma_wait3A_27 = tpu.memref_slice %arg3[%min3A_10, %dma_wait3A_26] : memref<2500x128xi32, #tpu.memory_space<hbm>> -> memref<80x128xi32, #tpu.memory_space<hbm>>
    tpu.wait_dma2 semaphore(%arg34 : memref<!tpu.dma_semaphore, #tpu.memory_space<semaphore_mem>>) src(%dma_wait3A_27 : memref<80x128xi32, #tpu.memory_space<hbm>>) dst(%arg7 : memref<80x128xi32, #tpu.memory_space<vmem>>)
    %dma_wait3A_28 = arith.constant 0 : i32
    %dma_wait3A_29 = tpu.memref_slice %arg4[%min3A_10, %dma_wait3A_28] : memref<2500x128xi32, #tpu.memory_space<hbm>> -> memref<80x128xi32, #tpu.memory_space<hbm>>
    %dma_wait3A_30 = arith.constant 0 : i32
    %dma_wait3A_31 = tpu.memref_slice %arg4[%min3A_10, %dma_wait3A_30] : memref<2500x128xi32, #tpu.memory_space<hbm>> -> memref<80x128xi32, #tpu.memory_space<hbm>>
    tpu.wait_dma2 semaphore(%arg35 : memref<!tpu.dma_semaphore, #tpu.memory_space<semaphore_mem>>) src(%dma_wait3A_31 : memref<80x128xi32, #tpu.memory_space<hbm>>) dst(%arg8 : memref<80x128xi32, #tpu.memory_space<vmem>>)
    %barrier3A = arith.constant 0 : index
    tpu.barrier barrier_id(%barrier3A)
    %mul3A_32 = arith.constant 80 : i32
    %mul3A_33 = arith.muli %add3A, %mul3A_32 : i32
    %sub3A_34 = arith.constant 2500 : i32
    %sub3A_35 = arith.subi %sub3A_34, %mul3A_33 : i32
    %min3A_36 = arith.constant 80 : i32
    %min3A_37 = arith.minsi %min3A_36, %sub3A_35 : i32
    %jit3A = arith.constant 8 : i32
    %div3A = arith.divsi %min3A_37, %jit3A : i32
    %sign3A = arith.constant 0 : i32
    %sign3A_38 = arith.cmpi sgt, %min3A_37, %sign3A : i32
    %sign3A_39 = arith.extui %sign3A_38 : i1 to i32
    %sign3A_40 = arith.constant 0 : i32
    %sign3A_41 = arith.cmpi slt, %min3A_37, %sign3A_40 : i32
    %sign3A_42 = arith.extui %sign3A_41 : i1 to i32
    %sign3A_43 = arith.subi %sign3A_39, %sign3A_42 : i32
    %sign3A_44 = arith.constant 0 : i32
    %sign3A_45 = arith.cmpi sgt, %jit3A, %sign3A_44 : i32
    %sign3A_46 = arith.extui %sign3A_45 : i1 to i32
    %sign3A_47 = arith.constant 0 : i32
    %sign3A_48 = arith.cmpi slt, %jit3A, %sign3A_47 : i32
    %sign3A_49 = arith.extui %sign3A_48 : i1 to i32
    %sign3A_50 = arith.subi %sign3A_46, %sign3A_49 : i32
    %ne3A = arith.cmpi ne, %sign3A_43, %sign3A_50 : i32
    %rem3A = arith.remsi %min3A_37, %jit3A : i32
    %ne3A_51 = arith.constant 0 : i32
    %ne3A_52 = arith.cmpi ne, %rem3A, %ne3A_51 : i32
    %and3A = arith.andi %ne3A, %ne3A_52 : i1
    %sub3A_53 = arith.constant 1 : i32
    %sub3A_54 = arith.subi %div3A, %sub3A_53 : i32
    %select_n3A = arith.select %and3A, %sub3A_54, %div3A : i32
    %while3A = arith.constant 0 : i32
    %while3A_55 = arith.constant 0 : i32
    %while3A_56 = arith.subi %select_n3A, %while3A_55 : i32
    %while3A_57 = arith.addi %while3A_55, %while3A_56 : i32
    %while3A_58 = arith.constant 1 : i32
    %while3A_59 = arith.divsi %while3A_56, %while3A_58 : i32
    %while3A_60 = arith.muli %while3A_59, %while3A_58 : i32
    %while3A_61 = arith.addi %while3A_55, %while3A_60 : i32
    %while3A_62 = arith.constant 1 : i32
    scf.for %while3A_138 = %while3A_55 to %while3A_61 step %while3A_62  : i32 {
      %mul3A_139 = arith.constant 8 : i32
      %mul3A_140 = arith.muli %while3A_138, %mul3A_139 : i32
      %add3A_141 = arith.addi %sub3A, %mul3A_140 : i32
      %add3A_142 = arith.constant 0 : i32
      %add3A_143 = arith.addi %add3A_141, %add3A_142 : i32
      %gt3A = arith.constant 0 : i32
      %gt3A_144 = arith.cmpi sgt, %while3A_138, %gt3A : i32
      %convert_element_type3A = arith.extui %gt3A_144 : i1 to i32
      %cond3A = arith.constant 0 : i32
      %cond3A_145 = arith.cmpi ne, %convert_element_type3A, %cond3A : i32
      scf.if %cond3A_145 {
        %dma_wait3A_400 = arith.constant 0 : i32
        %dma_wait3A_401 = arith.constant 0 : i32
        %dma_wait3A_402 = tpu.memref_slice %arg8[%dma_wait3A_400, %dma_wait3A_401] : memref<80x128xi32, #tpu.memory_space<vmem>> -> memref<1x128xi32, #tpu.memory_space<vmem>>
        %dma_wait3A_403 = tpu.memref_squeeze %dma_wait3A_402 : memref<1x128xi32, #tpu.memory_space<vmem>> -> memref<128xi32, #tpu.memory_space<vmem>>
        %dma_wait3A_404 = arith.constant 0 : i32
        %dma_wait3A_405 = arith.constant 0 : i32
        %dma_wait3A_406 = tpu.memref_slice %arg17[%dma_wait3A_404, %dma_wait3A_405] : memref<10240x64xf32, #tpu.memory_space<vmem_shared>> -> memref<10240x64xf32, #tpu.memory_space<vmem_shared>>
        tpu.wait_indirect_dma semaphore(%arg26 : memref<!tpu.dma_semaphore, #tpu.memory_space<semaphore_mem>>) src(%arg9 : memref<128x64xf32, #tpu.memory_space<vmem>>) dst(%dma_wait3A_406 : memref<10240x64xf32, #tpu.memory_space<vmem_shared>>)
      } else {
      }
      %dma_start3A_146 = arith.constant 0 : i32
      %dma_start3A_147 = tpu.memref_slice %arg7[%add3A_143, %dma_start3A_146] : memref<80x128xi32, #tpu.memory_space<vmem>> -> memref<1x128xi32, #tpu.memory_space<vmem>>
      %dma_start3A_148 = tpu.memref_squeeze %dma_start3A_147 : memref<1x128xi32, #tpu.memory_space<vmem>> -> memref<128xi32, #tpu.memory_space<vmem>>
      %dma_start3A_149 = arith.constant 0 : i32
      %dma_start3A_150 = arith.constant 0 : i32
      %dma_start3A_151 = tpu.memref_slice %arg2[%dma_start3A_149, %dma_start3A_150] : memref<10000x64xf32, #tpu.memory_space<hbm>> -> memref<10000x64xf32, #tpu.memory_space<hbm>>
      tpu.enqueue_indirect_dma source(%dma_start3A_151 : memref<10000x64xf32, #tpu.memory_space<hbm>>) target(%arg9 : memref<128x64xf32, #tpu.memory_space<vmem>>) offsets(%dma_start3A_148 : memref<128xi32, #tpu.memory_space<vmem>>) semaphore(%arg18 : memref<!tpu.dma_semaphore, #tpu.memory_space<semaphore_mem>>)
      %mul3A_152 = arith.constant 8 : i32
      %mul3A_153 = arith.muli %while3A_138, %mul3A_152 : i32
      %add3A_154 = arith.addi %sub3A, %mul3A_153 : i32
      %add3A_155 = arith.constant 1 : i32
      %add3A_156 = arith.addi %add3A_154, %add3A_155 : i32
      %gt3A_157 = arith.constant 0 : i32
      %gt3A_158 = arith.cmpi sgt, %while3A_138, %gt3A_157 : i32
      %convert_element_type3A_159 = arith.extui %gt3A_158 : i1 to i32
      %cond3A_160 = arith.constant 0 : i32
      %cond3A_161 = arith.cmpi ne, %convert_element_type3A_159, %cond3A_160 : i32
      scf.if %cond3A_161 {
        %dma_wait3A_400 = arith.constant 0 : i32
        %dma_wait3A_401 = arith.constant 0 : i32
        %dma_wait3A_402 = tpu.memref_slice %arg8[%dma_wait3A_400, %dma_wait3A_401] : memref<80x128xi32, #tpu.memory_space<vmem>> -> memref<1x128xi32, #tpu.memory_space<vmem>>
        %dma_wait3A_403 = tpu.memref_squeeze %dma_wait3A_402 : memref<1x128xi32, #tpu.memory_space<vmem>> -> memref<128xi32, #tpu.memory_space<vmem>>
        %dma_wait3A_404 = arith.constant 0 : i32
        %dma_wait3A_405 = arith.constant 0 : i32
        %dma_wait3A_406 = tpu.memref_slice %arg17[%dma_wait3A_404, %dma_wait3A_405] : memref<10240x64xf32, #tpu.memory_space<vmem_shared>> -> memref<10240x64xf32, #tpu.memory_space<vmem_shared>>
        tpu.wait_indirect_dma semaphore(%arg27 : memref<!tpu.dma_semaphore, #tpu.memory_space<semaphore_mem>>) src(%arg10 : memref<128x64xf32, #tpu.memory_space<vmem>>) dst(%dma_wait3A_406 : memref<10240x64xf32, #tpu.memory_space<vmem_shared>>)
      } else {
      }
      %dma_start3A_162 = arith.constant 0 : i32
      %dma_start3A_163 = tpu.memref_slice %arg7[%add3A_156, %dma_start3A_162] : memref<80x128xi32, #tpu.memory_space<vmem>> -> memref<1x128xi32, #tpu.memory_space<vmem>>
      %dma_start3A_164 = tpu.memref_squeeze %dma_start3A_163 : memref<1x128xi32, #tpu.memory_space<vmem>> -> memref<128xi32, #tpu.memory_space<vmem>>
      %dma_start3A_165 = arith.constant 0 : i32
      %dma_start3A_166 = arith.constant 0 : i32
      %dma_start3A_167 = tpu.memref_slice %arg2[%dma_start3A_165, %dma_start3A_166] : memref<10000x64xf32, #tpu.memory_space<hbm>> -> memref<10000x64xf32, #tpu.memory_space<hbm>>
      tpu.enqueue_indirect_dma source(%dma_start3A_167 : memref<10000x64xf32, #tpu.memory_space<hbm>>) target(%arg10 : memref<128x64xf32, #tpu.memory_space<vmem>>) offsets(%dma_start3A_164 : memref<128xi32, #tpu.memory_space<vmem>>) semaphore(%arg19 : memref<!tpu.dma_semaphore, #tpu.memory_space<semaphore_mem>>)
      %mul3A_168 = arith.constant 8 : i32
      %mul3A_169 = arith.muli %while3A_138, %mul3A_168 : i32
      %add3A_170 = arith.addi %sub3A, %mul3A_169 : i32
      %add3A_171 = arith.constant 2 : i32
      %add3A_172 = arith.addi %add3A_170, %add3A_171 : i32
      %gt3A_173 = arith.constant 0 : i32
      %gt3A_174 = arith.cmpi sgt, %while3A_138, %gt3A_173 : i32
      %convert_element_type3A_175 = arith.extui %gt3A_174 : i1 to i32
      %cond3A_176 = arith.constant 0 : i32
      %cond3A_177 = arith.cmpi ne, %convert_element_type3A_175, %cond3A_176 : i32
      scf.if %cond3A_177 {
        %dma_wait3A_400 = arith.constant 0 : i32
        %dma_wait3A_401 = arith.constant 0 : i32
        %dma_wait3A_402 = tpu.memref_slice %arg8[%dma_wait3A_400, %dma_wait3A_401] : memref<80x128xi32, #tpu.memory_space<vmem>> -> memref<1x128xi32, #tpu.memory_space<vmem>>
        %dma_wait3A_403 = tpu.memref_squeeze %dma_wait3A_402 : memref<1x128xi32, #tpu.memory_space<vmem>> -> memref<128xi32, #tpu.memory_space<vmem>>
        %dma_wait3A_404 = arith.constant 0 : i32
        %dma_wait3A_405 = arith.constant 0 : i32
        %dma_wait3A_406 = tpu.memref_slice %arg17[%dma_wait3A_404, %dma_wait3A_405] : memref<10240x64xf32, #tpu.memory_space<vmem_shared>> -> memref<10240x64xf32, #tpu.memory_space<vmem_shared>>
        tpu.wait_indirect_dma semaphore(%arg28 : memref<!tpu.dma_semaphore, #tpu.memory_space<semaphore_mem>>) src(%arg11 : memref<128x64xf32, #tpu.memory_space<vmem>>) dst(%dma_wait3A_406 : memref<10240x64xf32, #tpu.memory_space<vmem_shared>>)
      } else {
      }
      %dma_start3A_178 = arith.constant 0 : i32
      %dma_start3A_179 = tpu.memref_slice %arg7[%add3A_172, %dma_start3A_178] : memref<80x128xi32, #tpu.memory_space<vmem>> -> memref<1x128xi32, #tpu.memory_space<vmem>>
      %dma_start3A_180 = tpu.memref_squeeze %dma_start3A_179 : memref<1x128xi32, #tpu.memory_space<vmem>> -> memref<128xi32, #tpu.memory_space<vmem>>
      %dma_start3A_181 = arith.constant 0 : i32
      %dma_start3A_182 = arith.constant 0 : i32
      %dma_start3A_183 = tpu.memref_slice %arg2[%dma_start3A_181, %dma_start3A_182] : memref<10000x64xf32, #tpu.memory_space<hbm>> -> memref<10000x64xf32, #tpu.memory_space<hbm>>
      tpu.enqueue_indirect_dma source(%dma_start3A_183 : memref<10000x64xf32, #tpu.memory_space<hbm>>) target(%arg11 : memref<128x64xf32, #tpu.memory_space<vmem>>) offsets(%dma_start3A_180 : memref<128xi32, #tpu.memory_space<vmem>>) semaphore(%arg20 : memref<!tpu.dma_semaphore, #tpu.memory_space<semaphore_mem>>)
      %mul3A_184 = arith.constant 8 : i32
      %mul3A_185 = arith.muli %while3A_138, %mul3A_184 : i32
      %add3A_186 = arith.addi %sub3A, %mul3A_185 : i32
      %add3A_187 = arith.constant 3 : i32
      %add3A_188 = arith.addi %add3A_186, %add3A_187 : i32
      %gt3A_189 = arith.constant 0 : i32
      %gt3A_190 = arith.cmpi sgt, %while3A_138, %gt3A_189 : i32
      %convert_element_type3A_191 = arith.extui %gt3A_190 : i1 to i32
      %cond3A_192 = arith.constant 0 : i32
      %cond3A_193 = arith.cmpi ne, %convert_element_type3A_191, %cond3A_192 : i32
      scf.if %cond3A_193 {
        %dma_wait3A_400 = arith.constant 0 : i32
        %dma_wait3A_401 = arith.constant 0 : i32
        %dma_wait3A_402 = tpu.memref_slice %arg8[%dma_wait3A_400, %dma_wait3A_401] : memref<80x128xi32, #tpu.memory_space<vmem>> -> memref<1x128xi32, #tpu.memory_space<vmem>>
        %dma_wait3A_403 = tpu.memref_squeeze %dma_wait3A_402 : memref<1x128xi32, #tpu.memory_space<vmem>> -> memref<128xi32, #tpu.memory_space<vmem>>
        %dma_wait3A_404 = arith.constant 0 : i32
        %dma_wait3A_405 = arith.constant 0 : i32
        %dma_wait3A_406 = tpu.memref_slice %arg17[%dma_wait3A_404, %dma_wait3A_405] : memref<10240x64xf32, #tpu.memory_space<vmem_shared>> -> memref<10240x64xf32, #tpu.memory_space<vmem_shared>>
        tpu.wait_indirect_dma semaphore(%arg29 : memref<!tpu.dma_semaphore, #tpu.memory_space<semaphore_mem>>) src(%arg12 : memref<128x64xf32, #tpu.memory_space<vmem>>) dst(%dma_wait3A_406 : memref<10240x64xf32, #tpu.memory_space<vmem_shared>>)
      } else {
      }
      %dma_start3A_194 = arith.constant 0 : i32
      %dma_start3A_195 = tpu.memref_slice %arg7[%add3A_188, %dma_start3A_194] : memref<80x128xi32, #tpu.memory_space<vmem>> -> memref<1x128xi32, #tpu.memory_space<vmem>>
      %dma_start3A_196 = tpu.memref_squeeze %dma_start3A_195 : memref<1x128xi32, #tpu.memory_space<vmem>> -> memref<128xi32, #tpu.memory_space<vmem>>
      %dma_start3A_197 = arith.constant 0 : i32
      %dma_start3A_198 = arith.constant 0 : i32
      %dma_start3A_199 = tpu.memref_slice %arg2[%dma_start3A_197, %dma_start3A_198] : memref<10000x64xf32, #tpu.memory_space<hbm>> -> memref<10000x64xf32, #tpu.memory_space<hbm>>
      tpu.enqueue_indirect_dma source(%dma_start3A_199 : memref<10000x64xf32, #tpu.memory_space<hbm>>) target(%arg12 : memref<128x64xf32, #tpu.memory_space<vmem>>) offsets(%dma_start3A_196 : memref<128xi32, #tpu.memory_space<vmem>>) semaphore(%arg21 : memref<!tpu.dma_semaphore, #tpu.memory_space<semaphore_mem>>)
      %mul3A_200 = arith.constant 8 : i32
      %mul3A_201 = arith.muli %while3A_138, %mul3A_200 : i32
      %add3A_202 = arith.addi %sub3A, %mul3A_201 : i32
      %add3A_203 = arith.constant 4 : i32
      %add3A_204 = arith.addi %add3A_202, %add3A_203 : i32
      %gt3A_205 = arith.constant 0 : i32
      %gt3A_206 = arith.cmpi sgt, %while3A_138, %gt3A_205 : i32
      %convert_element_type3A_207 = arith.extui %gt3A_206 : i1 to i32
      %cond3A_208 = arith.constant 0 : i32
      %cond3A_209 = arith.cmpi ne, %convert_element_type3A_207, %cond3A_208 : i32
      scf.if %cond3A_209 {
        %dma_wait3A_400 = arith.constant 0 : i32
        %dma_wait3A_401 = arith.constant 0 : i32
        %dma_wait3A_402 = tpu.memref_slice %arg8[%dma_wait3A_400, %dma_wait3A_401] : memref<80x128xi32, #tpu.memory_space<vmem>> -> memref<1x128xi32, #tpu.memory_space<vmem>>
        %dma_wait3A_403 = tpu.memref_squeeze %dma_wait3A_402 : memref<1x128xi32, #tpu.memory_space<vmem>> -> memref<128xi32, #tpu.memory_space<vmem>>
        %dma_wait3A_404 = arith.constant 0 : i32
        %dma_wait3A_405 = arith.constant 0 : i32
        %dma_wait3A_406 = tpu.memref_slice %arg17[%dma_wait3A_404, %dma_wait3A_405] : memref<10240x64xf32, #tpu.memory_space<vmem_shared>> -> memref<10240x64xf32, #tpu.memory_space<vmem_shared>>
        tpu.wait_indirect_dma semaphore(%arg30 : memref<!tpu.dma_semaphore, #tpu.memory_space<semaphore_mem>>) src(%arg13 : memref<128x64xf32, #tpu.memory_space<vmem>>) dst(%dma_wait3A_406 : memref<10240x64xf32, #tpu.memory_space<vmem_shared>>)
      } else {
      }
      %dma_start3A_210 = arith.constant 0 : i32
      %dma_start3A_211 = tpu.memref_slice %arg7[%add3A_204, %dma_start3A_210] : memref<80x128xi32, #tpu.memory_space<vmem>> -> memref<1x128xi32, #tpu.memory_space<vmem>>
      %dma_start3A_212 = tpu.memref_squeeze %dma_start3A_211 : memref<1x128xi32, #tpu.memory_space<vmem>> -> memref<128xi32, #tpu.memory_space<vmem>>
      %dma_start3A_213 = arith.constant 0 : i32
      %dma_start3A_214 = arith.constant 0 : i32
      %dma_start3A_215 = tpu.memref_slice %arg2[%dma_start3A_213, %dma_start3A_214] : memref<10000x64xf32, #tpu.memory_space<hbm>> -> memref<10000x64xf32, #tpu.memory_space<hbm>>
      tpu.enqueue_indirect_dma source(%dma_start3A_215 : memref<10000x64xf32, #tpu.memory_space<hbm>>) target(%arg13 : memref<128x64xf32, #tpu.memory_space<vmem>>) offsets(%dma_start3A_212 : memref<128xi32, #tpu.memory_space<vmem>>) semaphore(%arg22 : memref<!tpu.dma_semaphore, #tpu.memory_space<semaphore_mem>>)
      %mul3A_216 = arith.constant 8 : i32
      %mul3A_217 = arith.muli %while3A_138, %mul3A_216 : i32
      %add3A_218 = arith.addi %sub3A, %mul3A_217 : i32
      %add3A_219 = arith.constant 5 : i32
      %add3A_220 = arith.addi %add3A_218, %add3A_219 : i32
      %gt3A_221 = arith.constant 0 : i32
      %gt3A_222 = arith.cmpi sgt, %while3A_138, %gt3A_221 : i32
      %convert_element_type3A_223 = arith.extui %gt3A_222 : i1 to i32
      %cond3A_224 = arith.constant 0 : i32
      %cond3A_225 = arith.cmpi ne, %convert_element_type3A_223, %cond3A_224 : i32
      scf.if %cond3A_225 {
        %dma_wait3A_400 = arith.constant 0 : i32
        %dma_wait3A_401 = arith.constant 0 : i32
        %dma_wait3A_402 = tpu.memref_slice %arg8[%dma_wait3A_400, %dma_wait3A_401] : memref<80x128xi32, #tpu.memory_space<vmem>> -> memref<1x128xi32, #tpu.memory_space<vmem>>
        %dma_wait3A_403 = tpu.memref_squeeze %dma_wait3A_402 : memref<1x128xi32, #tpu.memory_space<vmem>> -> memref<128xi32, #tpu.memory_space<vmem>>
        %dma_wait3A_404 = arith.constant 0 : i32
        %dma_wait3A_405 = arith.constant 0 : i32
        %dma_wait3A_406 = tpu.memref_slice %arg17[%dma_wait3A_404, %dma_wait3A_405] : memref<10240x64xf32, #tpu.memory_space<vmem_shared>> -> memref<10240x64xf32, #tpu.memory_space<vmem_shared>>
        tpu.wait_indirect_dma semaphore(%arg31 : memref<!tpu.dma_semaphore, #tpu.memory_space<semaphore_mem>>) src(%arg14 : memref<128x64xf32, #tpu.memory_space<vmem>>) dst(%dma_wait3A_406 : memref<10240x64xf32, #tpu.memory_space<vmem_shared>>)
      } else {
      }
      %dma_start3A_226 = arith.constant 0 : i32
      %dma_start3A_227 = tpu.memref_slice %arg7[%add3A_220, %dma_start3A_226] : memref<80x128xi32, #tpu.memory_space<vmem>> -> memref<1x128xi32, #tpu.memory_space<vmem>>
      %dma_start3A_228 = tpu.memref_squeeze %dma_start3A_227 : memref<1x128xi32, #tpu.memory_space<vmem>> -> memref<128xi32, #tpu.memory_space<vmem>>
      %dma_start3A_229 = arith.constant 0 : i32
      %dma_start3A_230 = arith.constant 0 : i32
      %dma_start3A_231 = tpu.memref_slice %arg2[%dma_start3A_229, %dma_start3A_230] : memref<10000x64xf32, #tpu.memory_space<hbm>> -> memref<10000x64xf32, #tpu.memory_space<hbm>>
      tpu.enqueue_indirect_dma source(%dma_start3A_231 : memref<10000x64xf32, #tpu.memory_space<hbm>>) target(%arg14 : memref<128x64xf32, #tpu.memory_space<vmem>>) offsets(%dma_start3A_228 : memref<128xi32, #tpu.memory_space<vmem>>) semaphore(%arg23 : memref<!tpu.dma_semaphore, #tpu.memory_space<semaphore_mem>>)
      %mul3A_232 = arith.constant 8 : i32
      %mul3A_233 = arith.muli %while3A_138, %mul3A_232 : i32
      %add3A_234 = arith.addi %sub3A, %mul3A_233 : i32
      %add3A_235 = arith.constant 6 : i32
      %add3A_236 = arith.addi %add3A_234, %add3A_235 : i32
      %gt3A_237 = arith.constant 0 : i32
      %gt3A_238 = arith.cmpi sgt, %while3A_138, %gt3A_237 : i32
      %convert_element_type3A_239 = arith.extui %gt3A_238 : i1 to i32
      %cond3A_240 = arith.constant 0 : i32
      %cond3A_241 = arith.cmpi ne, %convert_element_type3A_239, %cond3A_240 : i32
      scf.if %cond3A_241 {
        %dma_wait3A_400 = arith.constant 0 : i32
        %dma_wait3A_401 = arith.constant 0 : i32
        %dma_wait3A_402 = tpu.memref_slice %arg8[%dma_wait3A_400, %dma_wait3A_401] : memref<80x128xi32, #tpu.memory_space<vmem>> -> memref<1x128xi32, #tpu.memory_space<vmem>>
        %dma_wait3A_403 = tpu.memref_squeeze %dma_wait3A_402 : memref<1x128xi32, #tpu.memory_space<vmem>> -> memref<128xi32, #tpu.memory_space<vmem>>
        %dma_wait3A_404 = arith.constant 0 : i32
        %dma_wait3A_405 = arith.constant 0 : i32
        %dma_wait3A_406 = tpu.memref_slice %arg17[%dma_wait3A_404, %dma_wait3A_405] : memref<10240x64xf32, #tpu.memory_space<vmem_shared>> -> memref<10240x64xf32, #tpu.memory_space<vmem_shared>>
        tpu.wait_indirect_dma semaphore(%arg32 : memref<!tpu.dma_semaphore, #tpu.memory_space<semaphore_mem>>) src(%arg15 : memref<128x64xf32, #tpu.memory_space<vmem>>) dst(%dma_wait3A_406 : memref<10240x64xf32, #tpu.memory_space<vmem_shared>>)
      } else {
      }
      %dma_start3A_242 = arith.constant 0 : i32
      %dma_start3A_243 = tpu.memref_slice %arg7[%add3A_236, %dma_start3A_242] : memref<80x128xi32, #tpu.memory_space<vmem>> -> memref<1x128xi32, #tpu.memory_space<vmem>>
      %dma_start3A_244 = tpu.memref_squeeze %dma_start3A_243 : memref<1x128xi32, #tpu.memory_space<vmem>> -> memref<128xi32, #tpu.memory_space<vmem>>
      %dma_start3A_245 = arith.constant 0 : i32
      %dma_start3A_246 = arith.constant 0 : i32
      %dma_start3A_247 = tpu.memref_slice %arg2[%dma_start3A_245, %dma_start3A_246] : memref<10000x64xf32, #tpu.memory_space<hbm>> -> memref<10000x64xf32, #tpu.memory_space<hbm>>
      tpu.enqueue_indirect_dma source(%dma_start3A_247 : memref<10000x64xf32, #tpu.memory_space<hbm>>) target(%arg15 : memref<128x64xf32, #tpu.memory_space<vmem>>) offsets(%dma_start3A_244 : memref<128xi32, #tpu.memory_space<vmem>>) semaphore(%arg24 : memref<!tpu.dma_semaphore, #tpu.memory_space<semaphore_mem>>)
      %mul3A_248 = arith.constant 8 : i32
      %mul3A_249 = arith.muli %while3A_138, %mul3A_248 : i32
      %add3A_250 = arith.addi %sub3A, %mul3A_249 : i32
      %add3A_251 = arith.constant 7 : i32
      %add3A_252 = arith.addi %add3A_250, %add3A_251 : i32
      %gt3A_253 = arith.constant 0 : i32
      %gt3A_254 = arith.cmpi sgt, %while3A_138, %gt3A_253 : i32
      %convert_element_type3A_255 = arith.extui %gt3A_254 : i1 to i32
      %cond3A_256 = arith.constant 0 : i32
      %cond3A_257 = arith.cmpi ne, %convert_element_type3A_255, %cond3A_256 : i32
      scf.if %cond3A_257 {
        %dma_wait3A_400 = arith.constant 0 : i32
        %dma_wait3A_401 = arith.constant 0 : i32
        %dma_wait3A_402 = tpu.memref_slice %arg8[%dma_wait3A_400, %dma_wait3A_401] : memref<80x128xi32, #tpu.memory_space<vmem>> -> memref<1x128xi32, #tpu.memory_space<vmem>>
        %dma_wait3A_403 = tpu.memref_squeeze %dma_wait3A_402 : memref<1x128xi32, #tpu.memory_space<vmem>> -> memref<128xi32, #tpu.memory_space<vmem>>
        %dma_wait3A_404 = arith.constant 0 : i32
        %dma_wait3A_405 = arith.constant 0 : i32
        %dma_wait3A_406 = tpu.memref_slice %arg17[%dma_wait3A_404, %dma_wait3A_405] : memref<10240x64xf32, #tpu.memory_space<vmem_shared>> -> memref<10240x64xf32, #tpu.memory_space<vmem_shared>>
        tpu.wait_indirect_dma semaphore(%arg33 : memref<!tpu.dma_semaphore, #tpu.memory_space<semaphore_mem>>) src(%arg16 : memref<128x64xf32, #tpu.memory_space<vmem>>) dst(%dma_wait3A_406 : memref<10240x64xf32, #tpu.memory_space<vmem_shared>>)
      } else {
      }
      %dma_start3A_258 = arith.constant 0 : i32
      %dma_start3A_259 = tpu.memref_slice %arg7[%add3A_252, %dma_start3A_258] : memref<80x128xi32, #tpu.memory_space<vmem>> -> memref<1x128xi32, #tpu.memory_space<vmem>>
      %dma_start3A_260 = tpu.memref_squeeze %dma_start3A_259 : memref<1x128xi32, #tpu.memory_space<vmem>> -> memref<128xi32, #tpu.memory_space<vmem>>
      %dma_start3A_261 = arith.constant 0 : i32
      %dma_start3A_262 = arith.constant 0 : i32
      %dma_start3A_263 = tpu.memref_slice %arg2[%dma_start3A_261, %dma_start3A_262] : memref<10000x64xf32, #tpu.memory_space<hbm>> -> memref<10000x64xf32, #tpu.memory_space<hbm>>
      tpu.enqueue_indirect_dma source(%dma_start3A_263 : memref<10000x64xf32, #tpu.memory_space<hbm>>) target(%arg16 : memref<128x64xf32, #tpu.memory_space<vmem>>) offsets(%dma_start3A_260 : memref<128xi32, #tpu.memory_space<vmem>>) semaphore(%arg25 : memref<!tpu.dma_semaphore, #tpu.memory_space<semaphore_mem>>)
      %mul3A_264 = arith.constant 8 : i32
      %mul3A_265 = arith.muli %while3A_138, %mul3A_264 : i32
      %add3A_266 = arith.addi %sub3A, %mul3A_265 : i32
      %add3A_267 = arith.constant 0 : i32
      %add3A_268 = arith.addi %add3A_266, %add3A_267 : i32
      %dma_wait3A_269 = arith.constant 0 : i32
      %dma_wait3A_270 = tpu.memref_slice %arg7[%add3A_143, %dma_wait3A_269] : memref<80x128xi32, #tpu.memory_space<vmem>> -> memref<1x128xi32, #tpu.memory_space<vmem>>
      %dma_wait3A_271 = tpu.memref_squeeze %dma_wait3A_270 : memref<1x128xi32, #tpu.memory_space<vmem>> -> memref<128xi32, #tpu.memory_space<vmem>>
      %dma_wait3A_272 = arith.constant 0 : i32
      %dma_wait3A_273 = arith.constant 0 : i32
      %dma_wait3A_274 = tpu.memref_slice %arg2[%dma_wait3A_272, %dma_wait3A_273] : memref<10000x64xf32, #tpu.memory_space<hbm>> -> memref<10000x64xf32, #tpu.memory_space<hbm>>
      tpu.wait_indirect_dma semaphore(%arg18 : memref<!tpu.dma_semaphore, #tpu.memory_space<semaphore_mem>>) src(%dma_wait3A_274 : memref<10000x64xf32, #tpu.memory_space<hbm>>) dst(%arg9 : memref<128x64xf32, #tpu.memory_space<vmem>>)
      %dma_start3A_275 = arith.constant 0 : i32
      %dma_start3A_276 = tpu.memref_slice %arg8[%add3A_268, %dma_start3A_275] : memref<80x128xi32, #tpu.memory_space<vmem>> -> memref<1x128xi32, #tpu.memory_space<vmem>>
      %dma_start3A_277 = tpu.memref_squeeze %dma_start3A_276 : memref<1x128xi32, #tpu.memory_space<vmem>> -> memref<128xi32, #tpu.memory_space<vmem>>
      %dma_start3A_278 = arith.constant 0 : i32
      %dma_start3A_279 = arith.constant 0 : i32
      %dma_start3A_280 = tpu.memref_slice %arg17[%dma_start3A_278, %dma_start3A_279] : memref<10240x64xf32, #tpu.memory_space<vmem_shared>> -> memref<10240x64xf32, #tpu.memory_space<vmem_shared>>
      tpu.enqueue_indirect_dma source(%arg9 : memref<128x64xf32, #tpu.memory_space<vmem>>) target(%dma_start3A_280 : memref<10240x64xf32, #tpu.memory_space<vmem_shared>>) offsets(%dma_start3A_277 : memref<128xi32, #tpu.memory_space<vmem>>) semaphore(%arg26 : memref<!tpu.dma_semaphore, #tpu.memory_space<semaphore_mem>>) {add = true}
      %mul3A_281 = arith.constant 8 : i32
      %mul3A_282 = arith.muli %while3A_138, %mul3A_281 : i32
      %add3A_283 = arith.addi %sub3A, %mul3A_282 : i32
      %add3A_284 = arith.constant 1 : i32
      %add3A_285 = arith.addi %add3A_283, %add3A_284 : i32
      %dma_wait3A_286 = arith.constant 0 : i32
      %dma_wait3A_287 = tpu.memref_slice %arg7[%add3A_156, %dma_wait3A_286] : memref<80x128xi32, #tpu.memory_space<vmem>> -> memref<1x128xi32, #tpu.memory_space<vmem>>
      %dma_wait3A_288 = tpu.memref_squeeze %dma_wait3A_287 : memref<1x128xi32, #tpu.memory_space<vmem>> -> memref<128xi32, #tpu.memory_space<vmem>>
      %dma_wait3A_289 = arith.constant 0 : i32
      %dma_wait3A_290 = arith.constant 0 : i32
      %dma_wait3A_291 = tpu.memref_slice %arg2[%dma_wait3A_289, %dma_wait3A_290] : memref<10000x64xf32, #tpu.memory_space<hbm>> -> memref<10000x64xf32, #tpu.memory_space<hbm>>
      tpu.wait_indirect_dma semaphore(%arg19 : memref<!tpu.dma_semaphore, #tpu.memory_space<semaphore_mem>>) src(%dma_wait3A_291 : memref<10000x64xf32, #tpu.memory_space<hbm>>) dst(%arg10 : memref<128x64xf32, #tpu.memory_space<vmem>>)
      %dma_start3A_292 = arith.constant 0 : i32
      %dma_start3A_293 = tpu.memref_slice %arg8[%add3A_285, %dma_start3A_292] : memref<80x128xi32, #tpu.memory_space<vmem>> -> memref<1x128xi32, #tpu.memory_space<vmem>>
      %dma_start3A_294 = tpu.memref_squeeze %dma_start3A_293 : memref<1x128xi32, #tpu.memory_space<vmem>> -> memref<128xi32, #tpu.memory_space<vmem>>
      %dma_start3A_295 = arith.constant 0 : i32
      %dma_start3A_296 = arith.constant 0 : i32
      %dma_start3A_297 = tpu.memref_slice %arg17[%dma_start3A_295, %dma_start3A_296] : memref<10240x64xf32, #tpu.memory_space<vmem_shared>> -> memref<10240x64xf32, #tpu.memory_space<vmem_shared>>
      tpu.enqueue_indirect_dma source(%arg10 : memref<128x64xf32, #tpu.memory_space<vmem>>) target(%dma_start3A_297 : memref<10240x64xf32, #tpu.memory_space<vmem_shared>>) offsets(%dma_start3A_294 : memref<128xi32, #tpu.memory_space<vmem>>) semaphore(%arg27 : memref<!tpu.dma_semaphore, #tpu.memory_space<semaphore_mem>>) {add = true}
      %mul3A_298 = arith.constant 8 : i32
      %mul3A_299 = arith.muli %while3A_138, %mul3A_298 : i32
      %add3A_300 = arith.addi %sub3A, %mul3A_299 : i32
      %add3A_301 = arith.constant 2 : i32
      %add3A_302 = arith.addi %add3A_300, %add3A_301 : i32
      %dma_wait3A_303 = arith.constant 0 : i32
      %dma_wait3A_304 = tpu.memref_slice %arg7[%add3A_172, %dma_wait3A_303] : memref<80x128xi32, #tpu.memory_space<vmem>> -> memref<1x128xi32, #tpu.memory_space<vmem>>
      %dma_wait3A_305 = tpu.memref_squeeze %dma_wait3A_304 : memref<1x128xi32, #tpu.memory_space<vmem>> -> memref<128xi32, #tpu.memory_space<vmem>>
      %dma_wait3A_306 = arith.constant 0 : i32
      %dma_wait3A_307 = arith.constant 0 : i32
      %dma_wait3A_308 = tpu.memref_slice %arg2[%dma_wait3A_306, %dma_wait3A_307] : memref<10000x64xf32, #tpu.memory_space<hbm>> -> memref<10000x64xf32, #tpu.memory_space<hbm>>
      tpu.wait_indirect_dma semaphore(%arg20 : memref<!tpu.dma_semaphore, #tpu.memory_space<semaphore_mem>>) src(%dma_wait3A_308 : memref<10000x64xf32, #tpu.memory_space<hbm>>) dst(%arg11 : memref<128x64xf32, #tpu.memory_space<vmem>>)
      %dma_start3A_309 = arith.constant 0 : i32
      %dma_start3A_310 = tpu.memref_slice %arg8[%add3A_302, %dma_start3A_309] : memref<80x128xi32, #tpu.memory_space<vmem>> -> memref<1x128xi32, #tpu.memory_space<vmem>>
      %dma_start3A_311 = tpu.memref_squeeze %dma_start3A_310 : memref<1x128xi32, #tpu.memory_space<vmem>> -> memref<128xi32, #tpu.memory_space<vmem>>
      %dma_start3A_312 = arith.constant 0 : i32
      %dma_start3A_313 = arith.constant 0 : i32
      %dma_start3A_314 = tpu.memref_slice %arg17[%dma_start3A_312, %dma_start3A_313] : memref<10240x64xf32, #tpu.memory_space<vmem_shared>> -> memref<10240x64xf32, #tpu.memory_space<vmem_shared>>
      tpu.enqueue_indirect_dma source(%arg11 : memref<128x64xf32, #tpu.memory_space<vmem>>) target(%dma_start3A_314 : memref<10240x64xf32, #tpu.memory_space<vmem_shared>>) offsets(%dma_start3A_311 : memref<128xi32, #tpu.memory_space<vmem>>) semaphore(%arg28 : memref<!tpu.dma_semaphore, #tpu.memory_space<semaphore_mem>>) {add = true}
      %mul3A_315 = arith.constant 8 : i32
      %mul3A_316 = arith.muli %while3A_138, %mul3A_315 : i32
      %add3A_317 = arith.addi %sub3A, %mul3A_316 : i32
      %add3A_318 = arith.constant 3 : i32
      %add3A_319 = arith.addi %add3A_317, %add3A_318 : i32
      %dma_wait3A_320 = arith.constant 0 : i32
      %dma_wait3A_321 = tpu.memref_slice %arg7[%add3A_188, %dma_wait3A_320] : memref<80x128xi32, #tpu.memory_space<vmem>> -> memref<1x128xi32, #tpu.memory_space<vmem>>
      %dma_wait3A_322 = tpu.memref_squeeze %dma_wait3A_321 : memref<1x128xi32, #tpu.memory_space<vmem>> -> memref<128xi32, #tpu.memory_space<vmem>>
      %dma_wait3A_323 = arith.constant 0 : i32
      %dma_wait3A_324 = arith.constant 0 : i32
      %dma_wait3A_325 = tpu.memref_slice %arg2[%dma_wait3A_323, %dma_wait3A_324] : memref<10000x64xf32, #tpu.memory_space<hbm>> -> memref<10000x64xf32, #tpu.memory_space<hbm>>
      tpu.wait_indirect_dma semaphore(%arg21 : memref<!tpu.dma_semaphore, #tpu.memory_space<semaphore_mem>>) src(%dma_wait3A_325 : memref<10000x64xf32, #tpu.memory_space<hbm>>) dst(%arg12 : memref<128x64xf32, #tpu.memory_space<vmem>>)
      %dma_start3A_326 = arith.constant 0 : i32
      %dma_start3A_327 = tpu.memref_slice %arg8[%add3A_319, %dma_start3A_326] : memref<80x128xi32, #tpu.memory_space<vmem>> -> memref<1x128xi32, #tpu.memory_space<vmem>>
      %dma_start3A_328 = tpu.memref_squeeze %dma_start3A_327 : memref<1x128xi32, #tpu.memory_space<vmem>> -> memref<128xi32, #tpu.memory_space<vmem>>
      %dma_start3A_329 = arith.constant 0 : i32
      %dma_start3A_330 = arith.constant 0 : i32
      %dma_start3A_331 = tpu.memref_slice %arg17[%dma_start3A_329, %dma_start3A_330] : memref<10240x64xf32, #tpu.memory_space<vmem_shared>> -> memref<10240x64xf32, #tpu.memory_space<vmem_shared>>
      tpu.enqueue_indirect_dma source(%arg12 : memref<128x64xf32, #tpu.memory_space<vmem>>) target(%dma_start3A_331 : memref<10240x64xf32, #tpu.memory_space<vmem_shared>>) offsets(%dma_start3A_328 : memref<128xi32, #tpu.memory_space<vmem>>) semaphore(%arg29 : memref<!tpu.dma_semaphore, #tpu.memory_space<semaphore_mem>>) {add = true}
      %mul3A_332 = arith.constant 8 : i32
      %mul3A_333 = arith.muli %while3A_138, %mul3A_332 : i32
      %add3A_334 = arith.addi %sub3A, %mul3A_333 : i32
      %add3A_335 = arith.constant 4 : i32
      %add3A_336 = arith.addi %add3A_334, %add3A_335 : i32
      %dma_wait3A_337 = arith.constant 0 : i32
      %dma_wait3A_338 = tpu.memref_slice %arg7[%add3A_204, %dma_wait3A_337] : memref<80x128xi32, #tpu.memory_space<vmem>> -> memref<1x128xi32, #tpu.memory_space<vmem>>
      %dma_wait3A_339 = tpu.memref_squeeze %dma_wait3A_338 : memref<1x128xi32, #tpu.memory_space<vmem>> -> memref<128xi32, #tpu.memory_space<vmem>>
      %dma_wait3A_340 = arith.constant 0 : i32
      %dma_wait3A_341 = arith.constant 0 : i32
      %dma_wait3A_342 = tpu.memref_slice %arg2[%dma_wait3A_340, %dma_wait3A_341] : memref<10000x64xf32, #tpu.memory_space<hbm>> -> memref<10000x64xf32, #tpu.memory_space<hbm>>
      tpu.wait_indirect_dma semaphore(%arg22 : memref<!tpu.dma_semaphore, #tpu.memory_space<semaphore_mem>>) src(%dma_wait3A_342 : memref<10000x64xf32, #tpu.memory_space<hbm>>) dst(%arg13 : memref<128x64xf32, #tpu.memory_space<vmem>>)
      %dma_start3A_343 = arith.constant 0 : i32
      %dma_start3A_344 = tpu.memref_slice %arg8[%add3A_336, %dma_start3A_343] : memref<80x128xi32, #tpu.memory_space<vmem>> -> memref<1x128xi32, #tpu.memory_space<vmem>>
      %dma_start3A_345 = tpu.memref_squeeze %dma_start3A_344 : memref<1x128xi32, #tpu.memory_space<vmem>> -> memref<128xi32, #tpu.memory_space<vmem>>
      %dma_start3A_346 = arith.constant 0 : i32
      %dma_start3A_347 = arith.constant 0 : i32
      %dma_start3A_348 = tpu.memref_slice %arg17[%dma_start3A_346, %dma_start3A_347] : memref<10240x64xf32, #tpu.memory_space<vmem_shared>> -> memref<10240x64xf32, #tpu.memory_space<vmem_shared>>
      tpu.enqueue_indirect_dma source(%arg13 : memref<128x64xf32, #tpu.memory_space<vmem>>) target(%dma_start3A_348 : memref<10240x64xf32, #tpu.memory_space<vmem_shared>>) offsets(%dma_start3A_345 : memref<128xi32, #tpu.memory_space<vmem>>) semaphore(%arg30 : memref<!tpu.dma_semaphore, #tpu.memory_space<semaphore_mem>>) {add = true}
      %mul3A_349 = arith.constant 8 : i32
      %mul3A_350 = arith.muli %while3A_138, %mul3A_349 : i32
      %add3A_351 = arith.addi %sub3A, %mul3A_350 : i32
      %add3A_352 = arith.constant 5 : i32
      %add3A_353 = arith.addi %add3A_351, %add3A_352 : i32
      %dma_wait3A_354 = arith.constant 0 : i32
      %dma_wait3A_355 = tpu.memref_slice %arg7[%add3A_220, %dma_wait3A_354] : memref<80x128xi32, #tpu.memory_space<vmem>> -> memref<1x128xi32, #tpu.memory_space<vmem>>
      %dma_wait3A_356 = tpu.memref_squeeze %dma_wait3A_355 : memref<1x128xi32, #tpu.memory_space<vmem>> -> memref<128xi32, #tpu.memory_space<vmem>>
      %dma_wait3A_357 = arith.constant 0 : i32
      %dma_wait3A_358 = arith.constant 0 : i32
      %dma_wait3A_359 = tpu.memref_slice %arg2[%dma_wait3A_357, %dma_wait3A_358] : memref<10000x64xf32, #tpu.memory_space<hbm>> -> memref<10000x64xf32, #tpu.memory_space<hbm>>
      tpu.wait_indirect_dma semaphore(%arg23 : memref<!tpu.dma_semaphore, #tpu.memory_space<semaphore_mem>>) src(%dma_wait3A_359 : memref<10000x64xf32, #tpu.memory_space<hbm>>) dst(%arg14 : memref<128x64xf32, #tpu.memory_space<vmem>>)
      %dma_start3A_360 = arith.constant 0 : i32
      %dma_start3A_361 = tpu.memref_slice %arg8[%add3A_353, %dma_start3A_360] : memref<80x128xi32, #tpu.memory_space<vmem>> -> memref<1x128xi32, #tpu.memory_space<vmem>>
      %dma_start3A_362 = tpu.memref_squeeze %dma_start3A_361 : memref<1x128xi32, #tpu.memory_space<vmem>> -> memref<128xi32, #tpu.memory_space<vmem>>
      %dma_start3A_363 = arith.constant 0 : i32
      %dma_start3A_364 = arith.constant 0 : i32
      %dma_start3A_365 = tpu.memref_slice %arg17[%dma_start3A_363, %dma_start3A_364] : memref<10240x64xf32, #tpu.memory_space<vmem_shared>> -> memref<10240x64xf32, #tpu.memory_space<vmem_shared>>
      tpu.enqueue_indirect_dma source(%arg14 : memref<128x64xf32, #tpu.memory_space<vmem>>) target(%dma_start3A_365 : memref<10240x64xf32, #tpu.memory_space<vmem_shared>>) offsets(%dma_start3A_362 : memref<128xi32, #tpu.memory_space<vmem>>) semaphore(%arg31 : memref<!tpu.dma_semaphore, #tpu.memory_space<semaphore_mem>>) {add = true}
      %mul3A_366 = arith.constant 8 : i32
      %mul3A_367 = arith.muli %while3A_138, %mul3A_366 : i32
      %add3A_368 = arith.addi %sub3A, %mul3A_367 : i32
      %add3A_369 = arith.constant 6 : i32
      %add3A_370 = arith.addi %add3A_368, %add3A_369 : i32
      %dma_wait3A_371 = arith.constant 0 : i32
      %dma_wait3A_372 = tpu.memref_slice %arg7[%add3A_236, %dma_wait3A_371] : memref<80x128xi32, #tpu.memory_space<vmem>> -> memref<1x128xi32, #tpu.memory_space<vmem>>
      %dma_wait3A_373 = tpu.memref_squeeze %dma_wait3A_372 : memref<1x128xi32, #tpu.memory_space<vmem>> -> memref<128xi32, #tpu.memory_space<vmem>>
      %dma_wait3A_374 = arith.constant 0 : i32
      %dma_wait3A_375 = arith.constant 0 : i32
      %dma_wait3A_376 = tpu.memref_slice %arg2[%dma_wait3A_374, %dma_wait3A_375] : memref<10000x64xf32, #tpu.memory_space<hbm>> -> memref<10000x64xf32, #tpu.memory_space<hbm>>
      tpu.wait_indirect_dma semaphore(%arg24 : memref<!tpu.dma_semaphore, #tpu.memory_space<semaphore_mem>>) src(%dma_wait3A_376 : memref<10000x64xf32, #tpu.memory_space<hbm>>) dst(%arg15 : memref<128x64xf32, #tpu.memory_space<vmem>>)
      %dma_start3A_377 = arith.constant 0 : i32
      %dma_start3A_378 = tpu.memref_slice %arg8[%add3A_370, %dma_start3A_377] : memref<80x128xi32, #tpu.memory_space<vmem>> -> memref<1x128xi32, #tpu.memory_space<vmem>>
      %dma_start3A_379 = tpu.memref_squeeze %dma_start3A_378 : memref<1x128xi32, #tpu.memory_space<vmem>> -> memref<128xi32, #tpu.memory_space<vmem>>
      %dma_start3A_380 = arith.constant 0 : i32
      %dma_start3A_381 = arith.constant 0 : i32
      %dma_start3A_382 = tpu.memref_slice %arg17[%dma_start3A_380, %dma_start3A_381] : memref<10240x64xf32, #tpu.memory_space<vmem_shared>> -> memref<10240x64xf32, #tpu.memory_space<vmem_shared>>
      tpu.enqueue_indirect_dma source(%arg15 : memref<128x64xf32, #tpu.memory_space<vmem>>) target(%dma_start3A_382 : memref<10240x64xf32, #tpu.memory_space<vmem_shared>>) offsets(%dma_start3A_379 : memref<128xi32, #tpu.memory_space<vmem>>) semaphore(%arg32 : memref<!tpu.dma_semaphore, #tpu.memory_space<semaphore_mem>>) {add = true}
      %mul3A_383 = arith.constant 8 : i32
      %mul3A_384 = arith.muli %while3A_138, %mul3A_383 : i32
      %add3A_385 = arith.addi %sub3A, %mul3A_384 : i32
      %add3A_386 = arith.constant 7 : i32
      %add3A_387 = arith.addi %add3A_385, %add3A_386 : i32
      %dma_wait3A_388 = arith.constant 0 : i32
      %dma_wait3A_389 = tpu.memref_slice %arg7[%add3A_252, %dma_wait3A_388] : memref<80x128xi32, #tpu.memory_space<vmem>> -> memref<1x128xi32, #tpu.memory_space<vmem>>
      %dma_wait3A_390 = tpu.memref_squeeze %dma_wait3A_389 : memref<1x128xi32, #tpu.memory_space<vmem>> -> memref<128xi32, #tpu.memory_space<vmem>>
      %dma_wait3A_391 = arith.constant 0 : i32
      %dma_wait3A_392 = arith.constant 0 : i32
      %dma_wait3A_393 = tpu.memref_slice %arg2[%dma_wait3A_391, %dma_wait3A_392] : memref<10000x64xf32, #tpu.memory_space<hbm>> -> memref<10000x64xf32, #tpu.memory_space<hbm>>
      tpu.wait_indirect_dma semaphore(%arg25 : memref<!tpu.dma_semaphore, #tpu.memory_space<semaphore_mem>>) src(%dma_wait3A_393 : memref<10000x64xf32, #tpu.memory_space<hbm>>) dst(%arg16 : memref<128x64xf32, #tpu.memory_space<vmem>>)
      %dma_start3A_394 = arith.constant 0 : i32
      %dma_start3A_395 = tpu.memref_slice %arg8[%add3A_387, %dma_start3A_394] : memref<80x128xi32, #tpu.memory_space<vmem>> -> memref<1x128xi32, #tpu.memory_space<vmem>>
      %dma_start3A_396 = tpu.memref_squeeze %dma_start3A_395 : memref<1x128xi32, #tpu.memory_space<vmem>> -> memref<128xi32, #tpu.memory_space<vmem>>
      %dma_start3A_397 = arith.constant 0 : i32
      %dma_start3A_398 = arith.constant 0 : i32
      %dma_start3A_399 = tpu.memref_slice %arg17[%dma_start3A_397, %dma_start3A_398] : memref<10240x64xf32, #tpu.memory_space<vmem_shared>> -> memref<10240x64xf32, #tpu.memory_space<vmem_shared>>
      tpu.enqueue_indirect_dma source(%arg16 : memref<128x64xf32, #tpu.memory_space<vmem>>) target(%dma_start3A_399 : memref<10240x64xf32, #tpu.memory_space<vmem_shared>>) offsets(%dma_start3A_396 : memref<128xi32, #tpu.memory_space<vmem>>) semaphore(%arg33 : memref<!tpu.dma_semaphore, #tpu.memory_space<semaphore_mem>>) {add = true}
    }
    %while3A_63 = arith.constant 1 : i32
    scf.for %while3A_138 = %while3A_61 to %while3A_57 step %while3A_63  : i32 {
      %mul3A_139 = arith.constant 8 : i32
      %mul3A_140 = arith.muli %while3A_138, %mul3A_139 : i32
      %add3A_141 = arith.addi %sub3A, %mul3A_140 : i32
      %add3A_142 = arith.constant 0 : i32
      %add3A_143 = arith.addi %add3A_141, %add3A_142 : i32
      %gt3A = arith.constant 0 : i32
      %gt3A_144 = arith.cmpi sgt, %while3A_138, %gt3A : i32
      %convert_element_type3A = arith.extui %gt3A_144 : i1 to i32
      %cond3A = arith.constant 0 : i32
      %cond3A_145 = arith.cmpi ne, %convert_element_type3A, %cond3A : i32
      scf.if %cond3A_145 {
        %dma_wait3A_400 = arith.constant 0 : i32
        %dma_wait3A_401 = arith.constant 0 : i32
        %dma_wait3A_402 = tpu.memref_slice %arg8[%dma_wait3A_400, %dma_wait3A_401] : memref<80x128xi32, #tpu.memory_space<vmem>> -> memref<1x128xi32, #tpu.memory_space<vmem>>
        %dma_wait3A_403 = tpu.memref_squeeze %dma_wait3A_402 : memref<1x128xi32, #tpu.memory_space<vmem>> -> memref<128xi32, #tpu.memory_space<vmem>>
        %dma_wait3A_404 = arith.constant 0 : i32
        %dma_wait3A_405 = arith.constant 0 : i32
        %dma_wait3A_406 = tpu.memref_slice %arg17[%dma_wait3A_404, %dma_wait3A_405] : memref<10240x64xf32, #tpu.memory_space<vmem_shared>> -> memref<10240x64xf32, #tpu.memory_space<vmem_shared>>
        tpu.wait_indirect_dma semaphore(%arg26 : memref<!tpu.dma_semaphore, #tpu.memory_space<semaphore_mem>>) src(%arg9 : memref<128x64xf32, #tpu.memory_space<vmem>>) dst(%dma_wait3A_406 : memref<10240x64xf32, #tpu.memory_space<vmem_shared>>)
      } else {
      }
      %dma_start3A_146 = arith.constant 0 : i32
      %dma_start3A_147 = tpu.memref_slice %arg7[%add3A_143, %dma_start3A_146] : memref<80x128xi32, #tpu.memory_space<vmem>> -> memref<1x128xi32, #tpu.memory_space<vmem>>
      %dma_start3A_148 = tpu.memref_squeeze %dma_start3A_147 : memref<1x128xi32, #tpu.memory_space<vmem>> -> memref<128xi32, #tpu.memory_space<vmem>>
      %dma_start3A_149 = arith.constant 0 : i32
      %dma_start3A_150 = arith.constant 0 : i32
      %dma_start3A_151 = tpu.memref_slice %arg2[%dma_start3A_149, %dma_start3A_150] : memref<10000x64xf32, #tpu.memory_space<hbm>> -> memref<10000x64xf32, #tpu.memory_space<hbm>>
      tpu.enqueue_indirect_dma source(%dma_start3A_151 : memref<10000x64xf32, #tpu.memory_space<hbm>>) target(%arg9 : memref<128x64xf32, #tpu.memory_space<vmem>>) offsets(%dma_start3A_148 : memref<128xi32, #tpu.memory_space<vmem>>) semaphore(%arg18 : memref<!tpu.dma_semaphore, #tpu.memory_space<semaphore_mem>>)
      %mul3A_152 = arith.constant 8 : i32
      %mul3A_153 = arith.muli %while3A_138, %mul3A_152 : i32
      %add3A_154 = arith.addi %sub3A, %mul3A_153 : i32
      %add3A_155 = arith.constant 1 : i32
      %add3A_156 = arith.addi %add3A_154, %add3A_155 : i32
      %gt3A_157 = arith.constant 0 : i32
      %gt3A_158 = arith.cmpi sgt, %while3A_138, %gt3A_157 : i32
      %convert_element_type3A_159 = arith.extui %gt3A_158 : i1 to i32
      %cond3A_160 = arith.constant 0 : i32
      %cond3A_161 = arith.cmpi ne, %convert_element_type3A_159, %cond3A_160 : i32
      scf.if %cond3A_161 {
        %dma_wait3A_400 = arith.constant 0 : i32
        %dma_wait3A_401 = arith.constant 0 : i32
        %dma_wait3A_402 = tpu.memref_slice %arg8[%dma_wait3A_400, %dma_wait3A_401] : memref<80x128xi32, #tpu.memory_space<vmem>> -> memref<1x128xi32, #tpu.memory_space<vmem>>
        %dma_wait3A_403 = tpu.memref_squeeze %dma_wait3A_402 : memref<1x128xi32, #tpu.memory_space<vmem>> -> memref<128xi32, #tpu.memory_space<vmem>>
        %dma_wait3A_404 = arith.constant 0 : i32
        %dma_wait3A_405 = arith.constant 0 : i32
        %dma_wait3A_406 = tpu.memref_slice %arg17[%dma_wait3A_404, %dma_wait3A_405] : memref<10240x64xf32, #tpu.memory_space<vmem_shared>> -> memref<10240x64xf32, #tpu.memory_space<vmem_shared>>
        tpu.wait_indirect_dma semaphore(%arg27 : memref<!tpu.dma_semaphore, #tpu.memory_space<semaphore_mem>>) src(%arg10 : memref<128x64xf32, #tpu.memory_space<vmem>>) dst(%dma_wait3A_406 : memref<10240x64xf32, #tpu.memory_space<vmem_shared>>)
      } else {
      }
      %dma_start3A_162 = arith.constant 0 : i32
      %dma_start3A_163 = tpu.memref_slice %arg7[%add3A_156, %dma_start3A_162] : memref<80x128xi32, #tpu.memory_space<vmem>> -> memref<1x128xi32, #tpu.memory_space<vmem>>
      %dma_start3A_164 = tpu.memref_squeeze %dma_start3A_163 : memref<1x128xi32, #tpu.memory_space<vmem>> -> memref<128xi32, #tpu.memory_space<vmem>>
      %dma_start3A_165 = arith.constant 0 : i32
      %dma_start3A_166 = arith.constant 0 : i32
      %dma_start3A_167 = tpu.memref_slice %arg2[%dma_start3A_165, %dma_start3A_166] : memref<10000x64xf32, #tpu.memory_space<hbm>> -> memref<10000x64xf32, #tpu.memory_space<hbm>>
      tpu.enqueue_indirect_dma source(%dma_start3A_167 : memref<10000x64xf32, #tpu.memory_space<hbm>>) target(%arg10 : memref<128x64xf32, #tpu.memory_space<vmem>>) offsets(%dma_start3A_164 : memref<128xi32, #tpu.memory_space<vmem>>) semaphore(%arg19 : memref<!tpu.dma_semaphore, #tpu.memory_space<semaphore_mem>>)
      %mul3A_168 = arith.constant 8 : i32
      %mul3A_169 = arith.muli %while3A_138, %mul3A_168 : i32
      %add3A_170 = arith.addi %sub3A, %mul3A_169 : i32
      %add3A_171 = arith.constant 2 : i32
      %add3A_172 = arith.addi %add3A_170, %add3A_171 : i32
      %gt3A_173 = arith.constant 0 : i32
      %gt3A_174 = arith.cmpi sgt, %while3A_138, %gt3A_173 : i32
      %convert_element_type3A_175 = arith.extui %gt3A_174 : i1 to i32
      %cond3A_176 = arith.constant 0 : i32
      %cond3A_177 = arith.cmpi ne, %convert_element_type3A_175, %cond3A_176 : i32
      scf.if %cond3A_177 {
        %dma_wait3A_400 = arith.constant 0 : i32
        %dma_wait3A_401 = arith.constant 0 : i32
        %dma_wait3A_402 = tpu.memref_slice %arg8[%dma_wait3A_400, %dma_wait3A_401] : memref<80x128xi32, #tpu.memory_space<vmem>> -> memref<1x128xi32, #tpu.memory_space<vmem>>
        %dma_wait3A_403 = tpu.memref_squeeze %dma_wait3A_402 : memref<1x128xi32, #tpu.memory_space<vmem>> -> memref<128xi32, #tpu.memory_space<vmem>>
        %dma_wait3A_404 = arith.constant 0 : i32
        %dma_wait3A_405 = arith.constant 0 : i32
        %dma_wait3A_406 = tpu.memref_slice %arg17[%dma_wait3A_404, %dma_wait3A_405] : memref<10240x64xf32, #tpu.memory_space<vmem_shared>> -> memref<10240x64xf32, #tpu.memory_space<vmem_shared>>
        tpu.wait_indirect_dma semaphore(%arg28 : memref<!tpu.dma_semaphore, #tpu.memory_space<semaphore_mem>>) src(%arg11 : memref<128x64xf32, #tpu.memory_space<vmem>>) dst(%dma_wait3A_406 : memref<10240x64xf32, #tpu.memory_space<vmem_shared>>)
      } else {
      }
      %dma_start3A_178 = arith.constant 0 : i32
      %dma_start3A_179 = tpu.memref_slice %arg7[%add3A_172, %dma_start3A_178] : memref<80x128xi32, #tpu.memory_space<vmem>> -> memref<1x128xi32, #tpu.memory_space<vmem>>
      %dma_start3A_180 = tpu.memref_squeeze %dma_start3A_179 : memref<1x128xi32, #tpu.memory_space<vmem>> -> memref<128xi32, #tpu.memory_space<vmem>>
      %dma_start3A_181 = arith.constant 0 : i32
      %dma_start3A_182 = arith.constant 0 : i32
      %dma_start3A_183 = tpu.memref_slice %arg2[%dma_start3A_181, %dma_start3A_182] : memref<10000x64xf32, #tpu.memory_space<hbm>> -> memref<10000x64xf32, #tpu.memory_space<hbm>>
      tpu.enqueue_indirect_dma source(%dma_start3A_183 : memref<10000x64xf32, #tpu.memory_space<hbm>>) target(%arg11 : memref<128x64xf32, #tpu.memory_space<vmem>>) offsets(%dma_start3A_180 : memref<128xi32, #tpu.memory_space<vmem>>) semaphore(%arg20 : memref<!tpu.dma_semaphore, #tpu.memory_space<semaphore_mem>>)
      %mul3A_184 = arith.constant 8 : i32
      %mul3A_185 = arith.muli %while3A_138, %mul3A_184 : i32
      %add3A_186 = arith.addi %sub3A, %mul3A_185 : i32
      %add3A_187 = arith.constant 3 : i32
      %add3A_188 = arith.addi %add3A_186, %add3A_187 : i32
      %gt3A_189 = arith.constant 0 : i32
      %gt3A_190 = arith.cmpi sgt, %while3A_138, %gt3A_189 : i32
      %convert_element_type3A_191 = arith.extui %gt3A_190 : i1 to i32
      %cond3A_192 = arith.constant 0 : i32
      %cond3A_193 = arith.cmpi ne, %convert_element_type3A_191, %cond3A_192 : i32
      scf.if %cond3A_193 {
        %dma_wait3A_400 = arith.constant 0 : i32
        %dma_wait3A_401 = arith.constant 0 : i32
        %dma_wait3A_402 = tpu.memref_slice %arg8[%dma_wait3A_400, %dma_wait3A_401] : memref<80x128xi32, #tpu.memory_space<vmem>> -> memref<1x128xi32, #tpu.memory_space<vmem>>
        %dma_wait3A_403 = tpu.memref_squeeze %dma_wait3A_402 : memref<1x128xi32, #tpu.memory_space<vmem>> -> memref<128xi32, #tpu.memory_space<vmem>>
        %dma_wait3A_404 = arith.constant 0 : i32
        %dma_wait3A_405 = arith.constant 0 : i32
        %dma_wait3A_406 = tpu.memref_slice %arg17[%dma_wait3A_404, %dma_wait3A_405] : memref<10240x64xf32, #tpu.memory_space<vmem_shared>> -> memref<10240x64xf32, #tpu.memory_space<vmem_shared>>
        tpu.wait_indirect_dma semaphore(%arg29 : memref<!tpu.dma_semaphore, #tpu.memory_space<semaphore_mem>>) src(%arg12 : memref<128x64xf32, #tpu.memory_space<vmem>>) dst(%dma_wait3A_406 : memref<10240x64xf32, #tpu.memory_space<vmem_shared>>)
      } else {
      }
      %dma_start3A_194 = arith.constant 0 : i32
      %dma_start3A_195 = tpu.memref_slice %arg7[%add3A_188, %dma_start3A_194] : memref<80x128xi32, #tpu.memory_space<vmem>> -> memref<1x128xi32, #tpu.memory_space<vmem>>
      %dma_start3A_196 = tpu.memref_squeeze %dma_start3A_195 : memref<1x128xi32, #tpu.memory_space<vmem>> -> memref<128xi32, #tpu.memory_space<vmem>>
      %dma_start3A_197 = arith.constant 0 : i32
      %dma_start3A_198 = arith.constant 0 : i32
      %dma_start3A_199 = tpu.memref_slice %arg2[%dma_start3A_197, %dma_start3A_198] : memref<10000x64xf32, #tpu.memory_space<hbm>> -> memref<10000x64xf32, #tpu.memory_space<hbm>>
      tpu.enqueue_indirect_dma source(%dma_start3A_199 : memref<10000x64xf32, #tpu.memory_space<hbm>>) target(%arg12 : memref<128x64xf32, #tpu.memory_space<vmem>>) offsets(%dma_start3A_196 : memref<128xi32, #tpu.memory_space<vmem>>) semaphore(%arg21 : memref<!tpu.dma_semaphore, #tpu.memory_space<semaphore_mem>>)
      %mul3A_200 = arith.constant 8 : i32
      %mul3A_201 = arith.muli %while3A_138, %mul3A_200 : i32
      %add3A_202 = arith.addi %sub3A, %mul3A_201 : i32
      %add3A_203 = arith.constant 4 : i32
      %add3A_204 = arith.addi %add3A_202, %add3A_203 : i32
      %gt3A_205 = arith.constant 0 : i32
      %gt3A_206 = arith.cmpi sgt, %while3A_138, %gt3A_205 : i32
      %convert_element_type3A_207 = arith.extui %gt3A_206 : i1 to i32
      %cond3A_208 = arith.constant 0 : i32
      %cond3A_209 = arith.cmpi ne, %convert_element_type3A_207, %cond3A_208 : i32
      scf.if %cond3A_209 {
        %dma_wait3A_400 = arith.constant 0 : i32
        %dma_wait3A_401 = arith.constant 0 : i32
        %dma_wait3A_402 = tpu.memref_slice %arg8[%dma_wait3A_400, %dma_wait3A_401] : memref<80x128xi32, #tpu.memory_space<vmem>> -> memref<1x128xi32, #tpu.memory_space<vmem>>
        %dma_wait3A_403 = tpu.memref_squeeze %dma_wait3A_402 : memref<1x128xi32, #tpu.memory_space<vmem>> -> memref<128xi32, #tpu.memory_space<vmem>>
        %dma_wait3A_404 = arith.constant 0 : i32
        %dma_wait3A_405 = arith.constant 0 : i32
        %dma_wait3A_406 = tpu.memref_slice %arg17[%dma_wait3A_404, %dma_wait3A_405] : memref<10240x64xf32, #tpu.memory_space<vmem_shared>> -> memref<10240x64xf32, #tpu.memory_space<vmem_shared>>
        tpu.wait_indirect_dma semaphore(%arg30 : memref<!tpu.dma_semaphore, #tpu.memory_space<semaphore_mem>>) src(%arg13 : memref<128x64xf32, #tpu.memory_space<vmem>>) dst(%dma_wait3A_406 : memref<10240x64xf32, #tpu.memory_space<vmem_shared>>)
      } else {
      }
      %dma_start3A_210 = arith.constant 0 : i32
      %dma_start3A_211 = tpu.memref_slice %arg7[%add3A_204, %dma_start3A_210] : memref<80x128xi32, #tpu.memory_space<vmem>> -> memref<1x128xi32, #tpu.memory_space<vmem>>
      %dma_start3A_212 = tpu.memref_squeeze %dma_start3A_211 : memref<1x128xi32, #tpu.memory_space<vmem>> -> memref<128xi32, #tpu.memory_space<vmem>>
      %dma_start3A_213 = arith.constant 0 : i32
      %dma_start3A_214 = arith.constant 0 : i32
      %dma_start3A_215 = tpu.memref_slice %arg2[%dma_start3A_213, %dma_start3A_214] : memref<10000x64xf32, #tpu.memory_space<hbm>> -> memref<10000x64xf32, #tpu.memory_space<hbm>>
      tpu.enqueue_indirect_dma source(%dma_start3A_215 : memref<10000x64xf32, #tpu.memory_space<hbm>>) target(%arg13 : memref<128x64xf32, #tpu.memory_space<vmem>>) offsets(%dma_start3A_212 : memref<128xi32, #tpu.memory_space<vmem>>) semaphore(%arg22 : memref<!tpu.dma_semaphore, #tpu.memory_space<semaphore_mem>>)
      %mul3A_216 = arith.constant 8 : i32
      %mul3A_217 = arith.muli %while3A_138, %mul3A_216 : i32
      %add3A_218 = arith.addi %sub3A, %mul3A_217 : i32
      %add3A_219 = arith.constant 5 : i32
      %add3A_220 = arith.addi %add3A_218, %add3A_219 : i32
      %gt3A_221 = arith.constant 0 : i32
      %gt3A_222 = arith.cmpi sgt, %while3A_138, %gt3A_221 : i32
      %convert_element_type3A_223 = arith.extui %gt3A_222 : i1 to i32
      %cond3A_224 = arith.constant 0 : i32
      %cond3A_225 = arith.cmpi ne, %convert_element_type3A_223, %cond3A_224 : i32
      scf.if %cond3A_225 {
        %dma_wait3A_400 = arith.constant 0 : i32
        %dma_wait3A_401 = arith.constant 0 : i32
        %dma_wait3A_402 = tpu.memref_slice %arg8[%dma_wait3A_400, %dma_wait3A_401] : memref<80x128xi32, #tpu.memory_space<vmem>> -> memref<1x128xi32, #tpu.memory_space<vmem>>
        %dma_wait3A_403 = tpu.memref_squeeze %dma_wait3A_402 : memref<1x128xi32, #tpu.memory_space<vmem>> -> memref<128xi32, #tpu.memory_space<vmem>>
        %dma_wait3A_404 = arith.constant 0 : i32
        %dma_wait3A_405 = arith.constant 0 : i32
        %dma_wait3A_406 = tpu.memref_slice %arg17[%dma_wait3A_404, %dma_wait3A_405] : memref<10240x64xf32, #tpu.memory_space<vmem_shared>> -> memref<10240x64xf32, #tpu.memory_space<vmem_shared>>
        tpu.wait_indirect_dma semaphore(%arg31 : memref<!tpu.dma_semaphore, #tpu.memory_space<semaphore_mem>>) src(%arg14 : memref<128x64xf32, #tpu.memory_space<vmem>>) dst(%dma_wait3A_406 : memref<10240x64xf32, #tpu.memory_space<vmem_shared>>)
      } else {
      }
      %dma_start3A_226 = arith.constant 0 : i32
      %dma_start3A_227 = tpu.memref_slice %arg7[%add3A_220, %dma_start3A_226] : memref<80x128xi32, #tpu.memory_space<vmem>> -> memref<1x128xi32, #tpu.memory_space<vmem>>
      %dma_start3A_228 = tpu.memref_squeeze %dma_start3A_227 : memref<1x128xi32, #tpu.memory_space<vmem>> -> memref<128xi32, #tpu.memory_space<vmem>>
      %dma_start3A_229 = arith.constant 0 : i32
      %dma_start3A_230 = arith.constant 0 : i32
      %dma_start3A_231 = tpu.memref_slice %arg2[%dma_start3A_229, %dma_start3A_230] : memref<10000x64xf32, #tpu.memory_space<hbm>> -> memref<10000x64xf32, #tpu.memory_space<hbm>>
      tpu.enqueue_indirect_dma source(%dma_start3A_231 : memref<10000x64xf32, #tpu.memory_space<hbm>>) target(%arg14 : memref<128x64xf32, #tpu.memory_space<vmem>>) offsets(%dma_start3A_228 : memref<128xi32, #tpu.memory_space<vmem>>) semaphore(%arg23 : memref<!tpu.dma_semaphore, #tpu.memory_space<semaphore_mem>>)
      %mul3A_232 = arith.constant 8 : i32
      %mul3A_233 = arith.muli %while3A_138, %mul3A_232 : i32
      %add3A_234 = arith.addi %sub3A, %mul3A_233 : i32
      %add3A_235 = arith.constant 6 : i32
      %add3A_236 = arith.addi %add3A_234, %add3A_235 : i32
      %gt3A_237 = arith.constant 0 : i32
      %gt3A_238 = arith.cmpi sgt, %while3A_138, %gt3A_237 : i32
      %convert_element_type3A_239 = arith.extui %gt3A_238 : i1 to i32
      %cond3A_240 = arith.constant 0 : i32
      %cond3A_241 = arith.cmpi ne, %convert_element_type3A_239, %cond3A_240 : i32
      scf.if %cond3A_241 {
        %dma_wait3A_400 = arith.constant 0 : i32
        %dma_wait3A_401 = arith.constant 0 : i32
        %dma_wait3A_402 = tpu.memref_slice %arg8[%dma_wait3A_400, %dma_wait3A_401] : memref<80x128xi32, #tpu.memory_space<vmem>> -> memref<1x128xi32, #tpu.memory_space<vmem>>
        %dma_wait3A_403 = tpu.memref_squeeze %dma_wait3A_402 : memref<1x128xi32, #tpu.memory_space<vmem>> -> memref<128xi32, #tpu.memory_space<vmem>>
        %dma_wait3A_404 = arith.constant 0 : i32
        %dma_wait3A_405 = arith.constant 0 : i32
        %dma_wait3A_406 = tpu.memref_slice %arg17[%dma_wait3A_404, %dma_wait3A_405] : memref<10240x64xf32, #tpu.memory_space<vmem_shared>> -> memref<10240x64xf32, #tpu.memory_space<vmem_shared>>
        tpu.wait_indirect_dma semaphore(%arg32 : memref<!tpu.dma_semaphore, #tpu.memory_space<semaphore_mem>>) src(%arg15 : memref<128x64xf32, #tpu.memory_space<vmem>>) dst(%dma_wait3A_406 : memref<10240x64xf32, #tpu.memory_space<vmem_shared>>)
      } else {
      }
      %dma_start3A_242 = arith.constant 0 : i32
      %dma_start3A_243 = tpu.memref_slice %arg7[%add3A_236, %dma_start3A_242] : memref<80x128xi32, #tpu.memory_space<vmem>> -> memref<1x128xi32, #tpu.memory_space<vmem>>
      %dma_start3A_244 = tpu.memref_squeeze %dma_start3A_243 : memref<1x128xi32, #tpu.memory_space<vmem>> -> memref<128xi32, #tpu.memory_space<vmem>>
      %dma_start3A_245 = arith.constant 0 : i32
      %dma_start3A_246 = arith.constant 0 : i32
      %dma_start3A_247 = tpu.memref_slice %arg2[%dma_start3A_245, %dma_start3A_246] : memref<10000x64xf32, #tpu.memory_space<hbm>> -> memref<10000x64xf32, #tpu.memory_space<hbm>>
      tpu.enqueue_indirect_dma source(%dma_start3A_247 : memref<10000x64xf32, #tpu.memory_space<hbm>>) target(%arg15 : memref<128x64xf32, #tpu.memory_space<vmem>>) offsets(%dma_start3A_244 : memref<128xi32, #tpu.memory_space<vmem>>) semaphore(%arg24 : memref<!tpu.dma_semaphore, #tpu.memory_space<semaphore_mem>>)
      %mul3A_248 = arith.constant 8 : i32
      %mul3A_249 = arith.muli %while3A_138, %mul3A_248 : i32
      %add3A_250 = arith.addi %sub3A, %mul3A_249 : i32
      %add3A_251 = arith.constant 7 : i32
      %add3A_252 = arith.addi %add3A_250, %add3A_251 : i32
      %gt3A_253 = arith.constant 0 : i32
      %gt3A_254 = arith.cmpi sgt, %while3A_138, %gt3A_253 : i32
      %convert_element_type3A_255 = arith.extui %gt3A_254 : i1 to i32
      %cond3A_256 = arith.constant 0 : i32
      %cond3A_257 = arith.cmpi ne, %convert_element_type3A_255, %cond3A_256 : i32
      scf.if %cond3A_257 {
        %dma_wait3A_400 = arith.constant 0 : i32
        %dma_wait3A_401 = arith.constant 0 : i32
        %dma_wait3A_402 = tpu.memref_slice %arg8[%dma_wait3A_400, %dma_wait3A_401] : memref<80x128xi32, #tpu.memory_space<vmem>> -> memref<1x128xi32, #tpu.memory_space<vmem>>
        %dma_wait3A_403 = tpu.memref_squeeze %dma_wait3A_402 : memref<1x128xi32, #tpu.memory_space<vmem>> -> memref<128xi32, #tpu.memory_space<vmem>>
        %dma_wait3A_404 = arith.constant 0 : i32
        %dma_wait3A_405 = arith.constant 0 : i32
        %dma_wait3A_406 = tpu.memref_slice %arg17[%dma_wait3A_404, %dma_wait3A_405] : memref<10240x64xf32, #tpu.memory_space<vmem_shared>> -> memref<10240x64xf32, #tpu.memory_space<vmem_shared>>
        tpu.wait_indirect_dma semaphore(%arg33 : memref<!tpu.dma_semaphore, #tpu.memory_space<semaphore_mem>>) src(%arg16 : memref<128x64xf32, #tpu.memory_space<vmem>>) dst(%dma_wait3A_406 : memref<10240x64xf32, #tpu.memory_space<vmem_shared>>)
      } else {
      }
      %dma_start3A_258 = arith.constant 0 : i32
      %dma_start3A_259 = tpu.memref_slice %arg7[%add3A_252, %dma_start3A_258] : memref<80x128xi32, #tpu.memory_space<vmem>> -> memref<1x128xi32, #tpu.memory_space<vmem>>
      %dma_start3A_260 = tpu.memref_squeeze %dma_start3A_259 : memref<1x128xi32, #tpu.memory_space<vmem>> -> memref<128xi32, #tpu.memory_space<vmem>>
      %dma_start3A_261 = arith.constant 0 : i32
      %dma_start3A_262 = arith.constant 0 : i32
      %dma_start3A_263 = tpu.memref_slice %arg2[%dma_start3A_261, %dma_start3A_262] : memref<10000x64xf32, #tpu.memory_space<hbm>> -> memref<10000x64xf32, #tpu.memory_space<hbm>>
      tpu.enqueue_indirect_dma source(%dma_start3A_263 : memref<10000x64xf32, #tpu.memory_space<hbm>>) target(%arg16 : memref<128x64xf32, #tpu.memory_space<vmem>>) offsets(%dma_start3A_260 : memref<128xi32, #tpu.memory_space<vmem>>) semaphore(%arg25 : memref<!tpu.dma_semaphore, #tpu.memory_space<semaphore_mem>>)
      %mul3A_264 = arith.constant 8 : i32
      %mul3A_265 = arith.muli %while3A_138, %mul3A_264 : i32
      %add3A_266 = arith.addi %sub3A, %mul3A_265 : i32
      %add3A_267 = arith.constant 0 : i32
      %add3A_268 = arith.addi %add3A_266, %add3A_267 : i32
      %dma_wait3A_269 = arith.constant 0 : i32
      %dma_wait3A_270 = tpu.memref_slice %arg7[%add3A_143, %dma_wait3A_269] : memref<80x128xi32, #tpu.memory_space<vmem>> -> memref<1x128xi32, #tpu.memory_space<vmem>>
      %dma_wait3A_271 = tpu.memref_squeeze %dma_wait3A_270 : memref<1x128xi32, #tpu.memory_space<vmem>> -> memref<128xi32, #tpu.memory_space<vmem>>
      %dma_wait3A_272 = arith.constant 0 : i32
      %dma_wait3A_273 = arith.constant 0 : i32
      %dma_wait3A_274 = tpu.memref_slice %arg2[%dma_wait3A_272, %dma_wait3A_273] : memref<10000x64xf32, #tpu.memory_space<hbm>> -> memref<10000x64xf32, #tpu.memory_space<hbm>>
      tpu.wait_indirect_dma semaphore(%arg18 : memref<!tpu.dma_semaphore, #tpu.memory_space<semaphore_mem>>) src(%dma_wait3A_274 : memref<10000x64xf32, #tpu.memory_space<hbm>>) dst(%arg9 : memref<128x64xf32, #tpu.memory_space<vmem>>)
      %dma_start3A_275 = arith.constant 0 : i32
      %dma_start3A_276 = tpu.memref_slice %arg8[%add3A_268, %dma_start3A_275] : memref<80x128xi32, #tpu.memory_space<vmem>> -> memref<1x128xi32, #tpu.memory_space<vmem>>
      %dma_start3A_277 = tpu.memref_squeeze %dma_start3A_276 : memref<1x128xi32, #tpu.memory_space<vmem>> -> memref<128xi32, #tpu.memory_space<vmem>>
      %dma_start3A_278 = arith.constant 0 : i32
      %dma_start3A_279 = arith.constant 0 : i32
      %dma_start3A_280 = tpu.memref_slice %arg17[%dma_start3A_278, %dma_start3A_279] : memref<10240x64xf32, #tpu.memory_space<vmem_shared>> -> memref<10240x64xf32, #tpu.memory_space<vmem_shared>>
      tpu.enqueue_indirect_dma source(%arg9 : memref<128x64xf32, #tpu.memory_space<vmem>>) target(%dma_start3A_280 : memref<10240x64xf32, #tpu.memory_space<vmem_shared>>) offsets(%dma_start3A_277 : memref<128xi32, #tpu.memory_space<vmem>>) semaphore(%arg26 : memref<!tpu.dma_semaphore, #tpu.memory_space<semaphore_mem>>) {add = true}
      %mul3A_281 = arith.constant 8 : i32
      %mul3A_282 = arith.muli %while3A_138, %mul3A_281 : i32
      %add3A_283 = arith.addi %sub3A, %mul3A_282 : i32
      %add3A_284 = arith.constant 1 : i32
      %add3A_285 = arith.addi %add3A_283, %add3A_284 : i32
      %dma_wait3A_286 = arith.constant 0 : i32
      %dma_wait3A_287 = tpu.memref_slice %arg7[%add3A_156, %dma_wait3A_286] : memref<80x128xi32, #tpu.memory_space<vmem>> -> memref<1x128xi32, #tpu.memory_space<vmem>>
      %dma_wait3A_288 = tpu.memref_squeeze %dma_wait3A_287 : memref<1x128xi32, #tpu.memory_space<vmem>> -> memref<128xi32, #tpu.memory_space<vmem>>
      %dma_wait3A_289 = arith.constant 0 : i32
      %dma_wait3A_290 = arith.constant 0 : i32
      %dma_wait3A_291 = tpu.memref_slice %arg2[%dma_wait3A_289, %dma_wait3A_290] : memref<10000x64xf32, #tpu.memory_space<hbm>> -> memref<10000x64xf32, #tpu.memory_space<hbm>>
      tpu.wait_indirect_dma semaphore(%arg19 : memref<!tpu.dma_semaphore, #tpu.memory_space<semaphore_mem>>) src(%dma_wait3A_291 : memref<10000x64xf32, #tpu.memory_space<hbm>>) dst(%arg10 : memref<128x64xf32, #tpu.memory_space<vmem>>)
      %dma_start3A_292 = arith.constant 0 : i32
      %dma_start3A_293 = tpu.memref_slice %arg8[%add3A_285, %dma_start3A_292] : memref<80x128xi32, #tpu.memory_space<vmem>> -> memref<1x128xi32, #tpu.memory_space<vmem>>
      %dma_start3A_294 = tpu.memref_squeeze %dma_start3A_293 : memref<1x128xi32, #tpu.memory_space<vmem>> -> memref<128xi32, #tpu.memory_space<vmem>>
      %dma_start3A_295 = arith.constant 0 : i32
      %dma_start3A_296 = arith.constant 0 : i32
      %dma_start3A_297 = tpu.memref_slice %arg17[%dma_start3A_295, %dma_start3A_296] : memref<10240x64xf32, #tpu.memory_space<vmem_shared>> -> memref<10240x64xf32, #tpu.memory_space<vmem_shared>>
      tpu.enqueue_indirect_dma source(%arg10 : memref<128x64xf32, #tpu.memory_space<vmem>>) target(%dma_start3A_297 : memref<10240x64xf32, #tpu.memory_space<vmem_shared>>) offsets(%dma_start3A_294 : memref<128xi32, #tpu.memory_space<vmem>>) semaphore(%arg27 : memref<!tpu.dma_semaphore, #tpu.memory_space<semaphore_mem>>) {add = true}
      %mul3A_298 = arith.constant 8 : i32
      %mul3A_299 = arith.muli %while3A_138, %mul3A_298 : i32
      %add3A_300 = arith.addi %sub3A, %mul3A_299 : i32
      %add3A_301 = arith.constant 2 : i32
      %add3A_302 = arith.addi %add3A_300, %add3A_301 : i32
      %dma_wait3A_303 = arith.constant 0 : i32
      %dma_wait3A_304 = tpu.memref_slice %arg7[%add3A_172, %dma_wait3A_303] : memref<80x128xi32, #tpu.memory_space<vmem>> -> memref<1x128xi32, #tpu.memory_space<vmem>>
      %dma_wait3A_305 = tpu.memref_squeeze %dma_wait3A_304 : memref<1x128xi32, #tpu.memory_space<vmem>> -> memref<128xi32, #tpu.memory_space<vmem>>
      %dma_wait3A_306 = arith.constant 0 : i32
      %dma_wait3A_307 = arith.constant 0 : i32
      %dma_wait3A_308 = tpu.memref_slice %arg2[%dma_wait3A_306, %dma_wait3A_307] : memref<10000x64xf32, #tpu.memory_space<hbm>> -> memref<10000x64xf32, #tpu.memory_space<hbm>>
      tpu.wait_indirect_dma semaphore(%arg20 : memref<!tpu.dma_semaphore, #tpu.memory_space<semaphore_mem>>) src(%dma_wait3A_308 : memref<10000x64xf32, #tpu.memory_space<hbm>>) dst(%arg11 : memref<128x64xf32, #tpu.memory_space<vmem>>)
      %dma_start3A_309 = arith.constant 0 : i32
      %dma_start3A_310 = tpu.memref_slice %arg8[%add3A_302, %dma_start3A_309] : memref<80x128xi32, #tpu.memory_space<vmem>> -> memref<1x128xi32, #tpu.memory_space<vmem>>
      %dma_start3A_311 = tpu.memref_squeeze %dma_start3A_310 : memref<1x128xi32, #tpu.memory_space<vmem>> -> memref<128xi32, #tpu.memory_space<vmem>>
      %dma_start3A_312 = arith.constant 0 : i32
      %dma_start3A_313 = arith.constant 0 : i32
      %dma_start3A_314 = tpu.memref_slice %arg17[%dma_start3A_312, %dma_start3A_313] : memref<10240x64xf32, #tpu.memory_space<vmem_shared>> -> memref<10240x64xf32, #tpu.memory_space<vmem_shared>>
      tpu.enqueue_indirect_dma source(%arg11 : memref<128x64xf32, #tpu.memory_space<vmem>>) target(%dma_start3A_314 : memref<10240x64xf32, #tpu.memory_space<vmem_shared>>) offsets(%dma_start3A_311 : memref<128xi32, #tpu.memory_space<vmem>>) semaphore(%arg28 : memref<!tpu.dma_semaphore, #tpu.memory_space<semaphore_mem>>) {add = true}
      %mul3A_315 = arith.constant 8 : i32
      %mul3A_316 = arith.muli %while3A_138, %mul3A_315 : i32
      %add3A_317 = arith.addi %sub3A, %mul3A_316 : i32
      %add3A_318 = arith.constant 3 : i32
      %add3A_319 = arith.addi %add3A_317, %add3A_318 : i32
      %dma_wait3A_320 = arith.constant 0 : i32
      %dma_wait3A_321 = tpu.memref_slice %arg7[%add3A_188, %dma_wait3A_320] : memref<80x128xi32, #tpu.memory_space<vmem>> -> memref<1x128xi32, #tpu.memory_space<vmem>>
      %dma_wait3A_322 = tpu.memref_squeeze %dma_wait3A_321 : memref<1x128xi32, #tpu.memory_space<vmem>> -> memref<128xi32, #tpu.memory_space<vmem>>
      %dma_wait3A_323 = arith.constant 0 : i32
      %dma_wait3A_324 = arith.constant 0 : i32
      %dma_wait3A_325 = tpu.memref_slice %arg2[%dma_wait3A_323, %dma_wait3A_324] : memref<10000x64xf32, #tpu.memory_space<hbm>> -> memref<10000x64xf32, #tpu.memory_space<hbm>>
      tpu.wait_indirect_dma semaphore(%arg21 : memref<!tpu.dma_semaphore, #tpu.memory_space<semaphore_mem>>) src(%dma_wait3A_325 : memref<10000x64xf32, #tpu.memory_space<hbm>>) dst(%arg12 : memref<128x64xf32, #tpu.memory_space<vmem>>)
      %dma_start3A_326 = arith.constant 0 : i32
      %dma_start3A_327 = tpu.memref_slice %arg8[%add3A_319, %dma_start3A_326] : memref<80x128xi32, #tpu.memory_space<vmem>> -> memref<1x128xi32, #tpu.memory_space<vmem>>
      %dma_start3A_328 = tpu.memref_squeeze %dma_start3A_327 : memref<1x128xi32, #tpu.memory_space<vmem>> -> memref<128xi32, #tpu.memory_space<vmem>>
      %dma_start3A_329 = arith.constant 0 : i32
      %dma_start3A_330 = arith.constant 0 : i32
      %dma_start3A_331 = tpu.memref_slice %arg17[%dma_start3A_329, %dma_start3A_330] : memref<10240x64xf32, #tpu.memory_space<vmem_shared>> -> memref<10240x64xf32, #tpu.memory_space<vmem_shared>>
      tpu.enqueue_indirect_dma source(%arg12 : memref<128x64xf32, #tpu.memory_space<vmem>>) target(%dma_start3A_331 : memref<10240x64xf32, #tpu.memory_space<vmem_shared>>) offsets(%dma_start3A_328 : memref<128xi32, #tpu.memory_space<vmem>>) semaphore(%arg29 : memref<!tpu.dma_semaphore, #tpu.memory_space<semaphore_mem>>) {add = true}
      %mul3A_332 = arith.constant 8 : i32
      %mul3A_333 = arith.muli %while3A_138, %mul3A_332 : i32
      %add3A_334 = arith.addi %sub3A, %mul3A_333 : i32
      %add3A_335 = arith.constant 4 : i32
      %add3A_336 = arith.addi %add3A_334, %add3A_335 : i32
      %dma_wait3A_337 = arith.constant 0 : i32
      %dma_wait3A_338 = tpu.memref_slice %arg7[%add3A_204, %dma_wait3A_337] : memref<80x128xi32, #tpu.memory_space<vmem>> -> memref<1x128xi32, #tpu.memory_space<vmem>>
      %dma_wait3A_339 = tpu.memref_squeeze %dma_wait3A_338 : memref<1x128xi32, #tpu.memory_space<vmem>> -> memref<128xi32, #tpu.memory_space<vmem>>
      %dma_wait3A_340 = arith.constant 0 : i32
      %dma_wait3A_341 = arith.constant 0 : i32
      %dma_wait3A_342 = tpu.memref_slice %arg2[%dma_wait3A_340, %dma_wait3A_341] : memref<10000x64xf32, #tpu.memory_space<hbm>> -> memref<10000x64xf32, #tpu.memory_space<hbm>>
      tpu.wait_indirect_dma semaphore(%arg22 : memref<!tpu.dma_semaphore, #tpu.memory_space<semaphore_mem>>) src(%dma_wait3A_342 : memref<10000x64xf32, #tpu.memory_space<hbm>>) dst(%arg13 : memref<128x64xf32, #tpu.memory_space<vmem>>)
      %dma_start3A_343 = arith.constant 0 : i32
      %dma_start3A_344 = tpu.memref_slice %arg8[%add3A_336, %dma_start3A_343] : memref<80x128xi32, #tpu.memory_space<vmem>> -> memref<1x128xi32, #tpu.memory_space<vmem>>
      %dma_start3A_345 = tpu.memref_squeeze %dma_start3A_344 : memref<1x128xi32, #tpu.memory_space<vmem>> -> memref<128xi32, #tpu.memory_space<vmem>>
      %dma_start3A_346 = arith.constant 0 : i32
      %dma_start3A_347 = arith.constant 0 : i32
      %dma_start3A_348 = tpu.memref_slice %arg17[%dma_start3A_346, %dma_start3A_347] : memref<10240x64xf32, #tpu.memory_space<vmem_shared>> -> memref<10240x64xf32, #tpu.memory_space<vmem_shared>>
      tpu.enqueue_indirect_dma source(%arg13 : memref<128x64xf32, #tpu.memory_space<vmem>>) target(%dma_start3A_348 : memref<10240x64xf32, #tpu.memory_space<vmem_shared>>) offsets(%dma_start3A_345 : memref<128xi32, #tpu.memory_space<vmem>>) semaphore(%arg30 : memref<!tpu.dma_semaphore, #tpu.memory_space<semaphore_mem>>) {add = true}
      %mul3A_349 = arith.constant 8 : i32
      %mul3A_350 = arith.muli %while3A_138, %mul3A_349 : i32
      %add3A_351 = arith.addi %sub3A, %mul3A_350 : i32
      %add3A_352 = arith.constant 5 : i32
      %add3A_353 = arith.addi %add3A_351, %add3A_352 : i32
      %dma_wait3A_354 = arith.constant 0 : i32
      %dma_wait3A_355 = tpu.memref_slice %arg7[%add3A_220, %dma_wait3A_354] : memref<80x128xi32, #tpu.memory_space<vmem>> -> memref<1x128xi32, #tpu.memory_space<vmem>>
      %dma_wait3A_356 = tpu.memref_squeeze %dma_wait3A_355 : memref<1x128xi32, #tpu.memory_space<vmem>> -> memref<128xi32, #tpu.memory_space<vmem>>
      %dma_wait3A_357 = arith.constant 0 : i32
      %dma_wait3A_358 = arith.constant 0 : i32
      %dma_wait3A_359 = tpu.memref_slice %arg2[%dma_wait3A_357, %dma_wait3A_358] : memref<10000x64xf32, #tpu.memory_space<hbm>> -> memref<10000x64xf32, #tpu.memory_space<hbm>>
      tpu.wait_indirect_dma semaphore(%arg23 : memref<!tpu.dma_semaphore, #tpu.memory_space<semaphore_mem>>) src(%dma_wait3A_359 : memref<10000x64xf32, #tpu.memory_space<hbm>>) dst(%arg14 : memref<128x64xf32, #tpu.memory_space<vmem>>)
      %dma_start3A_360 = arith.constant 0 : i32
      %dma_start3A_361 = tpu.memref_slice %arg8[%add3A_353, %dma_start3A_360] : memref<80x128xi32, #tpu.memory_space<vmem>> -> memref<1x128xi32, #tpu.memory_space<vmem>>
      %dma_start3A_362 = tpu.memref_squeeze %dma_start3A_361 : memref<1x128xi32, #tpu.memory_space<vmem>> -> memref<128xi32, #tpu.memory_space<vmem>>
      %dma_start3A_363 = arith.constant 0 : i32
      %dma_start3A_364 = arith.constant 0 : i32
      %dma_start3A_365 = tpu.memref_slice %arg17[%dma_start3A_363, %dma_start3A_364] : memref<10240x64xf32, #tpu.memory_space<vmem_shared>> -> memref<10240x64xf32, #tpu.memory_space<vmem_shared>>
      tpu.enqueue_indirect_dma source(%arg14 : memref<128x64xf32, #tpu.memory_space<vmem>>) target(%dma_start3A_365 : memref<10240x64xf32, #tpu.memory_space<vmem_shared>>) offsets(%dma_start3A_362 : memref<128xi32, #tpu.memory_space<vmem>>) semaphore(%arg31 : memref<!tpu.dma_semaphore, #tpu.memory_space<semaphore_mem>>) {add = true}
      %mul3A_366 = arith.constant 8 : i32
      %mul3A_367 = arith.muli %while3A_138, %mul3A_366 : i32
      %add3A_368 = arith.addi %sub3A, %mul3A_367 : i32
      %add3A_369 = arith.constant 6 : i32
      %add3A_370 = arith.addi %add3A_368, %add3A_369 : i32
      %dma_wait3A_371 = arith.constant 0 : i32
      %dma_wait3A_372 = tpu.memref_slice %arg7[%add3A_236, %dma_wait3A_371] : memref<80x128xi32, #tpu.memory_space<vmem>> -> memref<1x128xi32, #tpu.memory_space<vmem>>
      %dma_wait3A_373 = tpu.memref_squeeze %dma_wait3A_372 : memref<1x128xi32, #tpu.memory_space<vmem>> -> memref<128xi32, #tpu.memory_space<vmem>>
      %dma_wait3A_374 = arith.constant 0 : i32
      %dma_wait3A_375 = arith.constant 0 : i32
      %dma_wait3A_376 = tpu.memref_slice %arg2[%dma_wait3A_374, %dma_wait3A_375] : memref<10000x64xf32, #tpu.memory_space<hbm>> -> memref<10000x64xf32, #tpu.memory_space<hbm>>
      tpu.wait_indirect_dma semaphore(%arg24 : memref<!tpu.dma_semaphore, #tpu.memory_space<semaphore_mem>>) src(%dma_wait3A_376 : memref<10000x64xf32, #tpu.memory_space<hbm>>) dst(%arg15 : memref<128x64xf32, #tpu.memory_space<vmem>>)
      %dma_start3A_377 = arith.constant 0 : i32
      %dma_start3A_378 = tpu.memref_slice %arg8[%add3A_370, %dma_start3A_377] : memref<80x128xi32, #tpu.memory_space<vmem>> -> memref<1x128xi32, #tpu.memory_space<vmem>>
      %dma_start3A_379 = tpu.memref_squeeze %dma_start3A_378 : memref<1x128xi32, #tpu.memory_space<vmem>> -> memref<128xi32, #tpu.memory_space<vmem>>
      %dma_start3A_380 = arith.constant 0 : i32
      %dma_start3A_381 = arith.constant 0 : i32
      %dma_start3A_382 = tpu.memref_slice %arg17[%dma_start3A_380, %dma_start3A_381] : memref<10240x64xf32, #tpu.memory_space<vmem_shared>> -> memref<10240x64xf32, #tpu.memory_space<vmem_shared>>
      tpu.enqueue_indirect_dma source(%arg15 : memref<128x64xf32, #tpu.memory_space<vmem>>) target(%dma_start3A_382 : memref<10240x64xf32, #tpu.memory_space<vmem_shared>>) offsets(%dma_start3A_379 : memref<128xi32, #tpu.memory_space<vmem>>) semaphore(%arg32 : memref<!tpu.dma_semaphore, #tpu.memory_space<semaphore_mem>>) {add = true}
      %mul3A_383 = arith.constant 8 : i32
      %mul3A_384 = arith.muli %while3A_138, %mul3A_383 : i32
      %add3A_385 = arith.addi %sub3A, %mul3A_384 : i32
      %add3A_386 = arith.constant 7 : i32
      %add3A_387 = arith.addi %add3A_385, %add3A_386 : i32
      %dma_wait3A_388 = arith.constant 0 : i32
      %dma_wait3A_389 = tpu.memref_slice %arg7[%add3A_252, %dma_wait3A_388] : memref<80x128xi32, #tpu.memory_space<vmem>> -> memref<1x128xi32, #tpu.memory_space<vmem>>
      %dma_wait3A_390 = tpu.memref_squeeze %dma_wait3A_389 : memref<1x128xi32, #tpu.memory_space<vmem>> -> memref<128xi32, #tpu.memory_space<vmem>>
      %dma_wait3A_391 = arith.constant 0 : i32
      %dma_wait3A_392 = arith.constant 0 : i32
      %dma_wait3A_393 = tpu.memref_slice %arg2[%dma_wait3A_391, %dma_wait3A_392] : memref<10000x64xf32, #tpu.memory_space<hbm>> -> memref<10000x64xf32, #tpu.memory_space<hbm>>
      tpu.wait_indirect_dma semaphore(%arg25 : memref<!tpu.dma_semaphore, #tpu.memory_space<semaphore_mem>>) src(%dma_wait3A_393 : memref<10000x64xf32, #tpu.memory_space<hbm>>) dst(%arg16 : memref<128x64xf32, #tpu.memory_space<vmem>>)
      %dma_start3A_394 = arith.constant 0 : i32
      %dma_start3A_395 = tpu.memref_slice %arg8[%add3A_387, %dma_start3A_394] : memref<80x128xi32, #tpu.memory_space<vmem>> -> memref<1x128xi32, #tpu.memory_space<vmem>>
      %dma_start3A_396 = tpu.memref_squeeze %dma_start3A_395 : memref<1x128xi32, #tpu.memory_space<vmem>> -> memref<128xi32, #tpu.memory_space<vmem>>
      %dma_start3A_397 = arith.constant 0 : i32
      %dma_start3A_398 = arith.constant 0 : i32
      %dma_start3A_399 = tpu.memref_slice %arg17[%dma_start3A_397, %dma_start3A_398] : memref<10240x64xf32, #tpu.memory_space<vmem_shared>> -> memref<10240x64xf32, #tpu.memory_space<vmem_shared>>
      tpu.enqueue_indirect_dma source(%arg16 : memref<128x64xf32, #tpu.memory_space<vmem>>) target(%dma_start3A_399 : memref<10240x64xf32, #tpu.memory_space<vmem_shared>>) offsets(%dma_start3A_396 : memref<128xi32, #tpu.memory_space<vmem>>) semaphore(%arg33 : memref<!tpu.dma_semaphore, #tpu.memory_space<semaphore_mem>>) {add = true}
    }
    %dma_wait3A_64 = arith.constant 0 : i32
    %dma_wait3A_65 = arith.constant 0 : i32
    %dma_wait3A_66 = tpu.memref_slice %arg8[%dma_wait3A_64, %dma_wait3A_65] : memref<80x128xi32, #tpu.memory_space<vmem>> -> memref<1x128xi32, #tpu.memory_space<vmem>>
    %dma_wait3A_67 = tpu.memref_squeeze %dma_wait3A_66 : memref<1x128xi32, #tpu.memory_space<vmem>> -> memref<128xi32, #tpu.memory_space<vmem>>
    %dma_wait3A_68 = arith.constant 0 : i32
    %dma_wait3A_69 = arith.constant 0 : i32
    %dma_wait3A_70 = tpu.memref_slice %arg17[%dma_wait3A_68, %dma_wait3A_69] : memref<10240x64xf32, #tpu.memory_space<vmem_shared>> -> memref<10240x64xf32, #tpu.memory_space<vmem_shared>>
    tpu.wait_indirect_dma semaphore(%arg26 : memref<!tpu.dma_semaphore, #tpu.memory_space<semaphore_mem>>) src(%arg9 : memref<128x64xf32, #tpu.memory_space<vmem>>) dst(%dma_wait3A_70 : memref<10240x64xf32, #tpu.memory_space<vmem_shared>>)
    %dma_wait3A_71 = arith.constant 0 : i32
    %dma_wait3A_72 = arith.constant 0 : i32
    %dma_wait3A_73 = tpu.memref_slice %arg8[%dma_wait3A_71, %dma_wait3A_72] : memref<80x128xi32, #tpu.memory_space<vmem>> -> memref<1x128xi32, #tpu.memory_space<vmem>>
    %dma_wait3A_74 = tpu.memref_squeeze %dma_wait3A_73 : memref<1x128xi32, #tpu.memory_space<vmem>> -> memref<128xi32, #tpu.memory_space<vmem>>
    %dma_wait3A_75 = arith.constant 0 : i32
    %dma_wait3A_76 = arith.constant 0 : i32
    %dma_wait3A_77 = tpu.memref_slice %arg17[%dma_wait3A_75, %dma_wait3A_76] : memref<10240x64xf32, #tpu.memory_space<vmem_shared>> -> memref<10240x64xf32, #tpu.memory_space<vmem_shared>>
    tpu.wait_indirect_dma semaphore(%arg27 : memref<!tpu.dma_semaphore, #tpu.memory_space<semaphore_mem>>) src(%arg10 : memref<128x64xf32, #tpu.memory_space<vmem>>) dst(%dma_wait3A_77 : memref<10240x64xf32, #tpu.memory_space<vmem_shared>>)
    %dma_wait3A_78 = arith.constant 0 : i32
    %dma_wait3A_79 = arith.constant 0 : i32
    %dma_wait3A_80 = tpu.memref_slice %arg8[%dma_wait3A_78, %dma_wait3A_79] : memref<80x128xi32, #tpu.memory_space<vmem>> -> memref<1x128xi32, #tpu.memory_space<vmem>>
    %dma_wait3A_81 = tpu.memref_squeeze %dma_wait3A_80 : memref<1x128xi32, #tpu.memory_space<vmem>> -> memref<128xi32, #tpu.memory_space<vmem>>
    %dma_wait3A_82 = arith.constant 0 : i32
    %dma_wait3A_83 = arith.constant 0 : i32
    %dma_wait3A_84 = tpu.memref_slice %arg17[%dma_wait3A_82, %dma_wait3A_83] : memref<10240x64xf32, #tpu.memory_space<vmem_shared>> -> memref<10240x64xf32, #tpu.memory_space<vmem_shared>>
    tpu.wait_indirect_dma semaphore(%arg28 : memref<!tpu.dma_semaphore, #tpu.memory_space<semaphore_mem>>) src(%arg11 : memref<128x64xf32, #tpu.memory_space<vmem>>) dst(%dma_wait3A_84 : memref<10240x64xf32, #tpu.memory_space<vmem_shared>>)
    %dma_wait3A_85 = arith.constant 0 : i32
    %dma_wait3A_86 = arith.constant 0 : i32
    %dma_wait3A_87 = tpu.memref_slice %arg8[%dma_wait3A_85, %dma_wait3A_86] : memref<80x128xi32, #tpu.memory_space<vmem>> -> memref<1x128xi32, #tpu.memory_space<vmem>>
    %dma_wait3A_88 = tpu.memref_squeeze %dma_wait3A_87 : memref<1x128xi32, #tpu.memory_space<vmem>> -> memref<128xi32, #tpu.memory_space<vmem>>
    %dma_wait3A_89 = arith.constant 0 : i32
    %dma_wait3A_90 = arith.constant 0 : i32
    %dma_wait3A_91 = tpu.memref_slice %arg17[%dma_wait3A_89, %dma_wait3A_90] : memref<10240x64xf32, #tpu.memory_space<vmem_shared>> -> memref<10240x64xf32, #tpu.memory_space<vmem_shared>>
    tpu.wait_indirect_dma semaphore(%arg29 : memref<!tpu.dma_semaphore, #tpu.memory_space<semaphore_mem>>) src(%arg12 : memref<128x64xf32, #tpu.memory_space<vmem>>) dst(%dma_wait3A_91 : memref<10240x64xf32, #tpu.memory_space<vmem_shared>>)
    %dma_wait3A_92 = arith.constant 0 : i32
    %dma_wait3A_93 = arith.constant 0 : i32
    %dma_wait3A_94 = tpu.memref_slice %arg8[%dma_wait3A_92, %dma_wait3A_93] : memref<80x128xi32, #tpu.memory_space<vmem>> -> memref<1x128xi32, #tpu.memory_space<vmem>>
    %dma_wait3A_95 = tpu.memref_squeeze %dma_wait3A_94 : memref<1x128xi32, #tpu.memory_space<vmem>> -> memref<128xi32, #tpu.memory_space<vmem>>
    %dma_wait3A_96 = arith.constant 0 : i32
    %dma_wait3A_97 = arith.constant 0 : i32
    %dma_wait3A_98 = tpu.memref_slice %arg17[%dma_wait3A_96, %dma_wait3A_97] : memref<10240x64xf32, #tpu.memory_space<vmem_shared>> -> memref<10240x64xf32, #tpu.memory_space<vmem_shared>>
    tpu.wait_indirect_dma semaphore(%arg30 : memref<!tpu.dma_semaphore, #tpu.memory_space<semaphore_mem>>) src(%arg13 : memref<128x64xf32, #tpu.memory_space<vmem>>) dst(%dma_wait3A_98 : memref<10240x64xf32, #tpu.memory_space<vmem_shared>>)
    %dma_wait3A_99 = arith.constant 0 : i32
    %dma_wait3A_100 = arith.constant 0 : i32
    %dma_wait3A_101 = tpu.memref_slice %arg8[%dma_wait3A_99, %dma_wait3A_100] : memref<80x128xi32, #tpu.memory_space<vmem>> -> memref<1x128xi32, #tpu.memory_space<vmem>>
    %dma_wait3A_102 = tpu.memref_squeeze %dma_wait3A_101 : memref<1x128xi32, #tpu.memory_space<vmem>> -> memref<128xi32, #tpu.memory_space<vmem>>
    %dma_wait3A_103 = arith.constant 0 : i32
    %dma_wait3A_104 = arith.constant 0 : i32
    %dma_wait3A_105 = tpu.memref_slice %arg17[%dma_wait3A_103, %dma_wait3A_104] : memref<10240x64xf32, #tpu.memory_space<vmem_shared>> -> memref<10240x64xf32, #tpu.memory_space<vmem_shared>>
    tpu.wait_indirect_dma semaphore(%arg31 : memref<!tpu.dma_semaphore, #tpu.memory_space<semaphore_mem>>) src(%arg14 : memref<128x64xf32, #tpu.memory_space<vmem>>) dst(%dma_wait3A_105 : memref<10240x64xf32, #tpu.memory_space<vmem_shared>>)
    %dma_wait3A_106 = arith.constant 0 : i32
    %dma_wait3A_107 = arith.constant 0 : i32
    %dma_wait3A_108 = tpu.memref_slice %arg8[%dma_wait3A_106, %dma_wait3A_107] : memref<80x128xi32, #tpu.memory_space<vmem>> -> memref<1x128xi32, #tpu.memory_space<vmem>>
    %dma_wait3A_109 = tpu.memref_squeeze %dma_wait3A_108 : memref<1x128xi32, #tpu.memory_space<vmem>> -> memref<128xi32, #tpu.memory_space<vmem>>
    %dma_wait3A_110 = arith.constant 0 : i32
    %dma_wait3A_111 = arith.constant 0 : i32
    %dma_wait3A_112 = tpu.memref_slice %arg17[%dma_wait3A_110, %dma_wait3A_111] : memref<10240x64xf32, #tpu.memory_space<vmem_shared>> -> memref<10240x64xf32, #tpu.memory_space<vmem_shared>>
    tpu.wait_indirect_dma semaphore(%arg32 : memref<!tpu.dma_semaphore, #tpu.memory_space<semaphore_mem>>) src(%arg15 : memref<128x64xf32, #tpu.memory_space<vmem>>) dst(%dma_wait3A_112 : memref<10240x64xf32, #tpu.memory_space<vmem_shared>>)
    %dma_wait3A_113 = arith.constant 0 : i32
    %dma_wait3A_114 = arith.constant 0 : i32
    %dma_wait3A_115 = tpu.memref_slice %arg8[%dma_wait3A_113, %dma_wait3A_114] : memref<80x128xi32, #tpu.memory_space<vmem>> -> memref<1x128xi32, #tpu.memory_space<vmem>>
    %dma_wait3A_116 = tpu.memref_squeeze %dma_wait3A_115 : memref<1x128xi32, #tpu.memory_space<vmem>> -> memref<128xi32, #tpu.memory_space<vmem>>
    %dma_wait3A_117 = arith.constant 0 : i32
    %dma_wait3A_118 = arith.constant 0 : i32
    %dma_wait3A_119 = tpu.memref_slice %arg17[%dma_wait3A_117, %dma_wait3A_118] : memref<10240x64xf32, #tpu.memory_space<vmem_shared>> -> memref<10240x64xf32, #tpu.memory_space<vmem_shared>>
    tpu.wait_indirect_dma semaphore(%arg33 : memref<!tpu.dma_semaphore, #tpu.memory_space<semaphore_mem>>) src(%arg16 : memref<128x64xf32, #tpu.memory_space<vmem>>) dst(%dma_wait3A_119 : memref<10240x64xf32, #tpu.memory_space<vmem_shared>>)
    %mul3A_120 = arith.constant 8 : i32
    %mul3A_121 = arith.muli %select_n3A, %mul3A_120 : i32
    %sub3A_122 = arith.subi %min3A_37, %mul3A_121 : i32
    %while3A_123 = arith.constant 0 : i32
    %while3A_124 = arith.constant 0 : i32
    %while3A_125 = arith.subi %sub3A_122, %while3A_124 : i32
    %while3A_126 = arith.addi %while3A_124, %while3A_125 : i32
    %while3A_127 = arith.constant 1 : i32
    %while3A_128 = arith.divsi %while3A_125, %while3A_127 : i32
    %while3A_129 = arith.muli %while3A_128, %while3A_127 : i32
    %while3A_130 = arith.addi %while3A_124, %while3A_129 : i32
    %while3A_131 = arith.constant 1 : i32
    scf.for %while3A_138 = %while3A_124 to %while3A_130 step %while3A_131  : i32 {
      %mul3A_139 = arith.constant 8 : i32
      %mul3A_140 = arith.muli %select_n3A, %mul3A_139 : i32
      %add3A_141 = arith.addi %sub3A, %mul3A_140 : i32
      %add3A_142 = arith.addi %add3A_141, %while3A_138 : i32
      %dma_start3A_143 = arith.constant 0 : i32
      %dma_start3A_144 = tpu.memref_slice %arg7[%add3A_142, %dma_start3A_143] : memref<80x128xi32, #tpu.memory_space<vmem>> -> memref<1x128xi32, #tpu.memory_space<vmem>>
      %dma_start3A_145 = tpu.memref_squeeze %dma_start3A_144 : memref<1x128xi32, #tpu.memory_space<vmem>> -> memref<128xi32, #tpu.memory_space<vmem>>
      %dma_start3A_146 = arith.constant 0 : i32
      %dma_start3A_147 = arith.constant 0 : i32
      %dma_start3A_148 = tpu.memref_slice %arg2[%dma_start3A_146, %dma_start3A_147] : memref<10000x64xf32, #tpu.memory_space<hbm>> -> memref<10000x64xf32, #tpu.memory_space<hbm>>
      tpu.enqueue_indirect_dma source(%dma_start3A_148 : memref<10000x64xf32, #tpu.memory_space<hbm>>) target(%arg9 : memref<128x64xf32, #tpu.memory_space<vmem>>) offsets(%dma_start3A_145 : memref<128xi32, #tpu.memory_space<vmem>>) semaphore(%arg18 : memref<!tpu.dma_semaphore, #tpu.memory_space<semaphore_mem>>)
      %dma_wait3A_149 = arith.constant 0 : i32
      %dma_wait3A_150 = tpu.memref_slice %arg7[%add3A_142, %dma_wait3A_149] : memref<80x128xi32, #tpu.memory_space<vmem>> -> memref<1x128xi32, #tpu.memory_space<vmem>>
      %dma_wait3A_151 = tpu.memref_squeeze %dma_wait3A_150 : memref<1x128xi32, #tpu.memory_space<vmem>> -> memref<128xi32, #tpu.memory_space<vmem>>
      %dma_wait3A_152 = arith.constant 0 : i32
      %dma_wait3A_153 = arith.constant 0 : i32
      %dma_wait3A_154 = tpu.memref_slice %arg2[%dma_wait3A_152, %dma_wait3A_153] : memref<10000x64xf32, #tpu.memory_space<hbm>> -> memref<10000x64xf32, #tpu.memory_space<hbm>>
      tpu.wait_indirect_dma semaphore(%arg18 : memref<!tpu.dma_semaphore, #tpu.memory_space<semaphore_mem>>) src(%dma_wait3A_154 : memref<10000x64xf32, #tpu.memory_space<hbm>>) dst(%arg9 : memref<128x64xf32, #tpu.memory_space<vmem>>)
      %dma_start3A_155 = arith.constant 0 : i32
      %dma_start3A_156 = tpu.memref_slice %arg8[%add3A_142, %dma_start3A_155] : memref<80x128xi32, #tpu.memory_space<vmem>> -> memref<1x128xi32, #tpu.memory_space<vmem>>
      %dma_start3A_157 = tpu.memref_squeeze %dma_start3A_156 : memref<1x128xi32, #tpu.memory_space<vmem>> -> memref<128xi32, #tpu.memory_space<vmem>>
      %dma_start3A_158 = arith.constant 0 : i32
      %dma_start3A_159 = arith.constant 0 : i32
      %dma_start3A_160 = tpu.memref_slice %arg17[%dma_start3A_158, %dma_start3A_159] : memref<10240x64xf32, #tpu.memory_space<vmem_shared>> -> memref<10240x64xf32, #tpu.memory_space<vmem_shared>>
      tpu.enqueue_indirect_dma source(%arg9 : memref<128x64xf32, #tpu.memory_space<vmem>>) target(%dma_start3A_160 : memref<10240x64xf32, #tpu.memory_space<vmem_shared>>) offsets(%dma_start3A_157 : memref<128xi32, #tpu.memory_space<vmem>>) semaphore(%arg26 : memref<!tpu.dma_semaphore, #tpu.memory_space<semaphore_mem>>) {add = true}
      %dma_wait3A_161 = arith.constant 0 : i32
      %dma_wait3A_162 = arith.constant 0 : i32
      %dma_wait3A_163 = tpu.memref_slice %arg8[%dma_wait3A_161, %dma_wait3A_162] : memref<80x128xi32, #tpu.memory_space<vmem>> -> memref<1x128xi32, #tpu.memory_space<vmem>>
      %dma_wait3A_164 = tpu.memref_squeeze %dma_wait3A_163 : memref<1x128xi32, #tpu.memory_space<vmem>> -> memref<128xi32, #tpu.memory_space<vmem>>
      %dma_wait3A_165 = arith.constant 0 : i32
      %dma_wait3A_166 = arith.constant 0 : i32
      %dma_wait3A_167 = tpu.memref_slice %arg17[%dma_wait3A_165, %dma_wait3A_166] : memref<10240x64xf32, #tpu.memory_space<vmem_shared>> -> memref<10240x64xf32, #tpu.memory_space<vmem_shared>>
      tpu.wait_indirect_dma semaphore(%arg26 : memref<!tpu.dma_semaphore, #tpu.memory_space<semaphore_mem>>) src(%arg9 : memref<128x64xf32, #tpu.memory_space<vmem>>) dst(%dma_wait3A_167 : memref<10240x64xf32, #tpu.memory_space<vmem_shared>>)
    }
    %while3A_132 = arith.constant 1 : i32
    scf.for %while3A_138 = %while3A_130 to %while3A_126 step %while3A_132  : i32 {
      %mul3A_139 = arith.constant 8 : i32
      %mul3A_140 = arith.muli %select_n3A, %mul3A_139 : i32
      %add3A_141 = arith.addi %sub3A, %mul3A_140 : i32
      %add3A_142 = arith.addi %add3A_141, %while3A_138 : i32
      %dma_start3A_143 = arith.constant 0 : i32
      %dma_start3A_144 = tpu.memref_slice %arg7[%add3A_142, %dma_start3A_143] : memref<80x128xi32, #tpu.memory_space<vmem>> -> memref<1x128xi32, #tpu.memory_space<vmem>>
      %dma_start3A_145 = tpu.memref_squeeze %dma_start3A_144 : memref<1x128xi32, #tpu.memory_space<vmem>> -> memref<128xi32, #tpu.memory_space<vmem>>
      %dma_start3A_146 = arith.constant 0 : i32
      %dma_start3A_147 = arith.constant 0 : i32
      %dma_start3A_148 = tpu.memref_slice %arg2[%dma_start3A_146, %dma_start3A_147] : memref<10000x64xf32, #tpu.memory_space<hbm>> -> memref<10000x64xf32, #tpu.memory_space<hbm>>
      tpu.enqueue_indirect_dma source(%dma_start3A_148 : memref<10000x64xf32, #tpu.memory_space<hbm>>) target(%arg9 : memref<128x64xf32, #tpu.memory_space<vmem>>) offsets(%dma_start3A_145 : memref<128xi32, #tpu.memory_space<vmem>>) semaphore(%arg18 : memref<!tpu.dma_semaphore, #tpu.memory_space<semaphore_mem>>)
      %dma_wait3A_149 = arith.constant 0 : i32
      %dma_wait3A_150 = tpu.memref_slice %arg7[%add3A_142, %dma_wait3A_149] : memref<80x128xi32, #tpu.memory_space<vmem>> -> memref<1x128xi32, #tpu.memory_space<vmem>>
      %dma_wait3A_151 = tpu.memref_squeeze %dma_wait3A_150 : memref<1x128xi32, #tpu.memory_space<vmem>> -> memref<128xi32, #tpu.memory_space<vmem>>
      %dma_wait3A_152 = arith.constant 0 : i32
      %dma_wait3A_153 = arith.constant 0 : i32
      %dma_wait3A_154 = tpu.memref_slice %arg2[%dma_wait3A_152, %dma_wait3A_153] : memref<10000x64xf32, #tpu.memory_space<hbm>> -> memref<10000x64xf32, #tpu.memory_space<hbm>>
      tpu.wait_indirect_dma semaphore(%arg18 : memref<!tpu.dma_semaphore, #tpu.memory_space<semaphore_mem>>) src(%dma_wait3A_154 : memref<10000x64xf32, #tpu.memory_space<hbm>>) dst(%arg9 : memref<128x64xf32, #tpu.memory_space<vmem>>)
      %dma_start3A_155 = arith.constant 0 : i32
      %dma_start3A_156 = tpu.memref_slice %arg8[%add3A_142, %dma_start3A_155] : memref<80x128xi32, #tpu.memory_space<vmem>> -> memref<1x128xi32, #tpu.memory_space<vmem>>
      %dma_start3A_157 = tpu.memref_squeeze %dma_start3A_156 : memref<1x128xi32, #tpu.memory_space<vmem>> -> memref<128xi32, #tpu.memory_space<vmem>>
      %dma_start3A_158 = arith.constant 0 : i32
      %dma_start3A_159 = arith.constant 0 : i32
      %dma_start3A_160 = tpu.memref_slice %arg17[%dma_start3A_158, %dma_start3A_159] : memref<10240x64xf32, #tpu.memory_space<vmem_shared>> -> memref<10240x64xf32, #tpu.memory_space<vmem_shared>>
      tpu.enqueue_indirect_dma source(%arg9 : memref<128x64xf32, #tpu.memory_space<vmem>>) target(%dma_start3A_160 : memref<10240x64xf32, #tpu.memory_space<vmem_shared>>) offsets(%dma_start3A_157 : memref<128xi32, #tpu.memory_space<vmem>>) semaphore(%arg26 : memref<!tpu.dma_semaphore, #tpu.memory_space<semaphore_mem>>) {add = true}
      %dma_wait3A_161 = arith.constant 0 : i32
      %dma_wait3A_162 = arith.constant 0 : i32
      %dma_wait3A_163 = tpu.memref_slice %arg8[%dma_wait3A_161, %dma_wait3A_162] : memref<80x128xi32, #tpu.memory_space<vmem>> -> memref<1x128xi32, #tpu.memory_space<vmem>>
      %dma_wait3A_164 = tpu.memref_squeeze %dma_wait3A_163 : memref<1x128xi32, #tpu.memory_space<vmem>> -> memref<128xi32, #tpu.memory_space<vmem>>
      %dma_wait3A_165 = arith.constant 0 : i32
      %dma_wait3A_166 = arith.constant 0 : i32
      %dma_wait3A_167 = tpu.memref_slice %arg17[%dma_wait3A_165, %dma_wait3A_166] : memref<10240x64xf32, #tpu.memory_space<vmem_shared>> -> memref<10240x64xf32, #tpu.memory_space<vmem_shared>>
      tpu.wait_indirect_dma semaphore(%arg26 : memref<!tpu.dma_semaphore, #tpu.memory_space<semaphore_mem>>) src(%arg9 : memref<128x64xf32, #tpu.memory_space<vmem>>) dst(%dma_wait3A_167 : memref<10240x64xf32, #tpu.memory_space<vmem_shared>>)
    }
    %barrier3A_133 = arith.constant 0 : index
    tpu.barrier barrier_id(%barrier3A_133)
    %mul3A_134 = arith.constant 640 : i32
    %mul3A_135 = arith.muli %arg1, %mul3A_134 : i32
    %mul3A_136 = arith.constant 640 : i32
    %mul3A_137 = arith.muli %arg1, %mul3A_136 : i32
    "tpu.region"() ({
      %run_scoped3A = tpu.sem_alloc : memref<!tpu.dma_semaphore, #tpu.memory_space<semaphore_mem>>
      %dma_start3A_138 = arith.constant 0 : i32
      %dma_start3A_139 = tpu.memref_slice %arg6[%arg0, %mul3A_137, %dma_start3A_138] : memref<2x10240x64xf32, #tpu.memory_space<hbm>> -> memref<1x640x64xf32, #tpu.memory_space<hbm>>
      %dma_start3A_140 = tpu.memref_squeeze %dma_start3A_139 : memref<1x640x64xf32, #tpu.memory_space<hbm>> -> memref<640x64xf32, #tpu.memory_space<hbm>>
      %dma_start3A_141 = arith.constant 0 : i32
      %dma_start3A_142 = tpu.memref_slice %arg17[%mul3A_135, %dma_start3A_141] : memref<10240x64xf32, #tpu.memory_space<vmem_shared>> -> memref<640x64xf32, #tpu.memory_space<vmem_shared>>
      tpu.enqueue_dma source(%dma_start3A_142 : memref<640x64xf32, #tpu.memory_space<vmem_shared>>) target(%dma_start3A_140 : memref<640x64xf32, #tpu.memory_space<hbm>>) target_semaphore(%run_scoped3A : memref<!tpu.dma_semaphore, #tpu.memory_space<semaphore_mem>>)
      %dma_wait3A_143 = arith.constant 0 : i32
      %dma_wait3A_144 = tpu.memref_slice %arg6[%arg0, %mul3A_137, %dma_wait3A_143] : memref<2x10240x64xf32, #tpu.memory_space<hbm>> -> memref<1x640x64xf32, #tpu.memory_space<hbm>>
      %dma_wait3A_145 = tpu.memref_squeeze %dma_wait3A_144 : memref<1x640x64xf32, #tpu.memory_space<hbm>> -> memref<640x64xf32, #tpu.memory_space<hbm>>
      %dma_wait3A_146 = arith.constant 0 : i32
      %dma_wait3A_147 = tpu.memref_slice %arg17[%mul3A_135, %dma_wait3A_146] : memref<10240x64xf32, #tpu.memory_space<vmem_shared>> -> memref<640x64xf32, #tpu.memory_space<vmem_shared>>
      tpu.wait_dma2 semaphore(%run_scoped3A : memref<!tpu.dma_semaphore, #tpu.memory_space<semaphore_mem>>) src(%dma_wait3A_147 : memref<640x64xf32, #tpu.memory_space<vmem_shared>>) dst(%dma_wait3A_145 : memref<640x64xf32, #tpu.memory_space<hbm>>)
      tpu.yield
    }) : () -> ()
    return
  }
}

#map = affine_map<(d0, d1) -> (0, 0)>
#map1 = affine_map<(d0, d1) -> (0)>
module attributes {stable_mosaic.version = 14 : i64} {
  func.func @deg_kernel(%arg0: i32, %arg1: i32, %arg2: memref<2500x128xi32, #tpu.memory_space<hbm>>, %arg3: memref<10240xf32, #tpu.memory_space<hbm>>, %arg4: memref<2x10240xf32, #tpu.memory_space<hbm>>, %arg5: memref<80x128xi32, #tpu.memory_space<vmem>>, %arg6: memref<128xf32, #tpu.memory_space<vmem>>, %arg7: memref<10240xf32, #tpu.memory_space<vmem_shared>>, %arg8: memref<!tpu.dma_semaphore, #tpu.memory_space<semaphore_mem>>, %arg9: memref<!tpu.dma_semaphore, #tpu.memory_space<semaphore_mem>>, %arg10: memref<!tpu.dma_semaphore, #tpu.memory_space<semaphore_mem>>, %arg11: memref<!tpu.dma_semaphore, #tpu.memory_space<semaphore_mem>>, %arg12: memref<!tpu.dma_semaphore, #tpu.memory_space<semaphore_mem>>, %arg13: memref<!tpu.dma_semaphore, #tpu.memory_space<semaphore_mem>>, %arg14: memref<!tpu.dma_semaphore, #tpu.memory_space<semaphore_mem>>, %arg15: memref<!tpu.dma_semaphore, #tpu.memory_space<semaphore_mem>>, %arg16: memref<!tpu.dma_semaphore, #tpu.memory_space<semaphore_mem>>, %arg17: memref<!tpu.dma_semaphore, #tpu.memory_space<semaphore_mem>>, %arg18: memref<!tpu.dma_semaphore, #tpu.memory_space<semaphore_mem>>, %arg19: memref<!tpu.dma_semaphore, #tpu.memory_space<semaphore_mem>>) attributes {dimension_semantics = [#tpu.dimension_semantics<core_parallel>, #tpu.dimension_semantics<subcore_parallel>], iteration_bounds = array<i64: 2, 16>, scalar_prefetch = 0 : i64, scratch_operands = 15 : i64, tpu.core_type = #tpu.core_type<sc_vector_subcore>, window_params = [{transform_indices = #map}, {transform_indices = #map1}, {transform_indices = #map}]} {
    %mul3A = arith.constant 2 : i32
    %mul3A_0 = arith.muli %arg1, %mul3A : i32
    %add3A = arith.addi %mul3A_0, %arg0 : i32
    %broadcast_in_dim3A = arith.constant 1.000000e+00 : f32
    %broadcast_in_dim3A_1 = vector.broadcast %broadcast_in_dim3A : f32 to vector<16xf32>
    %swap3A = arith.constant 0 : index
    %swap3A_2 = tpu.vector_load %arg6[%swap3A] {strides = array<i32>} : memref<128xf32, #tpu.memory_space<vmem>>, vector<16xf32>,
    %swap3A_3 = vector.shape_cast %swap3A_2 : vector<16xf32> to vector<16xf32>
    %swap3A_4 = vector.shape_cast %broadcast_in_dim3A_1 : vector<16xf32> to vector<16xf32>
    tpu.vector_store %arg6[%swap3A], %swap3A_4 {strides = array<i32>} : memref<128xf32, #tpu.memory_space<vmem>>, vector<16xf32>,
    %broadcast_in_dim3A_5 = arith.constant 1.000000e+00 : f32
    %broadcast_in_dim3A_6 = vector.broadcast %broadcast_in_dim3A_5 : f32 to vector<16xf32>
    %swap3A_7 = arith.constant 16 : index
    %swap3A_8 = tpu.vector_load %arg6[%swap3A_7] {strides = array<i32>} : memref<128xf32, #tpu.memory_space<vmem>>, vector<16xf32>,
    %swap3A_9 = vector.shape_cast %swap3A_8 : vector<16xf32> to vector<16xf32>
    %swap3A_10 = vector.shape_cast %broadcast_in_dim3A_6 : vector<16xf32> to vector<16xf32>
    tpu.vector_store %arg6[%swap3A_7], %swap3A_10 {strides = array<i32>} : memref<128xf32, #tpu.memory_space<vmem>>, vector<16xf32>,
    %broadcast_in_dim3A_11 = arith.constant 1.000000e+00 : f32
    %broadcast_in_dim3A_12 = vector.broadcast %broadcast_in_dim3A_11 : f32 to vector<16xf32>
    %swap3A_13 = arith.constant 32 : index
    %swap3A_14 = tpu.vector_load %arg6[%swap3A_13] {strides = array<i32>} : memref<128xf32, #tpu.memory_space<vmem>>, vector<16xf32>,
    %swap3A_15 = vector.shape_cast %swap3A_14 : vector<16xf32> to vector<16xf32>
    %swap3A_16 = vector.shape_cast %broadcast_in_dim3A_12 : vector<16xf32> to vector<16xf32>
    tpu.vector_store %arg6[%swap3A_13], %swap3A_16 {strides = array<i32>} : memref<128xf32, #tpu.memory_space<vmem>>, vector<16xf32>,
    %broadcast_in_dim3A_17 = arith.constant 1.000000e+00 : f32
    %broadcast_in_dim3A_18 = vector.broadcast %broadcast_in_dim3A_17 : f32 to vector<16xf32>
    %swap3A_19 = arith.constant 48 : index
    %swap3A_20 = tpu.vector_load %arg6[%swap3A_19] {strides = array<i32>} : memref<128xf32, #tpu.memory_space<vmem>>, vector<16xf32>,
    %swap3A_21 = vector.shape_cast %swap3A_20 : vector<16xf32> to vector<16xf32>
    %swap3A_22 = vector.shape_cast %broadcast_in_dim3A_18 : vector<16xf32> to vector<16xf32>
    tpu.vector_store %arg6[%swap3A_19], %swap3A_22 {strides = array<i32>} : memref<128xf32, #tpu.memory_space<vmem>>, vector<16xf32>,
    %broadcast_in_dim3A_23 = arith.constant 1.000000e+00 : f32
    %broadcast_in_dim3A_24 = vector.broadcast %broadcast_in_dim3A_23 : f32 to vector<16xf32>
    %swap3A_25 = arith.constant 64 : index
    %swap3A_26 = tpu.vector_load %arg6[%swap3A_25] {strides = array<i32>} : memref<128xf32, #tpu.memory_space<vmem>>, vector<16xf32>,
    %swap3A_27 = vector.shape_cast %swap3A_26 : vector<16xf32> to vector<16xf32>
    %swap3A_28 = vector.shape_cast %broadcast_in_dim3A_24 : vector<16xf32> to vector<16xf32>
    tpu.vector_store %arg6[%swap3A_25], %swap3A_28 {strides = array<i32>} : memref<128xf32, #tpu.memory_space<vmem>>, vector<16xf32>,
    %broadcast_in_dim3A_29 = arith.constant 1.000000e+00 : f32
    %broadcast_in_dim3A_30 = vector.broadcast %broadcast_in_dim3A_29 : f32 to vector<16xf32>
    %swap3A_31 = arith.constant 80 : index
    %swap3A_32 = tpu.vector_load %arg6[%swap3A_31] {strides = array<i32>} : memref<128xf32, #tpu.memory_space<vmem>>, vector<16xf32>,
    %swap3A_33 = vector.shape_cast %swap3A_32 : vector<16xf32> to vector<16xf32>
    %swap3A_34 = vector.shape_cast %broadcast_in_dim3A_30 : vector<16xf32> to vector<16xf32>
    tpu.vector_store %arg6[%swap3A_31], %swap3A_34 {strides = array<i32>} : memref<128xf32, #tpu.memory_space<vmem>>, vector<16xf32>,
    %broadcast_in_dim3A_35 = arith.constant 1.000000e+00 : f32
    %broadcast_in_dim3A_36 = vector.broadcast %broadcast_in_dim3A_35 : f32 to vector<16xf32>
    %swap3A_37 = arith.constant 96 : index
    %swap3A_38 = tpu.vector_load %arg6[%swap3A_37] {strides = array<i32>} : memref<128xf32, #tpu.memory_space<vmem>>, vector<16xf32>,
    %swap3A_39 = vector.shape_cast %swap3A_38 : vector<16xf32> to vector<16xf32>
    %swap3A_40 = vector.shape_cast %broadcast_in_dim3A_36 : vector<16xf32> to vector<16xf32>
    tpu.vector_store %arg6[%swap3A_37], %swap3A_40 {strides = array<i32>} : memref<128xf32, #tpu.memory_space<vmem>>, vector<16xf32>,
    %broadcast_in_dim3A_41 = arith.constant 1.000000e+00 : f32
    %broadcast_in_dim3A_42 = vector.broadcast %broadcast_in_dim3A_41 : f32 to vector<16xf32>
    %swap3A_43 = arith.constant 112 : index
    %swap3A_44 = tpu.vector_load %arg6[%swap3A_43] {strides = array<i32>} : memref<128xf32, #tpu.memory_space<vmem>>, vector<16xf32>,
    %swap3A_45 = vector.shape_cast %swap3A_44 : vector<16xf32> to vector<16xf32>
    %swap3A_46 = vector.shape_cast %broadcast_in_dim3A_42 : vector<16xf32> to vector<16xf32>
    tpu.vector_store %arg6[%swap3A_43], %swap3A_46 {strides = array<i32>} : memref<128xf32, #tpu.memory_space<vmem>>, vector<16xf32>,
    %mul3A_47 = arith.constant 640 : i32
    %mul3A_48 = arith.muli %arg1, %mul3A_47 : i32
    %mul3A_49 = arith.constant 640 : i32
    %mul3A_50 = arith.muli %arg1, %mul3A_49 : i32
    %dma_start3A = tpu.memref_slice %arg7[%mul3A_50] : memref<10240xf32, #tpu.memory_space<vmem_shared>> -> memref<640xf32, #tpu.memory_space<vmem_shared>>
    %dma_start3A_51 = tpu.memref_slice %arg3[%mul3A_48] : memref<10240xf32, #tpu.memory_space<hbm>> -> memref<640xf32, #tpu.memory_space<hbm>>
    tpu.enqueue_dma source(%dma_start3A_51 : memref<640xf32, #tpu.memory_space<hbm>>) target(%dma_start3A : memref<640xf32, #tpu.memory_space<vmem_shared>>) target_semaphore(%arg19 : memref<!tpu.dma_semaphore, #tpu.memory_space<semaphore_mem>>)
    %mul3A_52 = arith.constant 80 : i32
    %mul3A_53 = arith.muli %add3A, %mul3A_52 : i32
    %min3A = arith.constant 2420 : i32
    %min3A_54 = arith.minsi %mul3A_53, %min3A : i32
    %mul3A_55 = arith.constant 80 : i32
    %mul3A_56 = arith.muli %add3A, %mul3A_55 : i32
    %sub3A = arith.subi %mul3A_56, %min3A_54 : i32
    %dma_start3A_57 = arith.constant 0 : i32
    %dma_start3A_58 = tpu.memref_slice %arg2[%min3A_54, %dma_start3A_57] : memref<2500x128xi32, #tpu.memory_space<hbm>> -> memref<80x128xi32, #tpu.memory_space<hbm>>
    %dma_start3A_59 = arith.constant 0 : i32
    %dma_start3A_60 = tpu.memref_slice %arg2[%min3A_54, %dma_start3A_59] : memref<2500x128xi32, #tpu.memory_space<hbm>> -> memref<80x128xi32, #tpu.memory_space<hbm>>
    tpu.enqueue_dma source(%dma_start3A_60 : memref<80x128xi32, #tpu.memory_space<hbm>>) target(%arg5 : memref<80x128xi32, #tpu.memory_space<vmem>>) target_semaphore(%arg18 : memref<!tpu.dma_semaphore, #tpu.memory_space<semaphore_mem>>)
    %dma_wait3A = tpu.memref_slice %arg7[%mul3A_50] : memref<10240xf32, #tpu.memory_space<vmem_shared>> -> memref<640xf32, #tpu.memory_space<vmem_shared>>
    %dma_wait3A_61 = tpu.memref_slice %arg3[%mul3A_48] : memref<10240xf32, #tpu.memory_space<hbm>> -> memref<640xf32, #tpu.memory_space<hbm>>
    tpu.wait_dma2 semaphore(%arg19 : memref<!tpu.dma_semaphore, #tpu.memory_space<semaphore_mem>>) src(%dma_wait3A_61 : memref<640xf32, #tpu.memory_space<hbm>>) dst(%dma_wait3A : memref<640xf32, #tpu.memory_space<vmem_shared>>)
    %dma_wait3A_62 = arith.constant 0 : i32
    %dma_wait3A_63 = tpu.memref_slice %arg2[%min3A_54, %dma_wait3A_62] : memref<2500x128xi32, #tpu.memory_space<hbm>> -> memref<80x128xi32, #tpu.memory_space<hbm>>
    %dma_wait3A_64 = arith.constant 0 : i32
    %dma_wait3A_65 = tpu.memref_slice %arg2[%min3A_54, %dma_wait3A_64] : memref<2500x128xi32, #tpu.memory_space<hbm>> -> memref<80x128xi32, #tpu.memory_space<hbm>>
    tpu.wait_dma2 semaphore(%arg18 : memref<!tpu.dma_semaphore, #tpu.memory_space<semaphore_mem>>) src(%dma_wait3A_65 : memref<80x128xi32, #tpu.memory_space<hbm>>) dst(%arg5 : memref<80x128xi32, #tpu.memory_space<vmem>>)
    %barrier3A = arith.constant 0 : index
    tpu.barrier barrier_id(%barrier3A)
    %mul3A_66 = arith.constant 80 : i32
    %mul3A_67 = arith.muli %add3A, %mul3A_66 : i32
    %sub3A_68 = arith.constant 2500 : i32
    %sub3A_69 = arith.subi %sub3A_68, %mul3A_67 : i32
    %min3A_70 = arith.constant 80 : i32
    %min3A_71 = arith.minsi %min3A_70, %sub3A_69 : i32
    %jit3A = arith.constant 10 : i32
    %div3A = arith.divsi %min3A_71, %jit3A : i32
    %sign3A = arith.constant 0 : i32
    %sign3A_72 = arith.cmpi sgt, %min3A_71, %sign3A : i32
    %sign3A_73 = arith.extui %sign3A_72 : i1 to i32
    %sign3A_74 = arith.constant 0 : i32
    %sign3A_75 = arith.cmpi slt, %min3A_71, %sign3A_74 : i32
    %sign3A_76 = arith.extui %sign3A_75 : i1 to i32
    %sign3A_77 = arith.subi %sign3A_73, %sign3A_76 : i32
    %sign3A_78 = arith.constant 0 : i32
    %sign3A_79 = arith.cmpi sgt, %jit3A, %sign3A_78 : i32
    %sign3A_80 = arith.extui %sign3A_79 : i1 to i32
    %sign3A_81 = arith.constant 0 : i32
    %sign3A_82 = arith.cmpi slt, %jit3A, %sign3A_81 : i32
    %sign3A_83 = arith.extui %sign3A_82 : i1 to i32
    %sign3A_84 = arith.subi %sign3A_80, %sign3A_83 : i32
    %ne3A = arith.cmpi ne, %sign3A_77, %sign3A_84 : i32
    %rem3A = arith.remsi %min3A_71, %jit3A : i32
    %ne3A_85 = arith.constant 0 : i32
    %ne3A_86 = arith.cmpi ne, %rem3A, %ne3A_85 : i32
    %and3A = arith.andi %ne3A, %ne3A_86 : i1
    %sub3A_87 = arith.constant 1 : i32
    %sub3A_88 = arith.subi %div3A, %sub3A_87 : i32
    %select_n3A = arith.select %and3A, %sub3A_88, %div3A : i32
    %while3A = arith.constant 0 : i32
    %while3A_89 = arith.constant 0 : i32
    %while3A_90 = arith.subi %select_n3A, %while3A_89 : i32
    %while3A_91 = arith.addi %while3A_89, %while3A_90 : i32
    %while3A_92 = arith.constant 1 : i32
    %while3A_93 = arith.divsi %while3A_90, %while3A_92 : i32
    %while3A_94 = arith.muli %while3A_93, %while3A_92 : i32
    %while3A_95 = arith.addi %while3A_89, %while3A_94 : i32
    %while3A_96 = arith.constant 1 : i32
    scf.for %while3A_163 = %while3A_89 to %while3A_95 step %while3A_96  : i32 {
      %mul3A_164 = arith.constant 10 : i32
      %mul3A_165 = arith.muli %while3A_163, %mul3A_164 : i32
      %add3A_166 = arith.addi %sub3A, %mul3A_165 : i32
      %add3A_167 = arith.constant 0 : i32
      %add3A_168 = arith.addi %add3A_166, %add3A_167 : i32
      %gt3A = arith.constant 0 : i32
      %gt3A_169 = arith.cmpi sgt, %while3A_163, %gt3A : i32
      %convert_element_type3A = arith.extui %gt3A_169 : i1 to i32
      %cond3A = arith.constant 0 : i32
      %cond3A_170 = arith.cmpi ne, %convert_element_type3A, %cond3A : i32
      scf.if %cond3A_170 {
        %dma_wait3A_311 = arith.constant 0 : i32
        %dma_wait3A_312 = arith.constant 0 : i32
        %dma_wait3A_313 = tpu.memref_slice %arg5[%dma_wait3A_311, %dma_wait3A_312] : memref<80x128xi32, #tpu.memory_space<vmem>> -> memref<1x128xi32, #tpu.memory_space<vmem>>
        %dma_wait3A_314 = tpu.memref_squeeze %dma_wait3A_313 : memref<1x128xi32, #tpu.memory_space<vmem>> -> memref<128xi32, #tpu.memory_space<vmem>>
        %dma_wait3A_315 = arith.constant 0 : i32
        %dma_wait3A_316 = tpu.memref_slice %arg7[%dma_wait3A_315] : memref<10240xf32, #tpu.memory_space<vmem_shared>> -> memref<10240xf32, #tpu.memory_space<vmem_shared>>
        tpu.wait_indirect_dma semaphore(%arg8 : memref<!tpu.dma_semaphore, #tpu.memory_space<semaphore_mem>>) src(%arg6 : memref<128xf32, #tpu.memory_space<vmem>>) dst(%dma_wait3A_316 : memref<10240xf32, #tpu.memory_space<vmem_shared>>)
      } else {
      }
      %dma_start3A_171 = arith.constant 0 : i32
      %dma_start3A_172 = tpu.memref_slice %arg5[%add3A_168, %dma_start3A_171] : memref<80x128xi32, #tpu.memory_space<vmem>> -> memref<1x128xi32, #tpu.memory_space<vmem>>
      %dma_start3A_173 = tpu.memref_squeeze %dma_start3A_172 : memref<1x128xi32, #tpu.memory_space<vmem>> -> memref<128xi32, #tpu.memory_space<vmem>>
      %dma_start3A_174 = arith.constant 0 : i32
      %dma_start3A_175 = tpu.memref_slice %arg7[%dma_start3A_174] : memref<10240xf32, #tpu.memory_space<vmem_shared>> -> memref<10240xf32, #tpu.memory_space<vmem_shared>>
      tpu.enqueue_indirect_dma source(%arg6 : memref<128xf32, #tpu.memory_space<vmem>>) target(%dma_start3A_175 : memref<10240xf32, #tpu.memory_space<vmem_shared>>) offsets(%dma_start3A_173 : memref<128xi32, #tpu.memory_space<vmem>>) semaphore(%arg8 : memref<!tpu.dma_semaphore, #tpu.memory_space<semaphore_mem>>) {add = true}
      %mul3A_176 = arith.constant 10 : i32
      %mul3A_177 = arith.muli %while3A_163, %mul3A_176 : i32
      %add3A_178 = arith.addi %sub3A, %mul3A_177 : i32
      %add3A_179 = arith.constant 1 : i32
      %add3A_180 = arith.addi %add3A_178, %add3A_179 : i32
      %gt3A_181 = arith.constant 0 : i32
      %gt3A_182 = arith.cmpi sgt, %while3A_163, %gt3A_181 : i32
      %convert_element_type3A_183 = arith.extui %gt3A_182 : i1 to i32
      %cond3A_184 = arith.constant 0 : i32
      %cond3A_185 = arith.cmpi ne, %convert_element_type3A_183, %cond3A_184 : i32
      scf.if %cond3A_185 {
        %dma_wait3A_311 = arith.constant 0 : i32
        %dma_wait3A_312 = arith.constant 0 : i32
        %dma_wait3A_313 = tpu.memref_slice %arg5[%dma_wait3A_311, %dma_wait3A_312] : memref<80x128xi32, #tpu.memory_space<vmem>> -> memref<1x128xi32, #tpu.memory_space<vmem>>
        %dma_wait3A_314 = tpu.memref_squeeze %dma_wait3A_313 : memref<1x128xi32, #tpu.memory_space<vmem>> -> memref<128xi32, #tpu.memory_space<vmem>>
        %dma_wait3A_315 = arith.constant 0 : i32
        %dma_wait3A_316 = tpu.memref_slice %arg7[%dma_wait3A_315] : memref<10240xf32, #tpu.memory_space<vmem_shared>> -> memref<10240xf32, #tpu.memory_space<vmem_shared>>
        tpu.wait_indirect_dma semaphore(%arg9 : memref<!tpu.dma_semaphore, #tpu.memory_space<semaphore_mem>>) src(%arg6 : memref<128xf32, #tpu.memory_space<vmem>>) dst(%dma_wait3A_316 : memref<10240xf32, #tpu.memory_space<vmem_shared>>)
      } else {
      }
      %dma_start3A_186 = arith.constant 0 : i32
      %dma_start3A_187 = tpu.memref_slice %arg5[%add3A_180, %dma_start3A_186] : memref<80x128xi32, #tpu.memory_space<vmem>> -> memref<1x128xi32, #tpu.memory_space<vmem>>
      %dma_start3A_188 = tpu.memref_squeeze %dma_start3A_187 : memref<1x128xi32, #tpu.memory_space<vmem>> -> memref<128xi32, #tpu.memory_space<vmem>>
      %dma_start3A_189 = arith.constant 0 : i32
      %dma_start3A_190 = tpu.memref_slice %arg7[%dma_start3A_189] : memref<10240xf32, #tpu.memory_space<vmem_shared>> -> memref<10240xf32, #tpu.memory_space<vmem_shared>>
      tpu.enqueue_indirect_dma source(%arg6 : memref<128xf32, #tpu.memory_space<vmem>>) target(%dma_start3A_190 : memref<10240xf32, #tpu.memory_space<vmem_shared>>) offsets(%dma_start3A_188 : memref<128xi32, #tpu.memory_space<vmem>>) semaphore(%arg9 : memref<!tpu.dma_semaphore, #tpu.memory_space<semaphore_mem>>) {add = true}
      %mul3A_191 = arith.constant 10 : i32
      %mul3A_192 = arith.muli %while3A_163, %mul3A_191 : i32
      %add3A_193 = arith.addi %sub3A, %mul3A_192 : i32
      %add3A_194 = arith.constant 2 : i32
      %add3A_195 = arith.addi %add3A_193, %add3A_194 : i32
      %gt3A_196 = arith.constant 0 : i32
      %gt3A_197 = arith.cmpi sgt, %while3A_163, %gt3A_196 : i32
      %convert_element_type3A_198 = arith.extui %gt3A_197 : i1 to i32
      %cond3A_199 = arith.constant 0 : i32
      %cond3A_200 = arith.cmpi ne, %convert_element_type3A_198, %cond3A_199 : i32
      scf.if %cond3A_200 {
        %dma_wait3A_311 = arith.constant 0 : i32
        %dma_wait3A_312 = arith.constant 0 : i32
        %dma_wait3A_313 = tpu.memref_slice %arg5[%dma_wait3A_311, %dma_wait3A_312] : memref<80x128xi32, #tpu.memory_space<vmem>> -> memref<1x128xi32, #tpu.memory_space<vmem>>
        %dma_wait3A_314 = tpu.memref_squeeze %dma_wait3A_313 : memref<1x128xi32, #tpu.memory_space<vmem>> -> memref<128xi32, #tpu.memory_space<vmem>>
        %dma_wait3A_315 = arith.constant 0 : i32
        %dma_wait3A_316 = tpu.memref_slice %arg7[%dma_wait3A_315] : memref<10240xf32, #tpu.memory_space<vmem_shared>> -> memref<10240xf32, #tpu.memory_space<vmem_shared>>
        tpu.wait_indirect_dma semaphore(%arg10 : memref<!tpu.dma_semaphore, #tpu.memory_space<semaphore_mem>>) src(%arg6 : memref<128xf32, #tpu.memory_space<vmem>>) dst(%dma_wait3A_316 : memref<10240xf32, #tpu.memory_space<vmem_shared>>)
      } else {
      }
      %dma_start3A_201 = arith.constant 0 : i32
      %dma_start3A_202 = tpu.memref_slice %arg5[%add3A_195, %dma_start3A_201] : memref<80x128xi32, #tpu.memory_space<vmem>> -> memref<1x128xi32, #tpu.memory_space<vmem>>
      %dma_start3A_203 = tpu.memref_squeeze %dma_start3A_202 : memref<1x128xi32, #tpu.memory_space<vmem>> -> memref<128xi32, #tpu.memory_space<vmem>>
      %dma_start3A_204 = arith.constant 0 : i32
      %dma_start3A_205 = tpu.memref_slice %arg7[%dma_start3A_204] : memref<10240xf32, #tpu.memory_space<vmem_shared>> -> memref<10240xf32, #tpu.memory_space<vmem_shared>>
      tpu.enqueue_indirect_dma source(%arg6 : memref<128xf32, #tpu.memory_space<vmem>>) target(%dma_start3A_205 : memref<10240xf32, #tpu.memory_space<vmem_shared>>) offsets(%dma_start3A_203 : memref<128xi32, #tpu.memory_space<vmem>>) semaphore(%arg10 : memref<!tpu.dma_semaphore, #tpu.memory_space<semaphore_mem>>) {add = true}
      %mul3A_206 = arith.constant 10 : i32
      %mul3A_207 = arith.muli %while3A_163, %mul3A_206 : i32
      %add3A_208 = arith.addi %sub3A, %mul3A_207 : i32
      %add3A_209 = arith.constant 3 : i32
      %add3A_210 = arith.addi %add3A_208, %add3A_209 : i32
      %gt3A_211 = arith.constant 0 : i32
      %gt3A_212 = arith.cmpi sgt, %while3A_163, %gt3A_211 : i32
      %convert_element_type3A_213 = arith.extui %gt3A_212 : i1 to i32
      %cond3A_214 = arith.constant 0 : i32
      %cond3A_215 = arith.cmpi ne, %convert_element_type3A_213, %cond3A_214 : i32
      scf.if %cond3A_215 {
        %dma_wait3A_311 = arith.constant 0 : i32
        %dma_wait3A_312 = arith.constant 0 : i32
        %dma_wait3A_313 = tpu.memref_slice %arg5[%dma_wait3A_311, %dma_wait3A_312] : memref<80x128xi32, #tpu.memory_space<vmem>> -> memref<1x128xi32, #tpu.memory_space<vmem>>
        %dma_wait3A_314 = tpu.memref_squeeze %dma_wait3A_313 : memref<1x128xi32, #tpu.memory_space<vmem>> -> memref<128xi32, #tpu.memory_space<vmem>>
        %dma_wait3A_315 = arith.constant 0 : i32
        %dma_wait3A_316 = tpu.memref_slice %arg7[%dma_wait3A_315] : memref<10240xf32, #tpu.memory_space<vmem_shared>> -> memref<10240xf32, #tpu.memory_space<vmem_shared>>
        tpu.wait_indirect_dma semaphore(%arg11 : memref<!tpu.dma_semaphore, #tpu.memory_space<semaphore_mem>>) src(%arg6 : memref<128xf32, #tpu.memory_space<vmem>>) dst(%dma_wait3A_316 : memref<10240xf32, #tpu.memory_space<vmem_shared>>)
      } else {
      }
      %dma_start3A_216 = arith.constant 0 : i32
      %dma_start3A_217 = tpu.memref_slice %arg5[%add3A_210, %dma_start3A_216] : memref<80x128xi32, #tpu.memory_space<vmem>> -> memref<1x128xi32, #tpu.memory_space<vmem>>
      %dma_start3A_218 = tpu.memref_squeeze %dma_start3A_217 : memref<1x128xi32, #tpu.memory_space<vmem>> -> memref<128xi32, #tpu.memory_space<vmem>>
      %dma_start3A_219 = arith.constant 0 : i32
      %dma_start3A_220 = tpu.memref_slice %arg7[%dma_start3A_219] : memref<10240xf32, #tpu.memory_space<vmem_shared>> -> memref<10240xf32, #tpu.memory_space<vmem_shared>>
      tpu.enqueue_indirect_dma source(%arg6 : memref<128xf32, #tpu.memory_space<vmem>>) target(%dma_start3A_220 : memref<10240xf32, #tpu.memory_space<vmem_shared>>) offsets(%dma_start3A_218 : memref<128xi32, #tpu.memory_space<vmem>>) semaphore(%arg11 : memref<!tpu.dma_semaphore, #tpu.memory_space<semaphore_mem>>) {add = true}
      %mul3A_221 = arith.constant 10 : i32
      %mul3A_222 = arith.muli %while3A_163, %mul3A_221 : i32
      %add3A_223 = arith.addi %sub3A, %mul3A_222 : i32
      %add3A_224 = arith.constant 4 : i32
      %add3A_225 = arith.addi %add3A_223, %add3A_224 : i32
      %gt3A_226 = arith.constant 0 : i32
      %gt3A_227 = arith.cmpi sgt, %while3A_163, %gt3A_226 : i32
      %convert_element_type3A_228 = arith.extui %gt3A_227 : i1 to i32
      %cond3A_229 = arith.constant 0 : i32
      %cond3A_230 = arith.cmpi ne, %convert_element_type3A_228, %cond3A_229 : i32
      scf.if %cond3A_230 {
        %dma_wait3A_311 = arith.constant 0 : i32
        %dma_wait3A_312 = arith.constant 0 : i32
        %dma_wait3A_313 = tpu.memref_slice %arg5[%dma_wait3A_311, %dma_wait3A_312] : memref<80x128xi32, #tpu.memory_space<vmem>> -> memref<1x128xi32, #tpu.memory_space<vmem>>
        %dma_wait3A_314 = tpu.memref_squeeze %dma_wait3A_313 : memref<1x128xi32, #tpu.memory_space<vmem>> -> memref<128xi32, #tpu.memory_space<vmem>>
        %dma_wait3A_315 = arith.constant 0 : i32
        %dma_wait3A_316 = tpu.memref_slice %arg7[%dma_wait3A_315] : memref<10240xf32, #tpu.memory_space<vmem_shared>> -> memref<10240xf32, #tpu.memory_space<vmem_shared>>
        tpu.wait_indirect_dma semaphore(%arg12 : memref<!tpu.dma_semaphore, #tpu.memory_space<semaphore_mem>>) src(%arg6 : memref<128xf32, #tpu.memory_space<vmem>>) dst(%dma_wait3A_316 : memref<10240xf32, #tpu.memory_space<vmem_shared>>)
      } else {
      }
      %dma_start3A_231 = arith.constant 0 : i32
      %dma_start3A_232 = tpu.memref_slice %arg5[%add3A_225, %dma_start3A_231] : memref<80x128xi32, #tpu.memory_space<vmem>> -> memref<1x128xi32, #tpu.memory_space<vmem>>
      %dma_start3A_233 = tpu.memref_squeeze %dma_start3A_232 : memref<1x128xi32, #tpu.memory_space<vmem>> -> memref<128xi32, #tpu.memory_space<vmem>>
      %dma_start3A_234 = arith.constant 0 : i32
      %dma_start3A_235 = tpu.memref_slice %arg7[%dma_start3A_234] : memref<10240xf32, #tpu.memory_space<vmem_shared>> -> memref<10240xf32, #tpu.memory_space<vmem_shared>>
      tpu.enqueue_indirect_dma source(%arg6 : memref<128xf32, #tpu.memory_space<vmem>>) target(%dma_start3A_235 : memref<10240xf32, #tpu.memory_space<vmem_shared>>) offsets(%dma_start3A_233 : memref<128xi32, #tpu.memory_space<vmem>>) semaphore(%arg12 : memref<!tpu.dma_semaphore, #tpu.memory_space<semaphore_mem>>) {add = true}
      %mul3A_236 = arith.constant 10 : i32
      %mul3A_237 = arith.muli %while3A_163, %mul3A_236 : i32
      %add3A_238 = arith.addi %sub3A, %mul3A_237 : i32
      %add3A_239 = arith.constant 5 : i32
      %add3A_240 = arith.addi %add3A_238, %add3A_239 : i32
      %gt3A_241 = arith.constant 0 : i32
      %gt3A_242 = arith.cmpi sgt, %while3A_163, %gt3A_241 : i32
      %convert_element_type3A_243 = arith.extui %gt3A_242 : i1 to i32
      %cond3A_244 = arith.constant 0 : i32
      %cond3A_245 = arith.cmpi ne, %convert_element_type3A_243, %cond3A_244 : i32
      scf.if %cond3A_245 {
        %dma_wait3A_311 = arith.constant 0 : i32
        %dma_wait3A_312 = arith.constant 0 : i32
        %dma_wait3A_313 = tpu.memref_slice %arg5[%dma_wait3A_311, %dma_wait3A_312] : memref<80x128xi32, #tpu.memory_space<vmem>> -> memref<1x128xi32, #tpu.memory_space<vmem>>
        %dma_wait3A_314 = tpu.memref_squeeze %dma_wait3A_313 : memref<1x128xi32, #tpu.memory_space<vmem>> -> memref<128xi32, #tpu.memory_space<vmem>>
        %dma_wait3A_315 = arith.constant 0 : i32
        %dma_wait3A_316 = tpu.memref_slice %arg7[%dma_wait3A_315] : memref<10240xf32, #tpu.memory_space<vmem_shared>> -> memref<10240xf32, #tpu.memory_space<vmem_shared>>
        tpu.wait_indirect_dma semaphore(%arg13 : memref<!tpu.dma_semaphore, #tpu.memory_space<semaphore_mem>>) src(%arg6 : memref<128xf32, #tpu.memory_space<vmem>>) dst(%dma_wait3A_316 : memref<10240xf32, #tpu.memory_space<vmem_shared>>)
      } else {
      }
      %dma_start3A_246 = arith.constant 0 : i32
      %dma_start3A_247 = tpu.memref_slice %arg5[%add3A_240, %dma_start3A_246] : memref<80x128xi32, #tpu.memory_space<vmem>> -> memref<1x128xi32, #tpu.memory_space<vmem>>
      %dma_start3A_248 = tpu.memref_squeeze %dma_start3A_247 : memref<1x128xi32, #tpu.memory_space<vmem>> -> memref<128xi32, #tpu.memory_space<vmem>>
      %dma_start3A_249 = arith.constant 0 : i32
      %dma_start3A_250 = tpu.memref_slice %arg7[%dma_start3A_249] : memref<10240xf32, #tpu.memory_space<vmem_shared>> -> memref<10240xf32, #tpu.memory_space<vmem_shared>>
      tpu.enqueue_indirect_dma source(%arg6 : memref<128xf32, #tpu.memory_space<vmem>>) target(%dma_start3A_250 : memref<10240xf32, #tpu.memory_space<vmem_shared>>) offsets(%dma_start3A_248 : memref<128xi32, #tpu.memory_space<vmem>>) semaphore(%arg13 : memref<!tpu.dma_semaphore, #tpu.memory_space<semaphore_mem>>) {add = true}
      %mul3A_251 = arith.constant 10 : i32
      %mul3A_252 = arith.muli %while3A_163, %mul3A_251 : i32
      %add3A_253 = arith.addi %sub3A, %mul3A_252 : i32
      %add3A_254 = arith.constant 6 : i32
      %add3A_255 = arith.addi %add3A_253, %add3A_254 : i32
      %gt3A_256 = arith.constant 0 : i32
      %gt3A_257 = arith.cmpi sgt, %while3A_163, %gt3A_256 : i32
      %convert_element_type3A_258 = arith.extui %gt3A_257 : i1 to i32
      %cond3A_259 = arith.constant 0 : i32
      %cond3A_260 = arith.cmpi ne, %convert_element_type3A_258, %cond3A_259 : i32
      scf.if %cond3A_260 {
        %dma_wait3A_311 = arith.constant 0 : i32
        %dma_wait3A_312 = arith.constant 0 : i32
        %dma_wait3A_313 = tpu.memref_slice %arg5[%dma_wait3A_311, %dma_wait3A_312] : memref<80x128xi32, #tpu.memory_space<vmem>> -> memref<1x128xi32, #tpu.memory_space<vmem>>
        %dma_wait3A_314 = tpu.memref_squeeze %dma_wait3A_313 : memref<1x128xi32, #tpu.memory_space<vmem>> -> memref<128xi32, #tpu.memory_space<vmem>>
        %dma_wait3A_315 = arith.constant 0 : i32
        %dma_wait3A_316 = tpu.memref_slice %arg7[%dma_wait3A_315] : memref<10240xf32, #tpu.memory_space<vmem_shared>> -> memref<10240xf32, #tpu.memory_space<vmem_shared>>
        tpu.wait_indirect_dma semaphore(%arg14 : memref<!tpu.dma_semaphore, #tpu.memory_space<semaphore_mem>>) src(%arg6 : memref<128xf32, #tpu.memory_space<vmem>>) dst(%dma_wait3A_316 : memref<10240xf32, #tpu.memory_space<vmem_shared>>)
      } else {
      }
      %dma_start3A_261 = arith.constant 0 : i32
      %dma_start3A_262 = tpu.memref_slice %arg5[%add3A_255, %dma_start3A_261] : memref<80x128xi32, #tpu.memory_space<vmem>> -> memref<1x128xi32, #tpu.memory_space<vmem>>
      %dma_start3A_263 = tpu.memref_squeeze %dma_start3A_262 : memref<1x128xi32, #tpu.memory_space<vmem>> -> memref<128xi32, #tpu.memory_space<vmem>>
      %dma_start3A_264 = arith.constant 0 : i32
      %dma_start3A_265 = tpu.memref_slice %arg7[%dma_start3A_264] : memref<10240xf32, #tpu.memory_space<vmem_shared>> -> memref<10240xf32, #tpu.memory_space<vmem_shared>>
      tpu.enqueue_indirect_dma source(%arg6 : memref<128xf32, #tpu.memory_space<vmem>>) target(%dma_start3A_265 : memref<10240xf32, #tpu.memory_space<vmem_shared>>) offsets(%dma_start3A_263 : memref<128xi32, #tpu.memory_space<vmem>>) semaphore(%arg14 : memref<!tpu.dma_semaphore, #tpu.memory_space<semaphore_mem>>) {add = true}
      %mul3A_266 = arith.constant 10 : i32
      %mul3A_267 = arith.muli %while3A_163, %mul3A_266 : i32
      %add3A_268 = arith.addi %sub3A, %mul3A_267 : i32
      %add3A_269 = arith.constant 7 : i32
      %add3A_270 = arith.addi %add3A_268, %add3A_269 : i32
      %gt3A_271 = arith.constant 0 : i32
      %gt3A_272 = arith.cmpi sgt, %while3A_163, %gt3A_271 : i32
      %convert_element_type3A_273 = arith.extui %gt3A_272 : i1 to i32
      %cond3A_274 = arith.constant 0 : i32
      %cond3A_275 = arith.cmpi ne, %convert_element_type3A_273, %cond3A_274 : i32
      scf.if %cond3A_275 {
        %dma_wait3A_311 = arith.constant 0 : i32
        %dma_wait3A_312 = arith.constant 0 : i32
        %dma_wait3A_313 = tpu.memref_slice %arg5[%dma_wait3A_311, %dma_wait3A_312] : memref<80x128xi32, #tpu.memory_space<vmem>> -> memref<1x128xi32, #tpu.memory_space<vmem>>
        %dma_wait3A_314 = tpu.memref_squeeze %dma_wait3A_313 : memref<1x128xi32, #tpu.memory_space<vmem>> -> memref<128xi32, #tpu.memory_space<vmem>>
        %dma_wait3A_315 = arith.constant 0 : i32
        %dma_wait3A_316 = tpu.memref_slice %arg7[%dma_wait3A_315] : memref<10240xf32, #tpu.memory_space<vmem_shared>> -> memref<10240xf32, #tpu.memory_space<vmem_shared>>
        tpu.wait_indirect_dma semaphore(%arg15 : memref<!tpu.dma_semaphore, #tpu.memory_space<semaphore_mem>>) src(%arg6 : memref<128xf32, #tpu.memory_space<vmem>>) dst(%dma_wait3A_316 : memref<10240xf32, #tpu.memory_space<vmem_shared>>)
      } else {
      }
      %dma_start3A_276 = arith.constant 0 : i32
      %dma_start3A_277 = tpu.memref_slice %arg5[%add3A_270, %dma_start3A_276] : memref<80x128xi32, #tpu.memory_space<vmem>> -> memref<1x128xi32, #tpu.memory_space<vmem>>
      %dma_start3A_278 = tpu.memref_squeeze %dma_start3A_277 : memref<1x128xi32, #tpu.memory_space<vmem>> -> memref<128xi32, #tpu.memory_space<vmem>>
      %dma_start3A_279 = arith.constant 0 : i32
      %dma_start3A_280 = tpu.memref_slice %arg7[%dma_start3A_279] : memref<10240xf32, #tpu.memory_space<vmem_shared>> -> memref<10240xf32, #tpu.memory_space<vmem_shared>>
      tpu.enqueue_indirect_dma source(%arg6 : memref<128xf32, #tpu.memory_space<vmem>>) target(%dma_start3A_280 : memref<10240xf32, #tpu.memory_space<vmem_shared>>) offsets(%dma_start3A_278 : memref<128xi32, #tpu.memory_space<vmem>>) semaphore(%arg15 : memref<!tpu.dma_semaphore, #tpu.memory_space<semaphore_mem>>) {add = true}
      %mul3A_281 = arith.constant 10 : i32
      %mul3A_282 = arith.muli %while3A_163, %mul3A_281 : i32
      %add3A_283 = arith.addi %sub3A, %mul3A_282 : i32
      %add3A_284 = arith.constant 8 : i32
      %add3A_285 = arith.addi %add3A_283, %add3A_284 : i32
      %gt3A_286 = arith.constant 0 : i32
      %gt3A_287 = arith.cmpi sgt, %while3A_163, %gt3A_286 : i32
      %convert_element_type3A_288 = arith.extui %gt3A_287 : i1 to i32
      %cond3A_289 = arith.constant 0 : i32
      %cond3A_290 = arith.cmpi ne, %convert_element_type3A_288, %cond3A_289 : i32
      scf.if %cond3A_290 {
        %dma_wait3A_311 = arith.constant 0 : i32
        %dma_wait3A_312 = arith.constant 0 : i32
        %dma_wait3A_313 = tpu.memref_slice %arg5[%dma_wait3A_311, %dma_wait3A_312] : memref<80x128xi32, #tpu.memory_space<vmem>> -> memref<1x128xi32, #tpu.memory_space<vmem>>
        %dma_wait3A_314 = tpu.memref_squeeze %dma_wait3A_313 : memref<1x128xi32, #tpu.memory_space<vmem>> -> memref<128xi32, #tpu.memory_space<vmem>>
        %dma_wait3A_315 = arith.constant 0 : i32
        %dma_wait3A_316 = tpu.memref_slice %arg7[%dma_wait3A_315] : memref<10240xf32, #tpu.memory_space<vmem_shared>> -> memref<10240xf32, #tpu.memory_space<vmem_shared>>
        tpu.wait_indirect_dma semaphore(%arg16 : memref<!tpu.dma_semaphore, #tpu.memory_space<semaphore_mem>>) src(%arg6 : memref<128xf32, #tpu.memory_space<vmem>>) dst(%dma_wait3A_316 : memref<10240xf32, #tpu.memory_space<vmem_shared>>)
      } else {
      }
      %dma_start3A_291 = arith.constant 0 : i32
      %dma_start3A_292 = tpu.memref_slice %arg5[%add3A_285, %dma_start3A_291] : memref<80x128xi32, #tpu.memory_space<vmem>> -> memref<1x128xi32, #tpu.memory_space<vmem>>
      %dma_start3A_293 = tpu.memref_squeeze %dma_start3A_292 : memref<1x128xi32, #tpu.memory_space<vmem>> -> memref<128xi32, #tpu.memory_space<vmem>>
      %dma_start3A_294 = arith.constant 0 : i32
      %dma_start3A_295 = tpu.memref_slice %arg7[%dma_start3A_294] : memref<10240xf32, #tpu.memory_space<vmem_shared>> -> memref<10240xf32, #tpu.memory_space<vmem_shared>>
      tpu.enqueue_indirect_dma source(%arg6 : memref<128xf32, #tpu.memory_space<vmem>>) target(%dma_start3A_295 : memref<10240xf32, #tpu.memory_space<vmem_shared>>) offsets(%dma_start3A_293 : memref<128xi32, #tpu.memory_space<vmem>>) semaphore(%arg16 : memref<!tpu.dma_semaphore, #tpu.memory_space<semaphore_mem>>) {add = true}
      %mul3A_296 = arith.constant 10 : i32
      %mul3A_297 = arith.muli %while3A_163, %mul3A_296 : i32
      %add3A_298 = arith.addi %sub3A, %mul3A_297 : i32
      %add3A_299 = arith.constant 9 : i32
      %add3A_300 = arith.addi %add3A_298, %add3A_299 : i32
      %gt3A_301 = arith.constant 0 : i32
      %gt3A_302 = arith.cmpi sgt, %while3A_163, %gt3A_301 : i32
      %convert_element_type3A_303 = arith.extui %gt3A_302 : i1 to i32
      %cond3A_304 = arith.constant 0 : i32
      %cond3A_305 = arith.cmpi ne, %convert_element_type3A_303, %cond3A_304 : i32
      scf.if %cond3A_305 {
        %dma_wait3A_311 = arith.constant 0 : i32
        %dma_wait3A_312 = arith.constant 0 : i32
        %dma_wait3A_313 = tpu.memref_slice %arg5[%dma_wait3A_311, %dma_wait3A_312] : memref<80x128xi32, #tpu.memory_space<vmem>> -> memref<1x128xi32, #tpu.memory_space<vmem>>
        %dma_wait3A_314 = tpu.memref_squeeze %dma_wait3A_313 : memref<1x128xi32, #tpu.memory_space<vmem>> -> memref<128xi32, #tpu.memory_space<vmem>>
        %dma_wait3A_315 = arith.constant 0 : i32
        %dma_wait3A_316 = tpu.memref_slice %arg7[%dma_wait3A_315] : memref<10240xf32, #tpu.memory_space<vmem_shared>> -> memref<10240xf32, #tpu.memory_space<vmem_shared>>
        tpu.wait_indirect_dma semaphore(%arg17 : memref<!tpu.dma_semaphore, #tpu.memory_space<semaphore_mem>>) src(%arg6 : memref<128xf32, #tpu.memory_space<vmem>>) dst(%dma_wait3A_316 : memref<10240xf32, #tpu.memory_space<vmem_shared>>)
      } else {
      }
      %dma_start3A_306 = arith.constant 0 : i32
      %dma_start3A_307 = tpu.memref_slice %arg5[%add3A_300, %dma_start3A_306] : memref<80x128xi32, #tpu.memory_space<vmem>> -> memref<1x128xi32, #tpu.memory_space<vmem>>
      %dma_start3A_308 = tpu.memref_squeeze %dma_start3A_307 : memref<1x128xi32, #tpu.memory_space<vmem>> -> memref<128xi32, #tpu.memory_space<vmem>>
      %dma_start3A_309 = arith.constant 0 : i32
      %dma_start3A_310 = tpu.memref_slice %arg7[%dma_start3A_309] : memref<10240xf32, #tpu.memory_space<vmem_shared>> -> memref<10240xf32, #tpu.memory_space<vmem_shared>>
      tpu.enqueue_indirect_dma source(%arg6 : memref<128xf32, #tpu.memory_space<vmem>>) target(%dma_start3A_310 : memref<10240xf32, #tpu.memory_space<vmem_shared>>) offsets(%dma_start3A_308 : memref<128xi32, #tpu.memory_space<vmem>>) semaphore(%arg17 : memref<!tpu.dma_semaphore, #tpu.memory_space<semaphore_mem>>) {add = true}
    }
    %while3A_97 = arith.constant 1 : i32
    scf.for %while3A_163 = %while3A_95 to %while3A_91 step %while3A_97  : i32 {
      %mul3A_164 = arith.constant 10 : i32
      %mul3A_165 = arith.muli %while3A_163, %mul3A_164 : i32
      %add3A_166 = arith.addi %sub3A, %mul3A_165 : i32
      %add3A_167 = arith.constant 0 : i32
      %add3A_168 = arith.addi %add3A_166, %add3A_167 : i32
      %gt3A = arith.constant 0 : i32
      %gt3A_169 = arith.cmpi sgt, %while3A_163, %gt3A : i32
      %convert_element_type3A = arith.extui %gt3A_169 : i1 to i32
      %cond3A = arith.constant 0 : i32
      %cond3A_170 = arith.cmpi ne, %convert_element_type3A, %cond3A : i32
      scf.if %cond3A_170 {
        %dma_wait3A_311 = arith.constant 0 : i32
        %dma_wait3A_312 = arith.constant 0 : i32
        %dma_wait3A_313 = tpu.memref_slice %arg5[%dma_wait3A_311, %dma_wait3A_312] : memref<80x128xi32, #tpu.memory_space<vmem>> -> memref<1x128xi32, #tpu.memory_space<vmem>>
        %dma_wait3A_314 = tpu.memref_squeeze %dma_wait3A_313 : memref<1x128xi32, #tpu.memory_space<vmem>> -> memref<128xi32, #tpu.memory_space<vmem>>
        %dma_wait3A_315 = arith.constant 0 : i32
        %dma_wait3A_316 = tpu.memref_slice %arg7[%dma_wait3A_315] : memref<10240xf32, #tpu.memory_space<vmem_shared>> -> memref<10240xf32, #tpu.memory_space<vmem_shared>>
        tpu.wait_indirect_dma semaphore(%arg8 : memref<!tpu.dma_semaphore, #tpu.memory_space<semaphore_mem>>) src(%arg6 : memref<128xf32, #tpu.memory_space<vmem>>) dst(%dma_wait3A_316 : memref<10240xf32, #tpu.memory_space<vmem_shared>>)
      } else {
      }
      %dma_start3A_171 = arith.constant 0 : i32
      %dma_start3A_172 = tpu.memref_slice %arg5[%add3A_168, %dma_start3A_171] : memref<80x128xi32, #tpu.memory_space<vmem>> -> memref<1x128xi32, #tpu.memory_space<vmem>>
      %dma_start3A_173 = tpu.memref_squeeze %dma_start3A_172 : memref<1x128xi32, #tpu.memory_space<vmem>> -> memref<128xi32, #tpu.memory_space<vmem>>
      %dma_start3A_174 = arith.constant 0 : i32
      %dma_start3A_175 = tpu.memref_slice %arg7[%dma_start3A_174] : memref<10240xf32, #tpu.memory_space<vmem_shared>> -> memref<10240xf32, #tpu.memory_space<vmem_shared>>
      tpu.enqueue_indirect_dma source(%arg6 : memref<128xf32, #tpu.memory_space<vmem>>) target(%dma_start3A_175 : memref<10240xf32, #tpu.memory_space<vmem_shared>>) offsets(%dma_start3A_173 : memref<128xi32, #tpu.memory_space<vmem>>) semaphore(%arg8 : memref<!tpu.dma_semaphore, #tpu.memory_space<semaphore_mem>>) {add = true}
      %mul3A_176 = arith.constant 10 : i32
      %mul3A_177 = arith.muli %while3A_163, %mul3A_176 : i32
      %add3A_178 = arith.addi %sub3A, %mul3A_177 : i32
      %add3A_179 = arith.constant 1 : i32
      %add3A_180 = arith.addi %add3A_178, %add3A_179 : i32
      %gt3A_181 = arith.constant 0 : i32
      %gt3A_182 = arith.cmpi sgt, %while3A_163, %gt3A_181 : i32
      %convert_element_type3A_183 = arith.extui %gt3A_182 : i1 to i32
      %cond3A_184 = arith.constant 0 : i32
      %cond3A_185 = arith.cmpi ne, %convert_element_type3A_183, %cond3A_184 : i32
      scf.if %cond3A_185 {
        %dma_wait3A_311 = arith.constant 0 : i32
        %dma_wait3A_312 = arith.constant 0 : i32
        %dma_wait3A_313 = tpu.memref_slice %arg5[%dma_wait3A_311, %dma_wait3A_312] : memref<80x128xi32, #tpu.memory_space<vmem>> -> memref<1x128xi32, #tpu.memory_space<vmem>>
        %dma_wait3A_314 = tpu.memref_squeeze %dma_wait3A_313 : memref<1x128xi32, #tpu.memory_space<vmem>> -> memref<128xi32, #tpu.memory_space<vmem>>
        %dma_wait3A_315 = arith.constant 0 : i32
        %dma_wait3A_316 = tpu.memref_slice %arg7[%dma_wait3A_315] : memref<10240xf32, #tpu.memory_space<vmem_shared>> -> memref<10240xf32, #tpu.memory_space<vmem_shared>>
        tpu.wait_indirect_dma semaphore(%arg9 : memref<!tpu.dma_semaphore, #tpu.memory_space<semaphore_mem>>) src(%arg6 : memref<128xf32, #tpu.memory_space<vmem>>) dst(%dma_wait3A_316 : memref<10240xf32, #tpu.memory_space<vmem_shared>>)
      } else {
      }
      %dma_start3A_186 = arith.constant 0 : i32
      %dma_start3A_187 = tpu.memref_slice %arg5[%add3A_180, %dma_start3A_186] : memref<80x128xi32, #tpu.memory_space<vmem>> -> memref<1x128xi32, #tpu.memory_space<vmem>>
      %dma_start3A_188 = tpu.memref_squeeze %dma_start3A_187 : memref<1x128xi32, #tpu.memory_space<vmem>> -> memref<128xi32, #tpu.memory_space<vmem>>
      %dma_start3A_189 = arith.constant 0 : i32
      %dma_start3A_190 = tpu.memref_slice %arg7[%dma_start3A_189] : memref<10240xf32, #tpu.memory_space<vmem_shared>> -> memref<10240xf32, #tpu.memory_space<vmem_shared>>
      tpu.enqueue_indirect_dma source(%arg6 : memref<128xf32, #tpu.memory_space<vmem>>) target(%dma_start3A_190 : memref<10240xf32, #tpu.memory_space<vmem_shared>>) offsets(%dma_start3A_188 : memref<128xi32, #tpu.memory_space<vmem>>) semaphore(%arg9 : memref<!tpu.dma_semaphore, #tpu.memory_space<semaphore_mem>>) {add = true}
      %mul3A_191 = arith.constant 10 : i32
      %mul3A_192 = arith.muli %while3A_163, %mul3A_191 : i32
      %add3A_193 = arith.addi %sub3A, %mul3A_192 : i32
      %add3A_194 = arith.constant 2 : i32
      %add3A_195 = arith.addi %add3A_193, %add3A_194 : i32
      %gt3A_196 = arith.constant 0 : i32
      %gt3A_197 = arith.cmpi sgt, %while3A_163, %gt3A_196 : i32
      %convert_element_type3A_198 = arith.extui %gt3A_197 : i1 to i32
      %cond3A_199 = arith.constant 0 : i32
      %cond3A_200 = arith.cmpi ne, %convert_element_type3A_198, %cond3A_199 : i32
      scf.if %cond3A_200 {
        %dma_wait3A_311 = arith.constant 0 : i32
        %dma_wait3A_312 = arith.constant 0 : i32
        %dma_wait3A_313 = tpu.memref_slice %arg5[%dma_wait3A_311, %dma_wait3A_312] : memref<80x128xi32, #tpu.memory_space<vmem>> -> memref<1x128xi32, #tpu.memory_space<vmem>>
        %dma_wait3A_314 = tpu.memref_squeeze %dma_wait3A_313 : memref<1x128xi32, #tpu.memory_space<vmem>> -> memref<128xi32, #tpu.memory_space<vmem>>
        %dma_wait3A_315 = arith.constant 0 : i32
        %dma_wait3A_316 = tpu.memref_slice %arg7[%dma_wait3A_315] : memref<10240xf32, #tpu.memory_space<vmem_shared>> -> memref<10240xf32, #tpu.memory_space<vmem_shared>>
        tpu.wait_indirect_dma semaphore(%arg10 : memref<!tpu.dma_semaphore, #tpu.memory_space<semaphore_mem>>) src(%arg6 : memref<128xf32, #tpu.memory_space<vmem>>) dst(%dma_wait3A_316 : memref<10240xf32, #tpu.memory_space<vmem_shared>>)
      } else {
      }
      %dma_start3A_201 = arith.constant 0 : i32
      %dma_start3A_202 = tpu.memref_slice %arg5[%add3A_195, %dma_start3A_201] : memref<80x128xi32, #tpu.memory_space<vmem>> -> memref<1x128xi32, #tpu.memory_space<vmem>>
      %dma_start3A_203 = tpu.memref_squeeze %dma_start3A_202 : memref<1x128xi32, #tpu.memory_space<vmem>> -> memref<128xi32, #tpu.memory_space<vmem>>
      %dma_start3A_204 = arith.constant 0 : i32
      %dma_start3A_205 = tpu.memref_slice %arg7[%dma_start3A_204] : memref<10240xf32, #tpu.memory_space<vmem_shared>> -> memref<10240xf32, #tpu.memory_space<vmem_shared>>
      tpu.enqueue_indirect_dma source(%arg6 : memref<128xf32, #tpu.memory_space<vmem>>) target(%dma_start3A_205 : memref<10240xf32, #tpu.memory_space<vmem_shared>>) offsets(%dma_start3A_203 : memref<128xi32, #tpu.memory_space<vmem>>) semaphore(%arg10 : memref<!tpu.dma_semaphore, #tpu.memory_space<semaphore_mem>>) {add = true}
      %mul3A_206 = arith.constant 10 : i32
      %mul3A_207 = arith.muli %while3A_163, %mul3A_206 : i32
      %add3A_208 = arith.addi %sub3A, %mul3A_207 : i32
      %add3A_209 = arith.constant 3 : i32
      %add3A_210 = arith.addi %add3A_208, %add3A_209 : i32
      %gt3A_211 = arith.constant 0 : i32
      %gt3A_212 = arith.cmpi sgt, %while3A_163, %gt3A_211 : i32
      %convert_element_type3A_213 = arith.extui %gt3A_212 : i1 to i32
      %cond3A_214 = arith.constant 0 : i32
      %cond3A_215 = arith.cmpi ne, %convert_element_type3A_213, %cond3A_214 : i32
      scf.if %cond3A_215 {
        %dma_wait3A_311 = arith.constant 0 : i32
        %dma_wait3A_312 = arith.constant 0 : i32
        %dma_wait3A_313 = tpu.memref_slice %arg5[%dma_wait3A_311, %dma_wait3A_312] : memref<80x128xi32, #tpu.memory_space<vmem>> -> memref<1x128xi32, #tpu.memory_space<vmem>>
        %dma_wait3A_314 = tpu.memref_squeeze %dma_wait3A_313 : memref<1x128xi32, #tpu.memory_space<vmem>> -> memref<128xi32, #tpu.memory_space<vmem>>
        %dma_wait3A_315 = arith.constant 0 : i32
        %dma_wait3A_316 = tpu.memref_slice %arg7[%dma_wait3A_315] : memref<10240xf32, #tpu.memory_space<vmem_shared>> -> memref<10240xf32, #tpu.memory_space<vmem_shared>>
        tpu.wait_indirect_dma semaphore(%arg11 : memref<!tpu.dma_semaphore, #tpu.memory_space<semaphore_mem>>) src(%arg6 : memref<128xf32, #tpu.memory_space<vmem>>) dst(%dma_wait3A_316 : memref<10240xf32, #tpu.memory_space<vmem_shared>>)
      } else {
      }
      %dma_start3A_216 = arith.constant 0 : i32
      %dma_start3A_217 = tpu.memref_slice %arg5[%add3A_210, %dma_start3A_216] : memref<80x128xi32, #tpu.memory_space<vmem>> -> memref<1x128xi32, #tpu.memory_space<vmem>>
      %dma_start3A_218 = tpu.memref_squeeze %dma_start3A_217 : memref<1x128xi32, #tpu.memory_space<vmem>> -> memref<128xi32, #tpu.memory_space<vmem>>
      %dma_start3A_219 = arith.constant 0 : i32
      %dma_start3A_220 = tpu.memref_slice %arg7[%dma_start3A_219] : memref<10240xf32, #tpu.memory_space<vmem_shared>> -> memref<10240xf32, #tpu.memory_space<vmem_shared>>
      tpu.enqueue_indirect_dma source(%arg6 : memref<128xf32, #tpu.memory_space<vmem>>) target(%dma_start3A_220 : memref<10240xf32, #tpu.memory_space<vmem_shared>>) offsets(%dma_start3A_218 : memref<128xi32, #tpu.memory_space<vmem>>) semaphore(%arg11 : memref<!tpu.dma_semaphore, #tpu.memory_space<semaphore_mem>>) {add = true}
      %mul3A_221 = arith.constant 10 : i32
      %mul3A_222 = arith.muli %while3A_163, %mul3A_221 : i32
      %add3A_223 = arith.addi %sub3A, %mul3A_222 : i32
      %add3A_224 = arith.constant 4 : i32
      %add3A_225 = arith.addi %add3A_223, %add3A_224 : i32
      %gt3A_226 = arith.constant 0 : i32
      %gt3A_227 = arith.cmpi sgt, %while3A_163, %gt3A_226 : i32
      %convert_element_type3A_228 = arith.extui %gt3A_227 : i1 to i32
      %cond3A_229 = arith.constant 0 : i32
      %cond3A_230 = arith.cmpi ne, %convert_element_type3A_228, %cond3A_229 : i32
      scf.if %cond3A_230 {
        %dma_wait3A_311 = arith.constant 0 : i32
        %dma_wait3A_312 = arith.constant 0 : i32
        %dma_wait3A_313 = tpu.memref_slice %arg5[%dma_wait3A_311, %dma_wait3A_312] : memref<80x128xi32, #tpu.memory_space<vmem>> -> memref<1x128xi32, #tpu.memory_space<vmem>>
        %dma_wait3A_314 = tpu.memref_squeeze %dma_wait3A_313 : memref<1x128xi32, #tpu.memory_space<vmem>> -> memref<128xi32, #tpu.memory_space<vmem>>
        %dma_wait3A_315 = arith.constant 0 : i32
        %dma_wait3A_316 = tpu.memref_slice %arg7[%dma_wait3A_315] : memref<10240xf32, #tpu.memory_space<vmem_shared>> -> memref<10240xf32, #tpu.memory_space<vmem_shared>>
        tpu.wait_indirect_dma semaphore(%arg12 : memref<!tpu.dma_semaphore, #tpu.memory_space<semaphore_mem>>) src(%arg6 : memref<128xf32, #tpu.memory_space<vmem>>) dst(%dma_wait3A_316 : memref<10240xf32, #tpu.memory_space<vmem_shared>>)
      } else {
      }
      %dma_start3A_231 = arith.constant 0 : i32
      %dma_start3A_232 = tpu.memref_slice %arg5[%add3A_225, %dma_start3A_231] : memref<80x128xi32, #tpu.memory_space<vmem>> -> memref<1x128xi32, #tpu.memory_space<vmem>>
      %dma_start3A_233 = tpu.memref_squeeze %dma_start3A_232 : memref<1x128xi32, #tpu.memory_space<vmem>> -> memref<128xi32, #tpu.memory_space<vmem>>
      %dma_start3A_234 = arith.constant 0 : i32
      %dma_start3A_235 = tpu.memref_slice %arg7[%dma_start3A_234] : memref<10240xf32, #tpu.memory_space<vmem_shared>> -> memref<10240xf32, #tpu.memory_space<vmem_shared>>
      tpu.enqueue_indirect_dma source(%arg6 : memref<128xf32, #tpu.memory_space<vmem>>) target(%dma_start3A_235 : memref<10240xf32, #tpu.memory_space<vmem_shared>>) offsets(%dma_start3A_233 : memref<128xi32, #tpu.memory_space<vmem>>) semaphore(%arg12 : memref<!tpu.dma_semaphore, #tpu.memory_space<semaphore_mem>>) {add = true}
      %mul3A_236 = arith.constant 10 : i32
      %mul3A_237 = arith.muli %while3A_163, %mul3A_236 : i32
      %add3A_238 = arith.addi %sub3A, %mul3A_237 : i32
      %add3A_239 = arith.constant 5 : i32
      %add3A_240 = arith.addi %add3A_238, %add3A_239 : i32
      %gt3A_241 = arith.constant 0 : i32
      %gt3A_242 = arith.cmpi sgt, %while3A_163, %gt3A_241 : i32
      %convert_element_type3A_243 = arith.extui %gt3A_242 : i1 to i32
      %cond3A_244 = arith.constant 0 : i32
      %cond3A_245 = arith.cmpi ne, %convert_element_type3A_243, %cond3A_244 : i32
      scf.if %cond3A_245 {
        %dma_wait3A_311 = arith.constant 0 : i32
        %dma_wait3A_312 = arith.constant 0 : i32
        %dma_wait3A_313 = tpu.memref_slice %arg5[%dma_wait3A_311, %dma_wait3A_312] : memref<80x128xi32, #tpu.memory_space<vmem>> -> memref<1x128xi32, #tpu.memory_space<vmem>>
        %dma_wait3A_314 = tpu.memref_squeeze %dma_wait3A_313 : memref<1x128xi32, #tpu.memory_space<vmem>> -> memref<128xi32, #tpu.memory_space<vmem>>
        %dma_wait3A_315 = arith.constant 0 : i32
        %dma_wait3A_316 = tpu.memref_slice %arg7[%dma_wait3A_315] : memref<10240xf32, #tpu.memory_space<vmem_shared>> -> memref<10240xf32, #tpu.memory_space<vmem_shared>>
        tpu.wait_indirect_dma semaphore(%arg13 : memref<!tpu.dma_semaphore, #tpu.memory_space<semaphore_mem>>) src(%arg6 : memref<128xf32, #tpu.memory_space<vmem>>) dst(%dma_wait3A_316 : memref<10240xf32, #tpu.memory_space<vmem_shared>>)
      } else {
      }
      %dma_start3A_246 = arith.constant 0 : i32
      %dma_start3A_247 = tpu.memref_slice %arg5[%add3A_240, %dma_start3A_246] : memref<80x128xi32, #tpu.memory_space<vmem>> -> memref<1x128xi32, #tpu.memory_space<vmem>>
      %dma_start3A_248 = tpu.memref_squeeze %dma_start3A_247 : memref<1x128xi32, #tpu.memory_space<vmem>> -> memref<128xi32, #tpu.memory_space<vmem>>
      %dma_start3A_249 = arith.constant 0 : i32
      %dma_start3A_250 = tpu.memref_slice %arg7[%dma_start3A_249] : memref<10240xf32, #tpu.memory_space<vmem_shared>> -> memref<10240xf32, #tpu.memory_space<vmem_shared>>
      tpu.enqueue_indirect_dma source(%arg6 : memref<128xf32, #tpu.memory_space<vmem>>) target(%dma_start3A_250 : memref<10240xf32, #tpu.memory_space<vmem_shared>>) offsets(%dma_start3A_248 : memref<128xi32, #tpu.memory_space<vmem>>) semaphore(%arg13 : memref<!tpu.dma_semaphore, #tpu.memory_space<semaphore_mem>>) {add = true}
      %mul3A_251 = arith.constant 10 : i32
      %mul3A_252 = arith.muli %while3A_163, %mul3A_251 : i32
      %add3A_253 = arith.addi %sub3A, %mul3A_252 : i32
      %add3A_254 = arith.constant 6 : i32
      %add3A_255 = arith.addi %add3A_253, %add3A_254 : i32
      %gt3A_256 = arith.constant 0 : i32
      %gt3A_257 = arith.cmpi sgt, %while3A_163, %gt3A_256 : i32
      %convert_element_type3A_258 = arith.extui %gt3A_257 : i1 to i32
      %cond3A_259 = arith.constant 0 : i32
      %cond3A_260 = arith.cmpi ne, %convert_element_type3A_258, %cond3A_259 : i32
      scf.if %cond3A_260 {
        %dma_wait3A_311 = arith.constant 0 : i32
        %dma_wait3A_312 = arith.constant 0 : i32
        %dma_wait3A_313 = tpu.memref_slice %arg5[%dma_wait3A_311, %dma_wait3A_312] : memref<80x128xi32, #tpu.memory_space<vmem>> -> memref<1x128xi32, #tpu.memory_space<vmem>>
        %dma_wait3A_314 = tpu.memref_squeeze %dma_wait3A_313 : memref<1x128xi32, #tpu.memory_space<vmem>> -> memref<128xi32, #tpu.memory_space<vmem>>
        %dma_wait3A_315 = arith.constant 0 : i32
        %dma_wait3A_316 = tpu.memref_slice %arg7[%dma_wait3A_315] : memref<10240xf32, #tpu.memory_space<vmem_shared>> -> memref<10240xf32, #tpu.memory_space<vmem_shared>>
        tpu.wait_indirect_dma semaphore(%arg14 : memref<!tpu.dma_semaphore, #tpu.memory_space<semaphore_mem>>) src(%arg6 : memref<128xf32, #tpu.memory_space<vmem>>) dst(%dma_wait3A_316 : memref<10240xf32, #tpu.memory_space<vmem_shared>>)
      } else {
      }
      %dma_start3A_261 = arith.constant 0 : i32
      %dma_start3A_262 = tpu.memref_slice %arg5[%add3A_255, %dma_start3A_261] : memref<80x128xi32, #tpu.memory_space<vmem>> -> memref<1x128xi32, #tpu.memory_space<vmem>>
      %dma_start3A_263 = tpu.memref_squeeze %dma_start3A_262 : memref<1x128xi32, #tpu.memory_space<vmem>> -> memref<128xi32, #tpu.memory_space<vmem>>
      %dma_start3A_264 = arith.constant 0 : i32
      %dma_start3A_265 = tpu.memref_slice %arg7[%dma_start3A_264] : memref<10240xf32, #tpu.memory_space<vmem_shared>> -> memref<10240xf32, #tpu.memory_space<vmem_shared>>
      tpu.enqueue_indirect_dma source(%arg6 : memref<128xf32, #tpu.memory_space<vmem>>) target(%dma_start3A_265 : memref<10240xf32, #tpu.memory_space<vmem_shared>>) offsets(%dma_start3A_263 : memref<128xi32, #tpu.memory_space<vmem>>) semaphore(%arg14 : memref<!tpu.dma_semaphore, #tpu.memory_space<semaphore_mem>>) {add = true}
      %mul3A_266 = arith.constant 10 : i32
      %mul3A_267 = arith.muli %while3A_163, %mul3A_266 : i32
      %add3A_268 = arith.addi %sub3A, %mul3A_267 : i32
      %add3A_269 = arith.constant 7 : i32
      %add3A_270 = arith.addi %add3A_268, %add3A_269 : i32
      %gt3A_271 = arith.constant 0 : i32
      %gt3A_272 = arith.cmpi sgt, %while3A_163, %gt3A_271 : i32
      %convert_element_type3A_273 = arith.extui %gt3A_272 : i1 to i32
      %cond3A_274 = arith.constant 0 : i32
      %cond3A_275 = arith.cmpi ne, %convert_element_type3A_273, %cond3A_274 : i32
      scf.if %cond3A_275 {
        %dma_wait3A_311 = arith.constant 0 : i32
        %dma_wait3A_312 = arith.constant 0 : i32
        %dma_wait3A_313 = tpu.memref_slice %arg5[%dma_wait3A_311, %dma_wait3A_312] : memref<80x128xi32, #tpu.memory_space<vmem>> -> memref<1x128xi32, #tpu.memory_space<vmem>>
        %dma_wait3A_314 = tpu.memref_squeeze %dma_wait3A_313 : memref<1x128xi32, #tpu.memory_space<vmem>> -> memref<128xi32, #tpu.memory_space<vmem>>
        %dma_wait3A_315 = arith.constant 0 : i32
        %dma_wait3A_316 = tpu.memref_slice %arg7[%dma_wait3A_315] : memref<10240xf32, #tpu.memory_space<vmem_shared>> -> memref<10240xf32, #tpu.memory_space<vmem_shared>>
        tpu.wait_indirect_dma semaphore(%arg15 : memref<!tpu.dma_semaphore, #tpu.memory_space<semaphore_mem>>) src(%arg6 : memref<128xf32, #tpu.memory_space<vmem>>) dst(%dma_wait3A_316 : memref<10240xf32, #tpu.memory_space<vmem_shared>>)
      } else {
      }
      %dma_start3A_276 = arith.constant 0 : i32
      %dma_start3A_277 = tpu.memref_slice %arg5[%add3A_270, %dma_start3A_276] : memref<80x128xi32, #tpu.memory_space<vmem>> -> memref<1x128xi32, #tpu.memory_space<vmem>>
      %dma_start3A_278 = tpu.memref_squeeze %dma_start3A_277 : memref<1x128xi32, #tpu.memory_space<vmem>> -> memref<128xi32, #tpu.memory_space<vmem>>
      %dma_start3A_279 = arith.constant 0 : i32
      %dma_start3A_280 = tpu.memref_slice %arg7[%dma_start3A_279] : memref<10240xf32, #tpu.memory_space<vmem_shared>> -> memref<10240xf32, #tpu.memory_space<vmem_shared>>
      tpu.enqueue_indirect_dma source(%arg6 : memref<128xf32, #tpu.memory_space<vmem>>) target(%dma_start3A_280 : memref<10240xf32, #tpu.memory_space<vmem_shared>>) offsets(%dma_start3A_278 : memref<128xi32, #tpu.memory_space<vmem>>) semaphore(%arg15 : memref<!tpu.dma_semaphore, #tpu.memory_space<semaphore_mem>>) {add = true}
      %mul3A_281 = arith.constant 10 : i32
      %mul3A_282 = arith.muli %while3A_163, %mul3A_281 : i32
      %add3A_283 = arith.addi %sub3A, %mul3A_282 : i32
      %add3A_284 = arith.constant 8 : i32
      %add3A_285 = arith.addi %add3A_283, %add3A_284 : i32
      %gt3A_286 = arith.constant 0 : i32
      %gt3A_287 = arith.cmpi sgt, %while3A_163, %gt3A_286 : i32
      %convert_element_type3A_288 = arith.extui %gt3A_287 : i1 to i32
      %cond3A_289 = arith.constant 0 : i32
      %cond3A_290 = arith.cmpi ne, %convert_element_type3A_288, %cond3A_289 : i32
      scf.if %cond3A_290 {
        %dma_wait3A_311 = arith.constant 0 : i32
        %dma_wait3A_312 = arith.constant 0 : i32
        %dma_wait3A_313 = tpu.memref_slice %arg5[%dma_wait3A_311, %dma_wait3A_312] : memref<80x128xi32, #tpu.memory_space<vmem>> -> memref<1x128xi32, #tpu.memory_space<vmem>>
        %dma_wait3A_314 = tpu.memref_squeeze %dma_wait3A_313 : memref<1x128xi32, #tpu.memory_space<vmem>> -> memref<128xi32, #tpu.memory_space<vmem>>
        %dma_wait3A_315 = arith.constant 0 : i32
        %dma_wait3A_316 = tpu.memref_slice %arg7[%dma_wait3A_315] : memref<10240xf32, #tpu.memory_space<vmem_shared>> -> memref<10240xf32, #tpu.memory_space<vmem_shared>>
        tpu.wait_indirect_dma semaphore(%arg16 : memref<!tpu.dma_semaphore, #tpu.memory_space<semaphore_mem>>) src(%arg6 : memref<128xf32, #tpu.memory_space<vmem>>) dst(%dma_wait3A_316 : memref<10240xf32, #tpu.memory_space<vmem_shared>>)
      } else {
      }
      %dma_start3A_291 = arith.constant 0 : i32
      %dma_start3A_292 = tpu.memref_slice %arg5[%add3A_285, %dma_start3A_291] : memref<80x128xi32, #tpu.memory_space<vmem>> -> memref<1x128xi32, #tpu.memory_space<vmem>>
      %dma_start3A_293 = tpu.memref_squeeze %dma_start3A_292 : memref<1x128xi32, #tpu.memory_space<vmem>> -> memref<128xi32, #tpu.memory_space<vmem>>
      %dma_start3A_294 = arith.constant 0 : i32
      %dma_start3A_295 = tpu.memref_slice %arg7[%dma_start3A_294] : memref<10240xf32, #tpu.memory_space<vmem_shared>> -> memref<10240xf32, #tpu.memory_space<vmem_shared>>
      tpu.enqueue_indirect_dma source(%arg6 : memref<128xf32, #tpu.memory_space<vmem>>) target(%dma_start3A_295 : memref<10240xf32, #tpu.memory_space<vmem_shared>>) offsets(%dma_start3A_293 : memref<128xi32, #tpu.memory_space<vmem>>) semaphore(%arg16 : memref<!tpu.dma_semaphore, #tpu.memory_space<semaphore_mem>>) {add = true}
      %mul3A_296 = arith.constant 10 : i32
      %mul3A_297 = arith.muli %while3A_163, %mul3A_296 : i32
      %add3A_298 = arith.addi %sub3A, %mul3A_297 : i32
      %add3A_299 = arith.constant 9 : i32
      %add3A_300 = arith.addi %add3A_298, %add3A_299 : i32
      %gt3A_301 = arith.constant 0 : i32
      %gt3A_302 = arith.cmpi sgt, %while3A_163, %gt3A_301 : i32
      %convert_element_type3A_303 = arith.extui %gt3A_302 : i1 to i32
      %cond3A_304 = arith.constant 0 : i32
      %cond3A_305 = arith.cmpi ne, %convert_element_type3A_303, %cond3A_304 : i32
      scf.if %cond3A_305 {
        %dma_wait3A_311 = arith.constant 0 : i32
        %dma_wait3A_312 = arith.constant 0 : i32
        %dma_wait3A_313 = tpu.memref_slice %arg5[%dma_wait3A_311, %dma_wait3A_312] : memref<80x128xi32, #tpu.memory_space<vmem>> -> memref<1x128xi32, #tpu.memory_space<vmem>>
        %dma_wait3A_314 = tpu.memref_squeeze %dma_wait3A_313 : memref<1x128xi32, #tpu.memory_space<vmem>> -> memref<128xi32, #tpu.memory_space<vmem>>
        %dma_wait3A_315 = arith.constant 0 : i32
        %dma_wait3A_316 = tpu.memref_slice %arg7[%dma_wait3A_315] : memref<10240xf32, #tpu.memory_space<vmem_shared>> -> memref<10240xf32, #tpu.memory_space<vmem_shared>>
        tpu.wait_indirect_dma semaphore(%arg17 : memref<!tpu.dma_semaphore, #tpu.memory_space<semaphore_mem>>) src(%arg6 : memref<128xf32, #tpu.memory_space<vmem>>) dst(%dma_wait3A_316 : memref<10240xf32, #tpu.memory_space<vmem_shared>>)
      } else {
      }
      %dma_start3A_306 = arith.constant 0 : i32
      %dma_start3A_307 = tpu.memref_slice %arg5[%add3A_300, %dma_start3A_306] : memref<80x128xi32, #tpu.memory_space<vmem>> -> memref<1x128xi32, #tpu.memory_space<vmem>>
      %dma_start3A_308 = tpu.memref_squeeze %dma_start3A_307 : memref<1x128xi32, #tpu.memory_space<vmem>> -> memref<128xi32, #tpu.memory_space<vmem>>
      %dma_start3A_309 = arith.constant 0 : i32
      %dma_start3A_310 = tpu.memref_slice %arg7[%dma_start3A_309] : memref<10240xf32, #tpu.memory_space<vmem_shared>> -> memref<10240xf32, #tpu.memory_space<vmem_shared>>
      tpu.enqueue_indirect_dma source(%arg6 : memref<128xf32, #tpu.memory_space<vmem>>) target(%dma_start3A_310 : memref<10240xf32, #tpu.memory_space<vmem_shared>>) offsets(%dma_start3A_308 : memref<128xi32, #tpu.memory_space<vmem>>) semaphore(%arg17 : memref<!tpu.dma_semaphore, #tpu.memory_space<semaphore_mem>>) {add = true}
    }
    %dma_wait3A_98 = arith.constant 0 : i32
    %dma_wait3A_99 = arith.constant 0 : i32
    %dma_wait3A_100 = tpu.memref_slice %arg5[%dma_wait3A_98, %dma_wait3A_99] : memref<80x128xi32, #tpu.memory_space<vmem>> -> memref<1x128xi32, #tpu.memory_space<vmem>>
    %dma_wait3A_101 = tpu.memref_squeeze %dma_wait3A_100 : memref<1x128xi32, #tpu.memory_space<vmem>> -> memref<128xi32, #tpu.memory_space<vmem>>
    %dma_wait3A_102 = arith.constant 0 : i32
    %dma_wait3A_103 = tpu.memref_slice %arg7[%dma_wait3A_102] : memref<10240xf32, #tpu.memory_space<vmem_shared>> -> memref<10240xf32, #tpu.memory_space<vmem_shared>>
    tpu.wait_indirect_dma semaphore(%arg8 : memref<!tpu.dma_semaphore, #tpu.memory_space<semaphore_mem>>) src(%arg6 : memref<128xf32, #tpu.memory_space<vmem>>) dst(%dma_wait3A_103 : memref<10240xf32, #tpu.memory_space<vmem_shared>>)
    %dma_wait3A_104 = arith.constant 0 : i32
    %dma_wait3A_105 = arith.constant 0 : i32
    %dma_wait3A_106 = tpu.memref_slice %arg5[%dma_wait3A_104, %dma_wait3A_105] : memref<80x128xi32, #tpu.memory_space<vmem>> -> memref<1x128xi32, #tpu.memory_space<vmem>>
    %dma_wait3A_107 = tpu.memref_squeeze %dma_wait3A_106 : memref<1x128xi32, #tpu.memory_space<vmem>> -> memref<128xi32, #tpu.memory_space<vmem>>
    %dma_wait3A_108 = arith.constant 0 : i32
    %dma_wait3A_109 = tpu.memref_slice %arg7[%dma_wait3A_108] : memref<10240xf32, #tpu.memory_space<vmem_shared>> -> memref<10240xf32, #tpu.memory_space<vmem_shared>>
    tpu.wait_indirect_dma semaphore(%arg9 : memref<!tpu.dma_semaphore, #tpu.memory_space<semaphore_mem>>) src(%arg6 : memref<128xf32, #tpu.memory_space<vmem>>) dst(%dma_wait3A_109 : memref<10240xf32, #tpu.memory_space<vmem_shared>>)
    %dma_wait3A_110 = arith.constant 0 : i32
    %dma_wait3A_111 = arith.constant 0 : i32
    %dma_wait3A_112 = tpu.memref_slice %arg5[%dma_wait3A_110, %dma_wait3A_111] : memref<80x128xi32, #tpu.memory_space<vmem>> -> memref<1x128xi32, #tpu.memory_space<vmem>>
    %dma_wait3A_113 = tpu.memref_squeeze %dma_wait3A_112 : memref<1x128xi32, #tpu.memory_space<vmem>> -> memref<128xi32, #tpu.memory_space<vmem>>
    %dma_wait3A_114 = arith.constant 0 : i32
    %dma_wait3A_115 = tpu.memref_slice %arg7[%dma_wait3A_114] : memref<10240xf32, #tpu.memory_space<vmem_shared>> -> memref<10240xf32, #tpu.memory_space<vmem_shared>>
    tpu.wait_indirect_dma semaphore(%arg10 : memref<!tpu.dma_semaphore, #tpu.memory_space<semaphore_mem>>) src(%arg6 : memref<128xf32, #tpu.memory_space<vmem>>) dst(%dma_wait3A_115 : memref<10240xf32, #tpu.memory_space<vmem_shared>>)
    %dma_wait3A_116 = arith.constant 0 : i32
    %dma_wait3A_117 = arith.constant 0 : i32
    %dma_wait3A_118 = tpu.memref_slice %arg5[%dma_wait3A_116, %dma_wait3A_117] : memref<80x128xi32, #tpu.memory_space<vmem>> -> memref<1x128xi32, #tpu.memory_space<vmem>>
    %dma_wait3A_119 = tpu.memref_squeeze %dma_wait3A_118 : memref<1x128xi32, #tpu.memory_space<vmem>> -> memref<128xi32, #tpu.memory_space<vmem>>
    %dma_wait3A_120 = arith.constant 0 : i32
    %dma_wait3A_121 = tpu.memref_slice %arg7[%dma_wait3A_120] : memref<10240xf32, #tpu.memory_space<vmem_shared>> -> memref<10240xf32, #tpu.memory_space<vmem_shared>>
    tpu.wait_indirect_dma semaphore(%arg11 : memref<!tpu.dma_semaphore, #tpu.memory_space<semaphore_mem>>) src(%arg6 : memref<128xf32, #tpu.memory_space<vmem>>) dst(%dma_wait3A_121 : memref<10240xf32, #tpu.memory_space<vmem_shared>>)
    %dma_wait3A_122 = arith.constant 0 : i32
    %dma_wait3A_123 = arith.constant 0 : i32
    %dma_wait3A_124 = tpu.memref_slice %arg5[%dma_wait3A_122, %dma_wait3A_123] : memref<80x128xi32, #tpu.memory_space<vmem>> -> memref<1x128xi32, #tpu.memory_space<vmem>>
    %dma_wait3A_125 = tpu.memref_squeeze %dma_wait3A_124 : memref<1x128xi32, #tpu.memory_space<vmem>> -> memref<128xi32, #tpu.memory_space<vmem>>
    %dma_wait3A_126 = arith.constant 0 : i32
    %dma_wait3A_127 = tpu.memref_slice %arg7[%dma_wait3A_126] : memref<10240xf32, #tpu.memory_space<vmem_shared>> -> memref<10240xf32, #tpu.memory_space<vmem_shared>>
    tpu.wait_indirect_dma semaphore(%arg12 : memref<!tpu.dma_semaphore, #tpu.memory_space<semaphore_mem>>) src(%arg6 : memref<128xf32, #tpu.memory_space<vmem>>) dst(%dma_wait3A_127 : memref<10240xf32, #tpu.memory_space<vmem_shared>>)
    %dma_wait3A_128 = arith.constant 0 : i32
    %dma_wait3A_129 = arith.constant 0 : i32
    %dma_wait3A_130 = tpu.memref_slice %arg5[%dma_wait3A_128, %dma_wait3A_129] : memref<80x128xi32, #tpu.memory_space<vmem>> -> memref<1x128xi32, #tpu.memory_space<vmem>>
    %dma_wait3A_131 = tpu.memref_squeeze %dma_wait3A_130 : memref<1x128xi32, #tpu.memory_space<vmem>> -> memref<128xi32, #tpu.memory_space<vmem>>
    %dma_wait3A_132 = arith.constant 0 : i32
    %dma_wait3A_133 = tpu.memref_slice %arg7[%dma_wait3A_132] : memref<10240xf32, #tpu.memory_space<vmem_shared>> -> memref<10240xf32, #tpu.memory_space<vmem_shared>>
    tpu.wait_indirect_dma semaphore(%arg13 : memref<!tpu.dma_semaphore, #tpu.memory_space<semaphore_mem>>) src(%arg6 : memref<128xf32, #tpu.memory_space<vmem>>) dst(%dma_wait3A_133 : memref<10240xf32, #tpu.memory_space<vmem_shared>>)
    %dma_wait3A_134 = arith.constant 0 : i32
    %dma_wait3A_135 = arith.constant 0 : i32
    %dma_wait3A_136 = tpu.memref_slice %arg5[%dma_wait3A_134, %dma_wait3A_135] : memref<80x128xi32, #tpu.memory_space<vmem>> -> memref<1x128xi32, #tpu.memory_space<vmem>>
    %dma_wait3A_137 = tpu.memref_squeeze %dma_wait3A_136 : memref<1x128xi32, #tpu.memory_space<vmem>> -> memref<128xi32, #tpu.memory_space<vmem>>
    %dma_wait3A_138 = arith.constant 0 : i32
    %dma_wait3A_139 = tpu.memref_slice %arg7[%dma_wait3A_138] : memref<10240xf32, #tpu.memory_space<vmem_shared>> -> memref<10240xf32, #tpu.memory_space<vmem_shared>>
    tpu.wait_indirect_dma semaphore(%arg14 : memref<!tpu.dma_semaphore, #tpu.memory_space<semaphore_mem>>) src(%arg6 : memref<128xf32, #tpu.memory_space<vmem>>) dst(%dma_wait3A_139 : memref<10240xf32, #tpu.memory_space<vmem_shared>>)
    %dma_wait3A_140 = arith.constant 0 : i32
    %dma_wait3A_141 = arith.constant 0 : i32
    %dma_wait3A_142 = tpu.memref_slice %arg5[%dma_wait3A_140, %dma_wait3A_141] : memref<80x128xi32, #tpu.memory_space<vmem>> -> memref<1x128xi32, #tpu.memory_space<vmem>>
    %dma_wait3A_143 = tpu.memref_squeeze %dma_wait3A_142 : memref<1x128xi32, #tpu.memory_space<vmem>> -> memref<128xi32, #tpu.memory_space<vmem>>
    %dma_wait3A_144 = arith.constant 0 : i32
    %dma_wait3A_145 = tpu.memref_slice %arg7[%dma_wait3A_144] : memref<10240xf32, #tpu.memory_space<vmem_shared>> -> memref<10240xf32, #tpu.memory_space<vmem_shared>>
    tpu.wait_indirect_dma semaphore(%arg15 : memref<!tpu.dma_semaphore, #tpu.memory_space<semaphore_mem>>) src(%arg6 : memref<128xf32, #tpu.memory_space<vmem>>) dst(%dma_wait3A_145 : memref<10240xf32, #tpu.memory_space<vmem_shared>>)
    %dma_wait3A_146 = arith.constant 0 : i32
    %dma_wait3A_147 = arith.constant 0 : i32
    %dma_wait3A_148 = tpu.memref_slice %arg5[%dma_wait3A_146, %dma_wait3A_147] : memref<80x128xi32, #tpu.memory_space<vmem>> -> memref<1x128xi32, #tpu.memory_space<vmem>>
    %dma_wait3A_149 = tpu.memref_squeeze %dma_wait3A_148 : memref<1x128xi32, #tpu.memory_space<vmem>> -> memref<128xi32, #tpu.memory_space<vmem>>
    %dma_wait3A_150 = arith.constant 0 : i32
    %dma_wait3A_151 = tpu.memref_slice %arg7[%dma_wait3A_150] : memref<10240xf32, #tpu.memory_space<vmem_shared>> -> memref<10240xf32, #tpu.memory_space<vmem_shared>>
    tpu.wait_indirect_dma semaphore(%arg16 : memref<!tpu.dma_semaphore, #tpu.memory_space<semaphore_mem>>) src(%arg6 : memref<128xf32, #tpu.memory_space<vmem>>) dst(%dma_wait3A_151 : memref<10240xf32, #tpu.memory_space<vmem_shared>>)
    %dma_wait3A_152 = arith.constant 0 : i32
    %dma_wait3A_153 = arith.constant 0 : i32
    %dma_wait3A_154 = tpu.memref_slice %arg5[%dma_wait3A_152, %dma_wait3A_153] : memref<80x128xi32, #tpu.memory_space<vmem>> -> memref<1x128xi32, #tpu.memory_space<vmem>>
    %dma_wait3A_155 = tpu.memref_squeeze %dma_wait3A_154 : memref<1x128xi32, #tpu.memory_space<vmem>> -> memref<128xi32, #tpu.memory_space<vmem>>
    %dma_wait3A_156 = arith.constant 0 : i32
    %dma_wait3A_157 = tpu.memref_slice %arg7[%dma_wait3A_156] : memref<10240xf32, #tpu.memory_space<vmem_shared>> -> memref<10240xf32, #tpu.memory_space<vmem_shared>>
    tpu.wait_indirect_dma semaphore(%arg17 : memref<!tpu.dma_semaphore, #tpu.memory_space<semaphore_mem>>) src(%arg6 : memref<128xf32, #tpu.memory_space<vmem>>) dst(%dma_wait3A_157 : memref<10240xf32, #tpu.memory_space<vmem_shared>>)
    %barrier3A_158 = arith.constant 0 : index
    tpu.barrier barrier_id(%barrier3A_158)
    %mul3A_159 = arith.constant 640 : i32
    %mul3A_160 = arith.muli %arg1, %mul3A_159 : i32
    %mul3A_161 = arith.constant 640 : i32
    %mul3A_162 = arith.muli %arg1, %mul3A_161 : i32
    "tpu.region"() ({
      %run_scoped3A = tpu.sem_alloc : memref<!tpu.dma_semaphore, #tpu.memory_space<semaphore_mem>>
      %dma_start3A_163 = tpu.memref_slice %arg4[%arg0, %mul3A_162] : memref<2x10240xf32, #tpu.memory_space<hbm>> -> memref<1x640xf32, #tpu.memory_space<hbm>>
      %dma_start3A_164 = tpu.memref_squeeze %dma_start3A_163 : memref<1x640xf32, #tpu.memory_space<hbm>> -> memref<640xf32, #tpu.memory_space<hbm>>
      %dma_start3A_165 = tpu.memref_slice %arg7[%mul3A_160] : memref<10240xf32, #tpu.memory_space<vmem_shared>> -> memref<640xf32, #tpu.memory_space<vmem_shared>>
      tpu.enqueue_dma source(%dma_start3A_165 : memref<640xf32, #tpu.memory_space<vmem_shared>>) target(%dma_start3A_164 : memref<640xf32, #tpu.memory_space<hbm>>) target_semaphore(%run_scoped3A : memref<!tpu.dma_semaphore, #tpu.memory_space<semaphore_mem>>)
      %dma_wait3A_166 = tpu.memref_slice %arg4[%arg0, %mul3A_162] : memref<2x10240xf32, #tpu.memory_space<hbm>> -> memref<1x640xf32, #tpu.memory_space<hbm>>
      %dma_wait3A_167 = tpu.memref_squeeze %dma_wait3A_166 : memref<1x640xf32, #tpu.memory_space<hbm>> -> memref<640xf32, #tpu.memory_space<hbm>>
      %dma_wait3A_168 = tpu.memref_slice %arg7[%mul3A_160] : memref<10240xf32, #tpu.memory_space<vmem_shared>> -> memref<640xf32, #tpu.memory_space<vmem_shared>>
      tpu.wait_dma2 semaphore(%run_scoped3A : memref<!tpu.dma_semaphore, #tpu.memory_space<semaphore_mem>>) src(%dma_wait3A_168 : memref<640xf32, #tpu.memory_space<vmem_shared>>) dst(%dma_wait3A_167 : memref<640xf32, #tpu.memory_space<hbm>>)
      tpu.yield
    }) : () -> ()
    return
  }
}

#map = affine_map<(d0, d1) -> (0, 0)>
#map1 = affine_map<(d0, d1) -> (0, 0, 0)>
module attributes {stable_mosaic.version = 14 : i64} {
  func.func @agg_kernel(%arg0: i32, %arg1: i32, %arg2: memref<10000x64xf32, #tpu.memory_space<hbm>>, %arg3: memref<2500x128xi32, #tpu.memory_space<hbm>>, %arg4: memref<2500x128xi32, #tpu.memory_space<hbm>>, %arg5: memref<10240x64xf32, #tpu.memory_space<hbm>>, %arg6: memref<2x10240x64xf32, #tpu.memory_space<hbm>>, %arg7: memref<80x128xi32, #tpu.memory_space<vmem>>, %arg8: memref<80x128xi32, #tpu.memory_space<vmem>>, %arg9: memref<128x64xf32, #tpu.memory_space<vmem>>, %arg10: memref<128x64xf32, #tpu.memory_space<vmem>>, %arg11: memref<128x64xf32, #tpu.memory_space<vmem>>, %arg12: memref<128x64xf32, #tpu.memory_space<vmem>>, %arg13: memref<128x64xf32, #tpu.memory_space<vmem>>, %arg14: memref<128x64xf32, #tpu.memory_space<vmem>>, %arg15: memref<128x64xf32, #tpu.memory_space<vmem>>, %arg16: memref<128x64xf32, #tpu.memory_space<vmem>>, %arg17: memref<10240x64xf32, #tpu.memory_space<vmem_shared>>, %arg18: memref<!tpu.dma_semaphore, #tpu.memory_space<semaphore_mem>>, %arg19: memref<!tpu.dma_semaphore, #tpu.memory_space<semaphore_mem>>, %arg20: memref<!tpu.dma_semaphore, #tpu.memory_space<semaphore_mem>>, %arg21: memref<!tpu.dma_semaphore, #tpu.memory_space<semaphore_mem>>, %arg22: memref<!tpu.dma_semaphore, #tpu.memory_space<semaphore_mem>>, %arg23: memref<!tpu.dma_semaphore, #tpu.memory_space<semaphore_mem>>, %arg24: memref<!tpu.dma_semaphore, #tpu.memory_space<semaphore_mem>>, %arg25: memref<!tpu.dma_semaphore, #tpu.memory_space<semaphore_mem>>, %arg26: memref<!tpu.dma_semaphore, #tpu.memory_space<semaphore_mem>>, %arg27: memref<!tpu.dma_semaphore, #tpu.memory_space<semaphore_mem>>, %arg28: memref<!tpu.dma_semaphore, #tpu.memory_space<semaphore_mem>>, %arg29: memref<!tpu.dma_semaphore, #tpu.memory_space<semaphore_mem>>, %arg30: memref<!tpu.dma_semaphore, #tpu.memory_space<semaphore_mem>>, %arg31: memref<!tpu.dma_semaphore, #tpu.memory_space<semaphore_mem>>, %arg32: memref<!tpu.dma_semaphore, #tpu.memory_space<semaphore_mem>>, %arg33: memref<!tpu.dma_semaphore, #tpu.memory_space<semaphore_mem>>, %arg34: memref<!tpu.dma_semaphore, #tpu.memory_space<semaphore_mem>>, %arg35: memref<!tpu.dma_semaphore, #tpu.memory_space<semaphore_mem>>, %arg36: memref<!tpu.dma_semaphore, #tpu.memory_space<semaphore_mem>>) attributes {dimension_semantics = [#tpu.dimension_semantics<core_parallel>, #tpu.dimension_semantics<subcore_parallel>], iteration_bounds = array<i64: 2, 16>, scalar_prefetch = 0 : i64, scratch_operands = 30 : i64, tpu.core_type = #tpu.core_type<sc_vector_subcore>, window_params = [{transform_indices = #map}, {transform_indices = #map}, {transform_indices = #map}, {transform_indices = #map}, {transform_indices = #map1}]} {
    %mul3A = arith.constant 2 : i32
    %mul3A_0 = arith.muli %arg1, %mul3A : i32
    %add3A = arith.addi %mul3A_0, %arg0 : i32
    %mul3A_1 = arith.constant 640 : i32
    %mul3A_2 = arith.muli %arg1, %mul3A_1 : i32
    %mul3A_3 = arith.constant 640 : i32
    %mul3A_4 = arith.muli %arg1, %mul3A_3 : i32
    %dma_start3A = arith.constant 0 : i32
    %dma_start3A_5 = tpu.memref_slice %arg17[%mul3A_4, %dma_start3A] : memref<10240x64xf32, #tpu.memory_space<vmem_shared>> -> memref<640x64xf32, #tpu.memory_space<vmem_shared>>
    %dma_start3A_6 = arith.constant 0 : i32
    %dma_start3A_7 = tpu.memref_slice %arg5[%mul3A_2, %dma_start3A_6] : memref<10240x64xf32, #tpu.memory_space<hbm>> -> memref<640x64xf32, #tpu.memory_space<hbm>>
    tpu.enqueue_dma source(%dma_start3A_7 : memref<640x64xf32, #tpu.memory_space<hbm>>) target(%dma_start3A_5 : memref<640x64xf32, #tpu.memory_space<vmem_shared>>) target_semaphore(%arg36 : memref<!tpu.dma_semaphore, #tpu.memory_space<semaphore_mem>>)
    %mul3A_8 = arith.constant 80 : i32
    %mul3A_9 = arith.muli %add3A, %mul3A_8 : i32
    %min3A = arith.constant 2420 : i32
    %min3A_10 = arith.minsi %mul3A_9, %min3A : i32
    %mul3A_11 = arith.constant 80 : i32
    %mul3A_12 = arith.muli %add3A, %mul3A_11 : i32
    %sub3A = arith.subi %mul3A_12, %min3A_10 : i32
    %dma_start3A_13 = arith.constant 0 : i32
    %dma_start3A_14 = tpu.memref_slice %arg3[%min3A_10, %dma_start3A_13] : memref<2500x128xi32, #tpu.memory_space<hbm>> -> memref<80x128xi32, #tpu.memory_space<hbm>>
    %dma_start3A_15 = arith.constant 0 : i32
    %dma_start3A_16 = tpu.memref_slice %arg3[%min3A_10, %dma_start3A_15] : memref<2500x128xi32, #tpu.memory_space<hbm>> -> memref<80x128xi32, #tpu.memory_space<hbm>>
    tpu.enqueue_dma source(%dma_start3A_16 : memref<80x128xi32, #tpu.memory_space<hbm>>) target(%arg7 : memref<80x128xi32, #tpu.memory_space<vmem>>) target_semaphore(%arg34 : memref<!tpu.dma_semaphore, #tpu.memory_space<semaphore_mem>>)
    %dma_start3A_17 = arith.constant 0 : i32
    %dma_start3A_18 = tpu.memref_slice %arg4[%min3A_10, %dma_start3A_17] : memref<2500x128xi32, #tpu.memory_space<hbm>> -> memref<80x128xi32, #tpu.memory_space<hbm>>
    %dma_start3A_19 = arith.constant 0 : i32
    %dma_start3A_20 = tpu.memref_slice %arg4[%min3A_10, %dma_start3A_19] : memref<2500x128xi32, #tpu.memory_space<hbm>> -> memref<80x128xi32, #tpu.memory_space<hbm>>
    tpu.enqueue_dma source(%dma_start3A_20 : memref<80x128xi32, #tpu.memory_space<hbm>>) target(%arg8 : memref<80x128xi32, #tpu.memory_space<vmem>>) target_semaphore(%arg35 : memref<!tpu.dma_semaphore, #tpu.memory_space<semaphore_mem>>)
    %dma_wait3A = arith.constant 0 : i32
    %dma_wait3A_21 = tpu.memref_slice %arg17[%mul3A_4, %dma_wait3A] : memref<10240x64xf32, #tpu.memory_space<vmem_shared>> -> memref<640x64xf32, #tpu.memory_space<vmem_shared>>
    %dma_wait3A_22 = arith.constant 0 : i32
    %dma_wait3A_23 = tpu.memref_slice %arg5[%mul3A_2, %dma_wait3A_22] : memref<10240x64xf32, #tpu.memory_space<hbm>> -> memref<640x64xf32, #tpu.memory_space<hbm>>
    tpu.wait_dma2 semaphore(%arg36 : memref<!tpu.dma_semaphore, #tpu.memory_space<semaphore_mem>>) src(%dma_wait3A_23 : memref<640x64xf32, #tpu.memory_space<hbm>>) dst(%dma_wait3A_21 : memref<640x64xf32, #tpu.memory_space<vmem_shared>>)
    %dma_wait3A_24 = arith.constant 0 : i32
    %dma_wait3A_25 = tpu.memref_slice %arg3[%min3A_10, %dma_wait3A_24] : memref<2500x128xi32, #tpu.memory_space<hbm>> -> memref<80x128xi32, #tpu.memory_space<hbm>>
    %dma_wait3A_26 = arith.constant 0 : i32
    %dma_wait3A_27 = tpu.memref_slice %arg3[%min3A_10, %dma_wait3A_26] : memref<2500x128xi32, #tpu.memory_space<hbm>> -> memref<80x128xi32, #tpu.memory_space<hbm>>
    tpu.wait_dma2 semaphore(%arg34 : memref<!tpu.dma_semaphore, #tpu.memory_space<semaphore_mem>>) src(%dma_wait3A_27 : memref<80x128xi32, #tpu.memory_space<hbm>>) dst(%arg7 : memref<80x128xi32, #tpu.memory_space<vmem>>)
    %dma_wait3A_28 = arith.constant 0 : i32
    %dma_wait3A_29 = tpu.memref_slice %arg4[%min3A_10, %dma_wait3A_28] : memref<2500x128xi32, #tpu.memory_space<hbm>> -> memref<80x128xi32, #tpu.memory_space<hbm>>
    %dma_wait3A_30 = arith.constant 0 : i32
    %dma_wait3A_31 = tpu.memref_slice %arg4[%min3A_10, %dma_wait3A_30] : memref<2500x128xi32, #tpu.memory_space<hbm>> -> memref<80x128xi32, #tpu.memory_space<hbm>>
    tpu.wait_dma2 semaphore(%arg35 : memref<!tpu.dma_semaphore, #tpu.memory_space<semaphore_mem>>) src(%dma_wait3A_31 : memref<80x128xi32, #tpu.memory_space<hbm>>) dst(%arg8 : memref<80x128xi32, #tpu.memory_space<vmem>>)
    %barrier3A = arith.constant 0 : index
    tpu.barrier barrier_id(%barrier3A)
    %mul3A_32 = arith.constant 80 : i32
    %mul3A_33 = arith.muli %add3A, %mul3A_32 : i32
    %sub3A_34 = arith.constant 2500 : i32
    %sub3A_35 = arith.subi %sub3A_34, %mul3A_33 : i32
    %min3A_36 = arith.constant 80 : i32
    %min3A_37 = arith.minsi %min3A_36, %sub3A_35 : i32
    %jit3A = arith.constant 8 : i32
    %div3A = arith.divsi %min3A_37, %jit3A : i32
    %sign3A = arith.constant 0 : i32
    %sign3A_38 = arith.cmpi sgt, %min3A_37, %sign3A : i32
    %sign3A_39 = arith.extui %sign3A_38 : i1 to i32
    %sign3A_40 = arith.constant 0 : i32
    %sign3A_41 = arith.cmpi slt, %min3A_37, %sign3A_40 : i32
    %sign3A_42 = arith.extui %sign3A_41 : i1 to i32
    %sign3A_43 = arith.subi %sign3A_39, %sign3A_42 : i32
    %sign3A_44 = arith.constant 0 : i32
    %sign3A_45 = arith.cmpi sgt, %jit3A, %sign3A_44 : i32
    %sign3A_46 = arith.extui %sign3A_45 : i1 to i32
    %sign3A_47 = arith.constant 0 : i32
    %sign3A_48 = arith.cmpi slt, %jit3A, %sign3A_47 : i32
    %sign3A_49 = arith.extui %sign3A_48 : i1 to i32
    %sign3A_50 = arith.subi %sign3A_46, %sign3A_49 : i32
    %ne3A = arith.cmpi ne, %sign3A_43, %sign3A_50 : i32
    %rem3A = arith.remsi %min3A_37, %jit3A : i32
    %ne3A_51 = arith.constant 0 : i32
    %ne3A_52 = arith.cmpi ne, %rem3A, %ne3A_51 : i32
    %and3A = arith.andi %ne3A, %ne3A_52 : i1
    %sub3A_53 = arith.constant 1 : i32
    %sub3A_54 = arith.subi %div3A, %sub3A_53 : i32
    %select_n3A = arith.select %and3A, %sub3A_54, %div3A : i32
    %while3A = arith.constant 0 : i32
    %while3A_55 = arith.constant 0 : i32
    %while3A_56 = arith.subi %select_n3A, %while3A_55 : i32
    %while3A_57 = arith.addi %while3A_55, %while3A_56 : i32
    %while3A_58 = arith.constant 1 : i32
    %while3A_59 = arith.divsi %while3A_56, %while3A_58 : i32
    %while3A_60 = arith.muli %while3A_59, %while3A_58 : i32
    %while3A_61 = arith.addi %while3A_55, %while3A_60 : i32
    %while3A_62 = arith.constant 1 : i32
    scf.for %while3A_138 = %while3A_55 to %while3A_61 step %while3A_62  : i32 {
      %mul3A_139 = arith.constant 8 : i32
      %mul3A_140 = arith.muli %while3A_138, %mul3A_139 : i32
      %add3A_141 = arith.addi %sub3A, %mul3A_140 : i32
      %add3A_142 = arith.constant 0 : i32
      %add3A_143 = arith.addi %add3A_141, %add3A_142 : i32
      %gt3A = arith.constant 0 : i32
      %gt3A_144 = arith.cmpi sgt, %while3A_138, %gt3A : i32
      %convert_element_type3A = arith.extui %gt3A_144 : i1 to i32
      %cond3A = arith.constant 0 : i32
      %cond3A_145 = arith.cmpi ne, %convert_element_type3A, %cond3A : i32
      scf.if %cond3A_145 {
        %dma_wait3A_400 = arith.constant 0 : i32
        %dma_wait3A_401 = arith.constant 0 : i32
        %dma_wait3A_402 = tpu.memref_slice %arg8[%dma_wait3A_400, %dma_wait3A_401] : memref<80x128xi32, #tpu.memory_space<vmem>> -> memref<1x128xi32, #tpu.memory_space<vmem>>
        %dma_wait3A_403 = tpu.memref_squeeze %dma_wait3A_402 : memref<1x128xi32, #tpu.memory_space<vmem>> -> memref<128xi32, #tpu.memory_space<vmem>>
        %dma_wait3A_404 = arith.constant 0 : i32
        %dma_wait3A_405 = arith.constant 0 : i32
        %dma_wait3A_406 = tpu.memref_slice %arg17[%dma_wait3A_404, %dma_wait3A_405] : memref<10240x64xf32, #tpu.memory_space<vmem_shared>> -> memref<10240x64xf32, #tpu.memory_space<vmem_shared>>
        tpu.wait_indirect_dma semaphore(%arg26 : memref<!tpu.dma_semaphore, #tpu.memory_space<semaphore_mem>>) src(%arg9 : memref<128x64xf32, #tpu.memory_space<vmem>>) dst(%dma_wait3A_406 : memref<10240x64xf32, #tpu.memory_space<vmem_shared>>)
      } else {
      }
      %dma_start3A_146 = arith.constant 0 : i32
      %dma_start3A_147 = tpu.memref_slice %arg7[%add3A_143, %dma_start3A_146] : memref<80x128xi32, #tpu.memory_space<vmem>> -> memref<1x128xi32, #tpu.memory_space<vmem>>
      %dma_start3A_148 = tpu.memref_squeeze %dma_start3A_147 : memref<1x128xi32, #tpu.memory_space<vmem>> -> memref<128xi32, #tpu.memory_space<vmem>>
      %dma_start3A_149 = arith.constant 0 : i32
      %dma_start3A_150 = arith.constant 0 : i32
      %dma_start3A_151 = tpu.memref_slice %arg2[%dma_start3A_149, %dma_start3A_150] : memref<10000x64xf32, #tpu.memory_space<hbm>> -> memref<10000x64xf32, #tpu.memory_space<hbm>>
      tpu.enqueue_indirect_dma source(%dma_start3A_151 : memref<10000x64xf32, #tpu.memory_space<hbm>>) target(%arg9 : memref<128x64xf32, #tpu.memory_space<vmem>>) offsets(%dma_start3A_148 : memref<128xi32, #tpu.memory_space<vmem>>) semaphore(%arg18 : memref<!tpu.dma_semaphore, #tpu.memory_space<semaphore_mem>>)
      %mul3A_152 = arith.constant 8 : i32
      %mul3A_153 = arith.muli %while3A_138, %mul3A_152 : i32
      %add3A_154 = arith.addi %sub3A, %mul3A_153 : i32
      %add3A_155 = arith.constant 1 : i32
      %add3A_156 = arith.addi %add3A_154, %add3A_155 : i32
      %gt3A_157 = arith.constant 0 : i32
      %gt3A_158 = arith.cmpi sgt, %while3A_138, %gt3A_157 : i32
      %convert_element_type3A_159 = arith.extui %gt3A_158 : i1 to i32
      %cond3A_160 = arith.constant 0 : i32
      %cond3A_161 = arith.cmpi ne, %convert_element_type3A_159, %cond3A_160 : i32
      scf.if %cond3A_161 {
        %dma_wait3A_400 = arith.constant 0 : i32
        %dma_wait3A_401 = arith.constant 0 : i32
        %dma_wait3A_402 = tpu.memref_slice %arg8[%dma_wait3A_400, %dma_wait3A_401] : memref<80x128xi32, #tpu.memory_space<vmem>> -> memref<1x128xi32, #tpu.memory_space<vmem>>
        %dma_wait3A_403 = tpu.memref_squeeze %dma_wait3A_402 : memref<1x128xi32, #tpu.memory_space<vmem>> -> memref<128xi32, #tpu.memory_space<vmem>>
        %dma_wait3A_404 = arith.constant 0 : i32
        %dma_wait3A_405 = arith.constant 0 : i32
        %dma_wait3A_406 = tpu.memref_slice %arg17[%dma_wait3A_404, %dma_wait3A_405] : memref<10240x64xf32, #tpu.memory_space<vmem_shared>> -> memref<10240x64xf32, #tpu.memory_space<vmem_shared>>
        tpu.wait_indirect_dma semaphore(%arg27 : memref<!tpu.dma_semaphore, #tpu.memory_space<semaphore_mem>>) src(%arg10 : memref<128x64xf32, #tpu.memory_space<vmem>>) dst(%dma_wait3A_406 : memref<10240x64xf32, #tpu.memory_space<vmem_shared>>)
      } else {
      }
      %dma_start3A_162 = arith.constant 0 : i32
      %dma_start3A_163 = tpu.memref_slice %arg7[%add3A_156, %dma_start3A_162] : memref<80x128xi32, #tpu.memory_space<vmem>> -> memref<1x128xi32, #tpu.memory_space<vmem>>
      %dma_start3A_164 = tpu.memref_squeeze %dma_start3A_163 : memref<1x128xi32, #tpu.memory_space<vmem>> -> memref<128xi32, #tpu.memory_space<vmem>>
      %dma_start3A_165 = arith.constant 0 : i32
      %dma_start3A_166 = arith.constant 0 : i32
      %dma_start3A_167 = tpu.memref_slice %arg2[%dma_start3A_165, %dma_start3A_166] : memref<10000x64xf32, #tpu.memory_space<hbm>> -> memref<10000x64xf32, #tpu.memory_space<hbm>>
      tpu.enqueue_indirect_dma source(%dma_start3A_167 : memref<10000x64xf32, #tpu.memory_space<hbm>>) target(%arg10 : memref<128x64xf32, #tpu.memory_space<vmem>>) offsets(%dma_start3A_164 : memref<128xi32, #tpu.memory_space<vmem>>) semaphore(%arg19 : memref<!tpu.dma_semaphore, #tpu.memory_space<semaphore_mem>>)
      %mul3A_168 = arith.constant 8 : i32
      %mul3A_169 = arith.muli %while3A_138, %mul3A_168 : i32
      %add3A_170 = arith.addi %sub3A, %mul3A_169 : i32
      %add3A_171 = arith.constant 2 : i32
      %add3A_172 = arith.addi %add3A_170, %add3A_171 : i32
      %gt3A_173 = arith.constant 0 : i32
      %gt3A_174 = arith.cmpi sgt, %while3A_138, %gt3A_173 : i32
      %convert_element_type3A_175 = arith.extui %gt3A_174 : i1 to i32
      %cond3A_176 = arith.constant 0 : i32
      %cond3A_177 = arith.cmpi ne, %convert_element_type3A_175, %cond3A_176 : i32
      scf.if %cond3A_177 {
        %dma_wait3A_400 = arith.constant 0 : i32
        %dma_wait3A_401 = arith.constant 0 : i32
        %dma_wait3A_402 = tpu.memref_slice %arg8[%dma_wait3A_400, %dma_wait3A_401] : memref<80x128xi32, #tpu.memory_space<vmem>> -> memref<1x128xi32, #tpu.memory_space<vmem>>
        %dma_wait3A_403 = tpu.memref_squeeze %dma_wait3A_402 : memref<1x128xi32, #tpu.memory_space<vmem>> -> memref<128xi32, #tpu.memory_space<vmem>>
        %dma_wait3A_404 = arith.constant 0 : i32
        %dma_wait3A_405 = arith.constant 0 : i32
        %dma_wait3A_406 = tpu.memref_slice %arg17[%dma_wait3A_404, %dma_wait3A_405] : memref<10240x64xf32, #tpu.memory_space<vmem_shared>> -> memref<10240x64xf32, #tpu.memory_space<vmem_shared>>
        tpu.wait_indirect_dma semaphore(%arg28 : memref<!tpu.dma_semaphore, #tpu.memory_space<semaphore_mem>>) src(%arg11 : memref<128x64xf32, #tpu.memory_space<vmem>>) dst(%dma_wait3A_406 : memref<10240x64xf32, #tpu.memory_space<vmem_shared>>)
      } else {
      }
      %dma_start3A_178 = arith.constant 0 : i32
      %dma_start3A_179 = tpu.memref_slice %arg7[%add3A_172, %dma_start3A_178] : memref<80x128xi32, #tpu.memory_space<vmem>> -> memref<1x128xi32, #tpu.memory_space<vmem>>
      %dma_start3A_180 = tpu.memref_squeeze %dma_start3A_179 : memref<1x128xi32, #tpu.memory_space<vmem>> -> memref<128xi32, #tpu.memory_space<vmem>>
      %dma_start3A_181 = arith.constant 0 : i32
      %dma_start3A_182 = arith.constant 0 : i32
      %dma_start3A_183 = tpu.memref_slice %arg2[%dma_start3A_181, %dma_start3A_182] : memref<10000x64xf32, #tpu.memory_space<hbm>> -> memref<10000x64xf32, #tpu.memory_space<hbm>>
      tpu.enqueue_indirect_dma source(%dma_start3A_183 : memref<10000x64xf32, #tpu.memory_space<hbm>>) target(%arg11 : memref<128x64xf32, #tpu.memory_space<vmem>>) offsets(%dma_start3A_180 : memref<128xi32, #tpu.memory_space<vmem>>) semaphore(%arg20 : memref<!tpu.dma_semaphore, #tpu.memory_space<semaphore_mem>>)
      %mul3A_184 = arith.constant 8 : i32
      %mul3A_185 = arith.muli %while3A_138, %mul3A_184 : i32
      %add3A_186 = arith.addi %sub3A, %mul3A_185 : i32
      %add3A_187 = arith.constant 3 : i32
      %add3A_188 = arith.addi %add3A_186, %add3A_187 : i32
      %gt3A_189 = arith.constant 0 : i32
      %gt3A_190 = arith.cmpi sgt, %while3A_138, %gt3A_189 : i32
      %convert_element_type3A_191 = arith.extui %gt3A_190 : i1 to i32
      %cond3A_192 = arith.constant 0 : i32
      %cond3A_193 = arith.cmpi ne, %convert_element_type3A_191, %cond3A_192 : i32
      scf.if %cond3A_193 {
        %dma_wait3A_400 = arith.constant 0 : i32
        %dma_wait3A_401 = arith.constant 0 : i32
        %dma_wait3A_402 = tpu.memref_slice %arg8[%dma_wait3A_400, %dma_wait3A_401] : memref<80x128xi32, #tpu.memory_space<vmem>> -> memref<1x128xi32, #tpu.memory_space<vmem>>
        %dma_wait3A_403 = tpu.memref_squeeze %dma_wait3A_402 : memref<1x128xi32, #tpu.memory_space<vmem>> -> memref<128xi32, #tpu.memory_space<vmem>>
        %dma_wait3A_404 = arith.constant 0 : i32
        %dma_wait3A_405 = arith.constant 0 : i32
        %dma_wait3A_406 = tpu.memref_slice %arg17[%dma_wait3A_404, %dma_wait3A_405] : memref<10240x64xf32, #tpu.memory_space<vmem_shared>> -> memref<10240x64xf32, #tpu.memory_space<vmem_shared>>
        tpu.wait_indirect_dma semaphore(%arg29 : memref<!tpu.dma_semaphore, #tpu.memory_space<semaphore_mem>>) src(%arg12 : memref<128x64xf32, #tpu.memory_space<vmem>>) dst(%dma_wait3A_406 : memref<10240x64xf32, #tpu.memory_space<vmem_shared>>)
      } else {
      }
      %dma_start3A_194 = arith.constant 0 : i32
      %dma_start3A_195 = tpu.memref_slice %arg7[%add3A_188, %dma_start3A_194] : memref<80x128xi32, #tpu.memory_space<vmem>> -> memref<1x128xi32, #tpu.memory_space<vmem>>
      %dma_start3A_196 = tpu.memref_squeeze %dma_start3A_195 : memref<1x128xi32, #tpu.memory_space<vmem>> -> memref<128xi32, #tpu.memory_space<vmem>>
      %dma_start3A_197 = arith.constant 0 : i32
      %dma_start3A_198 = arith.constant 0 : i32
      %dma_start3A_199 = tpu.memref_slice %arg2[%dma_start3A_197, %dma_start3A_198] : memref<10000x64xf32, #tpu.memory_space<hbm>> -> memref<10000x64xf32, #tpu.memory_space<hbm>>
      tpu.enqueue_indirect_dma source(%dma_start3A_199 : memref<10000x64xf32, #tpu.memory_space<hbm>>) target(%arg12 : memref<128x64xf32, #tpu.memory_space<vmem>>) offsets(%dma_start3A_196 : memref<128xi32, #tpu.memory_space<vmem>>) semaphore(%arg21 : memref<!tpu.dma_semaphore, #tpu.memory_space<semaphore_mem>>)
      %mul3A_200 = arith.constant 8 : i32
      %mul3A_201 = arith.muli %while3A_138, %mul3A_200 : i32
      %add3A_202 = arith.addi %sub3A, %mul3A_201 : i32
      %add3A_203 = arith.constant 4 : i32
      %add3A_204 = arith.addi %add3A_202, %add3A_203 : i32
      %gt3A_205 = arith.constant 0 : i32
      %gt3A_206 = arith.cmpi sgt, %while3A_138, %gt3A_205 : i32
      %convert_element_type3A_207 = arith.extui %gt3A_206 : i1 to i32
      %cond3A_208 = arith.constant 0 : i32
      %cond3A_209 = arith.cmpi ne, %convert_element_type3A_207, %cond3A_208 : i32
      scf.if %cond3A_209 {
        %dma_wait3A_400 = arith.constant 0 : i32
        %dma_wait3A_401 = arith.constant 0 : i32
        %dma_wait3A_402 = tpu.memref_slice %arg8[%dma_wait3A_400, %dma_wait3A_401] : memref<80x128xi32, #tpu.memory_space<vmem>> -> memref<1x128xi32, #tpu.memory_space<vmem>>
        %dma_wait3A_403 = tpu.memref_squeeze %dma_wait3A_402 : memref<1x128xi32, #tpu.memory_space<vmem>> -> memref<128xi32, #tpu.memory_space<vmem>>
        %dma_wait3A_404 = arith.constant 0 : i32
        %dma_wait3A_405 = arith.constant 0 : i32
        %dma_wait3A_406 = tpu.memref_slice %arg17[%dma_wait3A_404, %dma_wait3A_405] : memref<10240x64xf32, #tpu.memory_space<vmem_shared>> -> memref<10240x64xf32, #tpu.memory_space<vmem_shared>>
        tpu.wait_indirect_dma semaphore(%arg30 : memref<!tpu.dma_semaphore, #tpu.memory_space<semaphore_mem>>) src(%arg13 : memref<128x64xf32, #tpu.memory_space<vmem>>) dst(%dma_wait3A_406 : memref<10240x64xf32, #tpu.memory_space<vmem_shared>>)
      } else {
      }
      %dma_start3A_210 = arith.constant 0 : i32
      %dma_start3A_211 = tpu.memref_slice %arg7[%add3A_204, %dma_start3A_210] : memref<80x128xi32, #tpu.memory_space<vmem>> -> memref<1x128xi32, #tpu.memory_space<vmem>>
      %dma_start3A_212 = tpu.memref_squeeze %dma_start3A_211 : memref<1x128xi32, #tpu.memory_space<vmem>> -> memref<128xi32, #tpu.memory_space<vmem>>
      %dma_start3A_213 = arith.constant 0 : i32
      %dma_start3A_214 = arith.constant 0 : i32
      %dma_start3A_215 = tpu.memref_slice %arg2[%dma_start3A_213, %dma_start3A_214] : memref<10000x64xf32, #tpu.memory_space<hbm>> -> memref<10000x64xf32, #tpu.memory_space<hbm>>
      tpu.enqueue_indirect_dma source(%dma_start3A_215 : memref<10000x64xf32, #tpu.memory_space<hbm>>) target(%arg13 : memref<128x64xf32, #tpu.memory_space<vmem>>) offsets(%dma_start3A_212 : memref<128xi32, #tpu.memory_space<vmem>>) semaphore(%arg22 : memref<!tpu.dma_semaphore, #tpu.memory_space<semaphore_mem>>)
      %mul3A_216 = arith.constant 8 : i32
      %mul3A_217 = arith.muli %while3A_138, %mul3A_216 : i32
      %add3A_218 = arith.addi %sub3A, %mul3A_217 : i32
      %add3A_219 = arith.constant 5 : i32
      %add3A_220 = arith.addi %add3A_218, %add3A_219 : i32
      %gt3A_221 = arith.constant 0 : i32
      %gt3A_222 = arith.cmpi sgt, %while3A_138, %gt3A_221 : i32
      %convert_element_type3A_223 = arith.extui %gt3A_222 : i1 to i32
      %cond3A_224 = arith.constant 0 : i32
      %cond3A_225 = arith.cmpi ne, %convert_element_type3A_223, %cond3A_224 : i32
      scf.if %cond3A_225 {
        %dma_wait3A_400 = arith.constant 0 : i32
        %dma_wait3A_401 = arith.constant 0 : i32
        %dma_wait3A_402 = tpu.memref_slice %arg8[%dma_wait3A_400, %dma_wait3A_401] : memref<80x128xi32, #tpu.memory_space<vmem>> -> memref<1x128xi32, #tpu.memory_space<vmem>>
        %dma_wait3A_403 = tpu.memref_squeeze %dma_wait3A_402 : memref<1x128xi32, #tpu.memory_space<vmem>> -> memref<128xi32, #tpu.memory_space<vmem>>
        %dma_wait3A_404 = arith.constant 0 : i32
        %dma_wait3A_405 = arith.constant 0 : i32
        %dma_wait3A_406 = tpu.memref_slice %arg17[%dma_wait3A_404, %dma_wait3A_405] : memref<10240x64xf32, #tpu.memory_space<vmem_shared>> -> memref<10240x64xf32, #tpu.memory_space<vmem_shared>>
        tpu.wait_indirect_dma semaphore(%arg31 : memref<!tpu.dma_semaphore, #tpu.memory_space<semaphore_mem>>) src(%arg14 : memref<128x64xf32, #tpu.memory_space<vmem>>) dst(%dma_wait3A_406 : memref<10240x64xf32, #tpu.memory_space<vmem_shared>>)
      } else {
      }
      %dma_start3A_226 = arith.constant 0 : i32
      %dma_start3A_227 = tpu.memref_slice %arg7[%add3A_220, %dma_start3A_226] : memref<80x128xi32, #tpu.memory_space<vmem>> -> memref<1x128xi32, #tpu.memory_space<vmem>>
      %dma_start3A_228 = tpu.memref_squeeze %dma_start3A_227 : memref<1x128xi32, #tpu.memory_space<vmem>> -> memref<128xi32, #tpu.memory_space<vmem>>
      %dma_start3A_229 = arith.constant 0 : i32
      %dma_start3A_230 = arith.constant 0 : i32
      %dma_start3A_231 = tpu.memref_slice %arg2[%dma_start3A_229, %dma_start3A_230] : memref<10000x64xf32, #tpu.memory_space<hbm>> -> memref<10000x64xf32, #tpu.memory_space<hbm>>
      tpu.enqueue_indirect_dma source(%dma_start3A_231 : memref<10000x64xf32, #tpu.memory_space<hbm>>) target(%arg14 : memref<128x64xf32, #tpu.memory_space<vmem>>) offsets(%dma_start3A_228 : memref<128xi32, #tpu.memory_space<vmem>>) semaphore(%arg23 : memref<!tpu.dma_semaphore, #tpu.memory_space<semaphore_mem>>)
      %mul3A_232 = arith.constant 8 : i32
      %mul3A_233 = arith.muli %while3A_138, %mul3A_232 : i32
      %add3A_234 = arith.addi %sub3A, %mul3A_233 : i32
      %add3A_235 = arith.constant 6 : i32
      %add3A_236 = arith.addi %add3A_234, %add3A_235 : i32
      %gt3A_237 = arith.constant 0 : i32
      %gt3A_238 = arith.cmpi sgt, %while3A_138, %gt3A_237 : i32
      %convert_element_type3A_239 = arith.extui %gt3A_238 : i1 to i32
      %cond3A_240 = arith.constant 0 : i32
      %cond3A_241 = arith.cmpi ne, %convert_element_type3A_239, %cond3A_240 : i32
      scf.if %cond3A_241 {
        %dma_wait3A_400 = arith.constant 0 : i32
        %dma_wait3A_401 = arith.constant 0 : i32
        %dma_wait3A_402 = tpu.memref_slice %arg8[%dma_wait3A_400, %dma_wait3A_401] : memref<80x128xi32, #tpu.memory_space<vmem>> -> memref<1x128xi32, #tpu.memory_space<vmem>>
        %dma_wait3A_403 = tpu.memref_squeeze %dma_wait3A_402 : memref<1x128xi32, #tpu.memory_space<vmem>> -> memref<128xi32, #tpu.memory_space<vmem>>
        %dma_wait3A_404 = arith.constant 0 : i32
        %dma_wait3A_405 = arith.constant 0 : i32
        %dma_wait3A_406 = tpu.memref_slice %arg17[%dma_wait3A_404, %dma_wait3A_405] : memref<10240x64xf32, #tpu.memory_space<vmem_shared>> -> memref<10240x64xf32, #tpu.memory_space<vmem_shared>>
        tpu.wait_indirect_dma semaphore(%arg32 : memref<!tpu.dma_semaphore, #tpu.memory_space<semaphore_mem>>) src(%arg15 : memref<128x64xf32, #tpu.memory_space<vmem>>) dst(%dma_wait3A_406 : memref<10240x64xf32, #tpu.memory_space<vmem_shared>>)
      } else {
      }
      %dma_start3A_242 = arith.constant 0 : i32
      %dma_start3A_243 = tpu.memref_slice %arg7[%add3A_236, %dma_start3A_242] : memref<80x128xi32, #tpu.memory_space<vmem>> -> memref<1x128xi32, #tpu.memory_space<vmem>>
      %dma_start3A_244 = tpu.memref_squeeze %dma_start3A_243 : memref<1x128xi32, #tpu.memory_space<vmem>> -> memref<128xi32, #tpu.memory_space<vmem>>
      %dma_start3A_245 = arith.constant 0 : i32
      %dma_start3A_246 = arith.constant 0 : i32
      %dma_start3A_247 = tpu.memref_slice %arg2[%dma_start3A_245, %dma_start3A_246] : memref<10000x64xf32, #tpu.memory_space<hbm>> -> memref<10000x64xf32, #tpu.memory_space<hbm>>
      tpu.enqueue_indirect_dma source(%dma_start3A_247 : memref<10000x64xf32, #tpu.memory_space<hbm>>) target(%arg15 : memref<128x64xf32, #tpu.memory_space<vmem>>) offsets(%dma_start3A_244 : memref<128xi32, #tpu.memory_space<vmem>>) semaphore(%arg24 : memref<!tpu.dma_semaphore, #tpu.memory_space<semaphore_mem>>)
      %mul3A_248 = arith.constant 8 : i32
      %mul3A_249 = arith.muli %while3A_138, %mul3A_248 : i32
      %add3A_250 = arith.addi %sub3A, %mul3A_249 : i32
      %add3A_251 = arith.constant 7 : i32
      %add3A_252 = arith.addi %add3A_250, %add3A_251 : i32
      %gt3A_253 = arith.constant 0 : i32
      %gt3A_254 = arith.cmpi sgt, %while3A_138, %gt3A_253 : i32
      %convert_element_type3A_255 = arith.extui %gt3A_254 : i1 to i32
      %cond3A_256 = arith.constant 0 : i32
      %cond3A_257 = arith.cmpi ne, %convert_element_type3A_255, %cond3A_256 : i32
      scf.if %cond3A_257 {
        %dma_wait3A_400 = arith.constant 0 : i32
        %dma_wait3A_401 = arith.constant 0 : i32
        %dma_wait3A_402 = tpu.memref_slice %arg8[%dma_wait3A_400, %dma_wait3A_401] : memref<80x128xi32, #tpu.memory_space<vmem>> -> memref<1x128xi32, #tpu.memory_space<vmem>>
        %dma_wait3A_403 = tpu.memref_squeeze %dma_wait3A_402 : memref<1x128xi32, #tpu.memory_space<vmem>> -> memref<128xi32, #tpu.memory_space<vmem>>
        %dma_wait3A_404 = arith.constant 0 : i32
        %dma_wait3A_405 = arith.constant 0 : i32
        %dma_wait3A_406 = tpu.memref_slice %arg17[%dma_wait3A_404, %dma_wait3A_405] : memref<10240x64xf32, #tpu.memory_space<vmem_shared>> -> memref<10240x64xf32, #tpu.memory_space<vmem_shared>>
        tpu.wait_indirect_dma semaphore(%arg33 : memref<!tpu.dma_semaphore, #tpu.memory_space<semaphore_mem>>) src(%arg16 : memref<128x64xf32, #tpu.memory_space<vmem>>) dst(%dma_wait3A_406 : memref<10240x64xf32, #tpu.memory_space<vmem_shared>>)
      } else {
      }
      %dma_start3A_258 = arith.constant 0 : i32
      %dma_start3A_259 = tpu.memref_slice %arg7[%add3A_252, %dma_start3A_258] : memref<80x128xi32, #tpu.memory_space<vmem>> -> memref<1x128xi32, #tpu.memory_space<vmem>>
      %dma_start3A_260 = tpu.memref_squeeze %dma_start3A_259 : memref<1x128xi32, #tpu.memory_space<vmem>> -> memref<128xi32, #tpu.memory_space<vmem>>
      %dma_start3A_261 = arith.constant 0 : i32
      %dma_start3A_262 = arith.constant 0 : i32
      %dma_start3A_263 = tpu.memref_slice %arg2[%dma_start3A_261, %dma_start3A_262] : memref<10000x64xf32, #tpu.memory_space<hbm>> -> memref<10000x64xf32, #tpu.memory_space<hbm>>
      tpu.enqueue_indirect_dma source(%dma_start3A_263 : memref<10000x64xf32, #tpu.memory_space<hbm>>) target(%arg16 : memref<128x64xf32, #tpu.memory_space<vmem>>) offsets(%dma_start3A_260 : memref<128xi32, #tpu.memory_space<vmem>>) semaphore(%arg25 : memref<!tpu.dma_semaphore, #tpu.memory_space<semaphore_mem>>)
      %mul3A_264 = arith.constant 8 : i32
      %mul3A_265 = arith.muli %while3A_138, %mul3A_264 : i32
      %add3A_266 = arith.addi %sub3A, %mul3A_265 : i32
      %add3A_267 = arith.constant 0 : i32
      %add3A_268 = arith.addi %add3A_266, %add3A_267 : i32
      %dma_wait3A_269 = arith.constant 0 : i32
      %dma_wait3A_270 = tpu.memref_slice %arg7[%add3A_143, %dma_wait3A_269] : memref<80x128xi32, #tpu.memory_space<vmem>> -> memref<1x128xi32, #tpu.memory_space<vmem>>
      %dma_wait3A_271 = tpu.memref_squeeze %dma_wait3A_270 : memref<1x128xi32, #tpu.memory_space<vmem>> -> memref<128xi32, #tpu.memory_space<vmem>>
      %dma_wait3A_272 = arith.constant 0 : i32
      %dma_wait3A_273 = arith.constant 0 : i32
      %dma_wait3A_274 = tpu.memref_slice %arg2[%dma_wait3A_272, %dma_wait3A_273] : memref<10000x64xf32, #tpu.memory_space<hbm>> -> memref<10000x64xf32, #tpu.memory_space<hbm>>
      tpu.wait_indirect_dma semaphore(%arg18 : memref<!tpu.dma_semaphore, #tpu.memory_space<semaphore_mem>>) src(%dma_wait3A_274 : memref<10000x64xf32, #tpu.memory_space<hbm>>) dst(%arg9 : memref<128x64xf32, #tpu.memory_space<vmem>>)
      %dma_start3A_275 = arith.constant 0 : i32
      %dma_start3A_276 = tpu.memref_slice %arg8[%add3A_268, %dma_start3A_275] : memref<80x128xi32, #tpu.memory_space<vmem>> -> memref<1x128xi32, #tpu.memory_space<vmem>>
      %dma_start3A_277 = tpu.memref_squeeze %dma_start3A_276 : memref<1x128xi32, #tpu.memory_space<vmem>> -> memref<128xi32, #tpu.memory_space<vmem>>
      %dma_start3A_278 = arith.constant 0 : i32
      %dma_start3A_279 = arith.constant 0 : i32
      %dma_start3A_280 = tpu.memref_slice %arg17[%dma_start3A_278, %dma_start3A_279] : memref<10240x64xf32, #tpu.memory_space<vmem_shared>> -> memref<10240x64xf32, #tpu.memory_space<vmem_shared>>
      tpu.enqueue_indirect_dma source(%arg9 : memref<128x64xf32, #tpu.memory_space<vmem>>) target(%dma_start3A_280 : memref<10240x64xf32, #tpu.memory_space<vmem_shared>>) offsets(%dma_start3A_277 : memref<128xi32, #tpu.memory_space<vmem>>) semaphore(%arg26 : memref<!tpu.dma_semaphore, #tpu.memory_space<semaphore_mem>>) {add = true}
      %mul3A_281 = arith.constant 8 : i32
      %mul3A_282 = arith.muli %while3A_138, %mul3A_281 : i32
      %add3A_283 = arith.addi %sub3A, %mul3A_282 : i32
      %add3A_284 = arith.constant 1 : i32
      %add3A_285 = arith.addi %add3A_283, %add3A_284 : i32
      %dma_wait3A_286 = arith.constant 0 : i32
      %dma_wait3A_287 = tpu.memref_slice %arg7[%add3A_156, %dma_wait3A_286] : memref<80x128xi32, #tpu.memory_space<vmem>> -> memref<1x128xi32, #tpu.memory_space<vmem>>
      %dma_wait3A_288 = tpu.memref_squeeze %dma_wait3A_287 : memref<1x128xi32, #tpu.memory_space<vmem>> -> memref<128xi32, #tpu.memory_space<vmem>>
      %dma_wait3A_289 = arith.constant 0 : i32
      %dma_wait3A_290 = arith.constant 0 : i32
      %dma_wait3A_291 = tpu.memref_slice %arg2[%dma_wait3A_289, %dma_wait3A_290] : memref<10000x64xf32, #tpu.memory_space<hbm>> -> memref<10000x64xf32, #tpu.memory_space<hbm>>
      tpu.wait_indirect_dma semaphore(%arg19 : memref<!tpu.dma_semaphore, #tpu.memory_space<semaphore_mem>>) src(%dma_wait3A_291 : memref<10000x64xf32, #tpu.memory_space<hbm>>) dst(%arg10 : memref<128x64xf32, #tpu.memory_space<vmem>>)
      %dma_start3A_292 = arith.constant 0 : i32
      %dma_start3A_293 = tpu.memref_slice %arg8[%add3A_285, %dma_start3A_292] : memref<80x128xi32, #tpu.memory_space<vmem>> -> memref<1x128xi32, #tpu.memory_space<vmem>>
      %dma_start3A_294 = tpu.memref_squeeze %dma_start3A_293 : memref<1x128xi32, #tpu.memory_space<vmem>> -> memref<128xi32, #tpu.memory_space<vmem>>
      %dma_start3A_295 = arith.constant 0 : i32
      %dma_start3A_296 = arith.constant 0 : i32
      %dma_start3A_297 = tpu.memref_slice %arg17[%dma_start3A_295, %dma_start3A_296] : memref<10240x64xf32, #tpu.memory_space<vmem_shared>> -> memref<10240x64xf32, #tpu.memory_space<vmem_shared>>
      tpu.enqueue_indirect_dma source(%arg10 : memref<128x64xf32, #tpu.memory_space<vmem>>) target(%dma_start3A_297 : memref<10240x64xf32, #tpu.memory_space<vmem_shared>>) offsets(%dma_start3A_294 : memref<128xi32, #tpu.memory_space<vmem>>) semaphore(%arg27 : memref<!tpu.dma_semaphore, #tpu.memory_space<semaphore_mem>>) {add = true}
      %mul3A_298 = arith.constant 8 : i32
      %mul3A_299 = arith.muli %while3A_138, %mul3A_298 : i32
      %add3A_300 = arith.addi %sub3A, %mul3A_299 : i32
      %add3A_301 = arith.constant 2 : i32
      %add3A_302 = arith.addi %add3A_300, %add3A_301 : i32
      %dma_wait3A_303 = arith.constant 0 : i32
      %dma_wait3A_304 = tpu.memref_slice %arg7[%add3A_172, %dma_wait3A_303] : memref<80x128xi32, #tpu.memory_space<vmem>> -> memref<1x128xi32, #tpu.memory_space<vmem>>
      %dma_wait3A_305 = tpu.memref_squeeze %dma_wait3A_304 : memref<1x128xi32, #tpu.memory_space<vmem>> -> memref<128xi32, #tpu.memory_space<vmem>>
      %dma_wait3A_306 = arith.constant 0 : i32
      %dma_wait3A_307 = arith.constant 0 : i32
      %dma_wait3A_308 = tpu.memref_slice %arg2[%dma_wait3A_306, %dma_wait3A_307] : memref<10000x64xf32, #tpu.memory_space<hbm>> -> memref<10000x64xf32, #tpu.memory_space<hbm>>
      tpu.wait_indirect_dma semaphore(%arg20 : memref<!tpu.dma_semaphore, #tpu.memory_space<semaphore_mem>>) src(%dma_wait3A_308 : memref<10000x64xf32, #tpu.memory_space<hbm>>) dst(%arg11 : memref<128x64xf32, #tpu.memory_space<vmem>>)
      %dma_start3A_309 = arith.constant 0 : i32
      %dma_start3A_310 = tpu.memref_slice %arg8[%add3A_302, %dma_start3A_309] : memref<80x128xi32, #tpu.memory_space<vmem>> -> memref<1x128xi32, #tpu.memory_space<vmem>>
      %dma_start3A_311 = tpu.memref_squeeze %dma_start3A_310 : memref<1x128xi32, #tpu.memory_space<vmem>> -> memref<128xi32, #tpu.memory_space<vmem>>
      %dma_start3A_312 = arith.constant 0 : i32
      %dma_start3A_313 = arith.constant 0 : i32
      %dma_start3A_314 = tpu.memref_slice %arg17[%dma_start3A_312, %dma_start3A_313] : memref<10240x64xf32, #tpu.memory_space<vmem_shared>> -> memref<10240x64xf32, #tpu.memory_space<vmem_shared>>
      tpu.enqueue_indirect_dma source(%arg11 : memref<128x64xf32, #tpu.memory_space<vmem>>) target(%dma_start3A_314 : memref<10240x64xf32, #tpu.memory_space<vmem_shared>>) offsets(%dma_start3A_311 : memref<128xi32, #tpu.memory_space<vmem>>) semaphore(%arg28 : memref<!tpu.dma_semaphore, #tpu.memory_space<semaphore_mem>>) {add = true}
      %mul3A_315 = arith.constant 8 : i32
      %mul3A_316 = arith.muli %while3A_138, %mul3A_315 : i32
      %add3A_317 = arith.addi %sub3A, %mul3A_316 : i32
      %add3A_318 = arith.constant 3 : i32
      %add3A_319 = arith.addi %add3A_317, %add3A_318 : i32
      %dma_wait3A_320 = arith.constant 0 : i32
      %dma_wait3A_321 = tpu.memref_slice %arg7[%add3A_188, %dma_wait3A_320] : memref<80x128xi32, #tpu.memory_space<vmem>> -> memref<1x128xi32, #tpu.memory_space<vmem>>
      %dma_wait3A_322 = tpu.memref_squeeze %dma_wait3A_321 : memref<1x128xi32, #tpu.memory_space<vmem>> -> memref<128xi32, #tpu.memory_space<vmem>>
      %dma_wait3A_323 = arith.constant 0 : i32
      %dma_wait3A_324 = arith.constant 0 : i32
      %dma_wait3A_325 = tpu.memref_slice %arg2[%dma_wait3A_323, %dma_wait3A_324] : memref<10000x64xf32, #tpu.memory_space<hbm>> -> memref<10000x64xf32, #tpu.memory_space<hbm>>
      tpu.wait_indirect_dma semaphore(%arg21 : memref<!tpu.dma_semaphore, #tpu.memory_space<semaphore_mem>>) src(%dma_wait3A_325 : memref<10000x64xf32, #tpu.memory_space<hbm>>) dst(%arg12 : memref<128x64xf32, #tpu.memory_space<vmem>>)
      %dma_start3A_326 = arith.constant 0 : i32
      %dma_start3A_327 = tpu.memref_slice %arg8[%add3A_319, %dma_start3A_326] : memref<80x128xi32, #tpu.memory_space<vmem>> -> memref<1x128xi32, #tpu.memory_space<vmem>>
      %dma_start3A_328 = tpu.memref_squeeze %dma_start3A_327 : memref<1x128xi32, #tpu.memory_space<vmem>> -> memref<128xi32, #tpu.memory_space<vmem>>
      %dma_start3A_329 = arith.constant 0 : i32
      %dma_start3A_330 = arith.constant 0 : i32
      %dma_start3A_331 = tpu.memref_slice %arg17[%dma_start3A_329, %dma_start3A_330] : memref<10240x64xf32, #tpu.memory_space<vmem_shared>> -> memref<10240x64xf32, #tpu.memory_space<vmem_shared>>
      tpu.enqueue_indirect_dma source(%arg12 : memref<128x64xf32, #tpu.memory_space<vmem>>) target(%dma_start3A_331 : memref<10240x64xf32, #tpu.memory_space<vmem_shared>>) offsets(%dma_start3A_328 : memref<128xi32, #tpu.memory_space<vmem>>) semaphore(%arg29 : memref<!tpu.dma_semaphore, #tpu.memory_space<semaphore_mem>>) {add = true}
      %mul3A_332 = arith.constant 8 : i32
      %mul3A_333 = arith.muli %while3A_138, %mul3A_332 : i32
      %add3A_334 = arith.addi %sub3A, %mul3A_333 : i32
      %add3A_335 = arith.constant 4 : i32
      %add3A_336 = arith.addi %add3A_334, %add3A_335 : i32
      %dma_wait3A_337 = arith.constant 0 : i32
      %dma_wait3A_338 = tpu.memref_slice %arg7[%add3A_204, %dma_wait3A_337] : memref<80x128xi32, #tpu.memory_space<vmem>> -> memref<1x128xi32, #tpu.memory_space<vmem>>
      %dma_wait3A_339 = tpu.memref_squeeze %dma_wait3A_338 : memref<1x128xi32, #tpu.memory_space<vmem>> -> memref<128xi32, #tpu.memory_space<vmem>>
      %dma_wait3A_340 = arith.constant 0 : i32
      %dma_wait3A_341 = arith.constant 0 : i32
      %dma_wait3A_342 = tpu.memref_slice %arg2[%dma_wait3A_340, %dma_wait3A_341] : memref<10000x64xf32, #tpu.memory_space<hbm>> -> memref<10000x64xf32, #tpu.memory_space<hbm>>
      tpu.wait_indirect_dma semaphore(%arg22 : memref<!tpu.dma_semaphore, #tpu.memory_space<semaphore_mem>>) src(%dma_wait3A_342 : memref<10000x64xf32, #tpu.memory_space<hbm>>) dst(%arg13 : memref<128x64xf32, #tpu.memory_space<vmem>>)
      %dma_start3A_343 = arith.constant 0 : i32
      %dma_start3A_344 = tpu.memref_slice %arg8[%add3A_336, %dma_start3A_343] : memref<80x128xi32, #tpu.memory_space<vmem>> -> memref<1x128xi32, #tpu.memory_space<vmem>>
      %dma_start3A_345 = tpu.memref_squeeze %dma_start3A_344 : memref<1x128xi32, #tpu.memory_space<vmem>> -> memref<128xi32, #tpu.memory_space<vmem>>
      %dma_start3A_346 = arith.constant 0 : i32
      %dma_start3A_347 = arith.constant 0 : i32
      %dma_start3A_348 = tpu.memref_slice %arg17[%dma_start3A_346, %dma_start3A_347] : memref<10240x64xf32, #tpu.memory_space<vmem_shared>> -> memref<10240x64xf32, #tpu.memory_space<vmem_shared>>
      tpu.enqueue_indirect_dma source(%arg13 : memref<128x64xf32, #tpu.memory_space<vmem>>) target(%dma_start3A_348 : memref<10240x64xf32, #tpu.memory_space<vmem_shared>>) offsets(%dma_start3A_345 : memref<128xi32, #tpu.memory_space<vmem>>) semaphore(%arg30 : memref<!tpu.dma_semaphore, #tpu.memory_space<semaphore_mem>>) {add = true}
      %mul3A_349 = arith.constant 8 : i32
      %mul3A_350 = arith.muli %while3A_138, %mul3A_349 : i32
      %add3A_351 = arith.addi %sub3A, %mul3A_350 : i32
      %add3A_352 = arith.constant 5 : i32
      %add3A_353 = arith.addi %add3A_351, %add3A_352 : i32
      %dma_wait3A_354 = arith.constant 0 : i32
      %dma_wait3A_355 = tpu.memref_slice %arg7[%add3A_220, %dma_wait3A_354] : memref<80x128xi32, #tpu.memory_space<vmem>> -> memref<1x128xi32, #tpu.memory_space<vmem>>
      %dma_wait3A_356 = tpu.memref_squeeze %dma_wait3A_355 : memref<1x128xi32, #tpu.memory_space<vmem>> -> memref<128xi32, #tpu.memory_space<vmem>>
      %dma_wait3A_357 = arith.constant 0 : i32
      %dma_wait3A_358 = arith.constant 0 : i32
      %dma_wait3A_359 = tpu.memref_slice %arg2[%dma_wait3A_357, %dma_wait3A_358] : memref<10000x64xf32, #tpu.memory_space<hbm>> -> memref<10000x64xf32, #tpu.memory_space<hbm>>
      tpu.wait_indirect_dma semaphore(%arg23 : memref<!tpu.dma_semaphore, #tpu.memory_space<semaphore_mem>>) src(%dma_wait3A_359 : memref<10000x64xf32, #tpu.memory_space<hbm>>) dst(%arg14 : memref<128x64xf32, #tpu.memory_space<vmem>>)
      %dma_start3A_360 = arith.constant 0 : i32
      %dma_start3A_361 = tpu.memref_slice %arg8[%add3A_353, %dma_start3A_360] : memref<80x128xi32, #tpu.memory_space<vmem>> -> memref<1x128xi32, #tpu.memory_space<vmem>>
      %dma_start3A_362 = tpu.memref_squeeze %dma_start3A_361 : memref<1x128xi32, #tpu.memory_space<vmem>> -> memref<128xi32, #tpu.memory_space<vmem>>
      %dma_start3A_363 = arith.constant 0 : i32
      %dma_start3A_364 = arith.constant 0 : i32
      %dma_start3A_365 = tpu.memref_slice %arg17[%dma_start3A_363, %dma_start3A_364] : memref<10240x64xf32, #tpu.memory_space<vmem_shared>> -> memref<10240x64xf32, #tpu.memory_space<vmem_shared>>
      tpu.enqueue_indirect_dma source(%arg14 : memref<128x64xf32, #tpu.memory_space<vmem>>) target(%dma_start3A_365 : memref<10240x64xf32, #tpu.memory_space<vmem_shared>>) offsets(%dma_start3A_362 : memref<128xi32, #tpu.memory_space<vmem>>) semaphore(%arg31 : memref<!tpu.dma_semaphore, #tpu.memory_space<semaphore_mem>>) {add = true}
      %mul3A_366 = arith.constant 8 : i32
      %mul3A_367 = arith.muli %while3A_138, %mul3A_366 : i32
      %add3A_368 = arith.addi %sub3A, %mul3A_367 : i32
      %add3A_369 = arith.constant 6 : i32
      %add3A_370 = arith.addi %add3A_368, %add3A_369 : i32
      %dma_wait3A_371 = arith.constant 0 : i32
      %dma_wait3A_372 = tpu.memref_slice %arg7[%add3A_236, %dma_wait3A_371] : memref<80x128xi32, #tpu.memory_space<vmem>> -> memref<1x128xi32, #tpu.memory_space<vmem>>
      %dma_wait3A_373 = tpu.memref_squeeze %dma_wait3A_372 : memref<1x128xi32, #tpu.memory_space<vmem>> -> memref<128xi32, #tpu.memory_space<vmem>>
      %dma_wait3A_374 = arith.constant 0 : i32
      %dma_wait3A_375 = arith.constant 0 : i32
      %dma_wait3A_376 = tpu.memref_slice %arg2[%dma_wait3A_374, %dma_wait3A_375] : memref<10000x64xf32, #tpu.memory_space<hbm>> -> memref<10000x64xf32, #tpu.memory_space<hbm>>
      tpu.wait_indirect_dma semaphore(%arg24 : memref<!tpu.dma_semaphore, #tpu.memory_space<semaphore_mem>>) src(%dma_wait3A_376 : memref<10000x64xf32, #tpu.memory_space<hbm>>) dst(%arg15 : memref<128x64xf32, #tpu.memory_space<vmem>>)
      %dma_start3A_377 = arith.constant 0 : i32
      %dma_start3A_378 = tpu.memref_slice %arg8[%add3A_370, %dma_start3A_377] : memref<80x128xi32, #tpu.memory_space<vmem>> -> memref<1x128xi32, #tpu.memory_space<vmem>>
      %dma_start3A_379 = tpu.memref_squeeze %dma_start3A_378 : memref<1x128xi32, #tpu.memory_space<vmem>> -> memref<128xi32, #tpu.memory_space<vmem>>
      %dma_start3A_380 = arith.constant 0 : i32
      %dma_start3A_381 = arith.constant 0 : i32
      %dma_start3A_382 = tpu.memref_slice %arg17[%dma_start3A_380, %dma_start3A_381] : memref<10240x64xf32, #tpu.memory_space<vmem_shared>> -> memref<10240x64xf32, #tpu.memory_space<vmem_shared>>
      tpu.enqueue_indirect_dma source(%arg15 : memref<128x64xf32, #tpu.memory_space<vmem>>) target(%dma_start3A_382 : memref<10240x64xf32, #tpu.memory_space<vmem_shared>>) offsets(%dma_start3A_379 : memref<128xi32, #tpu.memory_space<vmem>>) semaphore(%arg32 : memref<!tpu.dma_semaphore, #tpu.memory_space<semaphore_mem>>) {add = true}
      %mul3A_383 = arith.constant 8 : i32
      %mul3A_384 = arith.muli %while3A_138, %mul3A_383 : i32
      %add3A_385 = arith.addi %sub3A, %mul3A_384 : i32
      %add3A_386 = arith.constant 7 : i32
      %add3A_387 = arith.addi %add3A_385, %add3A_386 : i32
      %dma_wait3A_388 = arith.constant 0 : i32
      %dma_wait3A_389 = tpu.memref_slice %arg7[%add3A_252, %dma_wait3A_388] : memref<80x128xi32, #tpu.memory_space<vmem>> -> memref<1x128xi32, #tpu.memory_space<vmem>>
      %dma_wait3A_390 = tpu.memref_squeeze %dma_wait3A_389 : memref<1x128xi32, #tpu.memory_space<vmem>> -> memref<128xi32, #tpu.memory_space<vmem>>
      %dma_wait3A_391 = arith.constant 0 : i32
      %dma_wait3A_392 = arith.constant 0 : i32
      %dma_wait3A_393 = tpu.memref_slice %arg2[%dma_wait3A_391, %dma_wait3A_392] : memref<10000x64xf32, #tpu.memory_space<hbm>> -> memref<10000x64xf32, #tpu.memory_space<hbm>>
      tpu.wait_indirect_dma semaphore(%arg25 : memref<!tpu.dma_semaphore, #tpu.memory_space<semaphore_mem>>) src(%dma_wait3A_393 : memref<10000x64xf32, #tpu.memory_space<hbm>>) dst(%arg16 : memref<128x64xf32, #tpu.memory_space<vmem>>)
      %dma_start3A_394 = arith.constant 0 : i32
      %dma_start3A_395 = tpu.memref_slice %arg8[%add3A_387, %dma_start3A_394] : memref<80x128xi32, #tpu.memory_space<vmem>> -> memref<1x128xi32, #tpu.memory_space<vmem>>
      %dma_start3A_396 = tpu.memref_squeeze %dma_start3A_395 : memref<1x128xi32, #tpu.memory_space<vmem>> -> memref<128xi32, #tpu.memory_space<vmem>>
      %dma_start3A_397 = arith.constant 0 : i32
      %dma_start3A_398 = arith.constant 0 : i32
      %dma_start3A_399 = tpu.memref_slice %arg17[%dma_start3A_397, %dma_start3A_398] : memref<10240x64xf32, #tpu.memory_space<vmem_shared>> -> memref<10240x64xf32, #tpu.memory_space<vmem_shared>>
      tpu.enqueue_indirect_dma source(%arg16 : memref<128x64xf32, #tpu.memory_space<vmem>>) target(%dma_start3A_399 : memref<10240x64xf32, #tpu.memory_space<vmem_shared>>) offsets(%dma_start3A_396 : memref<128xi32, #tpu.memory_space<vmem>>) semaphore(%arg33 : memref<!tpu.dma_semaphore, #tpu.memory_space<semaphore_mem>>) {add = true}
    }
    %while3A_63 = arith.constant 1 : i32
    scf.for %while3A_138 = %while3A_61 to %while3A_57 step %while3A_63  : i32 {
      %mul3A_139 = arith.constant 8 : i32
      %mul3A_140 = arith.muli %while3A_138, %mul3A_139 : i32
      %add3A_141 = arith.addi %sub3A, %mul3A_140 : i32
      %add3A_142 = arith.constant 0 : i32
      %add3A_143 = arith.addi %add3A_141, %add3A_142 : i32
      %gt3A = arith.constant 0 : i32
      %gt3A_144 = arith.cmpi sgt, %while3A_138, %gt3A : i32
      %convert_element_type3A = arith.extui %gt3A_144 : i1 to i32
      %cond3A = arith.constant 0 : i32
      %cond3A_145 = arith.cmpi ne, %convert_element_type3A, %cond3A : i32
      scf.if %cond3A_145 {
        %dma_wait3A_400 = arith.constant 0 : i32
        %dma_wait3A_401 = arith.constant 0 : i32
        %dma_wait3A_402 = tpu.memref_slice %arg8[%dma_wait3A_400, %dma_wait3A_401] : memref<80x128xi32, #tpu.memory_space<vmem>> -> memref<1x128xi32, #tpu.memory_space<vmem>>
        %dma_wait3A_403 = tpu.memref_squeeze %dma_wait3A_402 : memref<1x128xi32, #tpu.memory_space<vmem>> -> memref<128xi32, #tpu.memory_space<vmem>>
        %dma_wait3A_404 = arith.constant 0 : i32
        %dma_wait3A_405 = arith.constant 0 : i32
        %dma_wait3A_406 = tpu.memref_slice %arg17[%dma_wait3A_404, %dma_wait3A_405] : memref<10240x64xf32, #tpu.memory_space<vmem_shared>> -> memref<10240x64xf32, #tpu.memory_space<vmem_shared>>
        tpu.wait_indirect_dma semaphore(%arg26 : memref<!tpu.dma_semaphore, #tpu.memory_space<semaphore_mem>>) src(%arg9 : memref<128x64xf32, #tpu.memory_space<vmem>>) dst(%dma_wait3A_406 : memref<10240x64xf32, #tpu.memory_space<vmem_shared>>)
      } else {
      }
      %dma_start3A_146 = arith.constant 0 : i32
      %dma_start3A_147 = tpu.memref_slice %arg7[%add3A_143, %dma_start3A_146] : memref<80x128xi32, #tpu.memory_space<vmem>> -> memref<1x128xi32, #tpu.memory_space<vmem>>
      %dma_start3A_148 = tpu.memref_squeeze %dma_start3A_147 : memref<1x128xi32, #tpu.memory_space<vmem>> -> memref<128xi32, #tpu.memory_space<vmem>>
      %dma_start3A_149 = arith.constant 0 : i32
      %dma_start3A_150 = arith.constant 0 : i32
      %dma_start3A_151 = tpu.memref_slice %arg2[%dma_start3A_149, %dma_start3A_150] : memref<10000x64xf32, #tpu.memory_space<hbm>> -> memref<10000x64xf32, #tpu.memory_space<hbm>>
      tpu.enqueue_indirect_dma source(%dma_start3A_151 : memref<10000x64xf32, #tpu.memory_space<hbm>>) target(%arg9 : memref<128x64xf32, #tpu.memory_space<vmem>>) offsets(%dma_start3A_148 : memref<128xi32, #tpu.memory_space<vmem>>) semaphore(%arg18 : memref<!tpu.dma_semaphore, #tpu.memory_space<semaphore_mem>>)
      %mul3A_152 = arith.constant 8 : i32
      %mul3A_153 = arith.muli %while3A_138, %mul3A_152 : i32
      %add3A_154 = arith.addi %sub3A, %mul3A_153 : i32
      %add3A_155 = arith.constant 1 : i32
      %add3A_156 = arith.addi %add3A_154, %add3A_155 : i32
      %gt3A_157 = arith.constant 0 : i32
      %gt3A_158 = arith.cmpi sgt, %while3A_138, %gt3A_157 : i32
      %convert_element_type3A_159 = arith.extui %gt3A_158 : i1 to i32
      %cond3A_160 = arith.constant 0 : i32
      %cond3A_161 = arith.cmpi ne, %convert_element_type3A_159, %cond3A_160 : i32
      scf.if %cond3A_161 {
        %dma_wait3A_400 = arith.constant 0 : i32
        %dma_wait3A_401 = arith.constant 0 : i32
        %dma_wait3A_402 = tpu.memref_slice %arg8[%dma_wait3A_400, %dma_wait3A_401] : memref<80x128xi32, #tpu.memory_space<vmem>> -> memref<1x128xi32, #tpu.memory_space<vmem>>
        %dma_wait3A_403 = tpu.memref_squeeze %dma_wait3A_402 : memref<1x128xi32, #tpu.memory_space<vmem>> -> memref<128xi32, #tpu.memory_space<vmem>>
        %dma_wait3A_404 = arith.constant 0 : i32
        %dma_wait3A_405 = arith.constant 0 : i32
        %dma_wait3A_406 = tpu.memref_slice %arg17[%dma_wait3A_404, %dma_wait3A_405] : memref<10240x64xf32, #tpu.memory_space<vmem_shared>> -> memref<10240x64xf32, #tpu.memory_space<vmem_shared>>
        tpu.wait_indirect_dma semaphore(%arg27 : memref<!tpu.dma_semaphore, #tpu.memory_space<semaphore_mem>>) src(%arg10 : memref<128x64xf32, #tpu.memory_space<vmem>>) dst(%dma_wait3A_406 : memref<10240x64xf32, #tpu.memory_space<vmem_shared>>)
      } else {
      }
      %dma_start3A_162 = arith.constant 0 : i32
      %dma_start3A_163 = tpu.memref_slice %arg7[%add3A_156, %dma_start3A_162] : memref<80x128xi32, #tpu.memory_space<vmem>> -> memref<1x128xi32, #tpu.memory_space<vmem>>
      %dma_start3A_164 = tpu.memref_squeeze %dma_start3A_163 : memref<1x128xi32, #tpu.memory_space<vmem>> -> memref<128xi32, #tpu.memory_space<vmem>>
      %dma_start3A_165 = arith.constant 0 : i32
      %dma_start3A_166 = arith.constant 0 : i32
      %dma_start3A_167 = tpu.memref_slice %arg2[%dma_start3A_165, %dma_start3A_166] : memref<10000x64xf32, #tpu.memory_space<hbm>> -> memref<10000x64xf32, #tpu.memory_space<hbm>>
      tpu.enqueue_indirect_dma source(%dma_start3A_167 : memref<10000x64xf32, #tpu.memory_space<hbm>>) target(%arg10 : memref<128x64xf32, #tpu.memory_space<vmem>>) offsets(%dma_start3A_164 : memref<128xi32, #tpu.memory_space<vmem>>) semaphore(%arg19 : memref<!tpu.dma_semaphore, #tpu.memory_space<semaphore_mem>>)
      %mul3A_168 = arith.constant 8 : i32
      %mul3A_169 = arith.muli %while3A_138, %mul3A_168 : i32
      %add3A_170 = arith.addi %sub3A, %mul3A_169 : i32
      %add3A_171 = arith.constant 2 : i32
      %add3A_172 = arith.addi %add3A_170, %add3A_171 : i32
      %gt3A_173 = arith.constant 0 : i32
      %gt3A_174 = arith.cmpi sgt, %while3A_138, %gt3A_173 : i32
      %convert_element_type3A_175 = arith.extui %gt3A_174 : i1 to i32
      %cond3A_176 = arith.constant 0 : i32
      %cond3A_177 = arith.cmpi ne, %convert_element_type3A_175, %cond3A_176 : i32
      scf.if %cond3A_177 {
        %dma_wait3A_400 = arith.constant 0 : i32
        %dma_wait3A_401 = arith.constant 0 : i32
        %dma_wait3A_402 = tpu.memref_slice %arg8[%dma_wait3A_400, %dma_wait3A_401] : memref<80x128xi32, #tpu.memory_space<vmem>> -> memref<1x128xi32, #tpu.memory_space<vmem>>
        %dma_wait3A_403 = tpu.memref_squeeze %dma_wait3A_402 : memref<1x128xi32, #tpu.memory_space<vmem>> -> memref<128xi32, #tpu.memory_space<vmem>>
        %dma_wait3A_404 = arith.constant 0 : i32
        %dma_wait3A_405 = arith.constant 0 : i32
        %dma_wait3A_406 = tpu.memref_slice %arg17[%dma_wait3A_404, %dma_wait3A_405] : memref<10240x64xf32, #tpu.memory_space<vmem_shared>> -> memref<10240x64xf32, #tpu.memory_space<vmem_shared>>
        tpu.wait_indirect_dma semaphore(%arg28 : memref<!tpu.dma_semaphore, #tpu.memory_space<semaphore_mem>>) src(%arg11 : memref<128x64xf32, #tpu.memory_space<vmem>>) dst(%dma_wait3A_406 : memref<10240x64xf32, #tpu.memory_space<vmem_shared>>)
      } else {
      }
      %dma_start3A_178 = arith.constant 0 : i32
      %dma_start3A_179 = tpu.memref_slice %arg7[%add3A_172, %dma_start3A_178] : memref<80x128xi32, #tpu.memory_space<vmem>> -> memref<1x128xi32, #tpu.memory_space<vmem>>
      %dma_start3A_180 = tpu.memref_squeeze %dma_start3A_179 : memref<1x128xi32, #tpu.memory_space<vmem>> -> memref<128xi32, #tpu.memory_space<vmem>>
      %dma_start3A_181 = arith.constant 0 : i32
      %dma_start3A_182 = arith.constant 0 : i32
      %dma_start3A_183 = tpu.memref_slice %arg2[%dma_start3A_181, %dma_start3A_182] : memref<10000x64xf32, #tpu.memory_space<hbm>> -> memref<10000x64xf32, #tpu.memory_space<hbm>>
      tpu.enqueue_indirect_dma source(%dma_start3A_183 : memref<10000x64xf32, #tpu.memory_space<hbm>>) target(%arg11 : memref<128x64xf32, #tpu.memory_space<vmem>>) offsets(%dma_start3A_180 : memref<128xi32, #tpu.memory_space<vmem>>) semaphore(%arg20 : memref<!tpu.dma_semaphore, #tpu.memory_space<semaphore_mem>>)
      %mul3A_184 = arith.constant 8 : i32
      %mul3A_185 = arith.muli %while3A_138, %mul3A_184 : i32
      %add3A_186 = arith.addi %sub3A, %mul3A_185 : i32
      %add3A_187 = arith.constant 3 : i32
      %add3A_188 = arith.addi %add3A_186, %add3A_187 : i32
      %gt3A_189 = arith.constant 0 : i32
      %gt3A_190 = arith.cmpi sgt, %while3A_138, %gt3A_189 : i32
      %convert_element_type3A_191 = arith.extui %gt3A_190 : i1 to i32
      %cond3A_192 = arith.constant 0 : i32
      %cond3A_193 = arith.cmpi ne, %convert_element_type3A_191, %cond3A_192 : i32
      scf.if %cond3A_193 {
        %dma_wait3A_400 = arith.constant 0 : i32
        %dma_wait3A_401 = arith.constant 0 : i32
        %dma_wait3A_402 = tpu.memref_slice %arg8[%dma_wait3A_400, %dma_wait3A_401] : memref<80x128xi32, #tpu.memory_space<vmem>> -> memref<1x128xi32, #tpu.memory_space<vmem>>
        %dma_wait3A_403 = tpu.memref_squeeze %dma_wait3A_402 : memref<1x128xi32, #tpu.memory_space<vmem>> -> memref<128xi32, #tpu.memory_space<vmem>>
        %dma_wait3A_404 = arith.constant 0 : i32
        %dma_wait3A_405 = arith.constant 0 : i32
        %dma_wait3A_406 = tpu.memref_slice %arg17[%dma_wait3A_404, %dma_wait3A_405] : memref<10240x64xf32, #tpu.memory_space<vmem_shared>> -> memref<10240x64xf32, #tpu.memory_space<vmem_shared>>
        tpu.wait_indirect_dma semaphore(%arg29 : memref<!tpu.dma_semaphore, #tpu.memory_space<semaphore_mem>>) src(%arg12 : memref<128x64xf32, #tpu.memory_space<vmem>>) dst(%dma_wait3A_406 : memref<10240x64xf32, #tpu.memory_space<vmem_shared>>)
      } else {
      }
      %dma_start3A_194 = arith.constant 0 : i32
      %dma_start3A_195 = tpu.memref_slice %arg7[%add3A_188, %dma_start3A_194] : memref<80x128xi32, #tpu.memory_space<vmem>> -> memref<1x128xi32, #tpu.memory_space<vmem>>
      %dma_start3A_196 = tpu.memref_squeeze %dma_start3A_195 : memref<1x128xi32, #tpu.memory_space<vmem>> -> memref<128xi32, #tpu.memory_space<vmem>>
      %dma_start3A_197 = arith.constant 0 : i32
      %dma_start3A_198 = arith.constant 0 : i32
      %dma_start3A_199 = tpu.memref_slice %arg2[%dma_start3A_197, %dma_start3A_198] : memref<10000x64xf32, #tpu.memory_space<hbm>> -> memref<10000x64xf32, #tpu.memory_space<hbm>>
      tpu.enqueue_indirect_dma source(%dma_start3A_199 : memref<10000x64xf32, #tpu.memory_space<hbm>>) target(%arg12 : memref<128x64xf32, #tpu.memory_space<vmem>>) offsets(%dma_start3A_196 : memref<128xi32, #tpu.memory_space<vmem>>) semaphore(%arg21 : memref<!tpu.dma_semaphore, #tpu.memory_space<semaphore_mem>>)
      %mul3A_200 = arith.constant 8 : i32
      %mul3A_201 = arith.muli %while3A_138, %mul3A_200 : i32
      %add3A_202 = arith.addi %sub3A, %mul3A_201 : i32
      %add3A_203 = arith.constant 4 : i32
      %add3A_204 = arith.addi %add3A_202, %add3A_203 : i32
      %gt3A_205 = arith.constant 0 : i32
      %gt3A_206 = arith.cmpi sgt, %while3A_138, %gt3A_205 : i32
      %convert_element_type3A_207 = arith.extui %gt3A_206 : i1 to i32
      %cond3A_208 = arith.constant 0 : i32
      %cond3A_209 = arith.cmpi ne, %convert_element_type3A_207, %cond3A_208 : i32
      scf.if %cond3A_209 {
        %dma_wait3A_400 = arith.constant 0 : i32
        %dma_wait3A_401 = arith.constant 0 : i32
        %dma_wait3A_402 = tpu.memref_slice %arg8[%dma_wait3A_400, %dma_wait3A_401] : memref<80x128xi32, #tpu.memory_space<vmem>> -> memref<1x128xi32, #tpu.memory_space<vmem>>
        %dma_wait3A_403 = tpu.memref_squeeze %dma_wait3A_402 : memref<1x128xi32, #tpu.memory_space<vmem>> -> memref<128xi32, #tpu.memory_space<vmem>>
        %dma_wait3A_404 = arith.constant 0 : i32
        %dma_wait3A_405 = arith.constant 0 : i32
        %dma_wait3A_406 = tpu.memref_slice %arg17[%dma_wait3A_404, %dma_wait3A_405] : memref<10240x64xf32, #tpu.memory_space<vmem_shared>> -> memref<10240x64xf32, #tpu.memory_space<vmem_shared>>
        tpu.wait_indirect_dma semaphore(%arg30 : memref<!tpu.dma_semaphore, #tpu.memory_space<semaphore_mem>>) src(%arg13 : memref<128x64xf32, #tpu.memory_space<vmem>>) dst(%dma_wait3A_406 : memref<10240x64xf32, #tpu.memory_space<vmem_shared>>)
      } else {
      }
      %dma_start3A_210 = arith.constant 0 : i32
      %dma_start3A_211 = tpu.memref_slice %arg7[%add3A_204, %dma_start3A_210] : memref<80x128xi32, #tpu.memory_space<vmem>> -> memref<1x128xi32, #tpu.memory_space<vmem>>
      %dma_start3A_212 = tpu.memref_squeeze %dma_start3A_211 : memref<1x128xi32, #tpu.memory_space<vmem>> -> memref<128xi32, #tpu.memory_space<vmem>>
      %dma_start3A_213 = arith.constant 0 : i32
      %dma_start3A_214 = arith.constant 0 : i32
      %dma_start3A_215 = tpu.memref_slice %arg2[%dma_start3A_213, %dma_start3A_214] : memref<10000x64xf32, #tpu.memory_space<hbm>> -> memref<10000x64xf32, #tpu.memory_space<hbm>>
      tpu.enqueue_indirect_dma source(%dma_start3A_215 : memref<10000x64xf32, #tpu.memory_space<hbm>>) target(%arg13 : memref<128x64xf32, #tpu.memory_space<vmem>>) offsets(%dma_start3A_212 : memref<128xi32, #tpu.memory_space<vmem>>) semaphore(%arg22 : memref<!tpu.dma_semaphore, #tpu.memory_space<semaphore_mem>>)
      %mul3A_216 = arith.constant 8 : i32
      %mul3A_217 = arith.muli %while3A_138, %mul3A_216 : i32
      %add3A_218 = arith.addi %sub3A, %mul3A_217 : i32
      %add3A_219 = arith.constant 5 : i32
      %add3A_220 = arith.addi %add3A_218, %add3A_219 : i32
      %gt3A_221 = arith.constant 0 : i32
      %gt3A_222 = arith.cmpi sgt, %while3A_138, %gt3A_221 : i32
      %convert_element_type3A_223 = arith.extui %gt3A_222 : i1 to i32
      %cond3A_224 = arith.constant 0 : i32
      %cond3A_225 = arith.cmpi ne, %convert_element_type3A_223, %cond3A_224 : i32
      scf.if %cond3A_225 {
        %dma_wait3A_400 = arith.constant 0 : i32
        %dma_wait3A_401 = arith.constant 0 : i32
        %dma_wait3A_402 = tpu.memref_slice %arg8[%dma_wait3A_400, %dma_wait3A_401] : memref<80x128xi32, #tpu.memory_space<vmem>> -> memref<1x128xi32, #tpu.memory_space<vmem>>
        %dma_wait3A_403 = tpu.memref_squeeze %dma_wait3A_402 : memref<1x128xi32, #tpu.memory_space<vmem>> -> memref<128xi32, #tpu.memory_space<vmem>>
        %dma_wait3A_404 = arith.constant 0 : i32
        %dma_wait3A_405 = arith.constant 0 : i32
        %dma_wait3A_406 = tpu.memref_slice %arg17[%dma_wait3A_404, %dma_wait3A_405] : memref<10240x64xf32, #tpu.memory_space<vmem_shared>> -> memref<10240x64xf32, #tpu.memory_space<vmem_shared>>
        tpu.wait_indirect_dma semaphore(%arg31 : memref<!tpu.dma_semaphore, #tpu.memory_space<semaphore_mem>>) src(%arg14 : memref<128x64xf32, #tpu.memory_space<vmem>>) dst(%dma_wait3A_406 : memref<10240x64xf32, #tpu.memory_space<vmem_shared>>)
      } else {
      }
      %dma_start3A_226 = arith.constant 0 : i32
      %dma_start3A_227 = tpu.memref_slice %arg7[%add3A_220, %dma_start3A_226] : memref<80x128xi32, #tpu.memory_space<vmem>> -> memref<1x128xi32, #tpu.memory_space<vmem>>
      %dma_start3A_228 = tpu.memref_squeeze %dma_start3A_227 : memref<1x128xi32, #tpu.memory_space<vmem>> -> memref<128xi32, #tpu.memory_space<vmem>>
      %dma_start3A_229 = arith.constant 0 : i32
      %dma_start3A_230 = arith.constant 0 : i32
      %dma_start3A_231 = tpu.memref_slice %arg2[%dma_start3A_229, %dma_start3A_230] : memref<10000x64xf32, #tpu.memory_space<hbm>> -> memref<10000x64xf32, #tpu.memory_space<hbm>>
      tpu.enqueue_indirect_dma source(%dma_start3A_231 : memref<10000x64xf32, #tpu.memory_space<hbm>>) target(%arg14 : memref<128x64xf32, #tpu.memory_space<vmem>>) offsets(%dma_start3A_228 : memref<128xi32, #tpu.memory_space<vmem>>) semaphore(%arg23 : memref<!tpu.dma_semaphore, #tpu.memory_space<semaphore_mem>>)
      %mul3A_232 = arith.constant 8 : i32
      %mul3A_233 = arith.muli %while3A_138, %mul3A_232 : i32
      %add3A_234 = arith.addi %sub3A, %mul3A_233 : i32
      %add3A_235 = arith.constant 6 : i32
      %add3A_236 = arith.addi %add3A_234, %add3A_235 : i32
      %gt3A_237 = arith.constant 0 : i32
      %gt3A_238 = arith.cmpi sgt, %while3A_138, %gt3A_237 : i32
      %convert_element_type3A_239 = arith.extui %gt3A_238 : i1 to i32
      %cond3A_240 = arith.constant 0 : i32
      %cond3A_241 = arith.cmpi ne, %convert_element_type3A_239, %cond3A_240 : i32
      scf.if %cond3A_241 {
        %dma_wait3A_400 = arith.constant 0 : i32
        %dma_wait3A_401 = arith.constant 0 : i32
        %dma_wait3A_402 = tpu.memref_slice %arg8[%dma_wait3A_400, %dma_wait3A_401] : memref<80x128xi32, #tpu.memory_space<vmem>> -> memref<1x128xi32, #tpu.memory_space<vmem>>
        %dma_wait3A_403 = tpu.memref_squeeze %dma_wait3A_402 : memref<1x128xi32, #tpu.memory_space<vmem>> -> memref<128xi32, #tpu.memory_space<vmem>>
        %dma_wait3A_404 = arith.constant 0 : i32
        %dma_wait3A_405 = arith.constant 0 : i32
        %dma_wait3A_406 = tpu.memref_slice %arg17[%dma_wait3A_404, %dma_wait3A_405] : memref<10240x64xf32, #tpu.memory_space<vmem_shared>> -> memref<10240x64xf32, #tpu.memory_space<vmem_shared>>
        tpu.wait_indirect_dma semaphore(%arg32 : memref<!tpu.dma_semaphore, #tpu.memory_space<semaphore_mem>>) src(%arg15 : memref<128x64xf32, #tpu.memory_space<vmem>>) dst(%dma_wait3A_406 : memref<10240x64xf32, #tpu.memory_space<vmem_shared>>)
      } else {
      }
      %dma_start3A_242 = arith.constant 0 : i32
      %dma_start3A_243 = tpu.memref_slice %arg7[%add3A_236, %dma_start3A_242] : memref<80x128xi32, #tpu.memory_space<vmem>> -> memref<1x128xi32, #tpu.memory_space<vmem>>
      %dma_start3A_244 = tpu.memref_squeeze %dma_start3A_243 : memref<1x128xi32, #tpu.memory_space<vmem>> -> memref<128xi32, #tpu.memory_space<vmem>>
      %dma_start3A_245 = arith.constant 0 : i32
      %dma_start3A_246 = arith.constant 0 : i32
      %dma_start3A_247 = tpu.memref_slice %arg2[%dma_start3A_245, %dma_start3A_246] : memref<10000x64xf32, #tpu.memory_space<hbm>> -> memref<10000x64xf32, #tpu.memory_space<hbm>>
      tpu.enqueue_indirect_dma source(%dma_start3A_247 : memref<10000x64xf32, #tpu.memory_space<hbm>>) target(%arg15 : memref<128x64xf32, #tpu.memory_space<vmem>>) offsets(%dma_start3A_244 : memref<128xi32, #tpu.memory_space<vmem>>) semaphore(%arg24 : memref<!tpu.dma_semaphore, #tpu.memory_space<semaphore_mem>>)
      %mul3A_248 = arith.constant 8 : i32
      %mul3A_249 = arith.muli %while3A_138, %mul3A_248 : i32
      %add3A_250 = arith.addi %sub3A, %mul3A_249 : i32
      %add3A_251 = arith.constant 7 : i32
      %add3A_252 = arith.addi %add3A_250, %add3A_251 : i32
      %gt3A_253 = arith.constant 0 : i32
      %gt3A_254 = arith.cmpi sgt, %while3A_138, %gt3A_253 : i32
      %convert_element_type3A_255 = arith.extui %gt3A_254 : i1 to i32
      %cond3A_256 = arith.constant 0 : i32
      %cond3A_257 = arith.cmpi ne, %convert_element_type3A_255, %cond3A_256 : i32
      scf.if %cond3A_257 {
        %dma_wait3A_400 = arith.constant 0 : i32
        %dma_wait3A_401 = arith.constant 0 : i32
        %dma_wait3A_402 = tpu.memref_slice %arg8[%dma_wait3A_400, %dma_wait3A_401] : memref<80x128xi32, #tpu.memory_space<vmem>> -> memref<1x128xi32, #tpu.memory_space<vmem>>
        %dma_wait3A_403 = tpu.memref_squeeze %dma_wait3A_402 : memref<1x128xi32, #tpu.memory_space<vmem>> -> memref<128xi32, #tpu.memory_space<vmem>>
        %dma_wait3A_404 = arith.constant 0 : i32
        %dma_wait3A_405 = arith.constant 0 : i32
        %dma_wait3A_406 = tpu.memref_slice %arg17[%dma_wait3A_404, %dma_wait3A_405] : memref<10240x64xf32, #tpu.memory_space<vmem_shared>> -> memref<10240x64xf32, #tpu.memory_space<vmem_shared>>
        tpu.wait_indirect_dma semaphore(%arg33 : memref<!tpu.dma_semaphore, #tpu.memory_space<semaphore_mem>>) src(%arg16 : memref<128x64xf32, #tpu.memory_space<vmem>>) dst(%dma_wait3A_406 : memref<10240x64xf32, #tpu.memory_space<vmem_shared>>)
      } else {
      }
      %dma_start3A_258 = arith.constant 0 : i32
      %dma_start3A_259 = tpu.memref_slice %arg7[%add3A_252, %dma_start3A_258] : memref<80x128xi32, #tpu.memory_space<vmem>> -> memref<1x128xi32, #tpu.memory_space<vmem>>
      %dma_start3A_260 = tpu.memref_squeeze %dma_start3A_259 : memref<1x128xi32, #tpu.memory_space<vmem>> -> memref<128xi32, #tpu.memory_space<vmem>>
      %dma_start3A_261 = arith.constant 0 : i32
      %dma_start3A_262 = arith.constant 0 : i32
      %dma_start3A_263 = tpu.memref_slice %arg2[%dma_start3A_261, %dma_start3A_262] : memref<10000x64xf32, #tpu.memory_space<hbm>> -> memref<10000x64xf32, #tpu.memory_space<hbm>>
      tpu.enqueue_indirect_dma source(%dma_start3A_263 : memref<10000x64xf32, #tpu.memory_space<hbm>>) target(%arg16 : memref<128x64xf32, #tpu.memory_space<vmem>>) offsets(%dma_start3A_260 : memref<128xi32, #tpu.memory_space<vmem>>) semaphore(%arg25 : memref<!tpu.dma_semaphore, #tpu.memory_space<semaphore_mem>>)
      %mul3A_264 = arith.constant 8 : i32
      %mul3A_265 = arith.muli %while3A_138, %mul3A_264 : i32
      %add3A_266 = arith.addi %sub3A, %mul3A_265 : i32
      %add3A_267 = arith.constant 0 : i32
      %add3A_268 = arith.addi %add3A_266, %add3A_267 : i32
      %dma_wait3A_269 = arith.constant 0 : i32
      %dma_wait3A_270 = tpu.memref_slice %arg7[%add3A_143, %dma_wait3A_269] : memref<80x128xi32, #tpu.memory_space<vmem>> -> memref<1x128xi32, #tpu.memory_space<vmem>>
      %dma_wait3A_271 = tpu.memref_squeeze %dma_wait3A_270 : memref<1x128xi32, #tpu.memory_space<vmem>> -> memref<128xi32, #tpu.memory_space<vmem>>
      %dma_wait3A_272 = arith.constant 0 : i32
      %dma_wait3A_273 = arith.constant 0 : i32
      %dma_wait3A_274 = tpu.memref_slice %arg2[%dma_wait3A_272, %dma_wait3A_273] : memref<10000x64xf32, #tpu.memory_space<hbm>> -> memref<10000x64xf32, #tpu.memory_space<hbm>>
      tpu.wait_indirect_dma semaphore(%arg18 : memref<!tpu.dma_semaphore, #tpu.memory_space<semaphore_mem>>) src(%dma_wait3A_274 : memref<10000x64xf32, #tpu.memory_space<hbm>>) dst(%arg9 : memref<128x64xf32, #tpu.memory_space<vmem>>)
      %dma_start3A_275 = arith.constant 0 : i32
      %dma_start3A_276 = tpu.memref_slice %arg8[%add3A_268, %dma_start3A_275] : memref<80x128xi32, #tpu.memory_space<vmem>> -> memref<1x128xi32, #tpu.memory_space<vmem>>
      %dma_start3A_277 = tpu.memref_squeeze %dma_start3A_276 : memref<1x128xi32, #tpu.memory_space<vmem>> -> memref<128xi32, #tpu.memory_space<vmem>>
      %dma_start3A_278 = arith.constant 0 : i32
      %dma_start3A_279 = arith.constant 0 : i32
      %dma_start3A_280 = tpu.memref_slice %arg17[%dma_start3A_278, %dma_start3A_279] : memref<10240x64xf32, #tpu.memory_space<vmem_shared>> -> memref<10240x64xf32, #tpu.memory_space<vmem_shared>>
      tpu.enqueue_indirect_dma source(%arg9 : memref<128x64xf32, #tpu.memory_space<vmem>>) target(%dma_start3A_280 : memref<10240x64xf32, #tpu.memory_space<vmem_shared>>) offsets(%dma_start3A_277 : memref<128xi32, #tpu.memory_space<vmem>>) semaphore(%arg26 : memref<!tpu.dma_semaphore, #tpu.memory_space<semaphore_mem>>) {add = true}
      %mul3A_281 = arith.constant 8 : i32
      %mul3A_282 = arith.muli %while3A_138, %mul3A_281 : i32
      %add3A_283 = arith.addi %sub3A, %mul3A_282 : i32
      %add3A_284 = arith.constant 1 : i32
      %add3A_285 = arith.addi %add3A_283, %add3A_284 : i32
      %dma_wait3A_286 = arith.constant 0 : i32
      %dma_wait3A_287 = tpu.memref_slice %arg7[%add3A_156, %dma_wait3A_286] : memref<80x128xi32, #tpu.memory_space<vmem>> -> memref<1x128xi32, #tpu.memory_space<vmem>>
      %dma_wait3A_288 = tpu.memref_squeeze %dma_wait3A_287 : memref<1x128xi32, #tpu.memory_space<vmem>> -> memref<128xi32, #tpu.memory_space<vmem>>
      %dma_wait3A_289 = arith.constant 0 : i32
      %dma_wait3A_290 = arith.constant 0 : i32
      %dma_wait3A_291 = tpu.memref_slice %arg2[%dma_wait3A_289, %dma_wait3A_290] : memref<10000x64xf32, #tpu.memory_space<hbm>> -> memref<10000x64xf32, #tpu.memory_space<hbm>>
      tpu.wait_indirect_dma semaphore(%arg19 : memref<!tpu.dma_semaphore, #tpu.memory_space<semaphore_mem>>) src(%dma_wait3A_291 : memref<10000x64xf32, #tpu.memory_space<hbm>>) dst(%arg10 : memref<128x64xf32, #tpu.memory_space<vmem>>)
      %dma_start3A_292 = arith.constant 0 : i32
      %dma_start3A_293 = tpu.memref_slice %arg8[%add3A_285, %dma_start3A_292] : memref<80x128xi32, #tpu.memory_space<vmem>> -> memref<1x128xi32, #tpu.memory_space<vmem>>
      %dma_start3A_294 = tpu.memref_squeeze %dma_start3A_293 : memref<1x128xi32, #tpu.memory_space<vmem>> -> memref<128xi32, #tpu.memory_space<vmem>>
      %dma_start3A_295 = arith.constant 0 : i32
      %dma_start3A_296 = arith.constant 0 : i32
      %dma_start3A_297 = tpu.memref_slice %arg17[%dma_start3A_295, %dma_start3A_296] : memref<10240x64xf32, #tpu.memory_space<vmem_shared>> -> memref<10240x64xf32, #tpu.memory_space<vmem_shared>>
      tpu.enqueue_indirect_dma source(%arg10 : memref<128x64xf32, #tpu.memory_space<vmem>>) target(%dma_start3A_297 : memref<10240x64xf32, #tpu.memory_space<vmem_shared>>) offsets(%dma_start3A_294 : memref<128xi32, #tpu.memory_space<vmem>>) semaphore(%arg27 : memref<!tpu.dma_semaphore, #tpu.memory_space<semaphore_mem>>) {add = true}
      %mul3A_298 = arith.constant 8 : i32
      %mul3A_299 = arith.muli %while3A_138, %mul3A_298 : i32
      %add3A_300 = arith.addi %sub3A, %mul3A_299 : i32
      %add3A_301 = arith.constant 2 : i32
      %add3A_302 = arith.addi %add3A_300, %add3A_301 : i32
      %dma_wait3A_303 = arith.constant 0 : i32
      %dma_wait3A_304 = tpu.memref_slice %arg7[%add3A_172, %dma_wait3A_303] : memref<80x128xi32, #tpu.memory_space<vmem>> -> memref<1x128xi32, #tpu.memory_space<vmem>>
      %dma_wait3A_305 = tpu.memref_squeeze %dma_wait3A_304 : memref<1x128xi32, #tpu.memory_space<vmem>> -> memref<128xi32, #tpu.memory_space<vmem>>
      %dma_wait3A_306 = arith.constant 0 : i32
      %dma_wait3A_307 = arith.constant 0 : i32
      %dma_wait3A_308 = tpu.memref_slice %arg2[%dma_wait3A_306, %dma_wait3A_307] : memref<10000x64xf32, #tpu.memory_space<hbm>> -> memref<10000x64xf32, #tpu.memory_space<hbm>>
      tpu.wait_indirect_dma semaphore(%arg20 : memref<!tpu.dma_semaphore, #tpu.memory_space<semaphore_mem>>) src(%dma_wait3A_308 : memref<10000x64xf32, #tpu.memory_space<hbm>>) dst(%arg11 : memref<128x64xf32, #tpu.memory_space<vmem>>)
      %dma_start3A_309 = arith.constant 0 : i32
      %dma_start3A_310 = tpu.memref_slice %arg8[%add3A_302, %dma_start3A_309] : memref<80x128xi32, #tpu.memory_space<vmem>> -> memref<1x128xi32, #tpu.memory_space<vmem>>
      %dma_start3A_311 = tpu.memref_squeeze %dma_start3A_310 : memref<1x128xi32, #tpu.memory_space<vmem>> -> memref<128xi32, #tpu.memory_space<vmem>>
      %dma_start3A_312 = arith.constant 0 : i32
      %dma_start3A_313 = arith.constant 0 : i32
      %dma_start3A_314 = tpu.memref_slice %arg17[%dma_start3A_312, %dma_start3A_313] : memref<10240x64xf32, #tpu.memory_space<vmem_shared>> -> memref<10240x64xf32, #tpu.memory_space<vmem_shared>>
      tpu.enqueue_indirect_dma source(%arg11 : memref<128x64xf32, #tpu.memory_space<vmem>>) target(%dma_start3A_314 : memref<10240x64xf32, #tpu.memory_space<vmem_shared>>) offsets(%dma_start3A_311 : memref<128xi32, #tpu.memory_space<vmem>>) semaphore(%arg28 : memref<!tpu.dma_semaphore, #tpu.memory_space<semaphore_mem>>) {add = true}
      %mul3A_315 = arith.constant 8 : i32
      %mul3A_316 = arith.muli %while3A_138, %mul3A_315 : i32
      %add3A_317 = arith.addi %sub3A, %mul3A_316 : i32
      %add3A_318 = arith.constant 3 : i32
      %add3A_319 = arith.addi %add3A_317, %add3A_318 : i32
      %dma_wait3A_320 = arith.constant 0 : i32
      %dma_wait3A_321 = tpu.memref_slice %arg7[%add3A_188, %dma_wait3A_320] : memref<80x128xi32, #tpu.memory_space<vmem>> -> memref<1x128xi32, #tpu.memory_space<vmem>>
      %dma_wait3A_322 = tpu.memref_squeeze %dma_wait3A_321 : memref<1x128xi32, #tpu.memory_space<vmem>> -> memref<128xi32, #tpu.memory_space<vmem>>
      %dma_wait3A_323 = arith.constant 0 : i32
      %dma_wait3A_324 = arith.constant 0 : i32
      %dma_wait3A_325 = tpu.memref_slice %arg2[%dma_wait3A_323, %dma_wait3A_324] : memref<10000x64xf32, #tpu.memory_space<hbm>> -> memref<10000x64xf32, #tpu.memory_space<hbm>>
      tpu.wait_indirect_dma semaphore(%arg21 : memref<!tpu.dma_semaphore, #tpu.memory_space<semaphore_mem>>) src(%dma_wait3A_325 : memref<10000x64xf32, #tpu.memory_space<hbm>>) dst(%arg12 : memref<128x64xf32, #tpu.memory_space<vmem>>)
      %dma_start3A_326 = arith.constant 0 : i32
      %dma_start3A_327 = tpu.memref_slice %arg8[%add3A_319, %dma_start3A_326] : memref<80x128xi32, #tpu.memory_space<vmem>> -> memref<1x128xi32, #tpu.memory_space<vmem>>
      %dma_start3A_328 = tpu.memref_squeeze %dma_start3A_327 : memref<1x128xi32, #tpu.memory_space<vmem>> -> memref<128xi32, #tpu.memory_space<vmem>>
      %dma_start3A_329 = arith.constant 0 : i32
      %dma_start3A_330 = arith.constant 0 : i32
      %dma_start3A_331 = tpu.memref_slice %arg17[%dma_start3A_329, %dma_start3A_330] : memref<10240x64xf32, #tpu.memory_space<vmem_shared>> -> memref<10240x64xf32, #tpu.memory_space<vmem_shared>>
      tpu.enqueue_indirect_dma source(%arg12 : memref<128x64xf32, #tpu.memory_space<vmem>>) target(%dma_start3A_331 : memref<10240x64xf32, #tpu.memory_space<vmem_shared>>) offsets(%dma_start3A_328 : memref<128xi32, #tpu.memory_space<vmem>>) semaphore(%arg29 : memref<!tpu.dma_semaphore, #tpu.memory_space<semaphore_mem>>) {add = true}
      %mul3A_332 = arith.constant 8 : i32
      %mul3A_333 = arith.muli %while3A_138, %mul3A_332 : i32
      %add3A_334 = arith.addi %sub3A, %mul3A_333 : i32
      %add3A_335 = arith.constant 4 : i32
      %add3A_336 = arith.addi %add3A_334, %add3A_335 : i32
      %dma_wait3A_337 = arith.constant 0 : i32
      %dma_wait3A_338 = tpu.memref_slice %arg7[%add3A_204, %dma_wait3A_337] : memref<80x128xi32, #tpu.memory_space<vmem>> -> memref<1x128xi32, #tpu.memory_space<vmem>>
      %dma_wait3A_339 = tpu.memref_squeeze %dma_wait3A_338 : memref<1x128xi32, #tpu.memory_space<vmem>> -> memref<128xi32, #tpu.memory_space<vmem>>
      %dma_wait3A_340 = arith.constant 0 : i32
      %dma_wait3A_341 = arith.constant 0 : i32
      %dma_wait3A_342 = tpu.memref_slice %arg2[%dma_wait3A_340, %dma_wait3A_341] : memref<10000x64xf32, #tpu.memory_space<hbm>> -> memref<10000x64xf32, #tpu.memory_space<hbm>>
      tpu.wait_indirect_dma semaphore(%arg22 : memref<!tpu.dma_semaphore, #tpu.memory_space<semaphore_mem>>) src(%dma_wait3A_342 : memref<10000x64xf32, #tpu.memory_space<hbm>>) dst(%arg13 : memref<128x64xf32, #tpu.memory_space<vmem>>)
      %dma_start3A_343 = arith.constant 0 : i32
      %dma_start3A_344 = tpu.memref_slice %arg8[%add3A_336, %dma_start3A_343] : memref<80x128xi32, #tpu.memory_space<vmem>> -> memref<1x128xi32, #tpu.memory_space<vmem>>
      %dma_start3A_345 = tpu.memref_squeeze %dma_start3A_344 : memref<1x128xi32, #tpu.memory_space<vmem>> -> memref<128xi32, #tpu.memory_space<vmem>>
      %dma_start3A_346 = arith.constant 0 : i32
      %dma_start3A_347 = arith.constant 0 : i32
      %dma_start3A_348 = tpu.memref_slice %arg17[%dma_start3A_346, %dma_start3A_347] : memref<10240x64xf32, #tpu.memory_space<vmem_shared>> -> memref<10240x64xf32, #tpu.memory_space<vmem_shared>>
      tpu.enqueue_indirect_dma source(%arg13 : memref<128x64xf32, #tpu.memory_space<vmem>>) target(%dma_start3A_348 : memref<10240x64xf32, #tpu.memory_space<vmem_shared>>) offsets(%dma_start3A_345 : memref<128xi32, #tpu.memory_space<vmem>>) semaphore(%arg30 : memref<!tpu.dma_semaphore, #tpu.memory_space<semaphore_mem>>) {add = true}
      %mul3A_349 = arith.constant 8 : i32
      %mul3A_350 = arith.muli %while3A_138, %mul3A_349 : i32
      %add3A_351 = arith.addi %sub3A, %mul3A_350 : i32
      %add3A_352 = arith.constant 5 : i32
      %add3A_353 = arith.addi %add3A_351, %add3A_352 : i32
      %dma_wait3A_354 = arith.constant 0 : i32
      %dma_wait3A_355 = tpu.memref_slice %arg7[%add3A_220, %dma_wait3A_354] : memref<80x128xi32, #tpu.memory_space<vmem>> -> memref<1x128xi32, #tpu.memory_space<vmem>>
      %dma_wait3A_356 = tpu.memref_squeeze %dma_wait3A_355 : memref<1x128xi32, #tpu.memory_space<vmem>> -> memref<128xi32, #tpu.memory_space<vmem>>
      %dma_wait3A_357 = arith.constant 0 : i32
      %dma_wait3A_358 = arith.constant 0 : i32
      %dma_wait3A_359 = tpu.memref_slice %arg2[%dma_wait3A_357, %dma_wait3A_358] : memref<10000x64xf32, #tpu.memory_space<hbm>> -> memref<10000x64xf32, #tpu.memory_space<hbm>>
      tpu.wait_indirect_dma semaphore(%arg23 : memref<!tpu.dma_semaphore, #tpu.memory_space<semaphore_mem>>) src(%dma_wait3A_359 : memref<10000x64xf32, #tpu.memory_space<hbm>>) dst(%arg14 : memref<128x64xf32, #tpu.memory_space<vmem>>)
      %dma_start3A_360 = arith.constant 0 : i32
      %dma_start3A_361 = tpu.memref_slice %arg8[%add3A_353, %dma_start3A_360] : memref<80x128xi32, #tpu.memory_space<vmem>> -> memref<1x128xi32, #tpu.memory_space<vmem>>
      %dma_start3A_362 = tpu.memref_squeeze %dma_start3A_361 : memref<1x128xi32, #tpu.memory_space<vmem>> -> memref<128xi32, #tpu.memory_space<vmem>>
      %dma_start3A_363 = arith.constant 0 : i32
      %dma_start3A_364 = arith.constant 0 : i32
      %dma_start3A_365 = tpu.memref_slice %arg17[%dma_start3A_363, %dma_start3A_364] : memref<10240x64xf32, #tpu.memory_space<vmem_shared>> -> memref<10240x64xf32, #tpu.memory_space<vmem_shared>>
      tpu.enqueue_indirect_dma source(%arg14 : memref<128x64xf32, #tpu.memory_space<vmem>>) target(%dma_start3A_365 : memref<10240x64xf32, #tpu.memory_space<vmem_shared>>) offsets(%dma_start3A_362 : memref<128xi32, #tpu.memory_space<vmem>>) semaphore(%arg31 : memref<!tpu.dma_semaphore, #tpu.memory_space<semaphore_mem>>) {add = true}
      %mul3A_366 = arith.constant 8 : i32
      %mul3A_367 = arith.muli %while3A_138, %mul3A_366 : i32
      %add3A_368 = arith.addi %sub3A, %mul3A_367 : i32
      %add3A_369 = arith.constant 6 : i32
      %add3A_370 = arith.addi %add3A_368, %add3A_369 : i32
      %dma_wait3A_371 = arith.constant 0 : i32
      %dma_wait3A_372 = tpu.memref_slice %arg7[%add3A_236, %dma_wait3A_371] : memref<80x128xi32, #tpu.memory_space<vmem>> -> memref<1x128xi32, #tpu.memory_space<vmem>>
      %dma_wait3A_373 = tpu.memref_squeeze %dma_wait3A_372 : memref<1x128xi32, #tpu.memory_space<vmem>> -> memref<128xi32, #tpu.memory_space<vmem>>
      %dma_wait3A_374 = arith.constant 0 : i32
      %dma_wait3A_375 = arith.constant 0 : i32
      %dma_wait3A_376 = tpu.memref_slice %arg2[%dma_wait3A_374, %dma_wait3A_375] : memref<10000x64xf32, #tpu.memory_space<hbm>> -> memref<10000x64xf32, #tpu.memory_space<hbm>>
      tpu.wait_indirect_dma semaphore(%arg24 : memref<!tpu.dma_semaphore, #tpu.memory_space<semaphore_mem>>) src(%dma_wait3A_376 : memref<10000x64xf32, #tpu.memory_space<hbm>>) dst(%arg15 : memref<128x64xf32, #tpu.memory_space<vmem>>)
      %dma_start3A_377 = arith.constant 0 : i32
      %dma_start3A_378 = tpu.memref_slice %arg8[%add3A_370, %dma_start3A_377] : memref<80x128xi32, #tpu.memory_space<vmem>> -> memref<1x128xi32, #tpu.memory_space<vmem>>
      %dma_start3A_379 = tpu.memref_squeeze %dma_start3A_378 : memref<1x128xi32, #tpu.memory_space<vmem>> -> memref<128xi32, #tpu.memory_space<vmem>>
      %dma_start3A_380 = arith.constant 0 : i32
      %dma_start3A_381 = arith.constant 0 : i32
      %dma_start3A_382 = tpu.memref_slice %arg17[%dma_start3A_380, %dma_start3A_381] : memref<10240x64xf32, #tpu.memory_space<vmem_shared>> -> memref<10240x64xf32, #tpu.memory_space<vmem_shared>>
      tpu.enqueue_indirect_dma source(%arg15 : memref<128x64xf32, #tpu.memory_space<vmem>>) target(%dma_start3A_382 : memref<10240x64xf32, #tpu.memory_space<vmem_shared>>) offsets(%dma_start3A_379 : memref<128xi32, #tpu.memory_space<vmem>>) semaphore(%arg32 : memref<!tpu.dma_semaphore, #tpu.memory_space<semaphore_mem>>) {add = true}
      %mul3A_383 = arith.constant 8 : i32
      %mul3A_384 = arith.muli %while3A_138, %mul3A_383 : i32
      %add3A_385 = arith.addi %sub3A, %mul3A_384 : i32
      %add3A_386 = arith.constant 7 : i32
      %add3A_387 = arith.addi %add3A_385, %add3A_386 : i32
      %dma_wait3A_388 = arith.constant 0 : i32
      %dma_wait3A_389 = tpu.memref_slice %arg7[%add3A_252, %dma_wait3A_388] : memref<80x128xi32, #tpu.memory_space<vmem>> -> memref<1x128xi32, #tpu.memory_space<vmem>>
      %dma_wait3A_390 = tpu.memref_squeeze %dma_wait3A_389 : memref<1x128xi32, #tpu.memory_space<vmem>> -> memref<128xi32, #tpu.memory_space<vmem>>
      %dma_wait3A_391 = arith.constant 0 : i32
      %dma_wait3A_392 = arith.constant 0 : i32
      %dma_wait3A_393 = tpu.memref_slice %arg2[%dma_wait3A_391, %dma_wait3A_392] : memref<10000x64xf32, #tpu.memory_space<hbm>> -> memref<10000x64xf32, #tpu.memory_space<hbm>>
      tpu.wait_indirect_dma semaphore(%arg25 : memref<!tpu.dma_semaphore, #tpu.memory_space<semaphore_mem>>) src(%dma_wait3A_393 : memref<10000x64xf32, #tpu.memory_space<hbm>>) dst(%arg16 : memref<128x64xf32, #tpu.memory_space<vmem>>)
      %dma_start3A_394 = arith.constant 0 : i32
      %dma_start3A_395 = tpu.memref_slice %arg8[%add3A_387, %dma_start3A_394] : memref<80x128xi32, #tpu.memory_space<vmem>> -> memref<1x128xi32, #tpu.memory_space<vmem>>
      %dma_start3A_396 = tpu.memref_squeeze %dma_start3A_395 : memref<1x128xi32, #tpu.memory_space<vmem>> -> memref<128xi32, #tpu.memory_space<vmem>>
      %dma_start3A_397 = arith.constant 0 : i32
      %dma_start3A_398 = arith.constant 0 : i32
      %dma_start3A_399 = tpu.memref_slice %arg17[%dma_start3A_397, %dma_start3A_398] : memref<10240x64xf32, #tpu.memory_space<vmem_shared>> -> memref<10240x64xf32, #tpu.memory_space<vmem_shared>>
      tpu.enqueue_indirect_dma source(%arg16 : memref<128x64xf32, #tpu.memory_space<vmem>>) target(%dma_start3A_399 : memref<10240x64xf32, #tpu.memory_space<vmem_shared>>) offsets(%dma_start3A_396 : memref<128xi32, #tpu.memory_space<vmem>>) semaphore(%arg33 : memref<!tpu.dma_semaphore, #tpu.memory_space<semaphore_mem>>) {add = true}
    }
    %dma_wait3A_64 = arith.constant 0 : i32
    %dma_wait3A_65 = arith.constant 0 : i32
    %dma_wait3A_66 = tpu.memref_slice %arg8[%dma_wait3A_64, %dma_wait3A_65] : memref<80x128xi32, #tpu.memory_space<vmem>> -> memref<1x128xi32, #tpu.memory_space<vmem>>
    %dma_wait3A_67 = tpu.memref_squeeze %dma_wait3A_66 : memref<1x128xi32, #tpu.memory_space<vmem>> -> memref<128xi32, #tpu.memory_space<vmem>>
    %dma_wait3A_68 = arith.constant 0 : i32
    %dma_wait3A_69 = arith.constant 0 : i32
    %dma_wait3A_70 = tpu.memref_slice %arg17[%dma_wait3A_68, %dma_wait3A_69] : memref<10240x64xf32, #tpu.memory_space<vmem_shared>> -> memref<10240x64xf32, #tpu.memory_space<vmem_shared>>
    tpu.wait_indirect_dma semaphore(%arg26 : memref<!tpu.dma_semaphore, #tpu.memory_space<semaphore_mem>>) src(%arg9 : memref<128x64xf32, #tpu.memory_space<vmem>>) dst(%dma_wait3A_70 : memref<10240x64xf32, #tpu.memory_space<vmem_shared>>)
    %dma_wait3A_71 = arith.constant 0 : i32
    %dma_wait3A_72 = arith.constant 0 : i32
    %dma_wait3A_73 = tpu.memref_slice %arg8[%dma_wait3A_71, %dma_wait3A_72] : memref<80x128xi32, #tpu.memory_space<vmem>> -> memref<1x128xi32, #tpu.memory_space<vmem>>
    %dma_wait3A_74 = tpu.memref_squeeze %dma_wait3A_73 : memref<1x128xi32, #tpu.memory_space<vmem>> -> memref<128xi32, #tpu.memory_space<vmem>>
    %dma_wait3A_75 = arith.constant 0 : i32
    %dma_wait3A_76 = arith.constant 0 : i32
    %dma_wait3A_77 = tpu.memref_slice %arg17[%dma_wait3A_75, %dma_wait3A_76] : memref<10240x64xf32, #tpu.memory_space<vmem_shared>> -> memref<10240x64xf32, #tpu.memory_space<vmem_shared>>
    tpu.wait_indirect_dma semaphore(%arg27 : memref<!tpu.dma_semaphore, #tpu.memory_space<semaphore_mem>>) src(%arg10 : memref<128x64xf32, #tpu.memory_space<vmem>>) dst(%dma_wait3A_77 : memref<10240x64xf32, #tpu.memory_space<vmem_shared>>)
    %dma_wait3A_78 = arith.constant 0 : i32
    %dma_wait3A_79 = arith.constant 0 : i32
    %dma_wait3A_80 = tpu.memref_slice %arg8[%dma_wait3A_78, %dma_wait3A_79] : memref<80x128xi32, #tpu.memory_space<vmem>> -> memref<1x128xi32, #tpu.memory_space<vmem>>
    %dma_wait3A_81 = tpu.memref_squeeze %dma_wait3A_80 : memref<1x128xi32, #tpu.memory_space<vmem>> -> memref<128xi32, #tpu.memory_space<vmem>>
    %dma_wait3A_82 = arith.constant 0 : i32
    %dma_wait3A_83 = arith.constant 0 : i32
    %dma_wait3A_84 = tpu.memref_slice %arg17[%dma_wait3A_82, %dma_wait3A_83] : memref<10240x64xf32, #tpu.memory_space<vmem_shared>> -> memref<10240x64xf32, #tpu.memory_space<vmem_shared>>
    tpu.wait_indirect_dma semaphore(%arg28 : memref<!tpu.dma_semaphore, #tpu.memory_space<semaphore_mem>>) src(%arg11 : memref<128x64xf32, #tpu.memory_space<vmem>>) dst(%dma_wait3A_84 : memref<10240x64xf32, #tpu.memory_space<vmem_shared>>)
    %dma_wait3A_85 = arith.constant 0 : i32
    %dma_wait3A_86 = arith.constant 0 : i32
    %dma_wait3A_87 = tpu.memref_slice %arg8[%dma_wait3A_85, %dma_wait3A_86] : memref<80x128xi32, #tpu.memory_space<vmem>> -> memref<1x128xi32, #tpu.memory_space<vmem>>
    %dma_wait3A_88 = tpu.memref_squeeze %dma_wait3A_87 : memref<1x128xi32, #tpu.memory_space<vmem>> -> memref<128xi32, #tpu.memory_space<vmem>>
    %dma_wait3A_89 = arith.constant 0 : i32
    %dma_wait3A_90 = arith.constant 0 : i32
    %dma_wait3A_91 = tpu.memref_slice %arg17[%dma_wait3A_89, %dma_wait3A_90] : memref<10240x64xf32, #tpu.memory_space<vmem_shared>> -> memref<10240x64xf32, #tpu.memory_space<vmem_shared>>
    tpu.wait_indirect_dma semaphore(%arg29 : memref<!tpu.dma_semaphore, #tpu.memory_space<semaphore_mem>>) src(%arg12 : memref<128x64xf32, #tpu.memory_space<vmem>>) dst(%dma_wait3A_91 : memref<10240x64xf32, #tpu.memory_space<vmem_shared>>)
    %dma_wait3A_92 = arith.constant 0 : i32
    %dma_wait3A_93 = arith.constant 0 : i32
    %dma_wait3A_94 = tpu.memref_slice %arg8[%dma_wait3A_92, %dma_wait3A_93] : memref<80x128xi32, #tpu.memory_space<vmem>> -> memref<1x128xi32, #tpu.memory_space<vmem>>
    %dma_wait3A_95 = tpu.memref_squeeze %dma_wait3A_94 : memref<1x128xi32, #tpu.memory_space<vmem>> -> memref<128xi32, #tpu.memory_space<vmem>>
    %dma_wait3A_96 = arith.constant 0 : i32
    %dma_wait3A_97 = arith.constant 0 : i32
    %dma_wait3A_98 = tpu.memref_slice %arg17[%dma_wait3A_96, %dma_wait3A_97] : memref<10240x64xf32, #tpu.memory_space<vmem_shared>> -> memref<10240x64xf32, #tpu.memory_space<vmem_shared>>
    tpu.wait_indirect_dma semaphore(%arg30 : memref<!tpu.dma_semaphore, #tpu.memory_space<semaphore_mem>>) src(%arg13 : memref<128x64xf32, #tpu.memory_space<vmem>>) dst(%dma_wait3A_98 : memref<10240x64xf32, #tpu.memory_space<vmem_shared>>)
    %dma_wait3A_99 = arith.constant 0 : i32
    %dma_wait3A_100 = arith.constant 0 : i32
    %dma_wait3A_101 = tpu.memref_slice %arg8[%dma_wait3A_99, %dma_wait3A_100] : memref<80x128xi32, #tpu.memory_space<vmem>> -> memref<1x128xi32, #tpu.memory_space<vmem>>
    %dma_wait3A_102 = tpu.memref_squeeze %dma_wait3A_101 : memref<1x128xi32, #tpu.memory_space<vmem>> -> memref<128xi32, #tpu.memory_space<vmem>>
    %dma_wait3A_103 = arith.constant 0 : i32
    %dma_wait3A_104 = arith.constant 0 : i32
    %dma_wait3A_105 = tpu.memref_slice %arg17[%dma_wait3A_103, %dma_wait3A_104] : memref<10240x64xf32, #tpu.memory_space<vmem_shared>> -> memref<10240x64xf32, #tpu.memory_space<vmem_shared>>
    tpu.wait_indirect_dma semaphore(%arg31 : memref<!tpu.dma_semaphore, #tpu.memory_space<semaphore_mem>>) src(%arg14 : memref<128x64xf32, #tpu.memory_space<vmem>>) dst(%dma_wait3A_105 : memref<10240x64xf32, #tpu.memory_space<vmem_shared>>)
    %dma_wait3A_106 = arith.constant 0 : i32
    %dma_wait3A_107 = arith.constant 0 : i32
    %dma_wait3A_108 = tpu.memref_slice %arg8[%dma_wait3A_106, %dma_wait3A_107] : memref<80x128xi32, #tpu.memory_space<vmem>> -> memref<1x128xi32, #tpu.memory_space<vmem>>
    %dma_wait3A_109 = tpu.memref_squeeze %dma_wait3A_108 : memref<1x128xi32, #tpu.memory_space<vmem>> -> memref<128xi32, #tpu.memory_space<vmem>>
    %dma_wait3A_110 = arith.constant 0 : i32
    %dma_wait3A_111 = arith.constant 0 : i32
    %dma_wait3A_112 = tpu.memref_slice %arg17[%dma_wait3A_110, %dma_wait3A_111] : memref<10240x64xf32, #tpu.memory_space<vmem_shared>> -> memref<10240x64xf32, #tpu.memory_space<vmem_shared>>
    tpu.wait_indirect_dma semaphore(%arg32 : memref<!tpu.dma_semaphore, #tpu.memory_space<semaphore_mem>>) src(%arg15 : memref<128x64xf32, #tpu.memory_space<vmem>>) dst(%dma_wait3A_112 : memref<10240x64xf32, #tpu.memory_space<vmem_shared>>)
    %dma_wait3A_113 = arith.constant 0 : i32
    %dma_wait3A_114 = arith.constant 0 : i32
    %dma_wait3A_115 = tpu.memref_slice %arg8[%dma_wait3A_113, %dma_wait3A_114] : memref<80x128xi32, #tpu.memory_space<vmem>> -> memref<1x128xi32, #tpu.memory_space<vmem>>
    %dma_wait3A_116 = tpu.memref_squeeze %dma_wait3A_115 : memref<1x128xi32, #tpu.memory_space<vmem>> -> memref<128xi32, #tpu.memory_space<vmem>>
    %dma_wait3A_117 = arith.constant 0 : i32
    %dma_wait3A_118 = arith.constant 0 : i32
    %dma_wait3A_119 = tpu.memref_slice %arg17[%dma_wait3A_117, %dma_wait3A_118] : memref<10240x64xf32, #tpu.memory_space<vmem_shared>> -> memref<10240x64xf32, #tpu.memory_space<vmem_shared>>
    tpu.wait_indirect_dma semaphore(%arg33 : memref<!tpu.dma_semaphore, #tpu.memory_space<semaphore_mem>>) src(%arg16 : memref<128x64xf32, #tpu.memory_space<vmem>>) dst(%dma_wait3A_119 : memref<10240x64xf32, #tpu.memory_space<vmem_shared>>)
    %mul3A_120 = arith.constant 8 : i32
    %mul3A_121 = arith.muli %select_n3A, %mul3A_120 : i32
    %sub3A_122 = arith.subi %min3A_37, %mul3A_121 : i32
    %while3A_123 = arith.constant 0 : i32
    %while3A_124 = arith.constant 0 : i32
    %while3A_125 = arith.subi %sub3A_122, %while3A_124 : i32
    %while3A_126 = arith.addi %while3A_124, %while3A_125 : i32
    %while3A_127 = arith.constant 1 : i32
    %while3A_128 = arith.divsi %while3A_125, %while3A_127 : i32
    %while3A_129 = arith.muli %while3A_128, %while3A_127 : i32
    %while3A_130 = arith.addi %while3A_124, %while3A_129 : i32
    %while3A_131 = arith.constant 1 : i32
    scf.for %while3A_138 = %while3A_124 to %while3A_130 step %while3A_131  : i32 {
      %mul3A_139 = arith.constant 8 : i32
      %mul3A_140 = arith.muli %select_n3A, %mul3A_139 : i32
      %add3A_141 = arith.addi %sub3A, %mul3A_140 : i32
      %add3A_142 = arith.addi %add3A_141, %while3A_138 : i32
      %dma_start3A_143 = arith.constant 0 : i32
      %dma_start3A_144 = tpu.memref_slice %arg7[%add3A_142, %dma_start3A_143] : memref<80x128xi32, #tpu.memory_space<vmem>> -> memref<1x128xi32, #tpu.memory_space<vmem>>
      %dma_start3A_145 = tpu.memref_squeeze %dma_start3A_144 : memref<1x128xi32, #tpu.memory_space<vmem>> -> memref<128xi32, #tpu.memory_space<vmem>>
      %dma_start3A_146 = arith.constant 0 : i32
      %dma_start3A_147 = arith.constant 0 : i32
      %dma_start3A_148 = tpu.memref_slice %arg2[%dma_start3A_146, %dma_start3A_147] : memref<10000x64xf32, #tpu.memory_space<hbm>> -> memref<10000x64xf32, #tpu.memory_space<hbm>>
      tpu.enqueue_indirect_dma source(%dma_start3A_148 : memref<10000x64xf32, #tpu.memory_space<hbm>>) target(%arg9 : memref<128x64xf32, #tpu.memory_space<vmem>>) offsets(%dma_start3A_145 : memref<128xi32, #tpu.memory_space<vmem>>) semaphore(%arg18 : memref<!tpu.dma_semaphore, #tpu.memory_space<semaphore_mem>>)
      %dma_wait3A_149 = arith.constant 0 : i32
      %dma_wait3A_150 = tpu.memref_slice %arg7[%add3A_142, %dma_wait3A_149] : memref<80x128xi32, #tpu.memory_space<vmem>> -> memref<1x128xi32, #tpu.memory_space<vmem>>
      %dma_wait3A_151 = tpu.memref_squeeze %dma_wait3A_150 : memref<1x128xi32, #tpu.memory_space<vmem>> -> memref<128xi32, #tpu.memory_space<vmem>>
      %dma_wait3A_152 = arith.constant 0 : i32
      %dma_wait3A_153 = arith.constant 0 : i32
      %dma_wait3A_154 = tpu.memref_slice %arg2[%dma_wait3A_152, %dma_wait3A_153] : memref<10000x64xf32, #tpu.memory_space<hbm>> -> memref<10000x64xf32, #tpu.memory_space<hbm>>
      tpu.wait_indirect_dma semaphore(%arg18 : memref<!tpu.dma_semaphore, #tpu.memory_space<semaphore_mem>>) src(%dma_wait3A_154 : memref<10000x64xf32, #tpu.memory_space<hbm>>) dst(%arg9 : memref<128x64xf32, #tpu.memory_space<vmem>>)
      %dma_start3A_155 = arith.constant 0 : i32
      %dma_start3A_156 = tpu.memref_slice %arg8[%add3A_142, %dma_start3A_155] : memref<80x128xi32, #tpu.memory_space<vmem>> -> memref<1x128xi32, #tpu.memory_space<vmem>>
      %dma_start3A_157 = tpu.memref_squeeze %dma_start3A_156 : memref<1x128xi32, #tpu.memory_space<vmem>> -> memref<128xi32, #tpu.memory_space<vmem>>
      %dma_start3A_158 = arith.constant 0 : i32
      %dma_start3A_159 = arith.constant 0 : i32
      %dma_start3A_160 = tpu.memref_slice %arg17[%dma_start3A_158, %dma_start3A_159] : memref<10240x64xf32, #tpu.memory_space<vmem_shared>> -> memref<10240x64xf32, #tpu.memory_space<vmem_shared>>
      tpu.enqueue_indirect_dma source(%arg9 : memref<128x64xf32, #tpu.memory_space<vmem>>) target(%dma_start3A_160 : memref<10240x64xf32, #tpu.memory_space<vmem_shared>>) offsets(%dma_start3A_157 : memref<128xi32, #tpu.memory_space<vmem>>) semaphore(%arg26 : memref<!tpu.dma_semaphore, #tpu.memory_space<semaphore_mem>>) {add = true}
      %dma_wait3A_161 = arith.constant 0 : i32
      %dma_wait3A_162 = arith.constant 0 : i32
      %dma_wait3A_163 = tpu.memref_slice %arg8[%dma_wait3A_161, %dma_wait3A_162] : memref<80x128xi32, #tpu.memory_space<vmem>> -> memref<1x128xi32, #tpu.memory_space<vmem>>
      %dma_wait3A_164 = tpu.memref_squeeze %dma_wait3A_163 : memref<1x128xi32, #tpu.memory_space<vmem>> -> memref<128xi32, #tpu.memory_space<vmem>>
      %dma_wait3A_165 = arith.constant 0 : i32
      %dma_wait3A_166 = arith.constant 0 : i32
      %dma_wait3A_167 = tpu.memref_slice %arg17[%dma_wait3A_165, %dma_wait3A_166] : memref<10240x64xf32, #tpu.memory_space<vmem_shared>> -> memref<10240x64xf32, #tpu.memory_space<vmem_shared>>
      tpu.wait_indirect_dma semaphore(%arg26 : memref<!tpu.dma_semaphore, #tpu.memory_space<semaphore_mem>>) src(%arg9 : memref<128x64xf32, #tpu.memory_space<vmem>>) dst(%dma_wait3A_167 : memref<10240x64xf32, #tpu.memory_space<vmem_shared>>)
    }
    %while3A_132 = arith.constant 1 : i32
    scf.for %while3A_138 = %while3A_130 to %while3A_126 step %while3A_132  : i32 {
      %mul3A_139 = arith.constant 8 : i32
      %mul3A_140 = arith.muli %select_n3A, %mul3A_139 : i32
      %add3A_141 = arith.addi %sub3A, %mul3A_140 : i32
      %add3A_142 = arith.addi %add3A_141, %while3A_138 : i32
      %dma_start3A_143 = arith.constant 0 : i32
      %dma_start3A_144 = tpu.memref_slice %arg7[%add3A_142, %dma_start3A_143] : memref<80x128xi32, #tpu.memory_space<vmem>> -> memref<1x128xi32, #tpu.memory_space<vmem>>
      %dma_start3A_145 = tpu.memref_squeeze %dma_start3A_144 : memref<1x128xi32, #tpu.memory_space<vmem>> -> memref<128xi32, #tpu.memory_space<vmem>>
      %dma_start3A_146 = arith.constant 0 : i32
      %dma_start3A_147 = arith.constant 0 : i32
      %dma_start3A_148 = tpu.memref_slice %arg2[%dma_start3A_146, %dma_start3A_147] : memref<10000x64xf32, #tpu.memory_space<hbm>> -> memref<10000x64xf32, #tpu.memory_space<hbm>>
      tpu.enqueue_indirect_dma source(%dma_start3A_148 : memref<10000x64xf32, #tpu.memory_space<hbm>>) target(%arg9 : memref<128x64xf32, #tpu.memory_space<vmem>>) offsets(%dma_start3A_145 : memref<128xi32, #tpu.memory_space<vmem>>) semaphore(%arg18 : memref<!tpu.dma_semaphore, #tpu.memory_space<semaphore_mem>>)
      %dma_wait3A_149 = arith.constant 0 : i32
      %dma_wait3A_150 = tpu.memref_slice %arg7[%add3A_142, %dma_wait3A_149] : memref<80x128xi32, #tpu.memory_space<vmem>> -> memref<1x128xi32, #tpu.memory_space<vmem>>
      %dma_wait3A_151 = tpu.memref_squeeze %dma_wait3A_150 : memref<1x128xi32, #tpu.memory_space<vmem>> -> memref<128xi32, #tpu.memory_space<vmem>>
      %dma_wait3A_152 = arith.constant 0 : i32
      %dma_wait3A_153 = arith.constant 0 : i32
      %dma_wait3A_154 = tpu.memref_slice %arg2[%dma_wait3A_152, %dma_wait3A_153] : memref<10000x64xf32, #tpu.memory_space<hbm>> -> memref<10000x64xf32, #tpu.memory_space<hbm>>
      tpu.wait_indirect_dma semaphore(%arg18 : memref<!tpu.dma_semaphore, #tpu.memory_space<semaphore_mem>>) src(%dma_wait3A_154 : memref<10000x64xf32, #tpu.memory_space<hbm>>) dst(%arg9 : memref<128x64xf32, #tpu.memory_space<vmem>>)
      %dma_start3A_155 = arith.constant 0 : i32
      %dma_start3A_156 = tpu.memref_slice %arg8[%add3A_142, %dma_start3A_155] : memref<80x128xi32, #tpu.memory_space<vmem>> -> memref<1x128xi32, #tpu.memory_space<vmem>>
      %dma_start3A_157 = tpu.memref_squeeze %dma_start3A_156 : memref<1x128xi32, #tpu.memory_space<vmem>> -> memref<128xi32, #tpu.memory_space<vmem>>
      %dma_start3A_158 = arith.constant 0 : i32
      %dma_start3A_159 = arith.constant 0 : i32
      %dma_start3A_160 = tpu.memref_slice %arg17[%dma_start3A_158, %dma_start3A_159] : memref<10240x64xf32, #tpu.memory_space<vmem_shared>> -> memref<10240x64xf32, #tpu.memory_space<vmem_shared>>
      tpu.enqueue_indirect_dma source(%arg9 : memref<128x64xf32, #tpu.memory_space<vmem>>) target(%dma_start3A_160 : memref<10240x64xf32, #tpu.memory_space<vmem_shared>>) offsets(%dma_start3A_157 : memref<128xi32, #tpu.memory_space<vmem>>) semaphore(%arg26 : memref<!tpu.dma_semaphore, #tpu.memory_space<semaphore_mem>>) {add = true}
      %dma_wait3A_161 = arith.constant 0 : i32
      %dma_wait3A_162 = arith.constant 0 : i32
      %dma_wait3A_163 = tpu.memref_slice %arg8[%dma_wait3A_161, %dma_wait3A_162] : memref<80x128xi32, #tpu.memory_space<vmem>> -> memref<1x128xi32, #tpu.memory_space<vmem>>
      %dma_wait3A_164 = tpu.memref_squeeze %dma_wait3A_163 : memref<1x128xi32, #tpu.memory_space<vmem>> -> memref<128xi32, #tpu.memory_space<vmem>>
      %dma_wait3A_165 = arith.constant 0 : i32
      %dma_wait3A_166 = arith.constant 0 : i32
      %dma_wait3A_167 = tpu.memref_slice %arg17[%dma_wait3A_165, %dma_wait3A_166] : memref<10240x64xf32, #tpu.memory_space<vmem_shared>> -> memref<10240x64xf32, #tpu.memory_space<vmem_shared>>
      tpu.wait_indirect_dma semaphore(%arg26 : memref<!tpu.dma_semaphore, #tpu.memory_space<semaphore_mem>>) src(%arg9 : memref<128x64xf32, #tpu.memory_space<vmem>>) dst(%dma_wait3A_167 : memref<10240x64xf32, #tpu.memory_space<vmem_shared>>)
    }
    %barrier3A_133 = arith.constant 0 : index
    tpu.barrier barrier_id(%barrier3A_133)
    %mul3A_134 = arith.constant 640 : i32
    %mul3A_135 = arith.muli %arg1, %mul3A_134 : i32
    %mul3A_136 = arith.constant 640 : i32
    %mul3A_137 = arith.muli %arg1, %mul3A_136 : i32
    "tpu.region"() ({
      %run_scoped3A = tpu.sem_alloc : memref<!tpu.dma_semaphore, #tpu.memory_space<semaphore_mem>>
      %dma_start3A_138 = arith.constant 0 : i32
      %dma_start3A_139 = tpu.memref_slice %arg6[%arg0, %mul3A_137, %dma_start3A_138] : memref<2x10240x64xf32, #tpu.memory_space<hbm>> -> memref<1x640x64xf32, #tpu.memory_space<hbm>>
      %dma_start3A_140 = tpu.memref_squeeze %dma_start3A_139 : memref<1x640x64xf32, #tpu.memory_space<hbm>> -> memref<640x64xf32, #tpu.memory_space<hbm>>
      %dma_start3A_141 = arith.constant 0 : i32
      %dma_start3A_142 = tpu.memref_slice %arg17[%mul3A_135, %dma_start3A_141] : memref<10240x64xf32, #tpu.memory_space<vmem_shared>> -> memref<640x64xf32, #tpu.memory_space<vmem_shared>>
      tpu.enqueue_dma source(%dma_start3A_142 : memref<640x64xf32, #tpu.memory_space<vmem_shared>>) target(%dma_start3A_140 : memref<640x64xf32, #tpu.memory_space<hbm>>) target_semaphore(%run_scoped3A : memref<!tpu.dma_semaphore, #tpu.memory_space<semaphore_mem>>)
      %dma_wait3A_143 = arith.constant 0 : i32
      %dma_wait3A_144 = tpu.memref_slice %arg6[%arg0, %mul3A_137, %dma_wait3A_143] : memref<2x10240x64xf32, #tpu.memory_space<hbm>> -> memref<1x640x64xf32, #tpu.memory_space<hbm>>
      %dma_wait3A_145 = tpu.memref_squeeze %dma_wait3A_144 : memref<1x640x64xf32, #tpu.memory_space<hbm>> -> memref<640x64xf32, #tpu.memory_space<hbm>>
      %dma_wait3A_146 = arith.constant 0 : i32
      %dma_wait3A_147 = tpu.memref_slice %arg17[%mul3A_135, %dma_wait3A_146] : memref<10240x64xf32, #tpu.memory_space<vmem_shared>> -> memref<640x64xf32, #tpu.memory_space<vmem_shared>>
      tpu.wait_dma2 semaphore(%run_scoped3A : memref<!tpu.dma_semaphore, #tpu.memory_space<semaphore_mem>>) src(%dma_wait3A_147 : memref<640x64xf32, #tpu.memory_space<vmem_shared>>) dst(%dma_wait3A_145 : memref<640x64xf32, #tpu.memory_space<hbm>>)
      tpu.yield
    }) : () -> ()
    return
  }
}

module attributes {stable_mosaic.version = 14 : i64} {
  func.func @body(%arg0: i32, %arg1: memref<1000x128xf32, #tpu.memory_space<vmem>>, %arg2: memref<1000x128xf32, #tpu.memory_space<vmem>>, %arg3: memref<128x64xf32, #tpu.memory_space<vmem>>, %arg4: memref<1000x128xf32, #tpu.memory_space<vmem>>) attributes {dimension_semantics = [#tpu.dimension_semantics<arbitrary>], iteration_bounds = array<i64: 5>, scalar_prefetch = 0 : i64, scratch_operands = 0 : i64, tpu.core_type = #tpu.core_type<tc>, window_params = [{transform_indices = @transform_0, window_bounds = array<i64: 1000, 128>}, {transform_indices = @transform_1, window_bounds = array<i64: 1000, 128>}, {pipeline_mode = #tpu.pipeline_mode<synchronous>, transform_indices = @transform_2, window_bounds = array<i64: 128, 64>}, {transform_indices = @transform_3, window_bounds = array<i64: 1000, 128>}]} {
    %get3A = arith.constant 0 : index
    %get3A_0 = arith.constant 0 : index
    %get3A_1 = vector.load %arg1[%get3A, %get3A_0] : memref<1000x128xf32, #tpu.memory_space<vmem>>, vector<1000x128xf32>
    %get3A_2 = arith.constant 0 : index
    %get3A_3 = arith.constant 0 : index
    %get3A_4 = vector.load %arg3[%get3A_2, %get3A_3] : memref<128x64xf32, #tpu.memory_space<vmem>>, vector<128x64xf32>
    %dot_general3A = arith.constant dense<0.000000e+00> : vector<1000x64xf32>
    %dot_general3A_5 = tpu.matmul %get3A_1, %get3A_4, %dot_general3A {dimension_numbers = #tpu.dot_dimension_numbers<[1], [0], [0], [1], [0, 0, 1, 1], [], []>, transpose_lhs_hint = false} : vector<1000x128xf32>, vector<128x64xf32>, vector<1000x64xf32> -> vector<1000x64xf32>
    %get3A_6 = arith.constant 0 : index
    %get3A_7 = arith.constant 0 : index
    %get3A_8 = vector.load %arg2[%get3A_6, %get3A_7] : memref<1000x128xf32, #tpu.memory_space<vmem>>, vector<1000x128xf32>
    %get3A_9 = arith.constant 0 : index
    %get3A_10 = arith.constant 0 : index
    %get3A_11 = vector.load %arg3[%get3A_9, %get3A_10] : memref<128x64xf32, #tpu.memory_space<vmem>>, vector<128x64xf32>
    %dot_general3A_12 = arith.constant dense<0.000000e+00> : vector<1000x64xf32>
    %dot_general3A_13 = tpu.matmul %get3A_8, %get3A_11, %dot_general3A_12 {dimension_numbers = #tpu.dot_dimension_numbers<[1], [0], [0], [1], [0, 0, 1, 1], [], []>, transpose_lhs_hint = false} : vector<1000x128xf32>, vector<128x64xf32>, vector<1000x64xf32> -> vector<1000x64xf32>
    %concatenate3A = tpu.concatenate %dot_general3A_5, %dot_general3A_13 in 1 : vector<1000x64xf32>, vector<1000x64xf32> -> vector<1000x128xf32>
    %swap3A = arith.constant 0 : index
    %swap3A_14 = arith.constant 0 : index
    %swap3A_15 = vector.load %arg4[%swap3A, %swap3A_14] : memref<1000x128xf32, #tpu.memory_space<vmem>>, vector<1000x128xf32>
    tpu.vector_store %arg4[%swap3A, %swap3A_14], %concatenate3A {strides = array<i32>} : memref<1000x128xf32, #tpu.memory_space<vmem>>, vector<1000x128xf32>,
    return
  }
  func.func @transform_0(%arg0: i32) -> (i32, i32) {
    %c0_i32 = arith.constant 0 : i32
    %c0_i32_0 = arith.constant 0 : i32
    return %arg0, %c0_i32 : i32, i32
  }
  func.func @transform_1(%arg0: i32) -> (i32, i32) {
    %add3A = arith.constant 5 : i32
    %add3A_0 = arith.addi %arg0, %add3A : i32
    %c0_i32 = arith.constant 0 : i32
    %c0_i32_1 = arith.constant 0 : i32
    return %add3A_0, %c0_i32 : i32, i32
  }
  func.func @transform_2(%arg0: i32) -> (i32, i32) {
    %c0_i32 = arith.constant 0 : i32
    %c0_i32_0 = arith.constant 0 : i32
    %c0_i32_1 = arith.constant 0 : i32
    return %c0_i32, %c0_i32_0 : i32, i32
  }
  func.func @transform_3(%arg0: i32) -> (i32, i32) {
    %c0_i32 = arith.constant 0 : i32
    %c0_i32_0 = arith.constant 0 : i32
    return %arg0, %c0_i32 : i32, i32
  }
}

module attributes {stable_mosaic.version = 14 : i64} {
  func.func @body(%arg0: i32, %arg1: memref<2x320000xi32, #tpu.memory_space<vmem>>, %arg2: memref<2500x128xi32, #tpu.memory_space<vmem>>, %arg3: memref<2500x128xi32, #tpu.memory_space<vmem>>) attributes {dimension_semantics = [#tpu.dimension_semantics<arbitrary>], iteration_bounds = array<i64: 1>, scalar_prefetch = 0 : i64, scratch_operands = 0 : i64, tpu.core_type = #tpu.core_type<tc>, window_params = [{pipeline_mode = #tpu.pipeline_mode<synchronous>, transform_indices = @transform_0, window_bounds = array<i64: 2, 320000>}, {pipeline_mode = #tpu.pipeline_mode<synchronous>, transform_indices = @transform_1, window_bounds = array<i64: 2500, 128>}, {pipeline_mode = #tpu.pipeline_mode<synchronous>, transform_indices = @transform_2, window_bounds = array<i64: 2500, 128>}]} {
    %get3A = arith.constant 0 : index
    %get3A_0 = arith.constant 0 : index
    %get3A_1 = vector.load %arg1[%get3A, %get3A_0] : memref<2x320000xi32, #tpu.memory_space<vmem>>, vector<1x320000xi32>
    %get3A_2 = vector.shape_cast %get3A_1 : vector<1x320000xi32> to vector<320000xi32>
    %get3A_3 = arith.constant 1 : index
    %get3A_4 = arith.constant 0 : index
    %get3A_5 = vector.load %arg1[%get3A_3, %get3A_4] : memref<2x320000xi32, #tpu.memory_space<vmem>>, vector<1x320000xi32>
    %get3A_6 = vector.shape_cast %get3A_5 : vector<1x320000xi32> to vector<320000xi32>
    %mul3A = arith.constant 2 : i32
    %mul3A_7 = vector.broadcast %mul3A : i32 to vector<320000xi32>
    %mul3A_8 = arith.muli %mul3A_7, %get3A_2 : vector<320000xi32>
    %ge3A = arith.constant 5000 : i32
    %ge3A_9 = vector.broadcast %ge3A : i32 to vector<320000xi32>
    %ge3A_10 = arith.cmpi sge, %get3A_2, %ge3A_9 : vector<320000xi32>
    %jit3A = arith.constant -9999 : i32
    %jit3A_11 = arith.constant 0 : i32
    %broadcast_in_dim3A = vector.broadcast %jit3A : i32 to vector<320000xi32>
    %broadcast_in_dim3A_12 = vector.broadcast %jit3A_11 : i32 to vector<320000xi32>
    %select_n3A = arith.select %ge3A_10, %broadcast_in_dim3A, %broadcast_in_dim3A_12 : vector<320000xi1>, vector<320000xi32>
    %add3A = arith.addi %mul3A_8, %select_n3A : vector<320000xi32>
    %mul3A_13 = arith.constant 2 : i32
    %mul3A_14 = vector.broadcast %mul3A_13 : i32 to vector<320000xi32>
    %mul3A_15 = arith.muli %mul3A_14, %get3A_6 : vector<320000xi32>
    %ge3A_16 = arith.constant 5000 : i32
    %ge3A_17 = vector.broadcast %ge3A_16 : i32 to vector<320000xi32>
    %ge3A_18 = arith.cmpi sge, %get3A_6, %ge3A_17 : vector<320000xi32>
    %jit3A_19 = arith.constant -9999 : i32
    %jit3A_20 = arith.constant 0 : i32
    %broadcast_in_dim3A_21 = vector.broadcast %jit3A_19 : i32 to vector<320000xi32>
    %broadcast_in_dim3A_22 = vector.broadcast %jit3A_20 : i32 to vector<320000xi32>
    %select_n3A_23 = arith.select %ge3A_18, %broadcast_in_dim3A_21, %broadcast_in_dim3A_22 : vector<320000xi1>, vector<320000xi32>
    %add3A_24 = arith.addi %mul3A_15, %select_n3A_23 : vector<320000xi32>
    %reshape3A = vector.shape_cast %add3A : vector<320000xi32> to vector<2500x128xi32>
    %swap3A = arith.constant 0 : index
    %swap3A_25 = arith.constant 0 : index
    %swap3A_26 = vector.load %arg2[%swap3A, %swap3A_25] : memref<2500x128xi32, #tpu.memory_space<vmem>>, vector<2500x128xi32>
    tpu.vector_store %arg2[%swap3A, %swap3A_25], %reshape3A {strides = array<i32>} : memref<2500x128xi32, #tpu.memory_space<vmem>>, vector<2500x128xi32>,
    %reshape3A_27 = vector.shape_cast %add3A_24 : vector<320000xi32> to vector<2500x128xi32>
    %swap3A_28 = arith.constant 0 : index
    %swap3A_29 = arith.constant 0 : index
    %swap3A_30 = vector.load %arg3[%swap3A_28, %swap3A_29] : memref<2500x128xi32, #tpu.memory_space<vmem>>, vector<2500x128xi32>
    tpu.vector_store %arg3[%swap3A_28, %swap3A_29], %reshape3A_27 {strides = array<i32>} : memref<2500x128xi32, #tpu.memory_space<vmem>>, vector<2500x128xi32>,
    return
  }
  func.func @transform_0(%arg0: i32) -> (i32, i32) {
    %c0_i32 = arith.constant 0 : i32
    %c0_i32_0 = arith.constant 0 : i32
    %c0_i32_1 = arith.constant 0 : i32
    return %c0_i32, %c0_i32_0 : i32, i32
  }
  func.func @transform_1(%arg0: i32) -> (i32, i32) {
    %c0_i32 = arith.constant 0 : i32
    %c0_i32_0 = arith.constant 0 : i32
    %c0_i32_1 = arith.constant 0 : i32
    return %c0_i32, %c0_i32_0 : i32, i32
  }
  func.func @transform_2(%arg0: i32) -> (i32, i32) {
    %c0_i32 = arith.constant 0 : i32
    %c0_i32_0 = arith.constant 0 : i32
    %c0_i32_1 = arith.constant 0 : i32
    return %c0_i32, %c0_i32_0 : i32, i32
  }
}

module attributes {stable_mosaic.version = 14 : i64} {
  func.func @body(%arg0: i32, %arg1: memref<1000x128xf32, #tpu.memory_space<vmem>>, %arg2: memref<1000x2xf32, #tpu.memory_space<vmem>>, %arg3: memref<1000x128xf32, #tpu.memory_space<vmem>>) attributes {dimension_semantics = [#tpu.dimension_semantics<arbitrary>], iteration_bounds = array<i64: 5>, scalar_prefetch = 0 : i64, scratch_operands = 0 : i64, tpu.core_type = #tpu.core_type<tc>, window_params = [{transform_indices = @transform_0, window_bounds = array<i64: 1000, 128>}, {transform_indices = @transform_1, window_bounds = array<i64: 1000, 2>}, {transform_indices = @transform_2, window_bounds = array<i64: 1000, 128>}]} {
    %get3A = arith.constant 0 : index
    %get3A_0 = arith.constant 0 : index
    %get3A_1 = vector.load %arg1[%get3A, %get3A_0] : memref<1000x128xf32, #tpu.memory_space<vmem>>, vector<1000x128xf32>
    %get3A_2 = arith.constant 0 : index
    %get3A_3 = arith.constant 0 : index
    %get3A_4 = vector.load %arg2[%get3A_2, %get3A_3] : memref<1000x2xf32, #tpu.memory_space<vmem>>, vector<1000x2xf32>
    %add3A = arith.constant 1.000000e+00 : f32
    %add3A_5 = vector.broadcast %add3A : f32 to vector<1000x2xf32>
    %add3A_6 = arith.addf %get3A_4, %add3A_5 : vector<1000x2xf32>
    %rsqrt3A = math.rsqrt %add3A_6 : vector<1000x2xf32>
    %slice3A = vector.extract_strided_slice %rsqrt3A {offsets = [0, 0], sizes = [1000, 1], strides = [1, 1]} : vector<1000x2xf32> to vector<1000x1xf32>
    %broadcast_in_dim3A = vector.shape_cast %slice3A : vector<1000x1xf32> to vector<1000x1xf32>
    %broadcast_in_dim3A_7 = vector.broadcast %broadcast_in_dim3A : vector<1000x1xf32> to vector<1000x64xf32>
    %slice3A_8 = vector.extract_strided_slice %rsqrt3A {offsets = [0, 1], sizes = [1000, 1], strides = [1, 1]} : vector<1000x2xf32> to vector<1000x1xf32>
    %broadcast_in_dim3A_9 = vector.shape_cast %slice3A_8 : vector<1000x1xf32> to vector<1000x1xf32>
    %broadcast_in_dim3A_10 = vector.broadcast %broadcast_in_dim3A_9 : vector<1000x1xf32> to vector<1000x64xf32>
    %concatenate3A = tpu.concatenate %broadcast_in_dim3A_7, %broadcast_in_dim3A_10 in 1 : vector<1000x64xf32>, vector<1000x64xf32> -> vector<1000x128xf32>
    %mul3A = arith.mulf %get3A_1, %concatenate3A : vector<1000x128xf32>
    %swap3A = arith.constant 0 : index
    %swap3A_11 = arith.constant 0 : index
    %swap3A_12 = vector.load %arg3[%swap3A, %swap3A_11] : memref<1000x128xf32, #tpu.memory_space<vmem>>, vector<1000x128xf32>
    tpu.vector_store %arg3[%swap3A, %swap3A_11], %mul3A {strides = array<i32>} : memref<1000x128xf32, #tpu.memory_space<vmem>>, vector<1000x128xf32>,
    return
  }
  func.func @transform_0(%arg0: i32) -> (i32, i32) {
    %c0_i32 = arith.constant 0 : i32
    %c0_i32_0 = arith.constant 0 : i32
    return %arg0, %c0_i32 : i32, i32
  }
  func.func @transform_1(%arg0: i32) -> (i32, i32) {
    %c0_i32 = arith.constant 0 : i32
    %c0_i32_0 = arith.constant 0 : i32
    return %arg0, %c0_i32 : i32, i32
  }
  func.func @transform_2(%arg0: i32) -> (i32, i32) {
    %c0_i32 = arith.constant 0 : i32
    %c0_i32_0 = arith.constant 0 : i32
    return %arg0, %c0_i32 : i32, i32
  }
}

module attributes {stable_mosaic.version = 14 : i64} {
  func.func @body(%arg0: i32, %arg1: memref<1280x128xf32, #tpu.memory_space<vmem>>, %arg2: memref<1280x128xf32, #tpu.memory_space<vmem>>, %arg3: memref<1280x128xf32, #tpu.memory_space<vmem>>, %arg4: memref<1280x2xf32, #tpu.memory_space<vmem>>, %arg5: memref<128x128xf32, #tpu.memory_space<vmem>>, %arg6: memref<128x128xf32, #tpu.memory_space<vmem>>, %arg7: memref<1x128xf32, #tpu.memory_space<vmem>>, %arg8: memref<1280x128xf32, #tpu.memory_space<vmem>>, %arg9: memref<1280x128xf32, #tpu.memory_space<vmem>>) attributes {dimension_semantics = [#tpu.dimension_semantics<arbitrary>], iteration_bounds = array<i64: 4>, scalar_prefetch = 0 : i64, scratch_operands = 0 : i64, tpu.core_type = #tpu.core_type<tc>, window_params = [{transform_indices = @transform_0, window_bounds = array<i64: 1280, 128>}, {transform_indices = @transform_1, window_bounds = array<i64: 1280, 128>}, {transform_indices = @transform_2, window_bounds = array<i64: 1280, 128>}, {transform_indices = @transform_3, window_bounds = array<i64: 1280, 2>}, {pipeline_mode = #tpu.pipeline_mode<synchronous>, transform_indices = @transform_4, window_bounds = array<i64: 128, 128>}, {pipeline_mode = #tpu.pipeline_mode<synchronous>, transform_indices = @transform_5, window_bounds = array<i64: 128, 128>}, {pipeline_mode = #tpu.pipeline_mode<synchronous>, transform_indices = @transform_6, window_bounds = array<i64: 1, 128>}, {transform_indices = @transform_7, window_bounds = array<i64: 1280, 128>}, {transform_indices = @transform_8, window_bounds = array<i64: 1280, 128>}]} {
    %get3A = arith.constant 0 : index
    %get3A_0 = arith.constant 0 : index
    %get3A_1 = vector.load %arg4[%get3A, %get3A_0] : memref<1280x2xf32, #tpu.memory_space<vmem>>, vector<1280x2xf32>
    %add3A = arith.constant 1.000000e+00 : f32
    %add3A_2 = vector.broadcast %add3A : f32 to vector<1280x2xf32>
    %add3A_3 = arith.addf %get3A_1, %add3A_2 : vector<1280x2xf32>
    %rsqrt3A = math.rsqrt %add3A_3 : vector<1280x2xf32>
    %slice3A = vector.extract_strided_slice %rsqrt3A {offsets = [0, 0], sizes = [1280, 1], strides = [1, 1]} : vector<1280x2xf32> to vector<1280x1xf32>
    %broadcast_in_dim3A = vector.shape_cast %slice3A : vector<1280x1xf32> to vector<1280x1xf32>
    %broadcast_in_dim3A_4 = vector.broadcast %broadcast_in_dim3A : vector<1280x1xf32> to vector<1280x64xf32>
    %slice3A_5 = vector.extract_strided_slice %rsqrt3A {offsets = [0, 1], sizes = [1280, 1], strides = [1, 1]} : vector<1280x2xf32> to vector<1280x1xf32>
    %broadcast_in_dim3A_6 = vector.shape_cast %slice3A_5 : vector<1280x1xf32> to vector<1280x1xf32>
    %broadcast_in_dim3A_7 = vector.broadcast %broadcast_in_dim3A_6 : vector<1280x1xf32> to vector<1280x64xf32>
    %concatenate3A = tpu.concatenate %broadcast_in_dim3A_4, %broadcast_in_dim3A_7 in 1 : vector<1280x64xf32>, vector<1280x64xf32> -> vector<1280x128xf32>
    %get3A_8 = arith.constant 0 : index
    %get3A_9 = arith.constant 0 : index
    %get3A_10 = vector.load %arg1[%get3A_8, %get3A_9] : memref<1280x128xf32, #tpu.memory_space<vmem>>, vector<1280x128xf32>
    %get3A_11 = arith.constant 0 : index
    %get3A_12 = arith.constant 0 : index
    %get3A_13 = vector.load %arg2[%get3A_11, %get3A_12] : memref<1280x128xf32, #tpu.memory_space<vmem>>, vector<1280x128xf32>
    %add3A_14 = arith.addf %get3A_10, %get3A_13 : vector<1280x128xf32>
    %get3A_15 = arith.constant 0 : index
    %get3A_16 = arith.constant 0 : index
    %get3A_17 = vector.load %arg3[%get3A_15, %get3A_16] : memref<1280x128xf32, #tpu.memory_space<vmem>>, vector<1280x128xf32>
    %add3A_18 = arith.addf %add3A_14, %get3A_17 : vector<1280x128xf32>
    %mul3A = arith.mulf %add3A_18, %concatenate3A : vector<1280x128xf32>
    %get3A_19 = arith.constant 0 : index
    %get3A_20 = arith.constant 0 : index
    %get3A_21 = vector.load %arg7[%get3A_19, %get3A_20] : memref<1x128xf32, #tpu.memory_space<vmem>>, vector<1x128xf32>
    %add3A_22 = vector.broadcast %get3A_21 : vector<1x128xf32> to vector<1280x128xf32>
    %add3A_23 = arith.addf %mul3A, %add3A_22 : vector<1280x128xf32>
    %max3A = arith.constant 0.000000e+00 : f32
    %max3A_24 = vector.broadcast %max3A : f32 to vector<1280x128xf32>
    %max3A_25 = arith.maximumf %add3A_23, %max3A_24 : vector<1280x128xf32>
    %get3A_26 = arith.constant 0 : index
    %get3A_27 = arith.constant 0 : index
    %get3A_28 = vector.load %arg5[%get3A_26, %get3A_27] : memref<128x128xf32, #tpu.memory_space<vmem>>, vector<128x128xf32>
    %dot_general3A = arith.constant dense<0.000000e+00> : vector<1280x128xf32>
    %dot_general3A_29 = tpu.matmul %max3A_25, %get3A_28, %dot_general3A {dimension_numbers = #tpu.dot_dimension_numbers<[1], [0], [0], [1], [0, 0, 1, 1], [], []>, transpose_lhs_hint = false} : vector<1280x128xf32>, vector<128x128xf32>, vector<1280x128xf32> -> vector<1280x128xf32>
    %get3A_30 = arith.constant 0 : index
    %get3A_31 = arith.constant 0 : index
    %get3A_32 = vector.load %arg6[%get3A_30, %get3A_31] : memref<128x128xf32, #tpu.memory_space<vmem>>, vector<128x128xf32>
    %dot_general3A_33 = arith.constant dense<0.000000e+00> : vector<1280x128xf32>
    %dot_general3A_34 = tpu.matmul %max3A_25, %get3A_32, %dot_general3A_33 {dimension_numbers = #tpu.dot_dimension_numbers<[1], [0], [0], [1], [0, 0, 1, 1], [], []>, transpose_lhs_hint = false} : vector<1280x128xf32>, vector<128x128xf32>, vector<1280x128xf32> -> vector<1280x128xf32>
    %slice3A_35 = vector.extract_strided_slice %dot_general3A_29 {offsets = [0, 0], sizes = [1280, 64], strides = [1, 1]} : vector<1280x128xf32> to vector<1280x64xf32>
    %slice3A_36 = vector.extract_strided_slice %dot_general3A_34 {offsets = [0, 0], sizes = [1280, 64], strides = [1, 1]} : vector<1280x128xf32> to vector<1280x64xf32>
    %concatenate3A_37 = tpu.concatenate %slice3A_35, %slice3A_36 in 1 : vector<1280x64xf32>, vector<1280x64xf32> -> vector<1280x128xf32>
    %mul3A_38 = arith.mulf %concatenate3A_37, %concatenate3A : vector<1280x128xf32>
    %swap3A = arith.constant 0 : index
    %swap3A_39 = arith.constant 0 : index
    %swap3A_40 = vector.load %arg8[%swap3A, %swap3A_39] : memref<1280x128xf32, #tpu.memory_space<vmem>>, vector<1280x128xf32>
    tpu.vector_store %arg8[%swap3A, %swap3A_39], %mul3A_38 {strides = array<i32>} : memref<1280x128xf32, #tpu.memory_space<vmem>>, vector<1280x128xf32>,
    %slice3A_41 = vector.extract_strided_slice %dot_general3A_29 {offsets = [0, 64], sizes = [1280, 64], strides = [1, 1]} : vector<1280x128xf32> to vector<1280x64xf32>
    %slice3A_42 = vector.extract_strided_slice %dot_general3A_34 {offsets = [0, 64], sizes = [1280, 64], strides = [1, 1]} : vector<1280x128xf32> to vector<1280x64xf32>
    %concatenate3A_43 = tpu.concatenate %slice3A_41, %slice3A_42 in 1 : vector<1280x64xf32>, vector<1280x64xf32> -> vector<1280x128xf32>
    %mul3A_44 = arith.mulf %concatenate3A_43, %concatenate3A : vector<1280x128xf32>
    %swap3A_45 = arith.constant 0 : index
    %swap3A_46 = arith.constant 0 : index
    %swap3A_47 = vector.load %arg9[%swap3A_45, %swap3A_46] : memref<1280x128xf32, #tpu.memory_space<vmem>>, vector<1280x128xf32>
    tpu.vector_store %arg9[%swap3A_45, %swap3A_46], %mul3A_44 {strides = array<i32>} : memref<1280x128xf32, #tpu.memory_space<vmem>>, vector<1280x128xf32>,
    return
  }
  func.func @transform_0(%arg0: i32) -> (i32, i32) {
    %c0_i32 = arith.constant 0 : i32
    %c0_i32_0 = arith.constant 0 : i32
    return %arg0, %c0_i32 : i32, i32
  }
  func.func @transform_1(%arg0: i32) -> (i32, i32) {
    %add3A = arith.constant 4 : i32
    %add3A_0 = arith.addi %arg0, %add3A : i32
    %c0_i32 = arith.constant 0 : i32
    %c0_i32_1 = arith.constant 0 : i32
    return %add3A_0, %c0_i32 : i32, i32
  }
  func.func @transform_2(%arg0: i32) -> (i32, i32) {
    %c0_i32 = arith.constant 0 : i32
    %c0_i32_0 = arith.constant 0 : i32
    return %arg0, %c0_i32 : i32, i32
  }
  func.func @transform_3(%arg0: i32) -> (i32, i32) {
    %c0_i32 = arith.constant 0 : i32
    %c0_i32_0 = arith.constant 0 : i32
    return %arg0, %c0_i32 : i32, i32
  }
  func.func @transform_4(%arg0: i32) -> (i32, i32) {
    %c0_i32 = arith.constant 0 : i32
    %c0_i32_0 = arith.constant 0 : i32
    %c0_i32_1 = arith.constant 0 : i32
    return %c0_i32, %c0_i32_0 : i32, i32
  }
  func.func @transform_5(%arg0: i32) -> (i32, i32) {
    %c0_i32 = arith.constant 0 : i32
    %c0_i32_0 = arith.constant 0 : i32
    %c0_i32_1 = arith.constant 0 : i32
    return %c0_i32, %c0_i32_0 : i32, i32
  }
  func.func @transform_6(%arg0: i32) -> (i32, i32) {
    %c0_i32 = arith.constant 0 : i32
    %c0_i32_0 = arith.constant 0 : i32
    %c0_i32_1 = arith.constant 0 : i32
    return %c0_i32, %c0_i32_0 : i32, i32
  }
  func.func @transform_7(%arg0: i32) -> (i32, i32) {
    %c0_i32 = arith.constant 0 : i32
    %c0_i32_0 = arith.constant 0 : i32
    return %arg0, %c0_i32 : i32, i32
  }
  func.func @transform_8(%arg0: i32) -> (i32, i32) {
    %c0_i32 = arith.constant 0 : i32
    %c0_i32_0 = arith.constant 0 : i32
    return %arg0, %c0_i32 : i32, i32
  }
}

module attributes {stable_mosaic.version = 14 : i64} {
  func.func @body(%arg0: i32, %arg1: memref<1280x128xf32, #tpu.memory_space<vmem>>, %arg2: memref<1280x128xf32, #tpu.memory_space<vmem>>, %arg3: memref<1280x128xf32, #tpu.memory_space<vmem>>, %arg4: memref<1280x2xf32, #tpu.memory_space<vmem>>, %arg5: memref<1x128xf32, #tpu.memory_space<vmem>>, %arg6: memref<1280x128xf32, #tpu.memory_space<vmem>>) attributes {dimension_semantics = [#tpu.dimension_semantics<arbitrary>], iteration_bounds = array<i64: 4>, scalar_prefetch = 0 : i64, scratch_operands = 0 : i64, tpu.core_type = #tpu.core_type<tc>, window_params = [{transform_indices = @transform_0, window_bounds = array<i64: 1280, 128>}, {transform_indices = @transform_1, window_bounds = array<i64: 1280, 128>}, {transform_indices = @transform_2, window_bounds = array<i64: 1280, 128>}, {transform_indices = @transform_3, window_bounds = array<i64: 1280, 2>}, {pipeline_mode = #tpu.pipeline_mode<synchronous>, transform_indices = @transform_4, window_bounds = array<i64: 1, 128>}, {transform_indices = @transform_5, window_bounds = array<i64: 1280, 128>}]} {
    %get3A = arith.constant 0 : index
    %get3A_0 = arith.constant 0 : index
    %get3A_1 = vector.load %arg4[%get3A, %get3A_0] : memref<1280x2xf32, #tpu.memory_space<vmem>>, vector<1280x2xf32>
    %add3A = arith.constant 1.000000e+00 : f32
    %add3A_2 = vector.broadcast %add3A : f32 to vector<1280x2xf32>
    %add3A_3 = arith.addf %get3A_1, %add3A_2 : vector<1280x2xf32>
    %rsqrt3A = math.rsqrt %add3A_3 : vector<1280x2xf32>
    %slice3A = vector.extract_strided_slice %rsqrt3A {offsets = [0, 0], sizes = [1280, 1], strides = [1, 1]} : vector<1280x2xf32> to vector<1280x1xf32>
    %broadcast_in_dim3A = vector.shape_cast %slice3A : vector<1280x1xf32> to vector<1280x1xf32>
    %broadcast_in_dim3A_4 = vector.broadcast %broadcast_in_dim3A : vector<1280x1xf32> to vector<1280x64xf32>
    %slice3A_5 = vector.extract_strided_slice %rsqrt3A {offsets = [0, 1], sizes = [1280, 1], strides = [1, 1]} : vector<1280x2xf32> to vector<1280x1xf32>
    %broadcast_in_dim3A_6 = vector.shape_cast %slice3A_5 : vector<1280x1xf32> to vector<1280x1xf32>
    %broadcast_in_dim3A_7 = vector.broadcast %broadcast_in_dim3A_6 : vector<1280x1xf32> to vector<1280x64xf32>
    %concatenate3A = tpu.concatenate %broadcast_in_dim3A_4, %broadcast_in_dim3A_7 in 1 : vector<1280x64xf32>, vector<1280x64xf32> -> vector<1280x128xf32>
    %get3A_8 = arith.constant 0 : index
    %get3A_9 = arith.constant 0 : index
    %get3A_10 = vector.load %arg1[%get3A_8, %get3A_9] : memref<1280x128xf32, #tpu.memory_space<vmem>>, vector<1280x128xf32>
    %get3A_11 = arith.constant 0 : index
    %get3A_12 = arith.constant 0 : index
    %get3A_13 = vector.load %arg2[%get3A_11, %get3A_12] : memref<1280x128xf32, #tpu.memory_space<vmem>>, vector<1280x128xf32>
    %add3A_14 = arith.addf %get3A_10, %get3A_13 : vector<1280x128xf32>
    %get3A_15 = arith.constant 0 : index
    %get3A_16 = arith.constant 0 : index
    %get3A_17 = vector.load %arg3[%get3A_15, %get3A_16] : memref<1280x128xf32, #tpu.memory_space<vmem>>, vector<1280x128xf32>
    %add3A_18 = arith.addf %add3A_14, %get3A_17 : vector<1280x128xf32>
    %mul3A = arith.mulf %add3A_18, %concatenate3A : vector<1280x128xf32>
    %get3A_19 = arith.constant 0 : index
    %get3A_20 = arith.constant 0 : index
    %get3A_21 = vector.load %arg5[%get3A_19, %get3A_20] : memref<1x128xf32, #tpu.memory_space<vmem>>, vector<1x128xf32>
    %add3A_22 = vector.broadcast %get3A_21 : vector<1x128xf32> to vector<1280x128xf32>
    %add3A_23 = arith.addf %mul3A, %add3A_22 : vector<1280x128xf32>
    %max3A = arith.constant 0.000000e+00 : f32
    %max3A_24 = vector.broadcast %max3A : f32 to vector<1280x128xf32>
    %max3A_25 = arith.maximumf %add3A_23, %max3A_24 : vector<1280x128xf32>
    %swap3A = arith.constant 0 : index
    %swap3A_26 = arith.constant 0 : index
    %swap3A_27 = vector.load %arg6[%swap3A, %swap3A_26] : memref<1280x128xf32, #tpu.memory_space<vmem>>, vector<1280x128xf32>
    tpu.vector_store %arg6[%swap3A, %swap3A_26], %max3A_25 {strides = array<i32>} : memref<1280x128xf32, #tpu.memory_space<vmem>>, vector<1280x128xf32>,
    return
  }
  func.func @transform_0(%arg0: i32) -> (i32, i32) {
    %c0_i32 = arith.constant 0 : i32
    %c0_i32_0 = arith.constant 0 : i32
    return %arg0, %c0_i32 : i32, i32
  }
  func.func @transform_1(%arg0: i32) -> (i32, i32) {
    %add3A = arith.constant 4 : i32
    %add3A_0 = arith.addi %arg0, %add3A : i32
    %c0_i32 = arith.constant 0 : i32
    %c0_i32_1 = arith.constant 0 : i32
    return %add3A_0, %c0_i32 : i32, i32
  }
  func.func @transform_2(%arg0: i32) -> (i32, i32) {
    %c0_i32 = arith.constant 0 : i32
    %c0_i32_0 = arith.constant 0 : i32
    return %arg0, %c0_i32 : i32, i32
  }
  func.func @transform_3(%arg0: i32) -> (i32, i32) {
    %c0_i32 = arith.constant 0 : i32
    %c0_i32_0 = arith.constant 0 : i32
    return %arg0, %c0_i32 : i32, i32
  }
  func.func @transform_4(%arg0: i32) -> (i32, i32) {
    %c0_i32 = arith.constant 0 : i32
    %c0_i32_0 = arith.constant 0 : i32
    %c0_i32_1 = arith.constant 0 : i32
    return %c0_i32, %c0_i32_0 : i32, i32
  }
  func.func @transform_5(%arg0: i32) -> (i32, i32) {
    %c0_i32 = arith.constant 0 : i32
    %c0_i32_0 = arith.constant 0 : i32
    return %arg0, %c0_i32 : i32, i32
  }
}

module attributes {stable_mosaic.version = 14 : i64} {
  func.func @body(%arg0: i32, %arg1: memref<1280x128xf32, #tpu.memory_space<vmem>>, %arg2: memref<1280x128xf32, #tpu.memory_space<vmem>>, %arg3: memref<1280x128xf32, #tpu.memory_space<vmem>>, %arg4: memref<1280x128xf32, #tpu.memory_space<vmem>>, %arg5: memref<1280x2xf32, #tpu.memory_space<vmem>>, %arg6: memref<1x128xf32, #tpu.memory_space<vmem>>, %arg7: memref<1280x128xf32, #tpu.memory_space<vmem>>, %arg8: memref<1280x128xf32, #tpu.memory_space<vmem>>) attributes {dimension_semantics = [#tpu.dimension_semantics<arbitrary>], iteration_bounds = array<i64: 4>, scalar_prefetch = 0 : i64, scratch_operands = 0 : i64, tpu.core_type = #tpu.core_type<tc>, window_params = [{transform_indices = @transform_0, window_bounds = array<i64: 1280, 128>}, {transform_indices = @transform_1, window_bounds = array<i64: 1280, 128>}, {transform_indices = @transform_2, window_bounds = array<i64: 1280, 128>}, {transform_indices = @transform_3, window_bounds = array<i64: 1280, 128>}, {transform_indices = @transform_4, window_bounds = array<i64: 1280, 2>}, {pipeline_mode = #tpu.pipeline_mode<synchronous>, transform_indices = @transform_5, window_bounds = array<i64: 1, 128>}, {transform_indices = @transform_6, window_bounds = array<i64: 1280, 128>}, {transform_indices = @transform_7, window_bounds = array<i64: 1280, 128>}]} {
    %get3A = arith.constant 0 : index
    %get3A_0 = arith.constant 0 : index
    %get3A_1 = vector.load %arg5[%get3A, %get3A_0] : memref<1280x2xf32, #tpu.memory_space<vmem>>, vector<1280x2xf32>
    %add3A = arith.constant 1.000000e+00 : f32
    %add3A_2 = vector.broadcast %add3A : f32 to vector<1280x2xf32>
    %add3A_3 = arith.addf %get3A_1, %add3A_2 : vector<1280x2xf32>
    %rsqrt3A = math.rsqrt %add3A_3 : vector<1280x2xf32>
    %slice3A = vector.extract_strided_slice %rsqrt3A {offsets = [0, 0], sizes = [1280, 1], strides = [1, 1]} : vector<1280x2xf32> to vector<1280x1xf32>
    %broadcast_in_dim3A = vector.shape_cast %slice3A : vector<1280x1xf32> to vector<1280x1xf32>
    %broadcast_in_dim3A_4 = vector.broadcast %broadcast_in_dim3A : vector<1280x1xf32> to vector<1280x64xf32>
    %slice3A_5 = vector.extract_strided_slice %rsqrt3A {offsets = [0, 1], sizes = [1280, 1], strides = [1, 1]} : vector<1280x2xf32> to vector<1280x1xf32>
    %broadcast_in_dim3A_6 = vector.shape_cast %slice3A_5 : vector<1280x1xf32> to vector<1280x1xf32>
    %broadcast_in_dim3A_7 = vector.broadcast %broadcast_in_dim3A_6 : vector<1280x1xf32> to vector<1280x64xf32>
    %concatenate3A = tpu.concatenate %broadcast_in_dim3A_4, %broadcast_in_dim3A_7 in 1 : vector<1280x64xf32>, vector<1280x64xf32> -> vector<1280x128xf32>
    %get3A_8 = arith.constant 0 : index
    %get3A_9 = arith.constant 0 : index
    %get3A_10 = vector.load %arg2[%get3A_8, %get3A_9] : memref<1280x128xf32, #tpu.memory_space<vmem>>, vector<1280x128xf32>
    %get3A_11 = arith.constant 0 : index
    %get3A_12 = arith.constant 0 : index
    %get3A_13 = vector.load %arg3[%get3A_11, %get3A_12] : memref<1280x128xf32, #tpu.memory_space<vmem>>, vector<1280x128xf32>
    %add3A_14 = arith.addf %get3A_10, %get3A_13 : vector<1280x128xf32>
    %get3A_15 = arith.constant 0 : index
    %get3A_16 = arith.constant 0 : index
    %get3A_17 = vector.load %arg4[%get3A_15, %get3A_16] : memref<1280x128xf32, #tpu.memory_space<vmem>>, vector<1280x128xf32>
    %add3A_18 = arith.addf %add3A_14, %get3A_17 : vector<1280x128xf32>
    %mul3A = arith.mulf %add3A_18, %concatenate3A : vector<1280x128xf32>
    %get3A_19 = arith.constant 0 : index
    %get3A_20 = arith.constant 0 : index
    %get3A_21 = vector.load %arg6[%get3A_19, %get3A_20] : memref<1x128xf32, #tpu.memory_space<vmem>>, vector<1x128xf32>
    %add3A_22 = vector.broadcast %get3A_21 : vector<1x128xf32> to vector<1280x128xf32>
    %add3A_23 = arith.addf %mul3A, %add3A_22 : vector<1280x128xf32>
    %max3A = arith.constant 0.000000e+00 : f32
    %max3A_24 = vector.broadcast %max3A : f32 to vector<1280x128xf32>
    %max3A_25 = arith.maximumf %add3A_23, %max3A_24 : vector<1280x128xf32>
    %get3A_26 = arith.constant 0 : index
    %get3A_27 = arith.constant 0 : index
    %get3A_28 = vector.load %arg1[%get3A_26, %get3A_27] : memref<1280x128xf32, #tpu.memory_space<vmem>>, vector<1280x128xf32>
    %slice3A_29 = vector.extract_strided_slice %get3A_28 {offsets = [0, 0], sizes = [1280, 64], strides = [1, 1]} : vector<1280x128xf32> to vector<1280x64xf32>
    %slice3A_30 = vector.extract_strided_slice %max3A_25 {offsets = [0, 0], sizes = [1280, 64], strides = [1, 1]} : vector<1280x128xf32> to vector<1280x64xf32>
    %concatenate3A_31 = tpu.concatenate %slice3A_29, %slice3A_30 in 1 : vector<1280x64xf32>, vector<1280x64xf32> -> vector<1280x128xf32>
    %swap3A = arith.constant 0 : index
    %swap3A_32 = arith.constant 0 : index
    %swap3A_33 = vector.load %arg7[%swap3A, %swap3A_32] : memref<1280x128xf32, #tpu.memory_space<vmem>>, vector<1280x128xf32>
    tpu.vector_store %arg7[%swap3A, %swap3A_32], %concatenate3A_31 {strides = array<i32>} : memref<1280x128xf32, #tpu.memory_space<vmem>>, vector<1280x128xf32>,
    %slice3A_34 = vector.extract_strided_slice %get3A_28 {offsets = [0, 64], sizes = [1280, 64], strides = [1, 1]} : vector<1280x128xf32> to vector<1280x64xf32>
    %slice3A_35 = vector.extract_strided_slice %max3A_25 {offsets = [0, 64], sizes = [1280, 64], strides = [1, 1]} : vector<1280x128xf32> to vector<1280x64xf32>
    %concatenate3A_36 = tpu.concatenate %slice3A_34, %slice3A_35 in 1 : vector<1280x64xf32>, vector<1280x64xf32> -> vector<1280x128xf32>
    %swap3A_37 = arith.constant 0 : index
    %swap3A_38 = arith.constant 0 : index
    %swap3A_39 = vector.load %arg8[%swap3A_37, %swap3A_38] : memref<1280x128xf32, #tpu.memory_space<vmem>>, vector<1280x128xf32>
    tpu.vector_store %arg8[%swap3A_37, %swap3A_38], %concatenate3A_36 {strides = array<i32>} : memref<1280x128xf32, #tpu.memory_space<vmem>>, vector<1280x128xf32>,
    return
  }
  func.func @transform_0(%arg0: i32) -> (i32, i32) {
    %c0_i32 = arith.constant 0 : i32
    %c0_i32_0 = arith.constant 0 : i32
    return %arg0, %c0_i32 : i32, i32
  }
  func.func @transform_1(%arg0: i32) -> (i32, i32) {
    %c0_i32 = arith.constant 0 : i32
    %c0_i32_0 = arith.constant 0 : i32
    return %arg0, %c0_i32 : i32, i32
  }
  func.func @transform_2(%arg0: i32) -> (i32, i32) {
    %add3A = arith.constant 4 : i32
    %add3A_0 = arith.addi %arg0, %add3A : i32
    %c0_i32 = arith.constant 0 : i32
    %c0_i32_1 = arith.constant 0 : i32
    return %add3A_0, %c0_i32 : i32, i32
  }
  func.func @transform_3(%arg0: i32) -> (i32, i32) {
    %c0_i32 = arith.constant 0 : i32
    %c0_i32_0 = arith.constant 0 : i32
    return %arg0, %c0_i32 : i32, i32
  }
  func.func @transform_4(%arg0: i32) -> (i32, i32) {
    %c0_i32 = arith.constant 0 : i32
    %c0_i32_0 = arith.constant 0 : i32
    return %arg0, %c0_i32 : i32, i32
  }
  func.func @transform_5(%arg0: i32) -> (i32, i32) {
    %c0_i32 = arith.constant 0 : i32
    %c0_i32_0 = arith.constant 0 : i32
    %c0_i32_1 = arith.constant 0 : i32
    return %c0_i32, %c0_i32_0 : i32, i32
  }
  func.func @transform_6(%arg0: i32) -> (i32, i32) {
    %c0_i32 = arith.constant 0 : i32
    %c0_i32_0 = arith.constant 0 : i32
    return %arg0, %c0_i32 : i32, i32
  }
  func.func @transform_7(%arg0: i32) -> (i32, i32) {
    %c0_i32 = arith.constant 0 : i32
    %c0_i32_0 = arith.constant 0 : i32
    return %arg0, %c0_i32 : i32, i32
  }
}

</mosaic_0001>

<sc_bundles>
// kernel: kernel.12.cloned.1.call-start
scs
__scs_entry_jumppad:
0x0: {  	(pc) =	sbr.rel $0x88, $3  }
0x1: {  	(tag) =	ssettag $0x0;
	lr =	simm.s32 $0x1  }
0x2: {  	[smem:$0x3F9B] =	sst lr;
	_ =	strace $0xD0000000  }
0x3: {  	_ = 	snop  }
0x4: {  	_ = 	snop  }
0x5: {  	_ = 	snop  }
0x6: {  	_ = 	snop  }
0x7: {  	_ = 	snop  }
__scs_overlays_trampoline_lowered:
0x8: {  	[smem:$0x3FAA] =	sst s0  }
0x9: {  	[smem:$0x3FAB] =	sst s1  }
0xa: {  	[smem:$0x3FAC] =	sst s2  }
0xb: {  	[smem:$0x3FAD] =	sst s3  }
0xc: {  	[smem:$0x3FAE] =	sst s4  }
0xd: {  	[smem:$0x3FAF] =	sst s5  }
0xe: {  	[smem:$0x3FB0] =	sst s6  }
0xf: {  	[smem:$0x3FB1] =	sst s7  }
0x10: {  	[smem:$0x3FB2] =	sst s8  }
0x11: {  	[smem:$0x3FB3] =	sst s9;
	s0 =	simm.s32 @!p0 $0x0  }
0x12: {  	s1 =	sld [smem:$0x3F99];
	s0 =	simm.s32 @p0 $0x1  }
0x13: {  	[smem:$0x3FB4] =	sst s0;
	s0 =	simm.s32 @!p1 $0x0  }
0x14: {  	s2 =	sld [smem:$0x3F98];
	s0 =	simm.s32 @p1 $0x1  }
0x15: {  	[smem:$0x3FB5] =	sst s0;
	s0 =	simm.s32 @!p2 $0x0  }
0x16: {  	s3 =	sld [smem:$0x3FDB];
	s0 =	simm.s32 @p2 $0x1  }
0x17: {  	s4 =	simm.s32 $0x1BF5;
	[smem:$0x3FB7] =	sst s0  }
0x18: {  	s0 =	sld [smem:$0x3F9A];
	_ =	swait.ge [sflag:s4], $0x0  }
0x19: {  	s7 =	sld [smem:$0x3F9B]  }
0x1a: {  	s8 =	sadd.s32 $0xFFFFE003, lr  }
0x1b: {  	s9 =	sadd.s32 $0xFFFFFEF7, lr;
	s5 =	simm.s32 $0xFFFFFFFF;
	p2 =	slt.u32 s8, $0xFFFFF086  }
0x1c: {  	p1 =	slt.u32 s9, $0xF7A;
	s5 =	simm.s32 @!p2 $0x0  }
0x1d: {  	s5 =	simm.s32 @p1 $0x1;
	p0 =	seq.s32 s7, s2  }
0x1e: {  	s7 =	smul.u32 @!p0 $0xF7A, s2;
	p2 =	seq.s32 @!p0 s5, $0x0  }
0x1f: {  	s9 =	smul.u32 $0xF7A, s1;
	s8 =	simm.s32 @!p0 $0x1BF5;
	p2 =	por !p2, p0  }
0x20: {  	[sflag:s8] =	ssyncset.s32 @!p0 $0xFFFFF086;
	s6 =	sadd.s32 @!p0 s3, s7;
	s7 =	simm.s32 @!p0 $0x108  }
0x21: {  	s3 =	sadd.s32 s3, s9;
	s6 =	sadd.s32 @!p0 $0x88, s6;
	s7 =	simm.s32 @p2 $0x1082  }
0x22: {  	[simem:s7], [sflag:s8] =	dma.local @!p0 [hbm:s6], $0xF7A  }
0x23: {  	s9 =	sor.u32 $0xD0000000, s2;
	s6 =	simm.s32 $0x108;
	_ =	swait.ge @!p0 [sflag:s8], $0x0  }
0x24: {  	s3 =	sadd.s32 $0x88, s3;
	s6 =	simm.s32 @!p1 $0x1082;
	[sflag:s4] =	ssyncset.s32 $0xFFFFF086  }
0x25: {  	[simem:s6], [sflag:s4] =	dma.local [hbm:s3], $0xF7A  }
0x26: {  	[smem:$0x3F9B] =	sst s1;
	(tag) =	ssettag s2;
	_ =	strace s9  }
0x27: {  	s1 =	sld [smem:$0x3FAB]  }
0x28: {  	s2 =	sld [smem:$0x3FAC]  }
0x29: {  	s4 =	sld [smem:$0x3FAE]  }
0x2a: {  	p0 =	seq.s32 s5, $0x0;
	s5 =	sld [smem:$0x3FAF]  }
0x2b: {  	s6 =	sld [smem:$0x3FB0]  }
0x2c: {  	s7 =	sld [smem:$0x3FB1]  }
0x2d: {  	s3 =	simm.s32 $0x108;
	s8 =	sld [smem:$0x3FB2]  }
0x2e: {  	s3 =	simm.s32 @!p0 $0x1082;
	s9 =	sld [smem:$0x3FB3]  }
0x2f: {  	lr =	sadd.s32 s0, s3;
	s0 =	sld [smem:$0x3FAA]  }
0x30: {  	s3 =	sld [smem:$0x3FAD]  }
0x31: {  	[smem:$0x3FB6] =	sst s10  }
0x32: {  	s10 =	sld [smem:$0x3FB4];
	_ =	sdelay $0x3  }
0x33: {  	p0 =	seq.s32 s10, $0x1;
	s10 =	sld [smem:$0x3FB6];
	_ =	sdelay $0x3  }
0x34: {  	[smem:$0x3FB6] =	sst s10  }
0x35: {  	s10 =	sld [smem:$0x3FB5];
	_ =	sdelay $0x3  }
0x36: {  	p1 =	seq.s32 s10, $0x1;
	s10 =	sld [smem:$0x3FB6];
	_ =	sdelay $0x3  }
0x37: {  	[smem:$0x3FB6] =	sst s10  }
0x38: {  	s10 =	sld [smem:$0x3FB7]  }
0x39: {  	_ = 	snop;
	(pc) =	sbr.ind lr, $3  }
0x3a: {  	_ = 	snop  }
0x3b: {  	_ = 	snop  }
0x3c: {  	p2 =	seq.s32 s10, $0x1;
	s10 =	sld [smem:$0x3FB6]  }
0x3d: {  	_ =	shalt  }
0x3e: {  	_ =	shalt  }
0x3f: {  	_ =	shalt  }
0x40: {  	_ =	shalt  }
0x41: {  	_ =	shalt  }
0x42: {  	_ =	shalt  }
0x43: {  	_ =	shalt  }
0x44: {  	_ =	shalt  }
0x45: {  	_ =	shalt  }
0x46: {  	_ =	shalt  }
0x47: {  	_ =	shalt  }
0x48: {  	_ =	shalt  }
0x49: {  	_ =	shalt  }
0x4a: {  	_ =	shalt  }
0x4b: {  	_ =	shalt  }
0x4c: {  	_ =	shalt  }
0x4d: {  	_ =	shalt  }
0x4e: {  	_ =	shalt  }
0x4f: {  	_ =	shalt  }
0x50: {  	_ =	shalt  }
0x51: {  	_ =	shalt  }
0x52: {  	_ =	shalt  }
0x53: {  	_ =	shalt  }
0x54: {  	_ =	shalt  }
0x55: {  	_ =	shalt  }
0x56: {  	_ =	shalt  }
0x57: {  	_ =	shalt  }
0x58: {  	_ =	shalt  }
0x59: {  	_ =	shalt  }
0x5a: {  	_ =	shalt  }
0x5b: {  	_ =	shalt  }
0x5c: {  	_ =	shalt  }
0x5d: {  	_ =	shalt  }
0x5e: {  	_ =	shalt  }
0x5f: {  	_ =	shalt  }
0x60: {  	_ =	shalt  }
0x61: {  	_ =	shalt  }
0x62: {  	_ =	shalt  }
0x63: {  	_ =	shalt  }
0x64: {  	_ =	shalt  }
0x65: {  	_ =	shalt  }
0x66: {  	_ =	shalt  }
0x67: {  	_ =	shalt  }
0x68: {  	_ =	shalt  }
0x69: {  	_ =	shalt  }
0x6a: {  	_ =	shalt  }
0x6b: {  	_ =	shalt  }
0x6c: {  	_ =	shalt  }
0x6d: {  	_ =	shalt  }
0x6e: {  	_ =	shalt  }
0x6f: {  	_ =	shalt  }
0x70: {  	_ =	shalt  }
0x71: {  	_ =	shalt  }
0x72: {  	_ =	shalt  }
0x73: {  	_ =	shalt  }
0x74: {  	_ =	shalt  }
0x75: {  	_ =	shalt  }
0x76: {  	_ =	shalt  }
0x77: {  	_ =	shalt  }
0x78: {  	_ =	shalt  }
0x79: {  	_ =	shalt  }
0x7a: {  	_ =	shalt  }
0x7b: {  	_ =	shalt  }
0x7c: {  	_ =	shalt  }
0x7d: {  	_ =	shalt  }
0x7e: {  	_ =	shalt  }
0x7f: {  	_ =	shalt  }
0x80: {  	_ =	shalt  }
0x81: {  	_ =	shalt  }
0x82: {  	_ =	shalt  }
0x83: {  	_ =	shalt  }
0x84: {  	_ =	shalt  }
0x85: {  	_ =	shalt  }
0x86: {  	_ =	shalt  }
0x87: {  	_ =	shalt  }
.Lfunc_end0:
.L_simem_size_0:
called_computation_lowered:
.L_overlay_start_0:
0x88: {  	s2 =	sld [smem:$0x3FD9]  }
0x89: {  	s3 =	sld [smem:$0x3FFE];
	_ =	sdelay $0x1  }
0x8a: {  	s1 =	srdreg.scid  }
0x8b: {  	s0 =	sand.u32 $0x1, s1  }
0x8c: {  	s17 =	sshll.u32 s0, $0xA;
	s2 =	sadd.s32 s3, s2  }
0x8d: {  	s2 =	sadd.s32 s2, s17  }
0x8e: {  	[smem:$0x3FC2] =	sst s2  }
0x8f: {  	_ = 	snop  }
0x90: {  	s2 =	sld [smem:$0x3FD0];
	(tm) =	ssettm $0x1  }
0x91: {  	s18 =	sld [smem:$0x3FFB];
	_ =	sdelay $0x3  }
0x92: {  	_ =	strace s18  }
0x93: {  	s3 =	sld [smem:$0x3FFC];
	_ =	sdelay $0x3  }
0x94: {  	_ =	strace s3  }
0x95: {  	s3 =	sld [smem:$0x3FFD];
	_ =	sdelay $0x3  }
0x96: {  	_ =	strace s3  }
0x97: {  	_ =	strace $0x8FFFFFFF  }
0x98: {  	s19 =	sld [smem:$0x3FDB];
	_ =	sdelay $0x1  }
0x99: {  	s4 =	simm.s32 $_scs_section_size  }
0x9a: {  	s5 =	simm.s32 $_size__tile_overlayer_lowered;
	s6 =	simm.s32 $_tile_overlayer_lowered  }
0x9b: {  	s22 =	simm.s32 $0x1BFF;
	s21 =	sshll.u32 s6, $0x1;
	s3 =	sadd.s32 s4, s19  }
0x9c: {  	s7 =	simm.s32 $0x0;
	s20 =	sshll.u32 s5, $0x1;
	s5 =	sadd.s32 s21, s3  }
0x9d: {  	[timem:s7], [sflag:s22] =	dma.local [hbm:s5], s20  }
0x9e: {  	_ =	swait.ge [sflag:s22], s20  }
0x9f: {  	s4 =	ssub.s32 $0x0, s20;
	[sflag:s22] =	ssyncset.done $0x0  }
0xa0: {  	[sflag:s22] =	ssyncadd.s32 s4;
	_ =	sdelay $0x1  }
0xa1: {  	s23 =	simm.s32 $0x1B8B  }
0xa2: {  	_ =	swait.ge [sflag:s23], $0x1  }
0xa3: {  	[sflag:s23] =	ssyncset.done $0x0  }
0xa4: {  	s25 =	simm.s32 $0x1B8E;
	s24 =	sld [smem:$0x3FFE];
	[sflag:s23] =	ssyncadd.s32 $0xFFFFFFFF  }
0xa5: {  	s26 =	simm.s32 $execute0_lowered;
	[smem:$0x3FD2] =	sst s25  }
0xa6: {  	s5 =	sshll.u32 s26, $0x1;
	_ =	strace $0x80000046;
	[dreg:$0x1] =	wrdreg $0xFFFFFFFF  }
0xa7: {  	s28 =	simm.s32 $_size_execute0_lowered;
	s3 =	sadd.s32 s3, s5;
	[dreg:$0x0] =	wrdreg $0x0  }
0xa8: {  	s5 =	sshll.u32 s28, $0x1;
	[dreg:$0x2] =	wrdreg s3  }
0xa9: {  	[dreg:$0x3] =	wrdreg s5  }
0xaa: {  	[dreg:$0x4] =	wrdreg $0xC0  }
0xab: {  	_ =	task [dreg:s7], $0x5FFFF  }
0xac: {  	[dreg:$0x1] =	wrdreg $0xFFFFFFFF  }
0xad: {  	[dreg:$0x0] =	wrdreg $0x60  }
0xae: {  	[dreg:$0x2] =	wrdreg s24  }
0xaf: {  	[dreg:$0x3] =	wrdreg s2  }
0xb0: {  	[dreg:$0x4] =	wrdreg $0x28800  }
0xb1: {  	[dreg:$0x5] =	wrdreg $0x9  }
0xb2: {  	_ =	task.clear_ibuf [dreg:s7], $0x6FFFF;
	_ =	strace $0x90000046  }
0xb3: {  	s29 =	simm.s32 $0x9;
	_ =	strace $0x80000048  }
0xb4: {  	_ =	swait.ge [sflag:s29], $0x1  }
0xb5: {  	[sflag:s29] =	ssyncadd.s32 $0xFFFFFFFF  }
0xb6: {  	_ =	strace $0x90000048  }
0xb7: {  	_ =	sfence  }
0xb8: {  	s30 =	sld [smem:$0x0];
	_ =	sdelay $0x2  }
0xb9: {  	s31 =	sshll.u32 s1, $0xD;
	s1 =	sshrl.u32 s1, $0x2  }
0xba: {  	s3 =	sand.u32 $0x4000, s31;
	s1 =	sadd.s32 s1, s30  }
0xbb: {  	s0 =	sor.u32 s3, s0;
	s1 =	sshll.u32 s1, $0x11  }
0xbc: {  	s0 =	sor.u32 s1, s0  }
0xbd: {  	s0 =	sadd.s32 $0x8F2B, s0  }
0xbe: {  	[sflag:s0] =	ssyncadd.remote.s32 $0x1  }
0xbf: {  	_ =	sfence.sel $0xFFFF  }
0xc0: {  	[dreg:$0x0] =	wrdreg $0xFFFFFFFF;
	(pc) =	sbr.abs _section_cstart, $3  }
0xc1: {  	[dreg:$0x1] =	wrdreg $0xFFFFFFFF  }
0xc2: {  	_ =	task.clear_ibuf [dreg:s7], $0x2FFFF;
	_ =	strace $0x9FFFFFFF  }
0xc3: {  	(tm) =	ssettm $0x7FFFFFFF  }
tec
execute0_lowered:
.L_overlay_start_1:
0x0: {  	(tag) =	ssettag $0x1  }
0x1: {  	s0 =	srdreg.scid;
	s1 =	rddreg [dreg:$0x0]  }
0x2: {  	s11 =	stileid.u32;
	s3 =	rddreg [dreg:$0x1]  }
0x3: {  	s5 =	simm.s32 $0x0;
	s28 =	simm.s32 $0x1;
	s6 =	smul.u32 $0x280, s11  }
0x4: {  	s29 =	simm.s32 $0x2;
	s30 =	simm.s32 $0x3;
	s21 =	smul.u32 $0xFFFFFF60, s11  }
0x5: {  	s31 =	simm.s32 $0x4;
	s0 =	sand.u32 $0x1, s0;
	s22 =	smul.u32 $0xA0, s11  }
0x6: {  	s2 =	sshll.u32 s11, $0x1;
	[smem:$0x7FF] =	sst s5;
	s13 =	smul.u32 $0x2800, s0  }
0x7: {  	s26 =	sshll.u32 s11, $0x6;
	s4 =	sor.u32 s0, s2;
	s18 =	smul.u32 $0xFFFFFFB0, s0  }
0x8: {  	s2 =	rddreg [dreg:$0x2];
	_ =	strace $0x80000047;
	s23 =	smul.u32 $0x50, s0  }
0x9: {  	s8 =	ssub.s32 $0x2, s0;
	[dreg:$0x4] =	wrdreg s26;
	s4 =	smul.u32 $0x50, s4  }
0xa: {  	s0 =	smul.u32 $0xA000, s0;
	s25 =	sshrl.u32 s6, $0x3;
	s10 =	sshrl.u32 s8, $0x1  }
0xb: {  	s5 =	sadd.s32 s6, s2;
	s8 =	ssub.s32 s8, s10;
	s24 =	smin.u32 s4, $0x974  }
0xc: {  	s7 =	sshll.u32 s24, $0x4;
	s4 =	ssub.s32 s4, s24;
	s24 =	smul.u32 $0x14000, s11  }
0xd: {  	s9 =	sadd.s32 s7, s1;
	s1 =	sadd.s32 s25, s1;
	s7 =	sor.u32 $0x1C0C, s26  }
0xe: {  	s4 =	sshll.u32 s4, $0x9;
	s1 =	sadd.s32 $0x17400, s1;
	[dreg:$0x6] =	wrdreg s7  }
0xf: {  	s7 =	sshra.s32 s4, $0x2;
	s10 =	sadd.s32 $0x3800, s9;
	s9 =	sadd.s32 s23, s22  }
0x10: {  	s0 =	sadd.s32 s0, s24;
	s22 =	sshrl.u32 s5, $0x3;
	s23 =	simm.s32 $0xC  }
0x11: {  	s24 =	simm.s32 $0xB;
	s5 =	simm.s32 $0x8;
	[dreg:$0x5] =	wrdreg s1  }
0x12: {  	[dreg:$0x7] =	wrdreg s10;
	s12 =	sor.u32 $0x80, s7;
	s4 =	sor.u32 $0x100, s7  }
0x13: {  	s17 =	sor.u32 $0x180, s7;
	s19 =	sadd.s32 $0x200, s7;
	[dreg:$0x8] =	wrdreg s12  }
0x14: {  	s20 =	sadd.s32 $0x280, s7;
	s14 =	sadd.s32 $0x300, s7;
	[dreg:$0x9] =	wrdreg s4  }
0x15: {  	s15 =	sadd.s32 $0x380, s7;
	s16 =	sadd.s32 $0x400, s7;
	[dreg:$0xa] =	wrdreg s17  }
0x16: {  	s1 =	sadd.s32 s6, s13;
	s9 =	smin.u32 s9, $0x974;
	[dreg:$0xb] =	wrdreg s19  }
0x17: {  	s6 =	simm.s32 $0x9;
	s10 =	simm.s32 $0x0;
	[dreg:$0xc] =	wrdreg s20  }
0x18: {  	s4 =	sadd.s32 s21, s18;
	s1 =	sshrl.u32 s1, $0x3;
	s25 =	sshll.u32 s9, $0x9  }
0x19: {  	s18 =	smax.u32 s8, $0x1;
	s19 =	sadd.s32 $0x480, s7;
	s4 =	sadd.s32 $0x9C4, s4  }
0x1a: {  	s8 =	simm.s32 $0xA;
	s9 =	simm.s32 $0xD;
	s4 =	smin.u32 s4, $0x50  }
0x1b: {  	s17 =	sadd.s32 s3, s1;
	s0 =	ssub.s32 s0, s25;
	s4 =	smul.u32 $0x67, s4  }
0x1c: {  	s25 =	simm.s32 $0x80;
	s1 =	simm.s32 $0x5;
	s0 =	sadd.s32 $0x2600, s0  }
0x1d: {  	s3 =	simm.s32 $0x7;
	s12 =	sshra.s32 s0, $0x2;
	s26 =	sshrl.u32 s4, $0xA  }
0x1e: {  	v0 =	vimm.f32 $1.000000000e+00;
	s0 =	simm.s32 $0x6;
	s20 =	sadd.s32 $0xFFFFFFFF, s26;
	s26 =	simm.s32 $0x2800  }
.LBB2_1:
0x1f: {  	[tilespmem:$0x2800] =	vst v0  }
0x20: {  	[tilespmem:$0x2810] =	vst v0  }
0x21: {  	[tilespmem:$0x2820] =	vst v0  }
0x22: {  	[tilespmem:$0x2830] =	vst v0  }
0x23: {  	[tilespmem:$0x2840] =	vst v0  }
0x24: {  	[tilespmem:$0x2850] =	vst v0  }
0x25: {  	[tilespmem:$0x2860] =	vst v0;
	s4 =	rddreg [dreg:$0x5]  }
0x26: {  	[tilespmem:$0x2870] =	vst v0;
	s11 =	rddreg [dreg:$0x6]  }
0x27: {  	[spmem:s22], [sflag:s11] =	dma.local [hbm:s4], $0x50  }
0x28: {  	s21 =	simm.s32 $0x0;
	s11 =	rddreg [dreg:$0x7]  }
0x29: {  	[tilespmem:s21], [sflag:$0xB] =	stream.linear.gather [hbm4b:s11+s21], $0x2800, $0x38;
	[tilespmem:$0x2B00] =	vst v63  }
0x2a: {  	_ =	swait.ge [sflag:s23], $0x50  }
0x2b: {  	[sflag:s23] =	ssyncset.done $0x0  }
0x2c: {  	[sflag:s23] =	ssyncadd.s32 $0xFFFFFFB0  }
0x2d: {  	_ =	swait.ge [sflag:s24], $0x2800  }
0x2e: {  	[sflag:s24] =	ssyncset.done $0x0  }
0x2f: {  	[sflag:s24] =	ssyncadd.s32 $0xFFFFD800  }
0x30: {  	[bflag:$0x0] =	sbarrier.arrive $0xFFFF  }
0x31: {  	[spmem:s2] =	stream.indirect.scatter.add.f32 [tilespmem:s26], [sflag:$0x1], $0x1, s7, s25, $0xb8;
	[tilespmem:$0x2B00] =	vst v63  }
0x32: {  	s13 =	rddreg [dreg:$0x8]  }
0x33: {  	[spmem:s2] =	stream.indirect.scatter.add.f32 [tilespmem:s26], [sflag:$0x2], $0x1, s13, s25, $0xb8;
	[tilespmem:$0x2B00] =	vst v63  }
0x34: {  	s21 =	rddreg [dreg:$0x9]  }
0x35: {  	[spmem:s2] =	stream.indirect.scatter.add.f32 [tilespmem:s26], [sflag:$0x3], $0x1, s21, s25, $0xb8;
	[tilespmem:$0x2B00] =	vst v63  }
0x36: {  	s11 =	rddreg [dreg:$0xa]  }
0x37: {  	[spmem:s2] =	stream.indirect.scatter.add.f32 [tilespmem:s26], [sflag:$0x4], $0x1, s11, s25, $0xb8;
	[tilespmem:$0x2B00] =	vst v63  }
0x38: {  	s13 =	rddreg [dreg:$0xb]  }
0x39: {  	[spmem:s2] =	stream.indirect.scatter.add.f32 [tilespmem:s26], [sflag:$0x5], $0x1, s13, s25, $0xb8;
	[tilespmem:$0x2B00] =	vst v63  }
0x3a: {  	s21 =	rddreg [dreg:$0xc]  }
0x3b: {  	[spmem:s2] =	stream.indirect.scatter.add.f32 [tilespmem:s26], [sflag:$0x6], $0x1, s21, s25, $0xb8;
	[tilespmem:$0x2B00] =	vst v63  }
0x3c: {  	_ = 	snop  }
0x3d: {  	[spmem:s2] =	stream.indirect.scatter.add.f32 [tilespmem:s26], [sflag:$0x7], $0x1, s14, s25, $0xb8;
	[tilespmem:$0x2B00] =	vst v63  }
0x3e: {  	_ = 	snop  }
0x3f: {  	[spmem:s2] =	stream.indirect.scatter.add.f32 [tilespmem:s26], [sflag:$0x8], $0x1, s15, s25, $0xb8;
	[tilespmem:$0x2B00] =	vst v63  }
0x40: {  	_ = 	snop  }
0x41: {  	[spmem:s2] =	stream.indirect.scatter.add.f32 [tilespmem:s26], [sflag:$0x9], $0x1, s16, s25, $0xb8;
	[tilespmem:$0x2B00] =	vst v63  }
0x42: {  	_ = 	snop  }
0x43: {  	[spmem:s2] =	stream.indirect.scatter.add.f32 [tilespmem:s26], [sflag:$0xA], $0x1, s19, s25, $0xb8;
	[tilespmem:$0x2B00] =	vst v63  }
0x44: {  	_ =	swait.ge [sflag:s28], $0x80  }
0x45: {  	[sflag:s28] =	ssyncset.done $0x0  }
0x46: {  	s11 =	sadd.s32 $0xFFFFFB80, s12;
	[sflag:s28] =	ssyncadd.s32 $0xFFFFFF80  }
0x47: {  	[spmem:s2] =	stream.indirect.scatter.add.f32 [tilespmem:s26], [sflag:$0x1], $0x1, s11, s25, $0xb8;
	[tilespmem:$0x2B00] =	vst v63  }
0x48: {  	_ =	swait.ge [sflag:s29], $0x80  }
0x49: {  	[sflag:s29] =	ssyncset.done $0x0  }
0x4a: {  	s13 =	sadd.s32 $0xFFFFFC00, s12;
	[sflag:s29] =	ssyncadd.s32 $0xFFFFFF80  }
0x4b: {  	[spmem:s2] =	stream.indirect.scatter.add.f32 [tilespmem:s26], [sflag:$0x2], $0x1, s13, s25, $0xb8;
	[tilespmem:$0x2B00] =	vst v63  }
0x4c: {  	_ =	swait.ge [sflag:s30], $0x80  }
0x4d: {  	[sflag:s30] =	ssyncset.done $0x0  }
0x4e: {  	s21 =	sadd.s32 $0xFFFFFC80, s12;
	[sflag:s30] =	ssyncadd.s32 $0xFFFFFF80  }
0x4f: {  	[spmem:s2] =	stream.indirect.scatter.add.f32 [tilespmem:s26], [sflag:$0x3], $0x1, s21, s25, $0xb8;
	[tilespmem:$0x2B00] =	vst v63  }
0x50: {  	_ =	swait.ge [sflag:s31], $0x80  }
0x51: {  	[sflag:s31] =	ssyncset.done $0x0  }
0x52: {  	s11 =	sadd.s32 $0xFFFFFD00, s12;
	[sflag:s31] =	ssyncadd.s32 $0xFFFFFF80  }
0x53: {  	[spmem:s2] =	stream.indirect.scatter.add.f32 [tilespmem:s26], [sflag:$0x4], $0x1, s11, s25, $0xb8;
	[tilespmem:$0x2B00] =	vst v63  }
0x54: {  	_ =	swait.ge [sflag:s1], $0x80  }
0x55: {  	[sflag:s1] =	ssyncset.done $0x0  }
0x56: {  	s13 =	sadd.s32 $0xFFFFFD80, s12;
	[sflag:s1] =	ssyncadd.s32 $0xFFFFFF80  }
0x57: {  	[spmem:s2] =	stream.indirect.scatter.add.f32 [tilespmem:s26], [sflag:$0x5], $0x1, s13, s25, $0xb8;
	[tilespmem:$0x2B00] =	vst v63  }
0x58: {  	_ =	swait.ge [sflag:s0], $0x80  }
0x59: {  	[sflag:s0] =	ssyncset.done $0x0  }
0x5a: {  	s21 =	sadd.s32 $0xFFFFFE00, s12;
	[sflag:s0] =	ssyncadd.s32 $0xFFFFFF80  }
0x5b: {  	[spmem:s2] =	stream.indirect.scatter.add.f32 [tilespmem:s26], [sflag:$0x6], $0x1, s21, s25, $0xb8;
	[tilespmem:$0x2B00] =	vst v63  }
0x5c: {  	_ =	swait.ge [sflag:s3], $0x80  }
0x5d: {  	[sflag:s3] =	ssyncset.done $0x0  }
0x5e: {  	s11 =	sadd.s32 $0xFFFFFE80, s12;
	[sflag:s3] =	ssyncadd.s32 $0xFFFFFF80  }
0x5f: {  	[spmem:s2] =	stream.indirect.scatter.add.f32 [tilespmem:s26], [sflag:$0x7], $0x1, s11, s25, $0xb8;
	[tilespmem:$0x2B00] =	vst v63  }
0x60: {  	_ =	swait.ge [sflag:s5], $0x80  }
0x61: {  	[sflag:s5] =	ssyncset.done $0x0  }
0x62: {  	s13 =	sadd.s32 $0xFFFFFF00, s12;
	[sflag:s5] =	ssyncadd.s32 $0xFFFFFF80  }
0x63: {  	[spmem:s2] =	stream.indirect.scatter.add.f32 [tilespmem:s26], [sflag:$0x8], $0x1, s13, s25, $0xb8;
	[tilespmem:$0x2B00] =	vst v63  }
0x64: {  	_ =	swait.ge [sflag:s6], $0x80  }
0x65: {  	p0 =	sne.s32 s20, $0x1;
	[sflag:s6] =	ssyncset.done $0x0  }
.Ltmp0:
0x66: {  	s21 =	sadd.s32 $0xFFFFFF80, s12;
	[sflag:s6] =	ssyncadd.s32 $0xFFFFFF80;
	(pc) =	sbr.rel @!p0 .LBB2_3-.Ltmp0, $4  }
0x67: {  	[spmem:s2] =	stream.indirect.scatter.add.f32 [tilespmem:s26], [sflag:$0x9], $0x1, s21, s25, $0xb8;
	[tilespmem:$0x2B00] =	vst v63  }
0x68: {  	_ =	swait.ge [sflag:s8], $0x80  }
0x69: {  	s4 =	sadd.s32 $0xFFFFFFFF, s20;
	[sflag:s8] =	ssyncset.done $0x0  }
0x6a: {  	s11 =	sadd.s32 $0x500, s12;
	s21 =	smov.u32 s12;
	[sflag:s8] =	ssyncadd.s32 $0xFFFFFF80  }
.LBB2_2:
0x6b: {  	[spmem:s2] =	stream.indirect.scatter.add.f32 [tilespmem:s26], [sflag:$0xA], $0x1, s21, s25, $0xb8;
	[tilespmem:$0x2B00] =	vst v63  }
0x6c: {  	p0 =	sne.s32 s4, $0x1;
	s4 =	sadd.s32 $0xFFFFFFFF, s4;
	_ =	swait.ge [sflag:s28], $0x80  }
0x6d: {  	s21 =	smov.u32 s11;
	[sflag:s28] =	ssyncset.done $0x0  }
0x6e: {  	s13 =	sadd.s32 $0xFFFFFB80, s11;
	[sflag:s28] =	ssyncadd.s32 $0xFFFFFF80  }
0x6f: {  	[spmem:s2] =	stream.indirect.scatter.add.f32 [tilespmem:s26], [sflag:$0x1], $0x1, s13, s25, $0xb8;
	[tilespmem:$0x2B00] =	vst v63  }
0x70: {  	_ =	swait.ge [sflag:s29], $0x80  }
0x71: {  	[sflag:s29] =	ssyncset.done $0x0  }
0x72: {  	s13 =	sadd.s32 $0xFFFFFC00, s11;
	[sflag:s29] =	ssyncadd.s32 $0xFFFFFF80  }
0x73: {  	[spmem:s2] =	stream.indirect.scatter.add.f32 [tilespmem:s26], [sflag:$0x2], $0x1, s13, s25, $0xb8;
	[tilespmem:$0x2B00] =	vst v63  }
0x74: {  	_ =	swait.ge [sflag:s30], $0x80  }
0x75: {  	[sflag:s30] =	ssyncset.done $0x0  }
0x76: {  	s13 =	sadd.s32 $0xFFFFFC80, s11;
	[sflag:s30] =	ssyncadd.s32 $0xFFFFFF80  }
0x77: {  	[spmem:s2] =	stream.indirect.scatter.add.f32 [tilespmem:s26], [sflag:$0x3], $0x1, s13, s25, $0xb8;
	[tilespmem:$0x2B00] =	vst v63  }
0x78: {  	_ =	swait.ge [sflag:s31], $0x80  }
0x79: {  	[sflag:s31] =	ssyncset.done $0x0  }
0x7a: {  	s13 =	sadd.s32 $0xFFFFFD00, s11;
	[sflag:s31] =	ssyncadd.s32 $0xFFFFFF80  }
0x7b: {  	[spmem:s2] =	stream.indirect.scatter.add.f32 [tilespmem:s26], [sflag:$0x4], $0x1, s13, s25, $0xb8;
	[tilespmem:$0x2B00] =	vst v63  }
0x7c: {  	_ =	swait.ge [sflag:s1], $0x80  }
0x7d: {  	[sflag:s1] =	ssyncset.done $0x0  }
0x7e: {  	s13 =	sadd.s32 $0xFFFFFD80, s11;
	[sflag:s1] =	ssyncadd.s32 $0xFFFFFF80  }
0x7f: {  	[spmem:s2] =	stream.indirect.scatter.add.f32 [tilespmem:s26], [sflag:$0x5], $0x1, s13, s25, $0xb8;
	[tilespmem:$0x2B00] =	vst v63  }
0x80: {  	_ =	swait.ge [sflag:s0], $0x80  }
0x81: {  	[sflag:s0] =	ssyncset.done $0x0  }
0x82: {  	s13 =	sadd.s32 $0xFFFFFE00, s11;
	[sflag:s0] =	ssyncadd.s32 $0xFFFFFF80  }
0x83: {  	[spmem:s2] =	stream.indirect.scatter.add.f32 [tilespmem:s26], [sflag:$0x6], $0x1, s13, s25, $0xb8;
	[tilespmem:$0x2B00] =	vst v63  }
0x84: {  	_ =	swait.ge [sflag:s3], $0x80  }
0x85: {  	[sflag:s3] =	ssyncset.done $0x0  }
0x86: {  	s13 =	sadd.s32 $0xFFFFFE80, s11;
	[sflag:s3] =	ssyncadd.s32 $0xFFFFFF80  }
0x87: {  	[spmem:s2] =	stream.indirect.scatter.add.f32 [tilespmem:s26], [sflag:$0x7], $0x1, s13, s25, $0xb8;
	[tilespmem:$0x2B00] =	vst v63  }
0x88: {  	_ =	swait.ge [sflag:s5], $0x80  }
0x89: {  	[sflag:s5] =	ssyncset.done $0x0  }
0x8a: {  	s13 =	sadd.s32 $0xFFFFFF00, s11;
	[sflag:s5] =	ssyncadd.s32 $0xFFFFFF80  }
0x8b: {  	[spmem:s2] =	stream.indirect.scatter.add.f32 [tilespmem:s26], [sflag:$0x8], $0x1, s13, s25, $0xb8;
	[tilespmem:$0x2B00] =	vst v63  }
0x8c: {  	_ =	swait.ge [sflag:s6], $0x80  }
0x8d: {  	[sflag:s6] =	ssyncset.done $0x0  }
.Ltmp1:
0x8e: {  	s13 =	sadd.s32 $0xFFFFFF80, s11;
	[sflag:s6] =	ssyncadd.s32 $0xFFFFFF80;
	(pc) =	sbr.rel @p0 .LBB2_2-.Ltmp1, $4  }
0x8f: {  	[spmem:s2] =	stream.indirect.scatter.add.f32 [tilespmem:s26], [sflag:$0x9], $0x1, s13, s25, $0xb8;
	[tilespmem:$0x2B00] =	vst v63  }
0x90: {  	_ =	swait.ge [sflag:s8], $0x80  }
0x91: {  	[sflag:s8] =	ssyncset.done $0x0  }
0x92: {  	s11 =	sadd.s32 $0x500, s11;
	[sflag:s8] =	ssyncadd.s32 $0xFFFFFF80  }
.LBB2_3:
0x93: {  	[spmem:s2] =	stream.indirect.scatter.add.f32 [tilespmem:s26], [sflag:$0xA], $0x1, s21, s25, $0xb8;
	[tilespmem:$0x2B00] =	vst v63  }
0x94: {  	_ =	swait.ge [sflag:s28], $0x80  }
0x95: {  	[sflag:s28] =	ssyncset.done $0x0  }
0x96: {  	[sflag:s28] =	ssyncadd.s32 $0xFFFFFF80  }
0x97: {  	_ =	swait.ge [sflag:s29], $0x80  }
0x98: {  	[sflag:s29] =	ssyncset.done $0x0  }
0x99: {  	[sflag:s29] =	ssyncadd.s32 $0xFFFFFF80  }
0x9a: {  	_ =	swait.ge [sflag:s30], $0x80  }
0x9b: {  	[sflag:s30] =	ssyncset.done $0x0  }
0x9c: {  	[sflag:s30] =	ssyncadd.s32 $0xFFFFFF80  }
0x9d: {  	_ =	swait.ge [sflag:s31], $0x80  }
0x9e: {  	[sflag:s31] =	ssyncset.done $0x0  }
0x9f: {  	[sflag:s31] =	ssyncadd.s32 $0xFFFFFF80  }
0xa0: {  	_ =	swait.ge [sflag:s1], $0x80  }
0xa1: {  	[sflag:s1] =	ssyncset.done $0x0  }
0xa2: {  	[sflag:s1] =	ssyncadd.s32 $0xFFFFFF80  }
0xa3: {  	_ =	swait.ge [sflag:s0], $0x80  }
0xa4: {  	[sflag:s0] =	ssyncset.done $0x0  }
0xa5: {  	[sflag:s0] =	ssyncadd.s32 $0xFFFFFF80  }
0xa6: {  	_ =	swait.ge [sflag:s3], $0x80  }
0xa7: {  	[sflag:s3] =	ssyncset.done $0x0  }
0xa8: {  	[sflag:s3] =	ssyncadd.s32 $0xFFFFFF80  }
0xa9: {  	_ =	swait.ge [sflag:s5], $0x80  }
0xaa: {  	[sflag:s5] =	ssyncset.done $0x0  }
0xab: {  	[sflag:s5] =	ssyncadd.s32 $0xFFFFFF80  }
0xac: {  	_ =	swait.ge [sflag:s6], $0x80  }
0xad: {  	[sflag:s6] =	ssyncset.done $0x0  }
0xae: {  	[sflag:s6] =	ssyncadd.s32 $0xFFFFFF80  }
0xaf: {  	_ =	swait.ge [sflag:s8], $0x80  }
0xb0: {  	[sflag:s8] =	ssyncset.done $0x0  }
0xb1: {  	[sflag:s8] =	ssyncadd.s32 $0xFFFFFF80  }
0xb2: {  	s10 =	sadd.s32 $0x1, s10;
	[bflag:$0x0] =	sbarrier.arrive $0xFFFF  }
0xb3: {  	p0 =	sne.s32 s10, s18;
	s4 =	rddreg [dreg:$0x4]  }
.Ltmp2:
0xb4: {  	s4 =	sor.u32 $0x1C0D, s4;
	(pc) =	sbr.rel @p0 .LBB2_1-.Ltmp2, $4  }
0xb5: {  	[hbm:s17], [sflag:s4] =	dma.local [spmem:s22], $0x50  }
0xb6: {  	_ =	swait.ge [sflag:s9], $0x50  }
0xb7: {  	[sflag:s9] =	ssyncset.done $0x0  }
0xb8: {  	[sflag:s9] =	ssyncadd.s32 $0xFFFFFFB0  }
0xb9: {  	_ =	sfence.sel $0x180000  }
0xba: {  	[bflag:$0x0] =	sbarrier.arrive $0xFFFF  }
0xbb: {  	_ =	strace $0x90000047  }
0xbc: {  	s0 =	stileid.u32;
	[bflag:$0x2] =	sbarrier.arrive $0xFFFF  }
0xbd: {  	p0 =	sne.s32 s0, $0x0;
	s0 =	rddreg [dreg:$0x3]  }
0xbe: {  	s0 =	sadd.s32 @!p0 $0x100000, s0  }
0xbf: {  	[sflag:s0] =	ssyncadd.tile.s32 @!p0 $0x1;
	_ =	shalt  }
.Lfunc_end2:
_tile_overlayer_lowered:
.L_overlay_start_2:
0xc0: {  	(tag) =	ssettag $0x2  }
0xc1: {  	s0 =	rddreg [dreg:$0x0];
	s2 =	stileid.u32  }
0xc2: {  	s1 =	rddreg [dreg:$0x1];
	p0 =	sne.s32 s2, $0x0  }
0xc3: {  	s3 =	rddreg [dreg:$0x2];
	[bflag:$0x3] =	sbarrier.arrive $0xFFFF;
	s2 =	simm.s32 @!p0 $0x1C0D  }
0xc4: {  	[timem:s3], [sflag:s2] =	dma.local @!p0 [hbm:s0], s1  }
0xc5: {  	s0 =	simm.s32 @!p0 $0xD  }
0xc6: {  	_ =	swait.ge @!p0 [sflag:s0], s1  }
0xc7: {  	s1 =	ssub.s32 @!p0 $0x0, s1;
	[sflag:s0] =	ssyncset.done @!p0 $0x0  }
0xc8: {  	[sflag:s0] =	ssyncadd.s32 @!p0 s1  }
0xc9: {  	[bflag:$0x3] =	sbarrier.arrive $0xFFFF  }
0xca: {  	_ =	shalt  }

// kernel: kernel.15.cloned.1.call-start
scs
__scs_entry_jumppad:
0x0: {  	(pc) =	sbr.rel $0x88, $3  }
0x1: {  	(tag) =	ssettag $0x0;
	lr =	simm.s32 $0x1  }
0x2: {  	[smem:$0x3F9B] =	sst lr;
	_ =	strace $0xD0000000  }
0x3: {  	_ = 	snop  }
0x4: {  	_ = 	snop  }
0x5: {  	_ = 	snop  }
0x6: {  	_ = 	snop  }
0x7: {  	_ = 	snop  }
__scs_overlays_trampoline_lowered:
0x8: {  	[smem:$0x3FAA] =	sst s0  }
0x9: {  	[smem:$0x3FAB] =	sst s1  }
0xa: {  	[smem:$0x3FAC] =	sst s2  }
0xb: {  	[smem:$0x3FAD] =	sst s3  }
0xc: {  	[smem:$0x3FAE] =	sst s4  }
0xd: {  	[smem:$0x3FAF] =	sst s5  }
0xe: {  	[smem:$0x3FB0] =	sst s6  }
0xf: {  	[smem:$0x3FB1] =	sst s7  }
0x10: {  	[smem:$0x3FB2] =	sst s8  }
0x11: {  	[smem:$0x3FB3] =	sst s9;
	s0 =	simm.s32 @!p0 $0x0  }
0x12: {  	s1 =	sld [smem:$0x3F99];
	s0 =	simm.s32 @p0 $0x1  }
0x13: {  	[smem:$0x3FB4] =	sst s0;
	s0 =	simm.s32 @!p1 $0x0  }
0x14: {  	s2 =	sld [smem:$0x3F98];
	s0 =	simm.s32 @p1 $0x1  }
0x15: {  	[smem:$0x3FB5] =	sst s0;
	s0 =	simm.s32 @!p2 $0x0  }
0x16: {  	s3 =	sld [smem:$0x3FDB];
	s0 =	simm.s32 @p2 $0x1  }
0x17: {  	s4 =	simm.s32 $0x1BF5;
	[smem:$0x3FB7] =	sst s0  }
0x18: {  	s0 =	sld [smem:$0x3F9A];
	_ =	swait.ge [sflag:s4], $0x0  }
0x19: {  	s7 =	sld [smem:$0x3F9B]  }
0x1a: {  	s8 =	sadd.s32 $0xFFFFE003, lr  }
0x1b: {  	s9 =	sadd.s32 $0xFFFFFEF7, lr;
	s5 =	simm.s32 $0xFFFFFFFF;
	p2 =	slt.u32 s8, $0xFFFFF086  }
0x1c: {  	p1 =	slt.u32 s9, $0xF7A;
	s5 =	simm.s32 @!p2 $0x0  }
0x1d: {  	s5 =	simm.s32 @p1 $0x1;
	p0 =	seq.s32 s7, s2  }
0x1e: {  	s7 =	smul.u32 @!p0 $0xF7A, s2;
	p2 =	seq.s32 @!p0 s5, $0x0  }
0x1f: {  	s9 =	smul.u32 $0xF7A, s1;
	s8 =	simm.s32 @!p0 $0x1BF5;
	p2 =	por !p2, p0  }
0x20: {  	[sflag:s8] =	ssyncset.s32 @!p0 $0xFFFFF086;
	s6 =	sadd.s32 @!p0 s3, s7;
	s7 =	simm.s32 @!p0 $0x108  }
0x21: {  	s3 =	sadd.s32 s3, s9;
	s6 =	sadd.s32 @!p0 $0x88, s6;
	s7 =	simm.s32 @p2 $0x1082  }
0x22: {  	[simem:s7], [sflag:s8] =	dma.local @!p0 [hbm:s6], $0xF7A  }
0x23: {  	s9 =	sor.u32 $0xD0000000, s2;
	s6 =	simm.s32 $0x108;
	_ =	swait.ge @!p0 [sflag:s8], $0x0  }
0x24: {  	s3 =	sadd.s32 $0x88, s3;
	s6 =	simm.s32 @!p1 $0x1082;
	[sflag:s4] =	ssyncset.s32 $0xFFFFF086  }
0x25: {  	[simem:s6], [sflag:s4] =	dma.local [hbm:s3], $0xF7A  }
0x26: {  	[smem:$0x3F9B] =	sst s1;
	(tag) =	ssettag s2;
	_ =	strace s9  }
0x27: {  	s1 =	sld [smem:$0x3FAB]  }
0x28: {  	s2 =	sld [smem:$0x3FAC]  }
0x29: {  	s4 =	sld [smem:$0x3FAE]  }
0x2a: {  	p0 =	seq.s32 s5, $0x0;
	s5 =	sld [smem:$0x3FAF]  }
0x2b: {  	s6 =	sld [smem:$0x3FB0]  }
0x2c: {  	s7 =	sld [smem:$0x3FB1]  }
0x2d: {  	s3 =	simm.s32 $0x108;
	s8 =	sld [smem:$0x3FB2]  }
0x2e: {  	s3 =	simm.s32 @!p0 $0x1082;
	s9 =	sld [smem:$0x3FB3]  }
0x2f: {  	lr =	sadd.s32 s0, s3;
	s0 =	sld [smem:$0x3FAA]  }
0x30: {  	s3 =	sld [smem:$0x3FAD]  }
0x31: {  	[smem:$0x3FB6] =	sst s10  }
0x32: {  	s10 =	sld [smem:$0x3FB4];
	_ =	sdelay $0x3  }
0x33: {  	p0 =	seq.s32 s10, $0x1;
	s10 =	sld [smem:$0x3FB6];
	_ =	sdelay $0x3  }
0x34: {  	[smem:$0x3FB6] =	sst s10  }
0x35: {  	s10 =	sld [smem:$0x3FB5];
	_ =	sdelay $0x3  }
0x36: {  	p1 =	seq.s32 s10, $0x1;
	s10 =	sld [smem:$0x3FB6];
	_ =	sdelay $0x3  }
0x37: {  	[smem:$0x3FB6] =	sst s10  }
0x38: {  	s10 =	sld [smem:$0x3FB7]  }
0x39: {  	_ = 	snop;
	(pc) =	sbr.ind lr, $3  }
0x3a: {  	_ = 	snop  }
0x3b: {  	_ = 	snop  }
0x3c: {  	p2 =	seq.s32 s10, $0x1;
	s10 =	sld [smem:$0x3FB6]  }
0x3d: {  	_ =	shalt  }
0x3e: {  	_ =	shalt  }
0x3f: {  	_ =	shalt  }
0x40: {  	_ =	shalt  }
0x41: {  	_ =	shalt  }
0x42: {  	_ =	shalt  }
0x43: {  	_ =	shalt  }
0x44: {  	_ =	shalt  }
0x45: {  	_ =	shalt  }
0x46: {  	_ =	shalt  }
0x47: {  	_ =	shalt  }
0x48: {  	_ =	shalt  }
0x49: {  	_ =	shalt  }
0x4a: {  	_ =	shalt  }
0x4b: {  	_ =	shalt  }
0x4c: {  	_ =	shalt  }
0x4d: {  	_ =	shalt  }
0x4e: {  	_ =	shalt  }
0x4f: {  	_ =	shalt  }
0x50: {  	_ =	shalt  }
0x51: {  	_ =	shalt  }
0x52: {  	_ =	shalt  }
0x53: {  	_ =	shalt  }
0x54: {  	_ =	shalt  }
0x55: {  	_ =	shalt  }
0x56: {  	_ =	shalt  }
0x57: {  	_ =	shalt  }
0x58: {  	_ =	shalt  }
0x59: {  	_ =	shalt  }
0x5a: {  	_ =	shalt  }
0x5b: {  	_ =	shalt  }
0x5c: {  	_ =	shalt  }
0x5d: {  	_ =	shalt  }
0x5e: {  	_ =	shalt  }
0x5f: {  	_ =	shalt  }
0x60: {  	_ =	shalt  }
0x61: {  	_ =	shalt  }
0x62: {  	_ =	shalt  }
0x63: {  	_ =	shalt  }
0x64: {  	_ =	shalt  }
0x65: {  	_ =	shalt  }
0x66: {  	_ =	shalt  }
0x67: {  	_ =	shalt  }
0x68: {  	_ =	shalt  }
0x69: {  	_ =	shalt  }
0x6a: {  	_ =	shalt  }
0x6b: {  	_ =	shalt  }
0x6c: {  	_ =	shalt  }
0x6d: {  	_ =	shalt  }
0x6e: {  	_ =	shalt  }
0x6f: {  	_ =	shalt  }
0x70: {  	_ =	shalt  }
0x71: {  	_ =	shalt  }
0x72: {  	_ =	shalt  }
0x73: {  	_ =	shalt  }
0x74: {  	_ =	shalt  }
0x75: {  	_ =	shalt  }
0x76: {  	_ =	shalt  }
0x77: {  	_ =	shalt  }
0x78: {  	_ =	shalt  }
0x79: {  	_ =	shalt  }
0x7a: {  	_ =	shalt  }
0x7b: {  	_ =	shalt  }
0x7c: {  	_ =	shalt  }
0x7d: {  	_ =	shalt  }
0x7e: {  	_ =	shalt  }
0x7f: {  	_ =	shalt  }
0x80: {  	_ =	shalt  }
0x81: {  	_ =	shalt  }
0x82: {  	_ =	shalt  }
0x83: {  	_ =	shalt  }
0x84: {  	_ =	shalt  }
0x85: {  	_ =	shalt  }
0x86: {  	_ =	shalt  }
0x87: {  	_ =	shalt  }
.Lfunc_end0:
.L_simem_size_0:
called_computation.1_lowered:
.L_overlay_start_0:
0x88: {  	s2 =	sld [smem:$0x3FD9]  }
0x89: {  	s3 =	sld [smem:$0x3FFE];
	_ =	sdelay $0x1  }
0x8a: {  	s1 =	srdreg.scid  }
0x8b: {  	s0 =	sand.u32 $0x1, s1  }
0x8c: {  	s17 =	sshll.u32 s0, $0xA;
	s2 =	sadd.s32 s3, s2  }
0x8d: {  	s2 =	sadd.s32 s2, s17  }
0x8e: {  	[smem:$0x3FC2] =	sst s2  }
0x8f: {  	_ = 	snop  }
0x90: {  	s2 =	sld [smem:$0x3FD0];
	(tm) =	ssettm $0x1  }
0x91: {  	s18 =	sld [smem:$0x3FFB];
	_ =	sdelay $0x3  }
0x92: {  	_ =	strace s18  }
0x93: {  	s3 =	sld [smem:$0x3FFC];
	_ =	sdelay $0x3  }
0x94: {  	_ =	strace s3  }
0x95: {  	s3 =	sld [smem:$0x3FFD];
	_ =	sdelay $0x3  }
0x96: {  	_ =	strace s3  }
0x97: {  	_ =	strace $0x8FFFFFFF  }
0x98: {  	s19 =	sld [smem:$0x3FDB];
	_ =	sdelay $0x1  }
0x99: {  	s4 =	simm.s32 $_scs_section_size  }
0x9a: {  	s5 =	simm.s32 $_size__tile_overlayer_lowered;
	s6 =	simm.s32 $_tile_overlayer_lowered  }
0x9b: {  	s22 =	simm.s32 $0x1BFF;
	s21 =	sshll.u32 s6, $0x1;
	s3 =	sadd.s32 s4, s19  }
0x9c: {  	s7 =	simm.s32 $0x0;
	s20 =	sshll.u32 s5, $0x1;
	s5 =	sadd.s32 s21, s3  }
0x9d: {  	[timem:s7], [sflag:s22] =	dma.local [hbm:s5], s20  }
0x9e: {  	_ =	swait.ge [sflag:s22], s20  }
0x9f: {  	s4 =	ssub.s32 $0x0, s20;
	[sflag:s22] =	ssyncset.done $0x0  }
0xa0: {  	[sflag:s22] =	ssyncadd.s32 s4;
	_ =	sdelay $0x1  }
0xa1: {  	s23 =	simm.s32 $0x1B8B  }
0xa2: {  	_ =	swait.ge [sflag:s23], $0x1  }
0xa3: {  	[sflag:s23] =	ssyncset.done $0x0  }
0xa4: {  	s25 =	simm.s32 $0x1B8E;
	s24 =	sld [smem:$0x3FFE];
	[sflag:s23] =	ssyncadd.s32 $0xFFFFFFFF  }
0xa5: {  	s26 =	simm.s32 $execute0_lowered;
	[smem:$0x3FD2] =	sst s25  }
0xa6: {  	s5 =	sshll.u32 s26, $0x1;
	_ =	strace $0x80000049;
	[dreg:$0x1] =	wrdreg $0xFFFFFFFF  }
0xa7: {  	s28 =	simm.s32 $_size_execute0_lowered;
	s3 =	sadd.s32 s3, s5;
	[dreg:$0x0] =	wrdreg $0x0  }
0xa8: {  	s5 =	sshll.u32 s28, $0x1;
	[dreg:$0x2] =	wrdreg s3  }
0xa9: {  	[dreg:$0x3] =	wrdreg s5  }
0xaa: {  	[dreg:$0x4] =	wrdreg $0xC0  }
0xab: {  	_ =	task [dreg:s7], $0x5FFFF  }
0xac: {  	[dreg:$0x1] =	wrdreg $0xFFFFFFFF  }
0xad: {  	[dreg:$0x0] =	wrdreg $0x60  }
0xae: {  	[dreg:$0x2] =	wrdreg s24  }
0xaf: {  	[dreg:$0x3] =	wrdreg s2  }
0xb0: {  	[dreg:$0x4] =	wrdreg $0x150000  }
0xb1: {  	[dreg:$0x5] =	wrdreg $0x9  }
0xb2: {  	_ =	task.clear_ibuf [dreg:s7], $0x6FFFF;
	_ =	strace $0x90000049  }
0xb3: {  	s29 =	simm.s32 $0x9;
	_ =	strace $0x8000004B  }
0xb4: {  	_ =	swait.ge [sflag:s29], $0x1  }
0xb5: {  	[sflag:s29] =	ssyncadd.s32 $0xFFFFFFFF  }
0xb6: {  	_ =	strace $0x9000004B  }
0xb7: {  	_ =	sfence  }
0xb8: {  	s30 =	sld [smem:$0x0];
	_ =	sdelay $0x2  }
0xb9: {  	s31 =	sshll.u32 s1, $0xD;
	s1 =	sshrl.u32 s1, $0x2  }
0xba: {  	s3 =	sand.u32 $0x4000, s31;
	s1 =	sadd.s32 s1, s30  }
0xbb: {  	s0 =	sor.u32 s3, s0;
	s1 =	sshll.u32 s1, $0x11  }
0xbc: {  	s0 =	sor.u32 s1, s0  }
0xbd: {  	s0 =	sadd.s32 $0x8F2B, s0  }
0xbe: {  	[sflag:s0] =	ssyncadd.remote.s32 $0x1  }
0xbf: {  	_ =	sfence.sel $0xFFFF  }
0xc0: {  	[dreg:$0x0] =	wrdreg $0xFFFFFFFF;
	(pc) =	sbr.abs _section_cstart, $3  }
0xc1: {  	[dreg:$0x1] =	wrdreg $0xFFFFFFFF  }
0xc2: {  	_ =	task.clear_ibuf [dreg:s7], $0x2FFFF;
	_ =	strace $0x9FFFFFFF  }
0xc3: {  	(tm) =	ssettm $0x7FFFFFFF  }
tec
execute0_lowered:
.L_overlay_start_1:
0x0: {  	(tag) =	ssettag $0x1  }
0x1: {  	s0 =	srdreg.scid;
	s1 =	rddreg [dreg:$0x0]  }
0x2: {  	s11 =	stileid.u32;
	s3 =	rddreg [dreg:$0x1];
	s14 =	simm.s32 $0x0  }
0x3: {  	s29 =	simm.s32 $0x80;
	s30 =	simm.s32 $0x13000;
	s6 =	smul.u32 $0xA000, s11  }
0x4: {  	s31 =	simm.s32 $0x1;
	s0 =	sand.u32 $0x1, s0;
	s21 =	smul.u32 $0xA0, s11  }
0x5: {  	s2 =	sshll.u32 s11, $0x1;
	[smem:$0x7FF] =	sst s14;
	s23 =	smul.u32 $0xFFFFFF60, s11  }
0x6: {  	s17 =	sshll.u32 s11, $0x6;
	s4 =	sor.u32 s0, s2;
	s7 =	smul.u32 $0xA0000, s0  }
0x7: {  	s2 =	rddreg [dreg:$0x2];
	_ =	strace $0x8000004A;
	s18 =	smul.u32 $0xFFFFFFB0, s0  }
0x8: {  	s10 =	ssub.s32 $0x2, s0;
	[dreg:$0xe] =	wrdreg s17;
	s0 =	smul.u32 $0x50, s0  }
0x9: {  	s5 =	smul.u32 $0x50, s4;
	s4 =	sadd.s32 $0x17400, s1;
	s16 =	sadd.s32 s6, s2  }
0xa: {  	s15 =	sshrl.u32 s10, $0x1;
	s7 =	sadd.s32 s6, s7;
	[dreg:$0xc] =	wrdreg s16  }
0xb: {  	s6 =	sshrl.u32 s6, $0x3;
	s0 =	sadd.s32 s0, s21;
	s21 =	simm.s32 $0x9000  }
0xc: {  	s8 =	smin.u32 s5, $0x974;
	s3 =	sadd.s32 s3, s6;
	[dreg:$0x7] =	wrdreg s21  }
0xd: {  	s7 =	sshrl.u32 s7, $0x3;
	s6 =	sor.u32 $0x1C13, s17;
	[dreg:$0xd] =	wrdreg s3  }
0xe: {  	s24 =	smin.u32 s0, $0x974;
	s9 =	sshll.u32 s8, $0x4;
	[dreg:$0xf] =	wrdreg s6  }
0xf: {  	s20 =	ssub.s32 s5, s8;
	s5 =	ssub.s32 $0x9C4, s5;
	s3 =	sadd.s32 s23, s18  }
0x10: {  	s8 =	ssub.s32 s0, s24;
	s23 =	simm.s32 $0xD000;
	s6 =	simm.s32 $0x6  }
0x11: {  	s9 =	sadd.s32 s9, s1;
	s1 =	sadd.s32 s7, s1;
	s7 =	ssub.s32 s10, s15  }
0x12: {  	s19 =	sshll.u32 s20, $0x7;
	s5 =	smin.u32 s5, $0x50;
	s3 =	sadd.s32 $0x9C4, s3  }
0x13: {  	s25 =	sshll.u32 s8, $0x9;
	s18 =	sshll.u32 s8, $0x7;
	s20 =	simm.s32 $0x7000  }
0x14: {  	[dreg:$0x9] =	wrdreg s23;
	s8 =	simm.s32 $0x7;
	s22 =	sadd.s32 $0xD600, s9  }
0x15: {  	s9 =	sadd.s32 $0x3800, s9;
	s12 =	sor.u32 $0x80, s19;
	s13 =	sor.u32 $0x100, s19  }
0x16: {  	s14 =	sor.u32 $0x180, s19;
	s15 =	sadd.s32 $0x200, s19;
	[dreg:$0x6] =	wrdreg s20  }
0x17: {  	s3 =	smin.u32 s3, $0x50;
	s16 =	sadd.s32 $0x280, s19;
	[dreg:$0x10] =	wrdreg s22  }
0x18: {  	s17 =	sadd.s32 $0x300, s19;
	s1 =	sadd.s32 $0x2AE00, s1;
	[dreg:$0x11] =	wrdreg s9  }
0x19: {  	s5 =	sand.u32 $0x4, s5;
	s10 =	smax.u32 s7, $0x1;
	[dreg:$0x12] =	wrdreg s1  }
0x1a: {  	s9 =	sshra.s32 s25, $0x2;
	s26 =	sshll.u32 s3, $0x9;
	[dreg:$0x14] =	wrdreg s10  }
0x1b: {  	s11 =	sand.u32 $0x70, s3;
	s22 =	simm.s32 $0xB000;
	s25 =	simm.s32 $0xF000  }
0x1c: {  	p0 =	seq.s32 s5, $0x0;
	s1 =	simm.s32 $0x5000;
	[dreg:$0x4] =	wrdreg s9  }
0x1d: {  	s5 =	simm.s32 $0x5;
	s10 =	simm.s32 $0x9;
	[dreg:$0x8] =	wrdreg s22  }
0x1e: {  	s28 =	sand.u32 $0xE000, s26;
	s9 =	sand.u32 $0x4, s3;
	[dreg:$0xa] =	wrdreg s25  }
0x1f: {  	s0 =	sadd.s32 s11, s0;
	s3 =	sor.u32 $0x180, s18;
	[dreg:$0x5] =	wrdreg s28  }
0x20: {  	s22 =	simm.s32 $0x10;
	s25 =	simm.s32 $0x14;
	[dreg:$0x13] =	wrdreg s9  }
.Ltmp0:
0x21: {  	[dreg:$0x15] =	wrdreg s3;
	s0 =	ssub.s32 s0, s24;
	(pc) =	sbr.rel .LBB2_1-.Ltmp0, $4  }
0x22: {  	s28 =	simm.s32 $0x11000;
	s3 =	simm.s32 $0x4;
	s0 =	sshll.u32 s0, $0x9  }
0x23: {  	s9 =	simm.s32 $0x8;
	[dreg:$0xb] =	wrdreg s28;
	s24 =	sshra.s32 s0, $0x2  }
0x24: {  	s0 =	simm.s32 $0x2;
	[dreg:$0x16] =	wrdreg s24;
	s26 =	sadd.s32 $0x2800, s24  }
0x25: {  	s24 =	simm.s32 $0x3;
	[dreg:$0x17] =	wrdreg s26;
	s26 =	simm.s32 $0x0  }
.LBB2_6:
0x26: {  	[sflag:s10] =	ssyncadd.s32 $0xFFFFE000  }
.LBB2_7:
0x27: {  	[bflag:$0x0] =	sbarrier.arrive $0xFFFF  }
0x28: {  	s7 =	rddreg [dreg:$0xe]  }
0x29: {  	s11 =	rddreg [dreg:$0x12];
	s7 =	sor.u32 $0x1C14, s7  }
0x2a: {  	[hbm:s11], [sflag:s7] =	dma.local [spmem:s28], $0x1400  }
0x2b: {  	_ =	swait.ge [sflag:s25], $0x1400  }
0x2c: {  	s26 =	sadd.s32 $0x1, s26;
	s28 =	rddreg [dreg:$0x14]  }
0x2d: {  	p1 =	sne.s32 s26, s28  }
.Ltmp1:
0x2e: {  	_ = 	snop;
	(pc) =	sbr.rel @!p1 .LBB2_8-.Ltmp1, $3  }
0x2f: {  	_ =	sdelay $0x1  }
0x30: {  	[sflag:s25] =	ssyncset.done $0x0  }
0x31: {  	[sflag:s25] =	ssyncadd.s32 $0xFFFFEC00  }
.LBB2_1:
0x32: {  	s7 =	rddreg [dreg:$0xc]  }
0x33: {  	s20 =	rddreg [dreg:$0xd]  }
0x34: {  	s11 =	rddreg [dreg:$0xf];
	s28 =	sshrl.u32 s7, $0x3  }
0x35: {  	[spmem:s28], [sflag:s11] =	dma.local [hbm:s20], $0x1400  }
0x36: {  	s21 =	simm.s32 $0x0;
	s11 =	rddreg [dreg:$0x10]  }
0x37: {  	[tilespmem:s21], [sflag:$0x11] =	stream.linear.gather [hbm4b:s11+s21], $0x2800, $0x38;
	[tilespmem:$0x1F000] =	vst v63  }
0x38: {  	s18 =	simm.s32 $0x2800;
	s20 =	simm.s32 $0x13;
	s23 =	rddreg [dreg:$0x11]  }
0x39: {  	[tilespmem:s18], [sflag:$0x12] =	stream.linear.gather [hbm4b:s23+s21], $0x2800, $0x38;
	[tilespmem:$0x1F000] =	vst v63  }
0x3a: {  	_ =	swait.ge [sflag:s20], $0x1400  }
0x3b: {  	[sflag:s20] =	ssyncset.done $0x0  }
0x3c: {  	s21 =	simm.s32 $0x11;
	[sflag:s20] =	ssyncadd.s32 $0xFFFFEC00  }
0x3d: {  	_ =	swait.ge [sflag:s21], $0x2800  }
0x3e: {  	[sflag:s21] =	ssyncset.done $0x0  }
0x3f: {  	s23 =	simm.s32 $0x12;
	[sflag:s21] =	ssyncadd.s32 $0xFFFFD800  }
0x40: {  	_ =	swait.ge [sflag:s23], $0x2800  }
0x41: {  	[sflag:s23] =	ssyncset.done $0x0  }
0x42: {  	[sflag:s23] =	ssyncadd.s32 $0xFFFFD800  }
0x43: {  	[bflag:$0x0] =	sbarrier.arrive $0xFFFF  }
0x44: {  	s18 =	simm.s32 $0x0;
	s7 =	rddreg [dreg:$0x15]  }
.LBB2_2:
0x45: {  	p1 =	sne.s32 s18, $0x0  }
0x46: {  	s11 =	simm.s32 @p1 $0x9  }
0x47: {  	_ =	swait.ge @p1 [sflag:s11], $0x2000  }
0x48: {  	[sflag:s11] =	ssyncset.done @p1 $0x0  }
0x49: {  	s20 =	rddreg [dreg:$0x4];
	[sflag:s11] =	ssyncadd.s32 @p1 $0xFFFFE000;
	s11 =	sshra.s32 @p1 s18, $0x2  }
0x4a: {  	s21 =	simm.s32 @p1 $0x5000;
	s11 =	sadd.s32 @p1 s11, s20;
	s20 =	simm.s32 @p1 $0x80  }
0x4b: {  	[tilespmem:s21], [sflag:$0x1] =	stream.indirect.gather @p1 [hbm4b:s4+s20], $0x40, s11, s20, $0xb8;
	[tilespmem:$0x1F000] =	vst v63  }
0x4c: {  	s21 =	simm.s32 @p1 $0xA  }
0x4d: {  	_ =	swait.ge @p1 [sflag:s21], $0x2000  }
0x4e: {  	[sflag:s21] =	ssyncset.done @p1 $0x0  }
0x4f: {  	s23 =	simm.s32 @p1 $0x7000;
	[sflag:s21] =	ssyncadd.s32 @p1 $0xFFFFE000;
	s21 =	sadd.s32 @p1 $0x80, s11  }
0x50: {  	[tilespmem:s23], [sflag:$0x2] =	stream.indirect.gather @p1 [hbm4b:s4+s20], $0x40, s21, s20, $0xb8;
	[tilespmem:$0x1F000] =	vst v63  }
0x51: {  	s21 =	simm.s32 @p1 $0xB  }
0x52: {  	_ =	swait.ge @p1 [sflag:s21], $0x2000  }
0x53: {  	[sflag:s21] =	ssyncset.done @p1 $0x0  }
0x54: {  	s23 =	simm.s32 @p1 $0x9000;
	[sflag:s21] =	ssyncadd.s32 @p1 $0xFFFFE000;
	s21 =	sadd.s32 @p1 $0x100, s11  }
0x55: {  	[tilespmem:s23], [sflag:$0x3] =	stream.indirect.gather @p1 [hbm4b:s4+s20], $0x40, s21, s20, $0xb8;
	[tilespmem:$0x1F000] =	vst v63  }
0x56: {  	s21 =	simm.s32 @p1 $0xC  }
0x57: {  	_ =	swait.ge @p1 [sflag:s21], $0x2000  }
0x58: {  	[sflag:s21] =	ssyncset.done @p1 $0x0  }
0x59: {  	s23 =	simm.s32 @p1 $0xB000;
	[sflag:s21] =	ssyncadd.s32 @p1 $0xFFFFE000;
	s21 =	sadd.s32 @p1 $0x180, s11  }
0x5a: {  	[tilespmem:s23], [sflag:$0x4] =	stream.indirect.gather @p1 [hbm4b:s4+s20], $0x40, s21, s20, $0xb8;
	[tilespmem:$0x1F000] =	vst v63  }
0x5b: {  	s21 =	simm.s32 @p1 $0xD  }
0x5c: {  	_ =	swait.ge @p1 [sflag:s21], $0x2000  }
0x5d: {  	[sflag:s21] =	ssyncset.done @p1 $0x0  }
0x5e: {  	s23 =	simm.s32 @p1 $0xD000;
	[sflag:s21] =	ssyncadd.s32 @p1 $0xFFFFE000;
	s21 =	sadd.s32 @p1 $0x200, s11  }
0x5f: {  	[tilespmem:s23], [sflag:$0x5] =	stream.indirect.gather @p1 [hbm4b:s4+s20], $0x40, s21, s20, $0xb8;
	[tilespmem:$0x1F000] =	vst v63  }
0x60: {  	s21 =	simm.s32 @p1 $0xE  }
0x61: {  	_ =	swait.ge @p1 [sflag:s21], $0x2000  }
0x62: {  	[sflag:s21] =	ssyncset.done @p1 $0x0  }
0x63: {  	s23 =	simm.s32 @p1 $0xF000;
	[sflag:s21] =	ssyncadd.s32 @p1 $0xFFFFE000;
	s21 =	sadd.s32 @p1 $0x280, s11  }
0x64: {  	[tilespmem:s23], [sflag:$0x6] =	stream.indirect.gather @p1 [hbm4b:s4+s20], $0x40, s21, s20, $0xb8;
	[tilespmem:$0x1F000] =	vst v63  }
0x65: {  	s21 =	simm.s32 @p1 $0xF  }
0x66: {  	_ =	swait.ge @p1 [sflag:s21], $0x2000  }
0x67: {  	[sflag:s21] =	ssyncset.done @p1 $0x0  }
0x68: {  	s11 =	sadd.s32 @p1 $0x300, s11;
	[sflag:s21] =	ssyncadd.s32 @p1 $0xFFFFE000;
	s21 =	simm.s32 @p1 $0x11000  }
0x69: {  	[tilespmem:s21], [sflag:$0x7] =	stream.indirect.gather @p1 [hbm4b:s4+s20], $0x40, s11, s20, $0xb8;
	[tilespmem:$0x1F000] =	vst v63  }
0x6a: {  	s11 =	simm.s32 @p1 $0x10  }
0x6b: {  	_ =	swait.ge @p1 [sflag:s11], $0x2000  }
0x6c: {  	[sflag:s11] =	ssyncset.done @p1 $0x0  }
0x6d: {  	s20 =	simm.s32 @!p1 $0x5000;
	[sflag:s11] =	ssyncadd.s32 @p1 $0xFFFFE000;
	s11 =	simm.s32 @!p1 $0x80  }
0x6e: {  	[tilespmem:s20], [sflag:$0x1] =	stream.indirect.gather @!p1 [hbm4b:s4+s11], $0x40, s19, s11, $0xb8;
	[tilespmem:$0x1F000] =	vst v63  }
0x6f: {  	s20 =	simm.s32 @!p1 $0x7000  }
0x70: {  	[tilespmem:s20], [sflag:$0x2] =	stream.indirect.gather @!p1 [hbm4b:s4+s11], $0x40, s12, s11, $0xb8;
	[tilespmem:$0x1F000] =	vst v63  }
0x71: {  	s20 =	simm.s32 @!p1 $0x9000  }
0x72: {  	[tilespmem:s20], [sflag:$0x3] =	stream.indirect.gather @!p1 [hbm4b:s4+s11], $0x40, s13, s11, $0xb8;
	[tilespmem:$0x1F000] =	vst v63  }
0x73: {  	s20 =	simm.s32 @!p1 $0xB000  }
0x74: {  	[tilespmem:s20], [sflag:$0x4] =	stream.indirect.gather @!p1 [hbm4b:s4+s11], $0x40, s14, s11, $0xb8;
	[tilespmem:$0x1F000] =	vst v63  }
0x75: {  	s20 =	simm.s32 @!p1 $0xD000  }
0x76: {  	[tilespmem:s20], [sflag:$0x5] =	stream.indirect.gather @!p1 [hbm4b:s4+s11], $0x40, s15, s11, $0xb8;
	[tilespmem:$0x1F000] =	vst v63  }
0x77: {  	s20 =	simm.s32 @!p1 $0xF000  }
0x78: {  	[tilespmem:s20], [sflag:$0x6] =	stream.indirect.gather @!p1 [hbm4b:s4+s11], $0x40, s16, s11, $0xb8;
	[tilespmem:$0x1F000] =	vst v63  }
0x79: {  	s21 =	simm.s32 @!p1 $0x11000  }
0x7a: {  	[tilespmem:s21], [sflag:$0x7] =	stream.indirect.gather @!p1 [hbm4b:s4+s11], $0x40, s17, s11, $0xb8;
	[tilespmem:$0x1F000] =	vst v63  }
0x7b: {  	s20 =	sadd.s32 @p1 $0xFFFFFE80, s7;
	s11 =	smov.u32 s19  }
0x7c: {  	s11 =	smov.u32 @p1 s20  }
0x7d: {  	s20 =	sadd.s32 $0x380, s11  }
0x7e: {  	[tilespmem:s30], [sflag:$0x8] =	stream.indirect.gather [hbm4b:s4+s29], $0x40, s20, s29, $0xb8;
	[tilespmem:$0x1F000] =	vst v63  }
0x7f: {  	_ =	swait.ge [sflag:s31], $0x2000  }
0x80: {  	[sflag:s31] =	ssyncset.done $0x0  }
0x81: {  	s21 =	sadd.s32 $0x2800, s11;
	[sflag:s31] =	ssyncadd.s32 $0xFFFFE000  }
0x82: {  	[spmem:s2] =	stream.indirect.scatter.add.f32 [tilespmem:s1], [sflag:$0x9], $0x40, s21, s29, $0xb8;
	[tilespmem:$0x1F000] =	vst v63  }
0x83: {  	s20 =	sadd.s32 @p1 $0xFFFFFF00, s7;
	s21 =	smov.u32 s12;
	_ =	swait.ge [sflag:s0], $0x2000  }
0x84: {  	s21 =	smov.u32 @p1 s20;
	[sflag:s0] =	ssyncset.done $0x0  }
0x85: {  	s23 =	rddreg [dreg:$0x6];
	s20 =	sadd.s32 $0x2800, s21;
	[sflag:s0] =	ssyncadd.s32 $0xFFFFE000  }
0x86: {  	[spmem:s2] =	stream.indirect.scatter.add.f32 [tilespmem:s23], [sflag:$0xA], $0x40, s20, s29, $0xb8;
	[tilespmem:$0x1F000] =	vst v63  }
0x87: {  	s21 =	smov.u32 s13;
	s20 =	sadd.s32 @p1 $0xFFFFFF80, s7;
	_ =	swait.ge [sflag:s24], $0x2000  }
0x88: {  	s21 =	smov.u32 @p1 s20;
	[sflag:s24] =	ssyncset.done $0x0  }
0x89: {  	s23 =	rddreg [dreg:$0x7];
	s20 =	sadd.s32 $0x2800, s21;
	[sflag:s24] =	ssyncadd.s32 $0xFFFFE000  }
0x8a: {  	[spmem:s2] =	stream.indirect.scatter.add.f32 [tilespmem:s23], [sflag:$0xB], $0x40, s20, s29, $0xb8;
	[tilespmem:$0x1F000] =	vst v63  }
0x8b: {  	s20 =	smov.u32 s14;
	_ =	swait.ge [sflag:s3], $0x2000  }
0x8c: {  	s20 =	smov.u32 @p1 s7;
	[sflag:s3] =	ssyncset.done $0x0  }
0x8d: {  	s23 =	rddreg [dreg:$0x8];
	s20 =	sadd.s32 $0x2800, s20;
	[sflag:s3] =	ssyncadd.s32 $0xFFFFE000  }
0x8e: {  	[spmem:s2] =	stream.indirect.scatter.add.f32 [tilespmem:s23], [sflag:$0xC], $0x40, s20, s29, $0xb8;
	[tilespmem:$0x1F000] =	vst v63  }
0x8f: {  	s21 =	smov.u32 s15;
	s20 =	sadd.s32 @p1 $0x80, s7;
	_ =	swait.ge [sflag:s5], $0x2000  }
0x90: {  	s21 =	smov.u32 @p1 s20;
	[sflag:s5] =	ssyncset.done $0x0  }
0x91: {  	s23 =	rddreg [dreg:$0x9];
	s20 =	sadd.s32 $0x2800, s21;
	[sflag:s5] =	ssyncadd.s32 $0xFFFFE000  }
0x92: {  	[spmem:s2] =	stream.indirect.scatter.add.f32 [tilespmem:s23], [sflag:$0xD], $0x40, s20, s29, $0xb8;
	[tilespmem:$0x1F000] =	vst v63  }
0x93: {  	s21 =	smov.u32 s16;
	s20 =	sadd.s32 @p1 $0x100, s7;
	_ =	swait.ge [sflag:s6], $0x2000  }
0x94: {  	s21 =	smov.u32 @p1 s20;
	[sflag:s6] =	ssyncset.done $0x0  }
0x95: {  	s23 =	rddreg [dreg:$0xa];
	s20 =	sadd.s32 $0x2800, s21;
	[sflag:s6] =	ssyncadd.s32 $0xFFFFE000  }
0x96: {  	[spmem:s2] =	stream.indirect.scatter.add.f32 [tilespmem:s23], [sflag:$0xE], $0x40, s20, s29, $0xb8;
	[tilespmem:$0x1F000] =	vst v63  }
0x97: {  	s21 =	smov.u32 s17;
	s20 =	sadd.s32 @p1 $0x180, s7;
	_ =	swait.ge [sflag:s8], $0x2000  }
0x98: {  	s21 =	smov.u32 @p1 s20;
	[sflag:s8] =	ssyncset.done $0x0  }
0x99: {  	s23 =	rddreg [dreg:$0xb];
	s20 =	sadd.s32 $0x2800, s21;
	[sflag:s8] =	ssyncadd.s32 $0xFFFFE000  }
0x9a: {  	[spmem:s2] =	stream.indirect.scatter.add.f32 [tilespmem:s23], [sflag:$0xF], $0x40, s20, s29, $0xb8;
	[tilespmem:$0x1F000] =	vst v63  }
0x9b: {  	_ =	swait.ge [sflag:s9], $0x2000  }
0x9c: {  	s18 =	sadd.s32 $0x1000, s18;
	s23 =	rddreg [dreg:$0x5]  }
0x9d: {  	p1 =	sne.s32 s23, s18  }
.Ltmp2:
0x9e: {  	_ = 	snop;
	(pc) =	sbr.rel @p1 .LBB2_2-.Ltmp2, $4  }
0x9f: {  	_ = 	snop  }
0xa0: {  	[sflag:s9] =	ssyncset.done $0x0  }
0xa1: {  	s11 =	sadd.s32 $0x2B80, s11;
	s7 =	sadd.s32 $0x400, s7;
	[sflag:s9] =	ssyncadd.s32 $0xFFFFE000  }
0xa2: {  	[spmem:s2] =	stream.indirect.scatter.add.f32 [tilespmem:s30], [sflag:$0x10], $0x40, s11, s29, $0xb8;
	[tilespmem:$0x1F000] =	vst v63  }
0xa3: {  	_ =	swait.ge [sflag:s10], $0x2000  }
0xa4: {  	[sflag:s10] =	ssyncset.done $0x0  }
0xa5: {  	s7 =	simm.s32 $0xA;
	[sflag:s10] =	ssyncadd.s32 $0xFFFFE000  }
0xa6: {  	_ =	swait.ge [sflag:s7], $0x2000  }
0xa7: {  	[sflag:s7] =	ssyncset.done $0x0  }
0xa8: {  	s11 =	simm.s32 $0xB;
	[sflag:s7] =	ssyncadd.s32 $0xFFFFE000  }
0xa9: {  	_ =	swait.ge [sflag:s11], $0x2000  }
0xaa: {  	[sflag:s11] =	ssyncset.done $0x0  }
0xab: {  	s18 =	simm.s32 $0xC;
	[sflag:s11] =	ssyncadd.s32 $0xFFFFE000  }
0xac: {  	_ =	swait.ge [sflag:s18], $0x2000  }
0xad: {  	[sflag:s18] =	ssyncset.done $0x0  }
0xae: {  	s20 =	simm.s32 $0xD;
	[sflag:s18] =	ssyncadd.s32 $0xFFFFE000  }
0xaf: {  	_ =	swait.ge [sflag:s20], $0x2000  }
0xb0: {  	[sflag:s20] =	ssyncset.done $0x0  }
0xb1: {  	s21 =	simm.s32 $0xE;
	[sflag:s20] =	ssyncadd.s32 $0xFFFFE000  }
0xb2: {  	_ =	swait.ge [sflag:s21], $0x2000  }
0xb3: {  	[sflag:s21] =	ssyncset.done $0x0  }
0xb4: {  	s23 =	simm.s32 $0xF;
	[sflag:s21] =	ssyncadd.s32 $0xFFFFE000  }
0xb5: {  	_ =	swait.ge [sflag:s23], $0x2000  }
.Ltmp3:
0xb6: {  	[sflag:s23] =	ssyncset.done $0x0;
	(pc) =	sbr.rel @p0 .LBB2_7-.Ltmp3, $4  }
0xb7: {  	[sflag:s23] =	ssyncadd.s32 $0xFFFFE000  }
0xb8: {  	_ =	swait.ge [sflag:s22], $0x2000  }
0xb9: {  	[sflag:s22] =	ssyncset.done $0x0  }
0xba: {  	[sflag:s22] =	ssyncadd.s32 $0xFFFFE000  }
0xbb: {  	s11 =	rddreg [dreg:$0x16]  }
0xbc: {  	[tilespmem:s1], [sflag:$0x1] =	stream.indirect.gather [hbm4b:s4+s29], $0x40, s11, s29, $0xb8;
	[tilespmem:$0x1F000] =	vst v63  }
0xbd: {  	_ =	swait.ge [sflag:s31], $0x2000  }
0xbe: {  	s7 =	rddreg [dreg:$0x13]  }
0xbf: {  	p1 =	sne.s32 s7, $0x1  }
.Ltmp4:
0xc0: {  	[sflag:s31] =	ssyncset.done $0x0;
	(pc) =	sbr.rel @!p1 .LBB2_6-.Ltmp4, $4  }
0xc1: {  	s18 =	rddreg [dreg:$0x17];
	[sflag:s31] =	ssyncadd.s32 $0xFFFFE000  }
0xc2: {  	[spmem:s2] =	stream.indirect.scatter.add.f32 [tilespmem:s1], [sflag:$0x9], $0x40, s18, s29, $0xb8;
	[tilespmem:$0x1F000] =	vst v63  }
0xc3: {  	_ =	swait.ge [sflag:s10], $0x2000  }
0xc4: {  	s7 =	sadd.s32 $0xFFFFFFFF, s7;
	[sflag:s10] =	ssyncset.done $0x0  }
.LBB2_5:
0xc5: {  	[sflag:s10] =	ssyncadd.s32 $0xFFFFE000;
	s11 =	sadd.s32 $0x80, s11;
	s18 =	sadd.s32 $0x80, s18  }
0xc6: {  	[tilespmem:s1], [sflag:$0x1] =	stream.indirect.gather [hbm4b:s4+s29], $0x40, s11, s29, $0xb8;
	[tilespmem:$0x1F000] =	vst v63  }
0xc7: {  	p1 =	sne.s32 s7, $0x1;
	s7 =	sadd.s32 $0xFFFFFFFF, s7;
	_ =	swait.ge [sflag:s31], $0x2000  }
.Ltmp5:
0xc8: {  	[sflag:s31] =	ssyncset.done $0x0;
	(pc) =	sbr.rel @p1 .LBB2_5-.Ltmp5, $4  }
0xc9: {  	[sflag:s31] =	ssyncadd.s32 $0xFFFFE000  }
0xca: {  	[spmem:s2] =	stream.indirect.scatter.add.f32 [tilespmem:s1], [sflag:$0x9], $0x40, s18, s29, $0xb8;
	[tilespmem:$0x1F000] =	vst v63  }
0xcb: {  	_ =	swait.ge [sflag:s10], $0x2000  }
0xcc: {  	[sflag:s10] =	ssyncset.done $0x0  }
.Ltmp6:
0xcd: {  	_ = 	snop;
	(pc) =	sbr.rel .LBB2_6-.Ltmp6, $1  }
0xce: {  	_ =	sdelay $0x3  }
.LBB2_8:
0xcf: {  	_ =	sfence.sel $0x180000  }
0xd0: {  	[bflag:$0x0] =	sbarrier.arrive $0xFFFF  }
0xd1: {  	_ =	strace $0x9000004A  }
0xd2: {  	s0 =	stileid.u32;
	[bflag:$0x2] =	sbarrier.arrive $0xFFFF  }
0xd3: {  	p0 =	sne.s32 s0, $0x0;
	s0 =	rddreg [dreg:$0x3]  }
0xd4: {  	s0 =	sadd.s32 @!p0 $0x100000, s0  }
0xd5: {  	[sflag:s0] =	ssyncadd.tile.s32 @!p0 $0x1;
	_ =	shalt  }
.Lfunc_end2:
_tile_overlayer_lowered:
.L_overlay_start_2:
0xd6: {  	(tag) =	ssettag $0x2  }
0xd7: {  	s0 =	rddreg [dreg:$0x0];
	s2 =	stileid.u32  }
0xd8: {  	s1 =	rddreg [dreg:$0x1];
	p0 =	sne.s32 s2, $0x0  }
0xd9: {  	s3 =	rddreg [dreg:$0x2];
	[bflag:$0x3] =	sbarrier.arrive $0xFFFF;
	s2 =	simm.s32 @!p0 $0x1C14  }
0xda: {  	[timem:s3], [sflag:s2] =	dma.local @!p0 [hbm:s0], s1  }
0xdb: {  	s0 =	simm.s32 @!p0 $0x14  }
0xdc: {  	_ =	swait.ge @!p0 [sflag:s0], s1  }
0xdd: {  	s1 =	ssub.s32 @!p0 $0x0, s1;
	[sflag:s0] =	ssyncset.done @!p0 $0x0  }
0xde: {  	[sflag:s0] =	ssyncadd.s32 @!p0 s1  }
0xdf: {  	[bflag:$0x3] =	sbarrier.arrive $0xFFFF  }
0xe0: {  	_ =	shalt  }

// kernel: kernel.18.cloned.1.call-start
scs
__scs_entry_jumppad:
0x0: {  	(pc) =	sbr.rel $0x88, $3  }
0x1: {  	(tag) =	ssettag $0x0;
	lr =	simm.s32 $0x1  }
0x2: {  	[smem:$0x3F9B] =	sst lr;
	_ =	strace $0xD0000000  }
0x3: {  	_ = 	snop  }
0x4: {  	_ = 	snop  }
0x5: {  	_ = 	snop  }
0x6: {  	_ = 	snop  }
0x7: {  	_ = 	snop  }
__scs_overlays_trampoline_lowered:
0x8: {  	[smem:$0x3FAA] =	sst s0  }
0x9: {  	[smem:$0x3FAB] =	sst s1  }
0xa: {  	[smem:$0x3FAC] =	sst s2  }
0xb: {  	[smem:$0x3FAD] =	sst s3  }
0xc: {  	[smem:$0x3FAE] =	sst s4  }
0xd: {  	[smem:$0x3FAF] =	sst s5  }
0xe: {  	[smem:$0x3FB0] =	sst s6  }
0xf: {  	[smem:$0x3FB1] =	sst s7  }
0x10: {  	[smem:$0x3FB2] =	sst s8  }
0x11: {  	[smem:$0x3FB3] =	sst s9;
	s0 =	simm.s32 @!p0 $0x0  }
0x12: {  	s1 =	sld [smem:$0x3F99];
	s0 =	simm.s32 @p0 $0x1  }
0x13: {  	[smem:$0x3FB4] =	sst s0;
	s0 =	simm.s32 @!p1 $0x0  }
0x14: {  	s2 =	sld [smem:$0x3F98];
	s0 =	simm.s32 @p1 $0x1  }
0x15: {  	[smem:$0x3FB5] =	sst s0;
	s0 =	simm.s32 @!p2 $0x0  }
0x16: {  	s3 =	sld [smem:$0x3FDB];
	s0 =	simm.s32 @p2 $0x1  }
0x17: {  	s4 =	simm.s32 $0x1BF5;
	[smem:$0x3FB7] =	sst s0  }
0x18: {  	s0 =	sld [smem:$0x3F9A];
	_ =	swait.ge [sflag:s4], $0x0  }
0x19: {  	s7 =	sld [smem:$0x3F9B]  }
0x1a: {  	s8 =	sadd.s32 $0xFFFFE003, lr  }
0x1b: {  	s9 =	sadd.s32 $0xFFFFFEF7, lr;
	s5 =	simm.s32 $0xFFFFFFFF;
	p2 =	slt.u32 s8, $0xFFFFF086  }
0x1c: {  	p1 =	slt.u32 s9, $0xF7A;
	s5 =	simm.s32 @!p2 $0x0  }
0x1d: {  	s5 =	simm.s32 @p1 $0x1;
	p0 =	seq.s32 s7, s2  }
0x1e: {  	s7 =	smul.u32 @!p0 $0xF7A, s2;
	p2 =	seq.s32 @!p0 s5, $0x0  }
0x1f: {  	s9 =	smul.u32 $0xF7A, s1;
	s8 =	simm.s32 @!p0 $0x1BF5;
	p2 =	por !p2, p0  }
0x20: {  	[sflag:s8] =	ssyncset.s32 @!p0 $0xFFFFF086;
	s6 =	sadd.s32 @!p0 s3, s7;
	s7 =	simm.s32 @!p0 $0x108  }
0x21: {  	s3 =	sadd.s32 s3, s9;
	s6 =	sadd.s32 @!p0 $0x88, s6;
	s7 =	simm.s32 @p2 $0x1082  }
0x22: {  	[simem:s7], [sflag:s8] =	dma.local @!p0 [hbm:s6], $0xF7A  }
0x23: {  	s9 =	sor.u32 $0xD0000000, s2;
	s6 =	simm.s32 $0x108;
	_ =	swait.ge @!p0 [sflag:s8], $0x0  }
0x24: {  	s3 =	sadd.s32 $0x88, s3;
	s6 =	simm.s32 @!p1 $0x1082;
	[sflag:s4] =	ssyncset.s32 $0xFFFFF086  }
0x25: {  	[simem:s6], [sflag:s4] =	dma.local [hbm:s3], $0xF7A  }
0x26: {  	[smem:$0x3F9B] =	sst s1;
	(tag) =	ssettag s2;
	_ =	strace s9  }
0x27: {  	s1 =	sld [smem:$0x3FAB]  }
0x28: {  	s2 =	sld [smem:$0x3FAC]  }
0x29: {  	s4 =	sld [smem:$0x3FAE]  }
0x2a: {  	p0 =	seq.s32 s5, $0x0;
	s5 =	sld [smem:$0x3FAF]  }
0x2b: {  	s6 =	sld [smem:$0x3FB0]  }
0x2c: {  	s7 =	sld [smem:$0x3FB1]  }
0x2d: {  	s3 =	simm.s32 $0x108;
	s8 =	sld [smem:$0x3FB2]  }
0x2e: {  	s3 =	simm.s32 @!p0 $0x1082;
	s9 =	sld [smem:$0x3FB3]  }
0x2f: {  	lr =	sadd.s32 s0, s3;
	s0 =	sld [smem:$0x3FAA]  }
0x30: {  	s3 =	sld [smem:$0x3FAD]  }
0x31: {  	[smem:$0x3FB6] =	sst s10  }
0x32: {  	s10 =	sld [smem:$0x3FB4];
	_ =	sdelay $0x3  }
0x33: {  	p0 =	seq.s32 s10, $0x1;
	s10 =	sld [smem:$0x3FB6];
	_ =	sdelay $0x3  }
0x34: {  	[smem:$0x3FB6] =	sst s10  }
0x35: {  	s10 =	sld [smem:$0x3FB5];
	_ =	sdelay $0x3  }
0x36: {  	p1 =	seq.s32 s10, $0x1;
	s10 =	sld [smem:$0x3FB6];
	_ =	sdelay $0x3  }
0x37: {  	[smem:$0x3FB6] =	sst s10  }
0x38: {  	s10 =	sld [smem:$0x3FB7]  }
0x39: {  	_ = 	snop;
	(pc) =	sbr.ind lr, $3  }
0x3a: {  	_ = 	snop  }
0x3b: {  	_ = 	snop  }
0x3c: {  	p2 =	seq.s32 s10, $0x1;
	s10 =	sld [smem:$0x3FB6]  }
0x3d: {  	_ =	shalt  }
0x3e: {  	_ =	shalt  }
0x3f: {  	_ =	shalt  }
0x40: {  	_ =	shalt  }
0x41: {  	_ =	shalt  }
0x42: {  	_ =	shalt  }
0x43: {  	_ =	shalt  }
0x44: {  	_ =	shalt  }
0x45: {  	_ =	shalt  }
0x46: {  	_ =	shalt  }
0x47: {  	_ =	shalt  }
0x48: {  	_ =	shalt  }
0x49: {  	_ =	shalt  }
0x4a: {  	_ =	shalt  }
0x4b: {  	_ =	shalt  }
0x4c: {  	_ =	shalt  }
0x4d: {  	_ =	shalt  }
0x4e: {  	_ =	shalt  }
0x4f: {  	_ =	shalt  }
0x50: {  	_ =	shalt  }
0x51: {  	_ =	shalt  }
0x52: {  	_ =	shalt  }
0x53: {  	_ =	shalt  }
0x54: {  	_ =	shalt  }
0x55: {  	_ =	shalt  }
0x56: {  	_ =	shalt  }
0x57: {  	_ =	shalt  }
0x58: {  	_ =	shalt  }
0x59: {  	_ =	shalt  }
0x5a: {  	_ =	shalt  }
0x5b: {  	_ =	shalt  }
0x5c: {  	_ =	shalt  }
0x5d: {  	_ =	shalt  }
0x5e: {  	_ =	shalt  }
0x5f: {  	_ =	shalt  }
0x60: {  	_ =	shalt  }
0x61: {  	_ =	shalt  }
0x62: {  	_ =	shalt  }
0x63: {  	_ =	shalt  }
0x64: {  	_ =	shalt  }
0x65: {  	_ =	shalt  }
0x66: {  	_ =	shalt  }
0x67: {  	_ =	shalt  }
0x68: {  	_ =	shalt  }
0x69: {  	_ =	shalt  }
0x6a: {  	_ =	shalt  }
0x6b: {  	_ =	shalt  }
0x6c: {  	_ =	shalt  }
0x6d: {  	_ =	shalt  }
0x6e: {  	_ =	shalt  }
0x6f: {  	_ =	shalt  }
0x70: {  	_ =	shalt  }
0x71: {  	_ =	shalt  }
0x72: {  	_ =	shalt  }
0x73: {  	_ =	shalt  }
0x74: {  	_ =	shalt  }
0x75: {  	_ =	shalt  }
0x76: {  	_ =	shalt  }
0x77: {  	_ =	shalt  }
0x78: {  	_ =	shalt  }
0x79: {  	_ =	shalt  }
0x7a: {  	_ =	shalt  }
0x7b: {  	_ =	shalt  }
0x7c: {  	_ =	shalt  }
0x7d: {  	_ =	shalt  }
0x7e: {  	_ =	shalt  }
0x7f: {  	_ =	shalt  }
0x80: {  	_ =	shalt  }
0x81: {  	_ =	shalt  }
0x82: {  	_ =	shalt  }
0x83: {  	_ =	shalt  }
0x84: {  	_ =	shalt  }
0x85: {  	_ =	shalt  }
0x86: {  	_ =	shalt  }
0x87: {  	_ =	shalt  }
.Lfunc_end0:
.L_simem_size_0:
called_computation.2_lowered:
.L_overlay_start_0:
0x88: {  	s2 =	sld [smem:$0x3FD9]  }
0x89: {  	s3 =	sld [smem:$0x3FFE];
	_ =	sdelay $0x1  }
0x8a: {  	s1 =	srdreg.scid  }
0x8b: {  	s0 =	sand.u32 $0x1, s1  }
0x8c: {  	s17 =	sshll.u32 s0, $0xA;
	s2 =	sadd.s32 s3, s2  }
0x8d: {  	s2 =	sadd.s32 s2, s17  }
0x8e: {  	[smem:$0x3FC2] =	sst s2  }
0x8f: {  	_ = 	snop  }
0x90: {  	s2 =	sld [smem:$0x3FD0];
	(tm) =	ssettm $0x1  }
0x91: {  	s18 =	sld [smem:$0x3FFB];
	_ =	sdelay $0x3  }
0x92: {  	_ =	strace s18  }
0x93: {  	s3 =	sld [smem:$0x3FFC];
	_ =	sdelay $0x3  }
0x94: {  	_ =	strace s3  }
0x95: {  	s3 =	sld [smem:$0x3FFD];
	_ =	sdelay $0x3  }
0x96: {  	_ =	strace s3  }
0x97: {  	_ =	strace $0x8FFFFFFF  }
0x98: {  	s19 =	sld [smem:$0x3FDB];
	_ =	sdelay $0x1  }
0x99: {  	s4 =	simm.s32 $_scs_section_size  }
0x9a: {  	s5 =	simm.s32 $_size__tile_overlayer_lowered;
	s6 =	simm.s32 $_tile_overlayer_lowered  }
0x9b: {  	s22 =	simm.s32 $0x1BFF;
	s21 =	sshll.u32 s6, $0x1;
	s3 =	sadd.s32 s4, s19  }
0x9c: {  	s7 =	simm.s32 $0x0;
	s20 =	sshll.u32 s5, $0x1;
	s5 =	sadd.s32 s21, s3  }
0x9d: {  	[timem:s7], [sflag:s22] =	dma.local [hbm:s5], s20  }
0x9e: {  	_ =	swait.ge [sflag:s22], s20  }
0x9f: {  	s4 =	ssub.s32 $0x0, s20;
	[sflag:s22] =	ssyncset.done $0x0  }
0xa0: {  	[sflag:s22] =	ssyncadd.s32 s4;
	_ =	sdelay $0x1  }
0xa1: {  	s23 =	simm.s32 $0x1B8B  }
0xa2: {  	_ =	swait.ge [sflag:s23], $0x1  }
0xa3: {  	[sflag:s23] =	ssyncset.done $0x0  }
0xa4: {  	s25 =	simm.s32 $0x1B8E;
	s24 =	sld [smem:$0x3FFE];
	[sflag:s23] =	ssyncadd.s32 $0xFFFFFFFF  }
0xa5: {  	s26 =	simm.s32 $execute0_lowered;
	[smem:$0x3FD2] =	sst s25  }
0xa6: {  	s5 =	sshll.u32 s26, $0x1;
	_ =	strace $0x8000004C;
	[dreg:$0x1] =	wrdreg $0xFFFFFFFF  }
0xa7: {  	s28 =	simm.s32 $_size_execute0_lowered;
	s3 =	sadd.s32 s3, s5;
	[dreg:$0x0] =	wrdreg $0x0  }
0xa8: {  	s5 =	sshll.u32 s28, $0x1;
	[dreg:$0x2] =	wrdreg s3  }
0xa9: {  	[dreg:$0x3] =	wrdreg s5  }
0xaa: {  	[dreg:$0x4] =	wrdreg $0xC0  }
0xab: {  	_ =	task [dreg:s7], $0x5FFFF  }
0xac: {  	[dreg:$0x1] =	wrdreg $0xFFFFFFFF  }
0xad: {  	[dreg:$0x0] =	wrdreg $0x60  }
0xae: {  	[dreg:$0x2] =	wrdreg s24  }
0xaf: {  	[dreg:$0x3] =	wrdreg s2  }
0xb0: {  	[dreg:$0x4] =	wrdreg $0x150000  }
0xb1: {  	[dreg:$0x5] =	wrdreg $0x9  }
0xb2: {  	_ =	task.clear_ibuf [dreg:s7], $0x6FFFF;
	_ =	strace $0x9000004C  }
0xb3: {  	s29 =	simm.s32 $0x9;
	_ =	strace $0x8000004E  }
0xb4: {  	_ =	swait.ge [sflag:s29], $0x1  }
0xb5: {  	[sflag:s29] =	ssyncadd.s32 $0xFFFFFFFF  }
0xb6: {  	_ =	strace $0x9000004E  }
0xb7: {  	_ =	sfence  }
0xb8: {  	s30 =	sld [smem:$0x0];
	_ =	sdelay $0x2  }
0xb9: {  	s31 =	sshll.u32 s1, $0xD;
	s1 =	sshrl.u32 s1, $0x2  }
0xba: {  	s3 =	sand.u32 $0x4000, s31;
	s1 =	sadd.s32 s1, s30  }
0xbb: {  	s0 =	sor.u32 s3, s0;
	s1 =	sshll.u32 s1, $0x11  }
0xbc: {  	s0 =	sor.u32 s1, s0  }
0xbd: {  	s0 =	sadd.s32 $0x8F2B, s0  }
0xbe: {  	[sflag:s0] =	ssyncadd.remote.s32 $0x1  }
0xbf: {  	_ =	sfence.sel $0xFFFF  }
0xc0: {  	[dreg:$0x0] =	wrdreg $0xFFFFFFFF;
	(pc) =	sbr.abs _section_cstart, $3  }
0xc1: {  	[dreg:$0x1] =	wrdreg $0xFFFFFFFF  }
0xc2: {  	_ =	task.clear_ibuf [dreg:s7], $0x2FFFF;
	_ =	strace $0x9FFFFFFF  }
0xc3: {  	(tm) =	ssettm $0x7FFFFFFF  }
tec
execute0_lowered:
.L_overlay_start_1:
0x0: {  	(tag) =	ssettag $0x1  }
0x1: {  	s0 =	srdreg.scid;
	s1 =	rddreg [dreg:$0x0]  }
0x2: {  	s11 =	stileid.u32;
	s3 =	rddreg [dreg:$0x1];
	s14 =	simm.s32 $0x0  }
0x3: {  	s29 =	simm.s32 $0x80;
	s30 =	simm.s32 $0x13000;
	s6 =	smul.u32 $0xA000, s11  }
0x4: {  	s31 =	simm.s32 $0x1;
	s0 =	sand.u32 $0x1, s0;
	s21 =	smul.u32 $0xA0, s11  }
0x5: {  	s2 =	sshll.u32 s11, $0x1;
	[smem:$0x7FF] =	sst s14;
	s23 =	smul.u32 $0xFFFFFF60, s11  }
0x6: {  	s17 =	sshll.u32 s11, $0x6;
	s4 =	sor.u32 s0, s2;
	s7 =	smul.u32 $0xA0000, s0  }
0x7: {  	s2 =	rddreg [dreg:$0x2];
	_ =	strace $0x8000004D;
	s18 =	smul.u32 $0xFFFFFFB0, s0  }
0x8: {  	s10 =	ssub.s32 $0x2, s0;
	[dreg:$0xe] =	wrdreg s17;
	s0 =	smul.u32 $0x50, s0  }
0x9: {  	s5 =	smul.u32 $0x50, s4;
	s4 =	sadd.s32 $0x17400, s1;
	s16 =	sadd.s32 s6, s2  }
0xa: {  	s15 =	sshrl.u32 s10, $0x1;
	s7 =	sadd.s32 s6, s7;
	[dreg:$0xc] =	wrdreg s16  }
0xb: {  	s6 =	sshrl.u32 s6, $0x3;
	s0 =	sadd.s32 s0, s21;
	s21 =	simm.s32 $0x9000  }
0xc: {  	s8 =	smin.u32 s5, $0x974;
	s3 =	sadd.s32 s3, s6;
	[dreg:$0x7] =	wrdreg s21  }
0xd: {  	s7 =	sshrl.u32 s7, $0x3;
	s6 =	sor.u32 $0x1C13, s17;
	[dreg:$0xd] =	wrdreg s3  }
0xe: {  	s24 =	smin.u32 s0, $0x974;
	s9 =	sshll.u32 s8, $0x4;
	[dreg:$0xf] =	wrdreg s6  }
0xf: {  	s20 =	ssub.s32 s5, s8;
	s5 =	ssub.s32 $0x9C4, s5;
	s3 =	sadd.s32 s23, s18  }
0x10: {  	s8 =	ssub.s32 s0, s24;
	s23 =	simm.s32 $0xD000;
	s6 =	simm.s32 $0x6  }
0x11: {  	s9 =	sadd.s32 s9, s1;
	s1 =	sadd.s32 s7, s1;
	s7 =	ssub.s32 s10, s15  }
0x12: {  	s19 =	sshll.u32 s20, $0x7;
	s5 =	smin.u32 s5, $0x50;
	s3 =	sadd.s32 $0x9C4, s3  }
0x13: {  	s25 =	sshll.u32 s8, $0x9;
	s18 =	sshll.u32 s8, $0x7;
	s20 =	simm.s32 $0x7000  }
0x14: {  	[dreg:$0x9] =	wrdreg s23;
	s8 =	simm.s32 $0x7;
	s22 =	sadd.s32 $0xD600, s9  }
0x15: {  	s9 =	sadd.s32 $0x3800, s9;
	s12 =	sor.u32 $0x80, s19;
	s13 =	sor.u32 $0x100, s19  }
0x16: {  	s14 =	sor.u32 $0x180, s19;
	s15 =	sadd.s32 $0x200, s19;
	[dreg:$0x6] =	wrdreg s20  }
0x17: {  	s3 =	smin.u32 s3, $0x50;
	s16 =	sadd.s32 $0x280, s19;
	[dreg:$0x10] =	wrdreg s22  }
0x18: {  	s17 =	sadd.s32 $0x300, s19;
	s1 =	sadd.s32 $0x3E800, s1;
	[dreg:$0x11] =	wrdreg s9  }
0x19: {  	s5 =	sand.u32 $0x4, s5;
	s10 =	smax.u32 s7, $0x1;
	[dreg:$0x12] =	wrdreg s1  }
0x1a: {  	s9 =	sshra.s32 s25, $0x2;
	s26 =	sshll.u32 s3, $0x9;
	[dreg:$0x14] =	wrdreg s10  }
0x1b: {  	s11 =	sand.u32 $0x70, s3;
	s22 =	simm.s32 $0xB000;
	s25 =	simm.s32 $0xF000  }
0x1c: {  	p0 =	seq.s32 s5, $0x0;
	s1 =	simm.s32 $0x5000;
	[dreg:$0x4] =	wrdreg s9  }
0x1d: {  	s5 =	simm.s32 $0x5;
	s10 =	simm.s32 $0x9;
	[dreg:$0x8] =	wrdreg s22  }
0x1e: {  	s28 =	sand.u32 $0xE000, s26;
	s9 =	sand.u32 $0x4, s3;
	[dreg:$0xa] =	wrdreg s25  }
0x1f: {  	s0 =	sadd.s32 s11, s0;
	s3 =	sor.u32 $0x180, s18;
	[dreg:$0x5] =	wrdreg s28  }
0x20: {  	s22 =	simm.s32 $0x10;
	s25 =	simm.s32 $0x14;
	[dreg:$0x13] =	wrdreg s9  }
.Ltmp0:
0x21: {  	[dreg:$0x15] =	wrdreg s3;
	s0 =	ssub.s32 s0, s24;
	(pc) =	sbr.rel .LBB2_1-.Ltmp0, $4  }
0x22: {  	s28 =	simm.s32 $0x11000;
	s3 =	simm.s32 $0x4;
	s0 =	sshll.u32 s0, $0x9  }
0x23: {  	s9 =	simm.s32 $0x8;
	[dreg:$0xb] =	wrdreg s28;
	s24 =	sshra.s32 s0, $0x2  }
0x24: {  	s0 =	simm.s32 $0x2;
	[dreg:$0x16] =	wrdreg s24;
	s26 =	sadd.s32 $0x2800, s24  }
0x25: {  	s24 =	simm.s32 $0x3;
	[dreg:$0x17] =	wrdreg s26;
	s26 =	simm.s32 $0x0  }
.LBB2_6:
0x26: {  	[sflag:s10] =	ssyncadd.s32 $0xFFFFE000  }
.LBB2_7:
0x27: {  	[bflag:$0x0] =	sbarrier.arrive $0xFFFF  }
0x28: {  	s7 =	rddreg [dreg:$0xe]  }
0x29: {  	s11 =	rddreg [dreg:$0x12];
	s7 =	sor.u32 $0x1C14, s7  }
0x2a: {  	[hbm:s11], [sflag:s7] =	dma.local [spmem:s28], $0x1400  }
0x2b: {  	_ =	swait.ge [sflag:s25], $0x1400  }
0x2c: {  	s26 =	sadd.s32 $0x1, s26;
	s28 =	rddreg [dreg:$0x14]  }
0x2d: {  	p1 =	sne.s32 s26, s28  }
.Ltmp1:
0x2e: {  	_ = 	snop;
	(pc) =	sbr.rel @!p1 .LBB2_8-.Ltmp1, $3  }
0x2f: {  	_ =	sdelay $0x1  }
0x30: {  	[sflag:s25] =	ssyncset.done $0x0  }
0x31: {  	[sflag:s25] =	ssyncadd.s32 $0xFFFFEC00  }
.LBB2_1:
0x32: {  	s7 =	rddreg [dreg:$0xc]  }
0x33: {  	s20 =	rddreg [dreg:$0xd]  }
0x34: {  	s11 =	rddreg [dreg:$0xf];
	s28 =	sshrl.u32 s7, $0x3  }
0x35: {  	[spmem:s28], [sflag:s11] =	dma.local [hbm:s20], $0x1400  }
0x36: {  	s21 =	simm.s32 $0x0;
	s11 =	rddreg [dreg:$0x10]  }
0x37: {  	[tilespmem:s21], [sflag:$0x11] =	stream.linear.gather [hbm4b:s11+s21], $0x2800, $0x38;
	[tilespmem:$0x1F000] =	vst v63  }
0x38: {  	s18 =	simm.s32 $0x2800;
	s20 =	simm.s32 $0x13;
	s23 =	rddreg [dreg:$0x11]  }
0x39: {  	[tilespmem:s18], [sflag:$0x12] =	stream.linear.gather [hbm4b:s23+s21], $0x2800, $0x38;
	[tilespmem:$0x1F000] =	vst v63  }
0x3a: {  	_ =	swait.ge [sflag:s20], $0x1400  }
0x3b: {  	[sflag:s20] =	ssyncset.done $0x0  }
0x3c: {  	s21 =	simm.s32 $0x11;
	[sflag:s20] =	ssyncadd.s32 $0xFFFFEC00  }
0x3d: {  	_ =	swait.ge [sflag:s21], $0x2800  }
0x3e: {  	[sflag:s21] =	ssyncset.done $0x0  }
0x3f: {  	s23 =	simm.s32 $0x12;
	[sflag:s21] =	ssyncadd.s32 $0xFFFFD800  }
0x40: {  	_ =	swait.ge [sflag:s23], $0x2800  }
0x41: {  	[sflag:s23] =	ssyncset.done $0x0  }
0x42: {  	[sflag:s23] =	ssyncadd.s32 $0xFFFFD800  }
0x43: {  	[bflag:$0x0] =	sbarrier.arrive $0xFFFF  }
0x44: {  	s18 =	simm.s32 $0x0;
	s7 =	rddreg [dreg:$0x15]  }
.LBB2_2:
0x45: {  	p1 =	sne.s32 s18, $0x0  }
0x46: {  	s11 =	simm.s32 @p1 $0x9  }
0x47: {  	_ =	swait.ge @p1 [sflag:s11], $0x2000  }
0x48: {  	[sflag:s11] =	ssyncset.done @p1 $0x0  }
0x49: {  	s20 =	rddreg [dreg:$0x4];
	[sflag:s11] =	ssyncadd.s32 @p1 $0xFFFFE000;
	s11 =	sshra.s32 @p1 s18, $0x2  }
0x4a: {  	s21 =	simm.s32 @p1 $0x5000;
	s11 =	sadd.s32 @p1 s11, s20;
	s20 =	simm.s32 @p1 $0x80  }
0x4b: {  	[tilespmem:s21], [sflag:$0x1] =	stream.indirect.gather @p1 [hbm4b:s4+s20], $0x40, s11, s20, $0xb8;
	[tilespmem:$0x1F000] =	vst v63  }
0x4c: {  	s21 =	simm.s32 @p1 $0xA  }
0x4d: {  	_ =	swait.ge @p1 [sflag:s21], $0x2000  }
0x4e: {  	[sflag:s21] =	ssyncset.done @p1 $0x0  }
0x4f: {  	s23 =	simm.s32 @p1 $0x7000;
	[sflag:s21] =	ssyncadd.s32 @p1 $0xFFFFE000;
	s21 =	sadd.s32 @p1 $0x80, s11  }
0x50: {  	[tilespmem:s23], [sflag:$0x2] =	stream.indirect.gather @p1 [hbm4b:s4+s20], $0x40, s21, s20, $0xb8;
	[tilespmem:$0x1F000] =	vst v63  }
0x51: {  	s21 =	simm.s32 @p1 $0xB  }
0x52: {  	_ =	swait.ge @p1 [sflag:s21], $0x2000  }
0x53: {  	[sflag:s21] =	ssyncset.done @p1 $0x0  }
0x54: {  	s23 =	simm.s32 @p1 $0x9000;
	[sflag:s21] =	ssyncadd.s32 @p1 $0xFFFFE000;
	s21 =	sadd.s32 @p1 $0x100, s11  }
0x55: {  	[tilespmem:s23], [sflag:$0x3] =	stream.indirect.gather @p1 [hbm4b:s4+s20], $0x40, s21, s20, $0xb8;
	[tilespmem:$0x1F000] =	vst v63  }
0x56: {  	s21 =	simm.s32 @p1 $0xC  }
0x57: {  	_ =	swait.ge @p1 [sflag:s21], $0x2000  }
0x58: {  	[sflag:s21] =	ssyncset.done @p1 $0x0  }
0x59: {  	s23 =	simm.s32 @p1 $0xB000;
	[sflag:s21] =	ssyncadd.s32 @p1 $0xFFFFE000;
	s21 =	sadd.s32 @p1 $0x180, s11  }
0x5a: {  	[tilespmem:s23], [sflag:$0x4] =	stream.indirect.gather @p1 [hbm4b:s4+s20], $0x40, s21, s20, $0xb8;
	[tilespmem:$0x1F000] =	vst v63  }
0x5b: {  	s21 =	simm.s32 @p1 $0xD  }
0x5c: {  	_ =	swait.ge @p1 [sflag:s21], $0x2000  }
0x5d: {  	[sflag:s21] =	ssyncset.done @p1 $0x0  }
0x5e: {  	s23 =	simm.s32 @p1 $0xD000;
	[sflag:s21] =	ssyncadd.s32 @p1 $0xFFFFE000;
	s21 =	sadd.s32 @p1 $0x200, s11  }
0x5f: {  	[tilespmem:s23], [sflag:$0x5] =	stream.indirect.gather @p1 [hbm4b:s4+s20], $0x40, s21, s20, $0xb8;
	[tilespmem:$0x1F000] =	vst v63  }
0x60: {  	s21 =	simm.s32 @p1 $0xE  }
0x61: {  	_ =	swait.ge @p1 [sflag:s21], $0x2000  }
0x62: {  	[sflag:s21] =	ssyncset.done @p1 $0x0  }
0x63: {  	s23 =	simm.s32 @p1 $0xF000;
	[sflag:s21] =	ssyncadd.s32 @p1 $0xFFFFE000;
	s21 =	sadd.s32 @p1 $0x280, s11  }
0x64: {  	[tilespmem:s23], [sflag:$0x6] =	stream.indirect.gather @p1 [hbm4b:s4+s20], $0x40, s21, s20, $0xb8;
	[tilespmem:$0x1F000] =	vst v63  }
0x65: {  	s21 =	simm.s32 @p1 $0xF  }
0x66: {  	_ =	swait.ge @p1 [sflag:s21], $0x2000  }
0x67: {  	[sflag:s21] =	ssyncset.done @p1 $0x0  }
0x68: {  	s11 =	sadd.s32 @p1 $0x300, s11;
	[sflag:s21] =	ssyncadd.s32 @p1 $0xFFFFE000;
	s21 =	simm.s32 @p1 $0x11000  }
0x69: {  	[tilespmem:s21], [sflag:$0x7] =	stream.indirect.gather @p1 [hbm4b:s4+s20], $0x40, s11, s20, $0xb8;
	[tilespmem:$0x1F000] =	vst v63  }
0x6a: {  	s11 =	simm.s32 @p1 $0x10  }
0x6b: {  	_ =	swait.ge @p1 [sflag:s11], $0x2000  }
0x6c: {  	[sflag:s11] =	ssyncset.done @p1 $0x0  }
0x6d: {  	s20 =	simm.s32 @!p1 $0x5000;
	[sflag:s11] =	ssyncadd.s32 @p1 $0xFFFFE000;
	s11 =	simm.s32 @!p1 $0x80  }
0x6e: {  	[tilespmem:s20], [sflag:$0x1] =	stream.indirect.gather @!p1 [hbm4b:s4+s11], $0x40, s19, s11, $0xb8;
	[tilespmem:$0x1F000] =	vst v63  }
0x6f: {  	s20 =	simm.s32 @!p1 $0x7000  }
0x70: {  	[tilespmem:s20], [sflag:$0x2] =	stream.indirect.gather @!p1 [hbm4b:s4+s11], $0x40, s12, s11, $0xb8;
	[tilespmem:$0x1F000] =	vst v63  }
0x71: {  	s20 =	simm.s32 @!p1 $0x9000  }
0x72: {  	[tilespmem:s20], [sflag:$0x3] =	stream.indirect.gather @!p1 [hbm4b:s4+s11], $0x40, s13, s11, $0xb8;
	[tilespmem:$0x1F000] =	vst v63  }
0x73: {  	s20 =	simm.s32 @!p1 $0xB000  }
0x74: {  	[tilespmem:s20], [sflag:$0x4] =	stream.indirect.gather @!p1 [hbm4b:s4+s11], $0x40, s14, s11, $0xb8;
	[tilespmem:$0x1F000] =	vst v63  }
0x75: {  	s20 =	simm.s32 @!p1 $0xD000  }
0x76: {  	[tilespmem:s20], [sflag:$0x5] =	stream.indirect.gather @!p1 [hbm4b:s4+s11], $0x40, s15, s11, $0xb8;
	[tilespmem:$0x1F000] =	vst v63  }
0x77: {  	s20 =	simm.s32 @!p1 $0xF000  }
0x78: {  	[tilespmem:s20], [sflag:$0x6] =	stream.indirect.gather @!p1 [hbm4b:s4+s11], $0x40, s16, s11, $0xb8;
	[tilespmem:$0x1F000] =	vst v63  }
0x79: {  	s21 =	simm.s32 @!p1 $0x11000  }
0x7a: {  	[tilespmem:s21], [sflag:$0x7] =	stream.indirect.gather @!p1 [hbm4b:s4+s11], $0x40, s17, s11, $0xb8;
	[tilespmem:$0x1F000] =	vst v63  }
0x7b: {  	s20 =	sadd.s32 @p1 $0xFFFFFE80, s7;
	s11 =	smov.u32 s19  }
0x7c: {  	s11 =	smov.u32 @p1 s20  }
0x7d: {  	s20 =	sadd.s32 $0x380, s11  }
0x7e: {  	[tilespmem:s30], [sflag:$0x8] =	stream.indirect.gather [hbm4b:s4+s29], $0x40, s20, s29, $0xb8;
	[tilespmem:$0x1F000] =	vst v63  }
0x7f: {  	_ =	swait.ge [sflag:s31], $0x2000  }
0x80: {  	[sflag:s31] =	ssyncset.done $0x0  }
0x81: {  	s21 =	sadd.s32 $0x2800, s11;
	[sflag:s31] =	ssyncadd.s32 $0xFFFFE000  }
0x82: {  	[spmem:s2] =	stream.indirect.scatter.add.f32 [tilespmem:s1], [sflag:$0x9], $0x40, s21, s29, $0xb8;
	[tilespmem:$0x1F000] =	vst v63  }
0x83: {  	s20 =	sadd.s32 @p1 $0xFFFFFF00, s7;
	s21 =	smov.u32 s12;
	_ =	swait.ge [sflag:s0], $0x2000  }
0x84: {  	s21 =	smov.u32 @p1 s20;
	[sflag:s0] =	ssyncset.done $0x0  }
0x85: {  	s23 =	rddreg [dreg:$0x6];
	s20 =	sadd.s32 $0x2800, s21;
	[sflag:s0] =	ssyncadd.s32 $0xFFFFE000  }
0x86: {  	[spmem:s2] =	stream.indirect.scatter.add.f32 [tilespmem:s23], [sflag:$0xA], $0x40, s20, s29, $0xb8;
	[tilespmem:$0x1F000] =	vst v63  }
0x87: {  	s21 =	smov.u32 s13;
	s20 =	sadd.s32 @p1 $0xFFFFFF80, s7;
	_ =	swait.ge [sflag:s24], $0x2000  }
0x88: {  	s21 =	smov.u32 @p1 s20;
	[sflag:s24] =	ssyncset.done $0x0  }
0x89: {  	s23 =	rddreg [dreg:$0x7];
	s20 =	sadd.s32 $0x2800, s21;
	[sflag:s24] =	ssyncadd.s32 $0xFFFFE000  }
0x8a: {  	[spmem:s2] =	stream.indirect.scatter.add.f32 [tilespmem:s23], [sflag:$0xB], $0x40, s20, s29, $0xb8;
	[tilespmem:$0x1F000] =	vst v63  }
0x8b: {  	s20 =	smov.u32 s14;
	_ =	swait.ge [sflag:s3], $0x2000  }
0x8c: {  	s20 =	smov.u32 @p1 s7;
	[sflag:s3] =	ssyncset.done $0x0  }
0x8d: {  	s23 =	rddreg [dreg:$0x8];
	s20 =	sadd.s32 $0x2800, s20;
	[sflag:s3] =	ssyncadd.s32 $0xFFFFE000  }
0x8e: {  	[spmem:s2] =	stream.indirect.scatter.add.f32 [tilespmem:s23], [sflag:$0xC], $0x40, s20, s29, $0xb8;
	[tilespmem:$0x1F000] =	vst v63  }
0x8f: {  	s21 =	smov.u32 s15;
	s20 =	sadd.s32 @p1 $0x80, s7;
	_ =	swait.ge [sflag:s5], $0x2000  }
0x90: {  	s21 =	smov.u32 @p1 s20;
	[sflag:s5] =	ssyncset.done $0x0  }
0x91: {  	s23 =	rddreg [dreg:$0x9];
	s20 =	sadd.s32 $0x2800, s21;
	[sflag:s5] =	ssyncadd.s32 $0xFFFFE000  }
0x92: {  	[spmem:s2] =	stream.indirect.scatter.add.f32 [tilespmem:s23], [sflag:$0xD], $0x40, s20, s29, $0xb8;
	[tilespmem:$0x1F000] =	vst v63  }
0x93: {  	s21 =	smov.u32 s16;
	s20 =	sadd.s32 @p1 $0x100, s7;
	_ =	swait.ge [sflag:s6], $0x2000  }
0x94: {  	s21 =	smov.u32 @p1 s20;
	[sflag:s6] =	ssyncset.done $0x0  }
0x95: {  	s23 =	rddreg [dreg:$0xa];
	s20 =	sadd.s32 $0x2800, s21;
	[sflag:s6] =	ssyncadd.s32 $0xFFFFE000  }
0x96: {  	[spmem:s2] =	stream.indirect.scatter.add.f32 [tilespmem:s23], [sflag:$0xE], $0x40, s20, s29, $0xb8;
	[tilespmem:$0x1F000] =	vst v63  }
0x97: {  	s21 =	smov.u32 s17;
	s20 =	sadd.s32 @p1 $0x180, s7;
	_ =	swait.ge [sflag:s8], $0x2000  }
0x98: {  	s21 =	smov.u32 @p1 s20;
	[sflag:s8] =	ssyncset.done $0x0  }
0x99: {  	s23 =	rddreg [dreg:$0xb];
	s20 =	sadd.s32 $0x2800, s21;
	[sflag:s8] =	ssyncadd.s32 $0xFFFFE000  }
0x9a: {  	[spmem:s2] =	stream.indirect.scatter.add.f32 [tilespmem:s23], [sflag:$0xF], $0x40, s20, s29, $0xb8;
	[tilespmem:$0x1F000] =	vst v63  }
0x9b: {  	_ =	swait.ge [sflag:s9], $0x2000  }
0x9c: {  	s18 =	sadd.s32 $0x1000, s18;
	s23 =	rddreg [dreg:$0x5]  }
0x9d: {  	p1 =	sne.s32 s23, s18  }
.Ltmp2:
0x9e: {  	_ = 	snop;
	(pc) =	sbr.rel @p1 .LBB2_2-.Ltmp2, $4  }
0x9f: {  	_ = 	snop  }
0xa0: {  	[sflag:s9] =	ssyncset.done $0x0  }
0xa1: {  	s11 =	sadd.s32 $0x2B80, s11;
	s7 =	sadd.s32 $0x400, s7;
	[sflag:s9] =	ssyncadd.s32 $0xFFFFE000  }
0xa2: {  	[spmem:s2] =	stream.indirect.scatter.add.f32 [tilespmem:s30], [sflag:$0x10], $0x40, s11, s29, $0xb8;
	[tilespmem:$0x1F000] =	vst v63  }
0xa3: {  	_ =	swait.ge [sflag:s10], $0x2000  }
0xa4: {  	[sflag:s10] =	ssyncset.done $0x0  }
0xa5: {  	s7 =	simm.s32 $0xA;
	[sflag:s10] =	ssyncadd.s32 $0xFFFFE000  }
0xa6: {  	_ =	swait.ge [sflag:s7], $0x2000  }
0xa7: {  	[sflag:s7] =	ssyncset.done $0x0  }
0xa8: {  	s11 =	simm.s32 $0xB;
	[sflag:s7] =	ssyncadd.s32 $0xFFFFE000  }
0xa9: {  	_ =	swait.ge [sflag:s11], $0x2000  }
0xaa: {  	[sflag:s11] =	ssyncset.done $0x0  }
0xab: {  	s18 =	simm.s32 $0xC;
	[sflag:s11] =	ssyncadd.s32 $0xFFFFE000  }
0xac: {  	_ =	swait.ge [sflag:s18], $0x2000  }
0xad: {  	[sflag:s18] =	ssyncset.done $0x0  }
0xae: {  	s20 =	simm.s32 $0xD;
	[sflag:s18] =	ssyncadd.s32 $0xFFFFE000  }
0xaf: {  	_ =	swait.ge [sflag:s20], $0x2000  }
0xb0: {  	[sflag:s20] =	ssyncset.done $0x0  }
0xb1: {  	s21 =	simm.s32 $0xE;
	[sflag:s20] =	ssyncadd.s32 $0xFFFFE000  }
0xb2: {  	_ =	swait.ge [sflag:s21], $0x2000  }
0xb3: {  	[sflag:s21] =	ssyncset.done $0x0  }
0xb4: {  	s23 =	simm.s32 $0xF;
	[sflag:s21] =	ssyncadd.s32 $0xFFFFE000  }
0xb5: {  	_ =	swait.ge [sflag:s23], $0x2000  }
.Ltmp3:
0xb6: {  	[sflag:s23] =	ssyncset.done $0x0;
	(pc) =	sbr.rel @p0 .LBB2_7-.Ltmp3, $4  }
0xb7: {  	[sflag:s23] =	ssyncadd.s32 $0xFFFFE000  }
0xb8: {  	_ =	swait.ge [sflag:s22], $0x2000  }
0xb9: {  	[sflag:s22] =	ssyncset.done $0x0  }
0xba: {  	[sflag:s22] =	ssyncadd.s32 $0xFFFFE000  }
0xbb: {  	s11 =	rddreg [dreg:$0x16]  }
0xbc: {  	[tilespmem:s1], [sflag:$0x1] =	stream.indirect.gather [hbm4b:s4+s29], $0x40, s11, s29, $0xb8;
	[tilespmem:$0x1F000] =	vst v63  }
0xbd: {  	_ =	swait.ge [sflag:s31], $0x2000  }
0xbe: {  	s7 =	rddreg [dreg:$0x13]  }
0xbf: {  	p1 =	sne.s32 s7, $0x1  }
.Ltmp4:
0xc0: {  	[sflag:s31] =	ssyncset.done $0x0;
	(pc) =	sbr.rel @!p1 .LBB2_6-.Ltmp4, $4  }
0xc1: {  	s18 =	rddreg [dreg:$0x17];
	[sflag:s31] =	ssyncadd.s32 $0xFFFFE000  }
0xc2: {  	[spmem:s2] =	stream.indirect.scatter.add.f32 [tilespmem:s1], [sflag:$0x9], $0x40, s18, s29, $0xb8;
	[tilespmem:$0x1F000] =	vst v63  }
0xc3: {  	_ =	swait.ge [sflag:s10], $0x2000  }
0xc4: {  	s7 =	sadd.s32 $0xFFFFFFFF, s7;
	[sflag:s10] =	ssyncset.done $0x0  }
.LBB2_5:
0xc5: {  	[sflag:s10] =	ssyncadd.s32 $0xFFFFE000;
	s11 =	sadd.s32 $0x80, s11;
	s18 =	sadd.s32 $0x80, s18  }
0xc6: {  	[tilespmem:s1], [sflag:$0x1] =	stream.indirect.gather [hbm4b:s4+s29], $0x40, s11, s29, $0xb8;
	[tilespmem:$0x1F000] =	vst v63  }
0xc7: {  	p1 =	sne.s32 s7, $0x1;
	s7 =	sadd.s32 $0xFFFFFFFF, s7;
	_ =	swait.ge [sflag:s31], $0x2000  }
.Ltmp5:
0xc8: {  	[sflag:s31] =	ssyncset.done $0x0;
	(pc) =	sbr.rel @p1 .LBB2_5-.Ltmp5, $4  }
0xc9: {  	[sflag:s31] =	ssyncadd.s32 $0xFFFFE000  }
0xca: {  	[spmem:s2] =	stream.indirect.scatter.add.f32 [tilespmem:s1], [sflag:$0x9], $0x40, s18, s29, $0xb8;
	[tilespmem:$0x1F000] =	vst v63  }
0xcb: {  	_ =	swait.ge [sflag:s10], $0x2000  }
0xcc: {  	[sflag:s10] =	ssyncset.done $0x0  }
.Ltmp6:
0xcd: {  	_ = 	snop;
	(pc) =	sbr.rel .LBB2_6-.Ltmp6, $1  }
0xce: {  	_ =	sdelay $0x3  }
.LBB2_8:
0xcf: {  	_ =	sfence.sel $0x180000  }
0xd0: {  	[bflag:$0x0] =	sbarrier.arrive $0xFFFF  }
0xd1: {  	_ =	strace $0x9000004D  }
0xd2: {  	s0 =	stileid.u32;
	[bflag:$0x2] =	sbarrier.arrive $0xFFFF  }
0xd3: {  	p0 =	sne.s32 s0, $0x0;
	s0 =	rddreg [dreg:$0x3]  }
0xd4: {  	s0 =	sadd.s32 @!p0 $0x100000, s0  }
0xd5: {  	[sflag:s0] =	ssyncadd.tile.s32 @!p0 $0x1;
	_ =	shalt  }
.Lfunc_end2:
_tile_overlayer_lowered:
.L_overlay_start_2:
0xd6: {  	(tag) =	ssettag $0x2  }
0xd7: {  	s0 =	rddreg [dreg:$0x0];
	s2 =	stileid.u32  }
0xd8: {  	s1 =	rddreg [dreg:$0x1];
	p0 =	sne.s32 s2, $0x0  }
0xd9: {  	s3 =	rddreg [dreg:$0x2];
	[bflag:$0x3] =	sbarrier.arrive $0xFFFF;
	s2 =	simm.s32 @!p0 $0x1C14  }
0xda: {  	[timem:s3], [sflag:s2] =	dma.local @!p0 [hbm:s0], s1  }
0xdb: {  	s0 =	simm.s32 @!p0 $0x14  }
0xdc: {  	_ =	swait.ge @!p0 [sflag:s0], s1  }
0xdd: {  	s1 =	ssub.s32 @!p0 $0x0, s1;
	[sflag:s0] =	ssyncset.done @!p0 $0x0  }
0xde: {  	[sflag:s0] =	ssyncadd.s32 @!p0 s1  }
0xdf: {  	[bflag:$0x3] =	sbarrier.arrive $0xFFFF  }
0xe0: {  	_ =	shalt  }

// kernel: kernel.21.cloned.1.call-start
scs
__scs_entry_jumppad:
0x0: {  	(pc) =	sbr.rel $0x88, $3  }
0x1: {  	(tag) =	ssettag $0x0;
	lr =	simm.s32 $0x1  }
0x2: {  	[smem:$0x3F9B] =	sst lr;
	_ =	strace $0xD0000000  }
0x3: {  	_ = 	snop  }
0x4: {  	_ = 	snop  }
0x5: {  	_ = 	snop  }
0x6: {  	_ = 	snop  }
0x7: {  	_ = 	snop  }
__scs_overlays_trampoline_lowered:
0x8: {  	[smem:$0x3FAA] =	sst s0  }
0x9: {  	[smem:$0x3FAB] =	sst s1  }
0xa: {  	[smem:$0x3FAC] =	sst s2  }
0xb: {  	[smem:$0x3FAD] =	sst s3  }
0xc: {  	[smem:$0x3FAE] =	sst s4  }
0xd: {  	[smem:$0x3FAF] =	sst s5  }
0xe: {  	[smem:$0x3FB0] =	sst s6  }
0xf: {  	[smem:$0x3FB1] =	sst s7  }
0x10: {  	[smem:$0x3FB2] =	sst s8  }
0x11: {  	[smem:$0x3FB3] =	sst s9;
	s0 =	simm.s32 @!p0 $0x0  }
0x12: {  	s1 =	sld [smem:$0x3F99];
	s0 =	simm.s32 @p0 $0x1  }
0x13: {  	[smem:$0x3FB4] =	sst s0;
	s0 =	simm.s32 @!p1 $0x0  }
0x14: {  	s2 =	sld [smem:$0x3F98];
	s0 =	simm.s32 @p1 $0x1  }
0x15: {  	[smem:$0x3FB5] =	sst s0;
	s0 =	simm.s32 @!p2 $0x0  }
0x16: {  	s3 =	sld [smem:$0x3FDB];
	s0 =	simm.s32 @p2 $0x1  }
0x17: {  	s4 =	simm.s32 $0x1BF5;
	[smem:$0x3FB7] =	sst s0  }
0x18: {  	s0 =	sld [smem:$0x3F9A];
	_ =	swait.ge [sflag:s4], $0x0  }
0x19: {  	s7 =	sld [smem:$0x3F9B]  }
0x1a: {  	s8 =	sadd.s32 $0xFFFFE003, lr  }
0x1b: {  	s9 =	sadd.s32 $0xFFFFFEF7, lr;
	s5 =	simm.s32 $0xFFFFFFFF;
	p2 =	slt.u32 s8, $0xFFFFF086  }
0x1c: {  	p1 =	slt.u32 s9, $0xF7A;
	s5 =	simm.s32 @!p2 $0x0  }
0x1d: {  	s5 =	simm.s32 @p1 $0x1;
	p0 =	seq.s32 s7, s2  }
0x1e: {  	s7 =	smul.u32 @!p0 $0xF7A, s2;
	p2 =	seq.s32 @!p0 s5, $0x0  }
0x1f: {  	s9 =	smul.u32 $0xF7A, s1;
	s8 =	simm.s32 @!p0 $0x1BF5;
	p2 =	por !p2, p0  }
0x20: {  	[sflag:s8] =	ssyncset.s32 @!p0 $0xFFFFF086;
	s6 =	sadd.s32 @!p0 s3, s7;
	s7 =	simm.s32 @!p0 $0x108  }
0x21: {  	s3 =	sadd.s32 s3, s9;
	s6 =	sadd.s32 @!p0 $0x88, s6;
	s7 =	simm.s32 @p2 $0x1082  }
0x22: {  	[simem:s7], [sflag:s8] =	dma.local @!p0 [hbm:s6], $0xF7A  }
0x23: {  	s9 =	sor.u32 $0xD0000000, s2;
	s6 =	simm.s32 $0x108;
	_ =	swait.ge @!p0 [sflag:s8], $0x0  }
0x24: {  	s3 =	sadd.s32 $0x88, s3;
	s6 =	simm.s32 @!p1 $0x1082;
	[sflag:s4] =	ssyncset.s32 $0xFFFFF086  }
0x25: {  	[simem:s6], [sflag:s4] =	dma.local [hbm:s3], $0xF7A  }
0x26: {  	[smem:$0x3F9B] =	sst s1;
	(tag) =	ssettag s2;
	_ =	strace s9  }
0x27: {  	s1 =	sld [smem:$0x3FAB]  }
0x28: {  	s2 =	sld [smem:$0x3FAC]  }
0x29: {  	s4 =	sld [smem:$0x3FAE]  }
0x2a: {  	p0 =	seq.s32 s5, $0x0;
	s5 =	sld [smem:$0x3FAF]  }
0x2b: {  	s6 =	sld [smem:$0x3FB0]  }
0x2c: {  	s7 =	sld [smem:$0x3FB1]  }
0x2d: {  	s3 =	simm.s32 $0x108;
	s8 =	sld [smem:$0x3FB2]  }
0x2e: {  	s3 =	simm.s32 @!p0 $0x1082;
	s9 =	sld [smem:$0x3FB3]  }
0x2f: {  	lr =	sadd.s32 s0, s3;
	s0 =	sld [smem:$0x3FAA]  }
0x30: {  	s3 =	sld [smem:$0x3FAD]  }
0x31: {  	[smem:$0x3FB6] =	sst s10  }
0x32: {  	s10 =	sld [smem:$0x3FB4];
	_ =	sdelay $0x3  }
0x33: {  	p0 =	seq.s32 s10, $0x1;
	s10 =	sld [smem:$0x3FB6];
	_ =	sdelay $0x3  }
0x34: {  	[smem:$0x3FB6] =	sst s10  }
0x35: {  	s10 =	sld [smem:$0x3FB5];
	_ =	sdelay $0x3  }
0x36: {  	p1 =	seq.s32 s10, $0x1;
	s10 =	sld [smem:$0x3FB6];
	_ =	sdelay $0x3  }
0x37: {  	[smem:$0x3FB6] =	sst s10  }
0x38: {  	s10 =	sld [smem:$0x3FB7]  }
0x39: {  	_ = 	snop;
	(pc) =	sbr.ind lr, $3  }
0x3a: {  	_ = 	snop  }
0x3b: {  	_ = 	snop  }
0x3c: {  	p2 =	seq.s32 s10, $0x1;
	s10 =	sld [smem:$0x3FB6]  }
0x3d: {  	_ =	shalt  }
0x3e: {  	_ =	shalt  }
0x3f: {  	_ =	shalt  }
0x40: {  	_ =	shalt  }
0x41: {  	_ =	shalt  }
0x42: {  	_ =	shalt  }
0x43: {  	_ =	shalt  }
0x44: {  	_ =	shalt  }
0x45: {  	_ =	shalt  }
0x46: {  	_ =	shalt  }
0x47: {  	_ =	shalt  }
0x48: {  	_ =	shalt  }
0x49: {  	_ =	shalt  }
0x4a: {  	_ =	shalt  }
0x4b: {  	_ =	shalt  }
0x4c: {  	_ =	shalt  }
0x4d: {  	_ =	shalt  }
0x4e: {  	_ =	shalt  }
0x4f: {  	_ =	shalt  }
0x50: {  	_ =	shalt  }
0x51: {  	_ =	shalt  }
0x52: {  	_ =	shalt  }
0x53: {  	_ =	shalt  }
0x54: {  	_ =	shalt  }
0x55: {  	_ =	shalt  }
0x56: {  	_ =	shalt  }
0x57: {  	_ =	shalt  }
0x58: {  	_ =	shalt  }
0x59: {  	_ =	shalt  }
0x5a: {  	_ =	shalt  }
0x5b: {  	_ =	shalt  }
0x5c: {  	_ =	shalt  }
0x5d: {  	_ =	shalt  }
0x5e: {  	_ =	shalt  }
0x5f: {  	_ =	shalt  }
0x60: {  	_ =	shalt  }
0x61: {  	_ =	shalt  }
0x62: {  	_ =	shalt  }
0x63: {  	_ =	shalt  }
0x64: {  	_ =	shalt  }
0x65: {  	_ =	shalt  }
0x66: {  	_ =	shalt  }
0x67: {  	_ =	shalt  }
0x68: {  	_ =	shalt  }
0x69: {  	_ =	shalt  }
0x6a: {  	_ =	shalt  }
0x6b: {  	_ =	shalt  }
0x6c: {  	_ =	shalt  }
0x6d: {  	_ =	shalt  }
0x6e: {  	_ =	shalt  }
0x6f: {  	_ =	shalt  }
0x70: {  	_ =	shalt  }
0x71: {  	_ =	shalt  }
0x72: {  	_ =	shalt  }
0x73: {  	_ =	shalt  }
0x74: {  	_ =	shalt  }
0x75: {  	_ =	shalt  }
0x76: {  	_ =	shalt  }
0x77: {  	_ =	shalt  }
0x78: {  	_ =	shalt  }
0x79: {  	_ =	shalt  }
0x7a: {  	_ =	shalt  }
0x7b: {  	_ =	shalt  }
0x7c: {  	_ =	shalt  }
0x7d: {  	_ =	shalt  }
0x7e: {  	_ =	shalt  }
0x7f: {  	_ =	shalt  }
0x80: {  	_ =	shalt  }
0x81: {  	_ =	shalt  }
0x82: {  	_ =	shalt  }
0x83: {  	_ =	shalt  }
0x84: {  	_ =	shalt  }
0x85: {  	_ =	shalt  }
0x86: {  	_ =	shalt  }
0x87: {  	_ =	shalt  }
.Lfunc_end0:
.L_simem_size_0:
called_computation.3_lowered:
.L_overlay_start_0:
0x88: {  	s2 =	sld [smem:$0x3FD9]  }
0x89: {  	s3 =	sld [smem:$0x3FFE];
	_ =	sdelay $0x1  }
0x8a: {  	s1 =	srdreg.scid  }
0x8b: {  	s0 =	sand.u32 $0x1, s1  }
0x8c: {  	s17 =	sshll.u32 s0, $0xA;
	s2 =	sadd.s32 s3, s2  }
0x8d: {  	s2 =	sadd.s32 s2, s17  }
0x8e: {  	[smem:$0x3FC2] =	sst s2  }
0x8f: {  	_ = 	snop  }
0x90: {  	s18 =	sld [smem:$0x3FD0];
	(tm) =	ssettm $0x1  }
0x91: {  	s19 =	sld [smem:$0x3FFB];
	_ =	sdelay $0x3  }
0x92: {  	_ =	strace s19  }
0x93: {  	s2 =	sld [smem:$0x3FFC];
	_ =	sdelay $0x3  }
0x94: {  	_ =	strace s2  }
0x95: {  	s2 =	sld [smem:$0x3FFD];
	_ =	sdelay $0x3  }
0x96: {  	_ =	strace s2  }
0x97: {  	_ =	strace $0x8FFFFFFF  }
0x98: {  	s20 =	sld [smem:$0x3FDB];
	_ =	sdelay $0x1  }
0x99: {  	s4 =	simm.s32 $_scs_section_size  }
0x9a: {  	s5 =	simm.s32 $_size__tile_overlayer_lowered;
	s6 =	simm.s32 $_tile_overlayer_lowered  }
0x9b: {  	s7 =	simm.s32 $0x1BFF;
	s21 =	sshll.u32 s6, $0x1;
	s4 =	sadd.s32 s4, s20  }
0x9c: {  	s22 =	simm.s32 $0x0;
	s5 =	sshll.u32 s5, $0x1;
	s6 =	sadd.s32 s21, s4  }
0x9d: {  	[timem:s22], [sflag:s7] =	dma.local [hbm:s6], s5  }
0x9e: {  	_ =	swait.ge [sflag:s7], s5  }
0x9f: {  	s5 =	ssub.s32 $0x0, s5;
	[sflag:s7] =	ssyncset.done $0x0  }
0xa0: {  	[sflag:s7] =	ssyncadd.s32 s5;
	_ =	sdelay $0x1  }
0xa1: {  	s23 =	simm.s32 $0x1B8B  }
0xa2: {  	_ =	swait.ge [sflag:s23], $0x1  }
0xa3: {  	[sflag:s23] =	ssyncset.done $0x0  }
0xa4: {  	[sflag:s23] =	ssyncadd.s32 $0xFFFFFFFF  }
0xa5: {  	s5 =	sld [smem:$0x0]  }
0xa6: {  	s6 =	sand.u32 $0xFFFFFFFE, s1  }
0xa7: {  	p0 =	sne.s32 s1, s6  }
0xa8: {  	s6 =	sshll.u32 @p0 s6, $0xE  }
0xa9: {  	s6 =	sadd.s32 @p0 $0x11B8D, s6;
	s7 =	sshll.u32 @p0 s5, $0x11  }
0xaa: {  	s6 =	sor.u32 @p0 s7, s6  }
0xab: {  	[sflag:s6] =	ssyncadd.remote.s32 @p0 $0x1;
	_ =	sdelay $0x1  }
0xac: {  	s6 =	simm.s32 @p0 $0x1B8D  }
0xad: {  	_ =	swait.eq @p0 [sflag:s6], $0x1  }
0xae: {  	[sflag:s6] =	ssyncadd.s32 @p0 $0xFFFFFFFF  }
0xaf: {  	s7 =	sshll.u32 @!p0 s1, $0xE  }
0xb0: {  	s7 =	sor.u32 @!p0 $0x4000, s7;
	s6 =	simm.s32 @!p0 $0x1B8D  }
0xb1: {  	s5 =	sshll.u32 @!p0 s5, $0x11;
	s7 =	sadd.s32 @!p0 $0x11B8D, s7;
	_ =	swait.eq @!p0 [sflag:s6], $0x1  }
0xb2: {  	s5 =	sor.u32 @!p0 s5, s7;
	[sflag:s6] =	ssyncadd.s32 @!p0 $0xFFFFFFFF  }
0xb3: {  	s25 =	simm.s32 $0x1B8E;
	s24 =	sld [smem:$0x3FFE];
	[sflag:s5] =	ssyncadd.remote.s32 @!p0 $0x1  }
0xb4: {  	s26 =	simm.s32 $execute0_lowered;
	[smem:$0x3FD2] =	sst s25  }
0xb5: {  	s6 =	sshll.u32 s26, $0x1;
	_ =	strace $0x8000004F;
	[dreg:$0x1] =	wrdreg $0xFFFFFFFF  }
0xb6: {  	s28 =	simm.s32 $_size_execute0_lowered;
	s4 =	sadd.s32 s4, s6;
	[dreg:$0x0] =	wrdreg $0x0  }
0xb7: {  	s6 =	sshll.u32 s28, $0x1;
	[dreg:$0x2] =	wrdreg s4  }
0xb8: {  	[dreg:$0x3] =	wrdreg s6  }
0xb9: {  	[dreg:$0x4] =	wrdreg $0xC0  }
0xba: {  	_ =	task [dreg:s22], $0x5FFFF  }
0xbb: {  	[dreg:$0x1] =	wrdreg $0xFFFFFFFF  }
0xbc: {  	[dreg:$0x0] =	wrdreg $0x60  }
0xbd: {  	[dreg:$0x2] =	wrdreg s24  }
0xbe: {  	[dreg:$0x3] =	wrdreg s18  }
0xbf: {  	[dreg:$0x4] =	wrdreg $0x150000  }
0xc0: {  	[dreg:$0x5] =	wrdreg $0xA  }
0xc1: {  	_ =	task.clear_ibuf [dreg:s22], $0x6FFFF;
	_ =	strace $0x9000004F  }
0xc2: {  	s29 =	simm.s32 $0xA;
	_ =	strace $0x80000051  }
0xc3: {  	_ =	swait.ge [sflag:s29], $0x1  }
0xc4: {  	[sflag:s29] =	ssyncadd.s32 $0xFFFFFFFF  }
0xc5: {  	_ =	strace $0x90000051  }
0xc6: {  	_ =	sfence  }
0xc7: {  	s30 =	sld [smem:$0x0];
	_ =	sdelay $0x2  }
0xc8: {  	s31 =	sshll.u32 s1, $0xD;
	s1 =	sshrl.u32 s1, $0x2  }
0xc9: {  	s4 =	sand.u32 $0x4000, s31;
	s1 =	sadd.s32 s1, s30  }
0xca: {  	s0 =	sor.u32 s4, s0;
	s1 =	sshll.u32 s1, $0x11  }
0xcb: {  	s0 =	sor.u32 s1, s0  }
0xcc: {  	s0 =	sadd.s32 $0x8F2B, s0  }
0xcd: {  	[sflag:s0] =	ssyncadd.remote.s32 $0x1  }
0xce: {  	_ =	sfence.sel $0xFFFF  }
0xcf: {  	[dreg:$0x0] =	wrdreg $0xFFFFFFFF;
	(pc) =	sbr.abs _section_cstart, $3  }
0xd0: {  	[dreg:$0x1] =	wrdreg $0xFFFFFFFF  }
0xd1: {  	_ =	task.clear_ibuf [dreg:s22], $0x2FFFF;
	_ =	strace $0x9FFFFFFF  }
0xd2: {  	(tm) =	ssettm $0x7FFFFFFF  }
0xd3: {  	_ =	shalt  }
tec
execute0_lowered:
.L_overlay_start_1:
0x0: {  	(tag) =	ssettag $0x1  }
0x1: {  	s0 =	srdreg.scid;
	s1 =	rddreg [dreg:$0x0]  }
0x2: {  	s11 =	stileid.u32;
	s3 =	rddreg [dreg:$0x1];
	s14 =	simm.s32 $0x0  }
0x3: {  	s29 =	simm.s32 $0x80;
	s30 =	simm.s32 $0x13000;
	s6 =	smul.u32 $0xA000, s11  }
0x4: {  	s31 =	simm.s32 $0x1;
	s0 =	sand.u32 $0x1, s0;
	s21 =	smul.u32 $0xA0, s11  }
0x5: {  	s2 =	sshll.u32 s11, $0x1;
	[smem:$0x7FF] =	sst s14;
	s23 =	smul.u32 $0xFFFFFF60, s11  }
0x6: {  	s17 =	sshll.u32 s11, $0x6;
	s4 =	sor.u32 s0, s2;
	s7 =	smul.u32 $0xA0000, s0  }
0x7: {  	s2 =	rddreg [dreg:$0x2];
	_ =	strace $0x80000050;
	s18 =	smul.u32 $0xFFFFFFB0, s0  }
0x8: {  	s10 =	ssub.s32 $0x2, s0;
	[dreg:$0xe] =	wrdreg s17;
	s0 =	smul.u32 $0x50, s0  }
0x9: {  	s5 =	smul.u32 $0x50, s4;
	s4 =	sadd.s32 $0x2AE00, s1;
	s16 =	sadd.s32 s6, s2  }
0xa: {  	s15 =	sshrl.u32 s10, $0x1;
	s7 =	sadd.s32 s6, s7;
	[dreg:$0xc] =	wrdreg s16  }
0xb: {  	s6 =	sshrl.u32 s6, $0x3;
	s0 =	sadd.s32 s0, s21;
	s21 =	simm.s32 $0x9000  }
0xc: {  	s8 =	smin.u32 s5, $0x974;
	s3 =	sadd.s32 s3, s6;
	[dreg:$0x7] =	wrdreg s21  }
0xd: {  	s7 =	sshrl.u32 s7, $0x3;
	s6 =	sor.u32 $0x1C13, s17;
	[dreg:$0xd] =	wrdreg s3  }
0xe: {  	s24 =	smin.u32 s0, $0x974;
	s9 =	sshll.u32 s8, $0x4;
	[dreg:$0xf] =	wrdreg s6  }
0xf: {  	s20 =	ssub.s32 s5, s8;
	s5 =	ssub.s32 $0x9C4, s5;
	s3 =	sadd.s32 s23, s18  }
0x10: {  	s8 =	ssub.s32 s0, s24;
	s23 =	simm.s32 $0xD000;
	s6 =	simm.s32 $0x6  }
0x11: {  	s9 =	sadd.s32 s9, s1;
	s1 =	sadd.s32 s7, s1;
	s7 =	ssub.s32 s10, s15  }
0x12: {  	s19 =	sshll.u32 s20, $0x7;
	s5 =	smin.u32 s5, $0x50;
	s3 =	sadd.s32 $0x9C4, s3  }
0x13: {  	s25 =	sshll.u32 s8, $0x9;
	s18 =	sshll.u32 s8, $0x7;
	s20 =	simm.s32 $0x7000  }
0x14: {  	[dreg:$0x9] =	wrdreg s23;
	s8 =	simm.s32 $0x7;
	s22 =	sadd.s32 $0xD600, s9  }
0x15: {  	s9 =	sadd.s32 $0x3800, s9;
	s12 =	sor.u32 $0x80, s19;
	s13 =	sor.u32 $0x100, s19  }
0x16: {  	s14 =	sor.u32 $0x180, s19;
	s15 =	sadd.s32 $0x200, s19;
	[dreg:$0x6] =	wrdreg s20  }
0x17: {  	s3 =	smin.u32 s3, $0x50;
	s16 =	sadd.s32 $0x280, s19;
	[dreg:$0x10] =	wrdreg s22  }
0x18: {  	s17 =	sadd.s32 $0x300, s19;
	s1 =	sadd.s32 $0x66800, s1;
	[dreg:$0x11] =	wrdreg s9  }
0x19: {  	s5 =	sand.u32 $0x4, s5;
	s10 =	smax.u32 s7, $0x1;
	[dreg:$0x12] =	wrdreg s1  }
0x1a: {  	s9 =	sshra.s32 s25, $0x2;
	s26 =	sshll.u32 s3, $0x9;
	[dreg:$0x14] =	wrdreg s10  }
0x1b: {  	s11 =	sand.u32 $0x70, s3;
	s22 =	simm.s32 $0xB000;
	s25 =	simm.s32 $0xF000  }
0x1c: {  	p0 =	seq.s32 s5, $0x0;
	s1 =	simm.s32 $0x5000;
	[dreg:$0x4] =	wrdreg s9  }
0x1d: {  	s5 =	simm.s32 $0x5;
	s10 =	simm.s32 $0x9;
	[dreg:$0x8] =	wrdreg s22  }
0x1e: {  	s28 =	sand.u32 $0xE000, s26;
	s9 =	sand.u32 $0x4, s3;
	[dreg:$0xa] =	wrdreg s25  }
0x1f: {  	s0 =	sadd.s32 s11, s0;
	s3 =	sor.u32 $0x180, s18;
	[dreg:$0x5] =	wrdreg s28  }
0x20: {  	s22 =	simm.s32 $0x10;
	s25 =	simm.s32 $0x14;
	[dreg:$0x13] =	wrdreg s9  }
.Ltmp0:
0x21: {  	[dreg:$0x15] =	wrdreg s3;
	s0 =	ssub.s32 s0, s24;
	(pc) =	sbr.rel .LBB2_1-.Ltmp0, $4  }
0x22: {  	s28 =	simm.s32 $0x11000;
	s3 =	simm.s32 $0x4;
	s0 =	sshll.u32 s0, $0x9  }
0x23: {  	s9 =	simm.s32 $0x8;
	[dreg:$0xb] =	wrdreg s28;
	s24 =	sshra.s32 s0, $0x2  }
0x24: {  	s0 =	simm.s32 $0x2;
	[dreg:$0x16] =	wrdreg s24;
	s26 =	sadd.s32 $0x2800, s24  }
0x25: {  	s24 =	simm.s32 $0x3;
	[dreg:$0x17] =	wrdreg s26;
	s26 =	simm.s32 $0x0  }
.LBB2_6:
0x26: {  	[sflag:s10] =	ssyncadd.s32 $0xFFFFE000  }
.LBB2_7:
0x27: {  	[bflag:$0x0] =	sbarrier.arrive $0xFFFF  }
0x28: {  	s7 =	rddreg [dreg:$0xe]  }
0x29: {  	s11 =	rddreg [dreg:$0x12];
	s7 =	sor.u32 $0x1C14, s7  }
0x2a: {  	[hbm:s11], [sflag:s7] =	dma.local [spmem:s28], $0x1400  }
0x2b: {  	_ =	swait.ge [sflag:s25], $0x1400  }
0x2c: {  	s26 =	sadd.s32 $0x1, s26;
	s28 =	rddreg [dreg:$0x14]  }
0x2d: {  	p1 =	sne.s32 s26, s28  }
.Ltmp1:
0x2e: {  	_ = 	snop;
	(pc) =	sbr.rel @!p1 .LBB2_8-.Ltmp1, $3  }
0x2f: {  	_ =	sdelay $0x1  }
0x30: {  	[sflag:s25] =	ssyncset.done $0x0  }
0x31: {  	[sflag:s25] =	ssyncadd.s32 $0xFFFFEC00  }
.LBB2_1:
0x32: {  	s7 =	rddreg [dreg:$0xc]  }
0x33: {  	s20 =	rddreg [dreg:$0xd]  }
0x34: {  	s11 =	rddreg [dreg:$0xf];
	s28 =	sshrl.u32 s7, $0x3  }
0x35: {  	[spmem:s28], [sflag:s11] =	dma.local [hbm:s20], $0x1400  }
0x36: {  	s21 =	simm.s32 $0x0;
	s11 =	rddreg [dreg:$0x10]  }
0x37: {  	[tilespmem:s21], [sflag:$0x11] =	stream.linear.gather [hbm4b:s11+s21], $0x2800, $0x38;
	[tilespmem:$0x1F000] =	vst v63  }
0x38: {  	s18 =	simm.s32 $0x2800;
	s20 =	simm.s32 $0x13;
	s23 =	rddreg [dreg:$0x11]  }
0x39: {  	[tilespmem:s18], [sflag:$0x12] =	stream.linear.gather [hbm4b:s23+s21], $0x2800, $0x38;
	[tilespmem:$0x1F000] =	vst v63  }
0x3a: {  	_ =	swait.ge [sflag:s20], $0x1400  }
0x3b: {  	[sflag:s20] =	ssyncset.done $0x0  }
0x3c: {  	s21 =	simm.s32 $0x11;
	[sflag:s20] =	ssyncadd.s32 $0xFFFFEC00  }
0x3d: {  	_ =	swait.ge [sflag:s21], $0x2800  }
0x3e: {  	[sflag:s21] =	ssyncset.done $0x0  }
0x3f: {  	s23 =	simm.s32 $0x12;
	[sflag:s21] =	ssyncadd.s32 $0xFFFFD800  }
0x40: {  	_ =	swait.ge [sflag:s23], $0x2800  }
0x41: {  	[sflag:s23] =	ssyncset.done $0x0  }
0x42: {  	[sflag:s23] =	ssyncadd.s32 $0xFFFFD800  }
0x43: {  	[bflag:$0x0] =	sbarrier.arrive $0xFFFF  }
0x44: {  	s18 =	simm.s32 $0x0;
	s7 =	rddreg [dreg:$0x15]  }
.LBB2_2:
0x45: {  	p1 =	sne.s32 s18, $0x0  }
0x46: {  	s11 =	simm.s32 @p1 $0x9  }
0x47: {  	_ =	swait.ge @p1 [sflag:s11], $0x2000  }
0x48: {  	[sflag:s11] =	ssyncset.done @p1 $0x0  }
0x49: {  	s20 =	rddreg [dreg:$0x4];
	[sflag:s11] =	ssyncadd.s32 @p1 $0xFFFFE000;
	s11 =	sshra.s32 @p1 s18, $0x2  }
0x4a: {  	s21 =	simm.s32 @p1 $0x5000;
	s11 =	sadd.s32 @p1 s11, s20;
	s20 =	simm.s32 @p1 $0x80  }
0x4b: {  	[tilespmem:s21], [sflag:$0x1] =	stream.indirect.gather @p1 [hbm4b:s4+s20], $0x40, s11, s20, $0xb8;
	[tilespmem:$0x1F000] =	vst v63  }
0x4c: {  	s21 =	simm.s32 @p1 $0xA  }
0x4d: {  	_ =	swait.ge @p1 [sflag:s21], $0x2000  }
0x4e: {  	[sflag:s21] =	ssyncset.done @p1 $0x0  }
0x4f: {  	s23 =	simm.s32 @p1 $0x7000;
	[sflag:s21] =	ssyncadd.s32 @p1 $0xFFFFE000;
	s21 =	sadd.s32 @p1 $0x80, s11  }
0x50: {  	[tilespmem:s23], [sflag:$0x2] =	stream.indirect.gather @p1 [hbm4b:s4+s20], $0x40, s21, s20, $0xb8;
	[tilespmem:$0x1F000] =	vst v63  }
0x51: {  	s21 =	simm.s32 @p1 $0xB  }
0x52: {  	_ =	swait.ge @p1 [sflag:s21], $0x2000  }
0x53: {  	[sflag:s21] =	ssyncset.done @p1 $0x0  }
0x54: {  	s23 =	simm.s32 @p1 $0x9000;
	[sflag:s21] =	ssyncadd.s32 @p1 $0xFFFFE000;
	s21 =	sadd.s32 @p1 $0x100, s11  }
0x55: {  	[tilespmem:s23], [sflag:$0x3] =	stream.indirect.gather @p1 [hbm4b:s4+s20], $0x40, s21, s20, $0xb8;
	[tilespmem:$0x1F000] =	vst v63  }
0x56: {  	s21 =	simm.s32 @p1 $0xC  }
0x57: {  	_ =	swait.ge @p1 [sflag:s21], $0x2000  }
0x58: {  	[sflag:s21] =	ssyncset.done @p1 $0x0  }
0x59: {  	s23 =	simm.s32 @p1 $0xB000;
	[sflag:s21] =	ssyncadd.s32 @p1 $0xFFFFE000;
	s21 =	sadd.s32 @p1 $0x180, s11  }
0x5a: {  	[tilespmem:s23], [sflag:$0x4] =	stream.indirect.gather @p1 [hbm4b:s4+s20], $0x40, s21, s20, $0xb8;
	[tilespmem:$0x1F000] =	vst v63  }
0x5b: {  	s21 =	simm.s32 @p1 $0xD  }
0x5c: {  	_ =	swait.ge @p1 [sflag:s21], $0x2000  }
0x5d: {  	[sflag:s21] =	ssyncset.done @p1 $0x0  }
0x5e: {  	s23 =	simm.s32 @p1 $0xD000;
	[sflag:s21] =	ssyncadd.s32 @p1 $0xFFFFE000;
	s21 =	sadd.s32 @p1 $0x200, s11  }
0x5f: {  	[tilespmem:s23], [sflag:$0x5] =	stream.indirect.gather @p1 [hbm4b:s4+s20], $0x40, s21, s20, $0xb8;
	[tilespmem:$0x1F000] =	vst v63  }
0x60: {  	s21 =	simm.s32 @p1 $0xE  }
0x61: {  	_ =	swait.ge @p1 [sflag:s21], $0x2000  }
0x62: {  	[sflag:s21] =	ssyncset.done @p1 $0x0  }
0x63: {  	s23 =	simm.s32 @p1 $0xF000;
	[sflag:s21] =	ssyncadd.s32 @p1 $0xFFFFE000;
	s21 =	sadd.s32 @p1 $0x280, s11  }
0x64: {  	[tilespmem:s23], [sflag:$0x6] =	stream.indirect.gather @p1 [hbm4b:s4+s20], $0x40, s21, s20, $0xb8;
	[tilespmem:$0x1F000] =	vst v63  }
0x65: {  	s21 =	simm.s32 @p1 $0xF  }
0x66: {  	_ =	swait.ge @p1 [sflag:s21], $0x2000  }
0x67: {  	[sflag:s21] =	ssyncset.done @p1 $0x0  }
0x68: {  	s11 =	sadd.s32 @p1 $0x300, s11;
	[sflag:s21] =	ssyncadd.s32 @p1 $0xFFFFE000;
	s21 =	simm.s32 @p1 $0x11000  }
0x69: {  	[tilespmem:s21], [sflag:$0x7] =	stream.indirect.gather @p1 [hbm4b:s4+s20], $0x40, s11, s20, $0xb8;
	[tilespmem:$0x1F000] =	vst v63  }
0x6a: {  	s11 =	simm.s32 @p1 $0x10  }
0x6b: {  	_ =	swait.ge @p1 [sflag:s11], $0x2000  }
0x6c: {  	[sflag:s11] =	ssyncset.done @p1 $0x0  }
0x6d: {  	s20 =	simm.s32 @!p1 $0x5000;
	[sflag:s11] =	ssyncadd.s32 @p1 $0xFFFFE000;
	s11 =	simm.s32 @!p1 $0x80  }
0x6e: {  	[tilespmem:s20], [sflag:$0x1] =	stream.indirect.gather @!p1 [hbm4b:s4+s11], $0x40, s19, s11, $0xb8;
	[tilespmem:$0x1F000] =	vst v63  }
0x6f: {  	s20 =	simm.s32 @!p1 $0x7000  }
0x70: {  	[tilespmem:s20], [sflag:$0x2] =	stream.indirect.gather @!p1 [hbm4b:s4+s11], $0x40, s12, s11, $0xb8;
	[tilespmem:$0x1F000] =	vst v63  }
0x71: {  	s20 =	simm.s32 @!p1 $0x9000  }
0x72: {  	[tilespmem:s20], [sflag:$0x3] =	stream.indirect.gather @!p1 [hbm4b:s4+s11], $0x40, s13, s11, $0xb8;
	[tilespmem:$0x1F000] =	vst v63  }
0x73: {  	s20 =	simm.s32 @!p1 $0xB000  }
0x74: {  	[tilespmem:s20], [sflag:$0x4] =	stream.indirect.gather @!p1 [hbm4b:s4+s11], $0x40, s14, s11, $0xb8;
	[tilespmem:$0x1F000] =	vst v63  }
0x75: {  	s20 =	simm.s32 @!p1 $0xD000  }
0x76: {  	[tilespmem:s20], [sflag:$0x5] =	stream.indirect.gather @!p1 [hbm4b:s4+s11], $0x40, s15, s11, $0xb8;
	[tilespmem:$0x1F000] =	vst v63  }
0x77: {  	s20 =	simm.s32 @!p1 $0xF000  }
0x78: {  	[tilespmem:s20], [sflag:$0x6] =	stream.indirect.gather @!p1 [hbm4b:s4+s11], $0x40, s16, s11, $0xb8;
	[tilespmem:$0x1F000] =	vst v63  }
0x79: {  	s21 =	simm.s32 @!p1 $0x11000  }
0x7a: {  	[tilespmem:s21], [sflag:$0x7] =	stream.indirect.gather @!p1 [hbm4b:s4+s11], $0x40, s17, s11, $0xb8;
	[tilespmem:$0x1F000] =	vst v63  }
0x7b: {  	s20 =	sadd.s32 @p1 $0xFFFFFE80, s7;
	s11 =	smov.u32 s19  }
0x7c: {  	s11 =	smov.u32 @p1 s20  }
0x7d: {  	s20 =	sadd.s32 $0x380, s11  }
0x7e: {  	[tilespmem:s30], [sflag:$0x8] =	stream.indirect.gather [hbm4b:s4+s29], $0x40, s20, s29, $0xb8;
	[tilespmem:$0x1F000] =	vst v63  }
0x7f: {  	_ =	swait.ge [sflag:s31], $0x2000  }
0x80: {  	[sflag:s31] =	ssyncset.done $0x0  }
0x81: {  	s21 =	sadd.s32 $0x2800, s11;
	[sflag:s31] =	ssyncadd.s32 $0xFFFFE000  }
0x82: {  	[spmem:s2] =	stream.indirect.scatter.add.f32 [tilespmem:s1], [sflag:$0x9], $0x40, s21, s29, $0xb8;
	[tilespmem:$0x1F000] =	vst v63  }
0x83: {  	s20 =	sadd.s32 @p1 $0xFFFFFF00, s7;
	s21 =	smov.u32 s12;
	_ =	swait.ge [sflag:s0], $0x2000  }
0x84: {  	s21 =	smov.u32 @p1 s20;
	[sflag:s0] =	ssyncset.done $0x0  }
0x85: {  	s23 =	rddreg [dreg:$0x6];
	s20 =	sadd.s32 $0x2800, s21;
	[sflag:s0] =	ssyncadd.s32 $0xFFFFE000  }
0x86: {  	[spmem:s2] =	stream.indirect.scatter.add.f32 [tilespmem:s23], [sflag:$0xA], $0x40, s20, s29, $0xb8;
	[tilespmem:$0x1F000] =	vst v63  }
0x87: {  	s21 =	smov.u32 s13;
	s20 =	sadd.s32 @p1 $0xFFFFFF80, s7;
	_ =	swait.ge [sflag:s24], $0x2000  }
0x88: {  	s21 =	smov.u32 @p1 s20;
	[sflag:s24] =	ssyncset.done $0x0  }
0x89: {  	s23 =	rddreg [dreg:$0x7];
	s20 =	sadd.s32 $0x2800, s21;
	[sflag:s24] =	ssyncadd.s32 $0xFFFFE000  }
0x8a: {  	[spmem:s2] =	stream.indirect.scatter.add.f32 [tilespmem:s23], [sflag:$0xB], $0x40, s20, s29, $0xb8;
	[tilespmem:$0x1F000] =	vst v63  }
0x8b: {  	s20 =	smov.u32 s14;
	_ =	swait.ge [sflag:s3], $0x2000  }
0x8c: {  	s20 =	smov.u32 @p1 s7;
	[sflag:s3] =	ssyncset.done $0x0  }
0x8d: {  	s23 =	rddreg [dreg:$0x8];
	s20 =	sadd.s32 $0x2800, s20;
	[sflag:s3] =	ssyncadd.s32 $0xFFFFE000  }
0x8e: {  	[spmem:s2] =	stream.indirect.scatter.add.f32 [tilespmem:s23], [sflag:$0xC], $0x40, s20, s29, $0xb8;
	[tilespmem:$0x1F000] =	vst v63  }
0x8f: {  	s21 =	smov.u32 s15;
	s20 =	sadd.s32 @p1 $0x80, s7;
	_ =	swait.ge [sflag:s5], $0x2000  }
0x90: {  	s21 =	smov.u32 @p1 s20;
	[sflag:s5] =	ssyncset.done $0x0  }
0x91: {  	s23 =	rddreg [dreg:$0x9];
	s20 =	sadd.s32 $0x2800, s21;
	[sflag:s5] =	ssyncadd.s32 $0xFFFFE000  }
0x92: {  	[spmem:s2] =	stream.indirect.scatter.add.f32 [tilespmem:s23], [sflag:$0xD], $0x40, s20, s29, $0xb8;
	[tilespmem:$0x1F000] =	vst v63  }
0x93: {  	s21 =	smov.u32 s16;
	s20 =	sadd.s32 @p1 $0x100, s7;
	_ =	swait.ge [sflag:s6], $0x2000  }
0x94: {  	s21 =	smov.u32 @p1 s20;
	[sflag:s6] =	ssyncset.done $0x0  }
0x95: {  	s23 =	rddreg [dreg:$0xa];
	s20 =	sadd.s32 $0x2800, s21;
	[sflag:s6] =	ssyncadd.s32 $0xFFFFE000  }
0x96: {  	[spmem:s2] =	stream.indirect.scatter.add.f32 [tilespmem:s23], [sflag:$0xE], $0x40, s20, s29, $0xb8;
	[tilespmem:$0x1F000] =	vst v63  }
0x97: {  	s21 =	smov.u32 s17;
	s20 =	sadd.s32 @p1 $0x180, s7;
	_ =	swait.ge [sflag:s8], $0x2000  }
0x98: {  	s21 =	smov.u32 @p1 s20;
	[sflag:s8] =	ssyncset.done $0x0  }
0x99: {  	s23 =	rddreg [dreg:$0xb];
	s20 =	sadd.s32 $0x2800, s21;
	[sflag:s8] =	ssyncadd.s32 $0xFFFFE000  }
0x9a: {  	[spmem:s2] =	stream.indirect.scatter.add.f32 [tilespmem:s23], [sflag:$0xF], $0x40, s20, s29, $0xb8;
	[tilespmem:$0x1F000] =	vst v63  }
0x9b: {  	_ =	swait.ge [sflag:s9], $0x2000  }
0x9c: {  	s18 =	sadd.s32 $0x1000, s18;
	s23 =	rddreg [dreg:$0x5]  }
0x9d: {  	p1 =	sne.s32 s23, s18  }
.Ltmp2:
0x9e: {  	_ = 	snop;
	(pc) =	sbr.rel @p1 .LBB2_2-.Ltmp2, $4  }
0x9f: {  	_ = 	snop  }
0xa0: {  	[sflag:s9] =	ssyncset.done $0x0  }
0xa1: {  	s11 =	sadd.s32 $0x2B80, s11;
	s7 =	sadd.s32 $0x400, s7;
	[sflag:s9] =	ssyncadd.s32 $0xFFFFE000  }
0xa2: {  	[spmem:s2] =	stream.indirect.scatter.add.f32 [tilespmem:s30], [sflag:$0x10], $0x40, s11, s29, $0xb8;
	[tilespmem:$0x1F000] =	vst v63  }
0xa3: {  	_ =	swait.ge [sflag:s10], $0x2000  }
0xa4: {  	[sflag:s10] =	ssyncset.done $0x0  }
0xa5: {  	s7 =	simm.s32 $0xA;
	[sflag:s10] =	ssyncadd.s32 $0xFFFFE000  }
0xa6: {  	_ =	swait.ge [sflag:s7], $0x2000  }
0xa7: {  	[sflag:s7] =	ssyncset.done $0x0  }
0xa8: {  	s11 =	simm.s32 $0xB;
	[sflag:s7] =	ssyncadd.s32 $0xFFFFE000  }
0xa9: {  	_ =	swait.ge [sflag:s11], $0x2000  }
0xaa: {  	[sflag:s11] =	ssyncset.done $0x0  }
0xab: {  	s18 =	simm.s32 $0xC;
	[sflag:s11] =	ssyncadd.s32 $0xFFFFE000  }
0xac: {  	_ =	swait.ge [sflag:s18], $0x2000  }
0xad: {  	[sflag:s18] =	ssyncset.done $0x0  }
0xae: {  	s20 =	simm.s32 $0xD;
	[sflag:s18] =	ssyncadd.s32 $0xFFFFE000  }
0xaf: {  	_ =	swait.ge [sflag:s20], $0x2000  }
0xb0: {  	[sflag:s20] =	ssyncset.done $0x0  }
0xb1: {  	s21 =	simm.s32 $0xE;
	[sflag:s20] =	ssyncadd.s32 $0xFFFFE000  }
0xb2: {  	_ =	swait.ge [sflag:s21], $0x2000  }
0xb3: {  	[sflag:s21] =	ssyncset.done $0x0  }
0xb4: {  	s23 =	simm.s32 $0xF;
	[sflag:s21] =	ssyncadd.s32 $0xFFFFE000  }
0xb5: {  	_ =	swait.ge [sflag:s23], $0x2000  }
.Ltmp3:
0xb6: {  	[sflag:s23] =	ssyncset.done $0x0;
	(pc) =	sbr.rel @p0 .LBB2_7-.Ltmp3, $4  }
0xb7: {  	[sflag:s23] =	ssyncadd.s32 $0xFFFFE000  }
0xb8: {  	_ =	swait.ge [sflag:s22], $0x2000  }
0xb9: {  	[sflag:s22] =	ssyncset.done $0x0  }
0xba: {  	[sflag:s22] =	ssyncadd.s32 $0xFFFFE000  }
0xbb: {  	s11 =	rddreg [dreg:$0x16]  }
0xbc: {  	[tilespmem:s1], [sflag:$0x1] =	stream.indirect.gather [hbm4b:s4+s29], $0x40, s11, s29, $0xb8;
	[tilespmem:$0x1F000] =	vst v63  }
0xbd: {  	_ =	swait.ge [sflag:s31], $0x2000  }
0xbe: {  	s7 =	rddreg [dreg:$0x13]  }
0xbf: {  	p1 =	sne.s32 s7, $0x1  }
.Ltmp4:
0xc0: {  	[sflag:s31] =	ssyncset.done $0x0;
	(pc) =	sbr.rel @!p1 .LBB2_6-.Ltmp4, $4  }
0xc1: {  	s18 =	rddreg [dreg:$0x17];
	[sflag:s31] =	ssyncadd.s32 $0xFFFFE000  }
0xc2: {  	[spmem:s2] =	stream.indirect.scatter.add.f32 [tilespmem:s1], [sflag:$0x9], $0x40, s18, s29, $0xb8;
	[tilespmem:$0x1F000] =	vst v63  }
0xc3: {  	_ =	swait.ge [sflag:s10], $0x2000  }
0xc4: {  	s7 =	sadd.s32 $0xFFFFFFFF, s7;
	[sflag:s10] =	ssyncset.done $0x0  }
.LBB2_5:
0xc5: {  	[sflag:s10] =	ssyncadd.s32 $0xFFFFE000;
	s11 =	sadd.s32 $0x80, s11;
	s18 =	sadd.s32 $0x80, s18  }
0xc6: {  	[tilespmem:s1], [sflag:$0x1] =	stream.indirect.gather [hbm4b:s4+s29], $0x40, s11, s29, $0xb8;
	[tilespmem:$0x1F000] =	vst v63  }
0xc7: {  	p1 =	sne.s32 s7, $0x1;
	s7 =	sadd.s32 $0xFFFFFFFF, s7;
	_ =	swait.ge [sflag:s31], $0x2000  }
.Ltmp5:
0xc8: {  	[sflag:s31] =	ssyncset.done $0x0;
	(pc) =	sbr.rel @p1 .LBB2_5-.Ltmp5, $4  }
0xc9: {  	[sflag:s31] =	ssyncadd.s32 $0xFFFFE000  }
0xca: {  	[spmem:s2] =	stream.indirect.scatter.add.f32 [tilespmem:s1], [sflag:$0x9], $0x40, s18, s29, $0xb8;
	[tilespmem:$0x1F000] =	vst v63  }
0xcb: {  	_ =	swait.ge [sflag:s10], $0x2000  }
0xcc: {  	[sflag:s10] =	ssyncset.done $0x0  }
.Ltmp6:
0xcd: {  	_ = 	snop;
	(pc) =	sbr.rel .LBB2_6-.Ltmp6, $1  }
0xce: {  	_ =	sdelay $0x3  }
.LBB2_8:
0xcf: {  	_ =	sfence.sel $0x180000  }
0xd0: {  	[bflag:$0x0] =	sbarrier.arrive $0xFFFF  }
0xd1: {  	_ =	strace $0x90000050  }
0xd2: {  	s0 =	stileid.u32;
	[bflag:$0x2] =	sbarrier.arrive $0xFFFF  }
0xd3: {  	p0 =	sne.s32 s0, $0x0;
	s0 =	rddreg [dreg:$0x3]  }
0xd4: {  	s0 =	sadd.s32 @!p0 $0x100000, s0  }
0xd5: {  	[sflag:s0] =	ssyncadd.tile.s32 @!p0 $0x1;
	_ =	shalt  }
.Lfunc_end2:
_tile_overlayer_lowered:
.L_overlay_start_2:
0xd6: {  	(tag) =	ssettag $0x2  }
0xd7: {  	s0 =	rddreg [dreg:$0x0];
	s2 =	stileid.u32  }
0xd8: {  	s1 =	rddreg [dreg:$0x1];
	p0 =	sne.s32 s2, $0x0  }
0xd9: {  	s3 =	rddreg [dreg:$0x2];
	[bflag:$0x3] =	sbarrier.arrive $0xFFFF;
	s2 =	simm.s32 @!p0 $0x1C14  }
0xda: {  	[timem:s3], [sflag:s2] =	dma.local @!p0 [hbm:s0], s1  }
0xdb: {  	s0 =	simm.s32 @!p0 $0x14  }
0xdc: {  	_ =	swait.ge @!p0 [sflag:s0], s1  }
0xdd: {  	s1 =	ssub.s32 @!p0 $0x0, s1;
	[sflag:s0] =	ssyncset.done @!p0 $0x0  }
0xde: {  	[sflag:s0] =	ssyncadd.s32 @!p0 s1  }
0xdf: {  	[bflag:$0x3] =	sbarrier.arrive $0xFFFF  }
0xe0: {  	_ =	shalt  }

</sc_bundles>
